<compile_context>
chip_gen: v7x
topology: tpu7x:2x2x1
jax: 0.10.2.dev20260603
libtpu: 0.0.44.dev20260713+nightly
codegen_flags: <defaults>
</compile_context>

<pallas_src>
import functools

import jax
import jax.numpy as jnp
from jax import lax
from jax.experimental import pallas as pl
from jax.experimental.pallas import tpu as pltpu
from jax.experimental.pallas import tpu_sc as plsc

_N = 10000
_E = 320000
_D = 128
_NC, _NS = 2, 16
_NW = _NC * _NS
_CH = 128
_TCH = 2560
_EPAD = _TCH * _CH
_PH = 16
_N0 = 160
_N1 = 0
_DEG_CH = _TCH // _NW
_ACC_ROWS = 10240
_ZCH = _ACC_ROWS // _NS // _CH
_RPT = _ACC_ROWS // _NS
_DEG_W = 128

_ROW_BLK = 2000


def _sc_mesh():
    return plsc.VectorSubcoreMesh(core_axis_name="c", subcore_axis_name="s")


def _deg_body(dst_hbm, out_hbm, dst_v, buf, acc):
    c = lax.axis_index("c")
    s = lax.axis_index("s")
    wid = s * _NC + c
    zeros16 = jnp.zeros((16,), jnp.float32)
    ones16 = jnp.ones((16,), jnp.float32)

    @pl.loop(0, _CH)
    def _(i):
        for l in range(_DEG_W // 16):
            buf[i, pl.ds(l * 16, 16)] = zeros16

    @pl.loop(0, _ZCH)
    def _(t):
        pltpu.sync_copy(buf, acc.at[pl.ds(s * _RPT + t * _CH, _CH)])

    @pl.loop(0, _CH)
    def _(i):
        for l in range(_DEG_W // 16):
            buf[i, pl.ds(l * 16, 16)] = ones16

    pltpu.sync_copy(dst_hbm.at[pl.ds(wid * _DEG_CH, _DEG_CH)], dst_v)
    plsc.subcore_barrier()

    @pl.loop(0, _DEG_CH)
    def _(j):
        pltpu.sync_copy(buf, acc.at[dst_v.at[j]], add=True)

    plsc.subcore_barrier()
    pltpu.sync_copy(acc.at[pl.ds(s * _RPT, _RPT)], out_hbm.at[c, pl.ds(s * _RPT, _RPT)])


def _deg_kernel(dst_slab):
    k = pl.kernel(
        _deg_body,
        out_type=jax.ShapeDtypeStruct((_NC, _ACC_ROWS, _DEG_W), jnp.float32),
        mesh=_sc_mesh(),
        scratch_types=[
            pltpu.VMEM((_DEG_CH, _CH), jnp.int32),
            pltpu.VMEM((_CH, _DEG_W), jnp.float32),
            pltpu.VMEM_SHARED((_ACC_ROWS, _DEG_W), jnp.float32),
        ],
    )
    return k(dst_slab)


def _agg_body(hs_hbm, src_hbm, dst_hbm, out_hbm,
              src_v, dst_v, buf0, buf1, acc, semg0, semg1):
    c = lax.axis_index("c")
    s = lax.axis_index("s")
    zeros16 = jnp.zeros((16,), jnp.float32)

    @pl.loop(0, _CH)
    def _(i):
        for l in range(_D // 16):
            buf0[i, pl.ds(l * 16, 16)] = zeros16

    @pl.loop(0, _ZCH)
    def _(t):
        pltpu.sync_copy(
            buf0, acc.at[pl.ds(s * (_ACC_ROWS // _NS) + t * _CH, _CH)])

    plsc.subcore_barrier()

    nph = jnp.where(c == 0, _N0 // _PH, _N1 // _PH)
    base = jnp.where(c == 0, s * _N0, _NS * _N0 + s * _N1)

    @pl.loop(0, nph)
    def _(ph):
        cb = base + ph * _PH
        pltpu.sync_copy(src_hbm.at[pl.ds(cb, _PH)], src_v)
        pltpu.sync_copy(dst_hbm.at[pl.ds(cb, _PH)], dst_v)
        pltpu.async_copy(hs_hbm.at[src_v.at[0]], buf0, semg0)

        @pl.loop(0, _PH - 2, step=2)
        def _(j):
            pltpu.async_copy(hs_hbm.at[src_v.at[j + 1]], buf1, semg1)
            pltpu.make_async_copy(hs_hbm.at[src_v.at[j]], buf0, semg0).wait()
            pltpu.sync_copy(buf0, acc.at[dst_v.at[j]], add=True)
            pltpu.async_copy(hs_hbm.at[src_v.at[j + 2]], buf0, semg0)
            pltpu.make_async_copy(hs_hbm.at[src_v.at[j + 1]], buf1, semg1).wait()
            pltpu.sync_copy(buf1, acc.at[dst_v.at[j + 1]], add=True)

        pltpu.async_copy(hs_hbm.at[src_v.at[_PH - 1]], buf1, semg1)
        pltpu.make_async_copy(hs_hbm.at[src_v.at[_PH - 2]], buf0, semg0).wait()
        pltpu.sync_copy(buf0, acc.at[dst_v.at[_PH - 2]], add=True)
        pltpu.make_async_copy(hs_hbm.at[src_v.at[_PH - 1]], buf1, semg1).wait()
        pltpu.sync_copy(buf1, acc.at[dst_v.at[_PH - 1]], add=True)

    plsc.subcore_barrier()
    pltpu.sync_copy(acc.at[pl.ds(s * _RPT, _RPT)], out_hbm.at[c, pl.ds(s * _RPT, _RPT)])


def _agg_kernel(hs, src_slab, dst_slab):
    k = pl.kernel(
        _agg_body,
        out_type=jax.ShapeDtypeStruct((_NC, _ACC_ROWS, _D), jnp.float32),
        mesh=_sc_mesh(),
        scratch_types=[
            pltpu.VMEM((_PH, _CH), jnp.int32),
            pltpu.VMEM((_PH, _CH), jnp.int32),
            pltpu.VMEM((_CH, _D), jnp.float32),
            pltpu.VMEM((_CH, _D), jnp.float32),
            pltpu.VMEM_SHARED((_ACC_ROWS, _D), jnp.float32),
            pltpu.SemaphoreType.DMA,
            pltpu.SemaphoreType.DMA,
        ],
    )
    return k(hs, src_slab, dst_slab)


def _dinv_blk(deg2_ref):
    deg = deg2_ref[0, :, 0:1] + deg2_ref[1, :, 0:1] + 1.0
    return lax.rsqrt(deg)


def _pre_body(x_ref, w_ref, deg2_ref, o_ref):
    dinv = _dinv_blk(deg2_ref)
    o_ref[...] = dinv * jnp.dot(x_ref[...], w_ref[...],
                                preferred_element_type=jnp.float32)


def _mid_body(s_ref, hs_ref, deg2_ref, w_ref, b_ref, o_ref):
    dinv = _dinv_blk(deg2_ref)
    pre = s_ref[0] + s_ref[1] + hs_ref[...]
    xn = jnp.maximum(dinv * pre + b_ref[...], 0.0)
    o_ref[...] = dinv * jnp.dot(xn, w_ref[...],
                                preferred_element_type=jnp.float32)


def _post_body(s_ref, hs_ref, deg2_ref, b_ref, o_ref):
    dinv = _dinv_blk(deg2_ref)
    o_ref[...] = dinv * (s_ref[0] + s_ref[1] + hs_ref[...]) + b_ref[...]


_GRID = (_N // _ROW_BLK,)
_SPEC_ROWS = pl.BlockSpec((_ROW_BLK, _D), lambda i: (i, 0))
_SPEC_S = pl.BlockSpec((_NC, _ROW_BLK, _D), lambda i: (0, i, 0))
_SPEC_DEG = pl.BlockSpec((_NC, _ROW_BLK, _DEG_W), lambda i: (0, i, 0))
_SPEC_W = pl.BlockSpec((_D, _D), lambda i: (0, 0))
_SPEC_B = pl.BlockSpec((1, _D), lambda i: (0, 0))
_OUT_SD = jax.ShapeDtypeStruct((_N, _D), jnp.float32)


def _pre_kernel(x, W, deg2):
    return pl.pallas_call(
        _pre_body, grid=_GRID,
        in_specs=[_SPEC_ROWS, _SPEC_W, _SPEC_DEG],
        out_specs=_SPEC_ROWS, out_shape=_OUT_SD,
    )(x, W, deg2)


def _mid_kernel(S, hs, deg2, Wn, b):
    return pl.pallas_call(
        _mid_body, grid=_GRID,
        in_specs=[_SPEC_S, _SPEC_ROWS, _SPEC_DEG, _SPEC_W, _SPEC_B],
        out_specs=_SPEC_ROWS, out_shape=_OUT_SD,
    )(S, hs, deg2, Wn, b)


def _post_kernel(S, hs, deg2, b):
    return pl.pallas_call(
        _post_body, grid=_GRID,
        in_specs=[_SPEC_S, _SPEC_ROWS, _SPEC_DEG, _SPEC_B],
        out_specs=_SPEC_ROWS, out_shape=_OUT_SD,
    )(S, hs, deg2, b)


def kernel(x, edge_index, W0, b0, W1, b1, W2, b2):
    pad = _EPAD - _E
    src = jnp.concatenate([edge_index[0], jnp.zeros((pad,), jnp.int32)])
    dst = jnp.concatenate([edge_index[1], jnp.full((pad,), _N, jnp.int32)])
    src_slab = src.reshape(_TCH, _CH)
    dst_slab = dst.reshape(_TCH, _CH)

    deg2 = _deg_kernel(dst_slab)

    hs0 = _pre_kernel(x, W0, deg2)
    S0 = _agg_kernel(hs0, src_slab, dst_slab)
    hs1 = _mid_kernel(S0, hs0, deg2, W1, b0.reshape(1, _D))
    S1 = _agg_kernel(hs1, src_slab, dst_slab)
    hs2 = _mid_kernel(S1, hs1, deg2, W2, b1.reshape(1, _D))
    S2 = _agg_kernel(hs2, src_slab, dst_slab)
    return _post_kernel(S2, hs2, deg2, b2.reshape(1, _D))

# --- scband reference (transcript-rebuilt; emitter-appended) ---
"""Pipeline reference for scband-gcnmodel-32049045963186 (READ-ONLY COPY).

The authoritative reference and input builder live on the scoring server;
editing this copy changes nothing except your own understanding.
"""

import jax, jax.numpy as jnp
import numpy as np

N = 10000
E = 320000
D_IN = 128
D_HID = 128
D_OUT = 128


def _glorot(key, fan_in, fan_out):
    limit = jnp.sqrt(6.0 / (fan_in + fan_out))
    return jax.random.uniform(key, (fan_in, fan_out), dtype=jnp.float32, minval=-limit, maxval=limit)


def setup_inputs(seed: int = 0) -> dict:
    key = jax.random.key(seed)
    ks = jax.random.split(key, 8)
    x = jax.random.normal(ks[0], (N, D_IN), dtype=jnp.float32)
    edge_index = jax.random.randint(ks[1], (2, E), 0, N, dtype=jnp.int32)
    W0 = _glorot(ks[2], D_IN, D_HID)
    b0 = jnp.zeros((D_HID,), dtype=jnp.float32)
    W1 = _glorot(ks[3], D_HID, D_HID)
    b1 = jnp.zeros((D_HID,), dtype=jnp.float32)
    W2 = _glorot(ks[4], D_HID, D_OUT)
    b2 = jnp.zeros((D_OUT,), dtype=jnp.float32)
    return {"x": x, "edge_index": edge_index, "W0": W0, "b0": b0, "W1": W1, "b1": b1, "W2": W2, "b2": b2}


def _gcn_conv(x, src, dst, W, b, num_nodes):
    # symmetric normalization with self-loops already appended to src/dst
    ones = jnp.ones(src.shape[0], dtype=x.dtype)
    deg = jnp.zeros((num_nodes,), dtype=x.dtype).at[dst].add(ones)
    dinv = jnp.where(deg > 0, jax.lax.rsqrt(deg), 0.0)
    norm = dinv[src] * dinv[dst]
    h = x @ W
    msg = h[src] * norm[:, None]
    out = jnp.zeros((num_nodes, W.shape[1]), dtype=h.dtype).at[dst].add(msg)
    return out + b


def reference(x, edge_index, W0, b0, W1, b1, W2, b2):
    num_nodes = x.shape[0]
    loop = jnp.arange(num_nodes, dtype=edge_index.dtype)
    src = jnp.concatenate([edge_index[0], loop])
    dst = jnp.concatenate([edge_index[1], loop])
    h = _gcn_conv(x, src, dst, W0, b0, num_nodes)
    h = jax.nn.relu(h)
    # dropout is identity in eval mode
    h = _gcn_conv(h, src, dst, W1, b1, num_nodes)
    h = jax.nn.relu(h)
    out = _gcn_conv(h, src, dst, W2, b2, num_nodes)
    return out

if __name__ == "__main__":
    import jax
    _d = setup_inputs()
    print(jax.jit(kernel)(*tuple(_d.values())))

</pallas_src>

<mosaic_0001>
#map = affine_map<(d0, d1) -> (0, 0)>
#map1 = affine_map<(d0, d1) -> (0, 0, 0)>
module attributes {stable_mosaic.version = 14 : i64} {
  func.func @_agg_body(%arg0: i32, %arg1: i32, %arg2: memref<10000x128xf32, #tpu.memory_space<hbm>>, %arg3: memref<2560x128xi32, #tpu.memory_space<hbm>>, %arg4: memref<2560x128xi32, #tpu.memory_space<hbm>>, %arg5: memref<2x10240x128xf32, #tpu.memory_space<hbm>>, %arg6: memref<16x128xi32, #tpu.memory_space<vmem>>, %arg7: memref<16x128xi32, #tpu.memory_space<vmem>>, %arg8: memref<128x128xf32, #tpu.memory_space<vmem>>, %arg9: memref<128x128xf32, #tpu.memory_space<vmem>>, %arg10: memref<10240x128xf32, #tpu.memory_space<vmem_shared>>, %arg11: memref<!tpu.dma_semaphore, #tpu.memory_space<semaphore_mem>>, %arg12: memref<!tpu.dma_semaphore, #tpu.memory_space<semaphore_mem>>) attributes {dimension_semantics = [#tpu.dimension_semantics<core_parallel>, #tpu.dimension_semantics<subcore_parallel>], iteration_bounds = array<i64: 2, 16>, scalar_prefetch = 0 : i64, scratch_operands = 7 : i64, tpu.core_type = #tpu.core_type<sc_vector_subcore>, window_params = [{transform_indices = #map}, {transform_indices = #map}, {transform_indices = #map}, {transform_indices = #map1}]} {
    %broadcast_in_dim3A = arith.constant 0.000000e+00 : f32
    %broadcast_in_dim3A_0 = vector.broadcast %broadcast_in_dim3A : f32 to vector<16xf32>
    %scan3A = arith.constant 0 : i32
    %scan3A_1 = arith.constant 128 : i32
    %scan3A_2 = arith.addi %scan3A, %scan3A_1 : i32
    %scan3A_3 = arith.constant 1 : i32
    scf.for %scan3A_40 = %scan3A to %scan3A_2 step %scan3A_3  : i32 {
      %mul3A_41 = arith.constant 1 : i32
      %mul3A_42 = arith.muli %scan3A_40, %mul3A_41 : i32
      %add3A_43 = arith.constant 0 : i32
      %add3A_44 = arith.addi %add3A_43, %mul3A_42 : i32
      %swap3A = arith.index_cast %add3A_44 : i32 to index
      %swap3A_45 = arith.constant 0 : index
      %swap3A_46 = tpu.vector_load %arg8[%swap3A, %swap3A_45] {strides = array<i32>} : memref<128x128xf32, #tpu.memory_space<vmem>>, vector<1x16xf32>,
      %swap3A_47 = vector.shape_cast %swap3A_46 : vector<1x16xf32> to vector<16xf32>
      %swap3A_48 = vector.shape_cast %broadcast_in_dim3A_0 : vector<16xf32> to vector<1x16xf32>
      tpu.vector_store %arg8[%swap3A, %swap3A_45], %swap3A_48 {strides = array<i32>} : memref<128x128xf32, #tpu.memory_space<vmem>>, vector<1x16xf32>,
      %swap3A_49 = arith.index_cast %add3A_44 : i32 to index
      %swap3A_50 = arith.constant 16 : index
      %swap3A_51 = tpu.vector_load %arg8[%swap3A_49, %swap3A_50] {strides = array<i32>} : memref<128x128xf32, #tpu.memory_space<vmem>>, vector<1x16xf32>,
      %swap3A_52 = vector.shape_cast %swap3A_51 : vector<1x16xf32> to vector<16xf32>
      %swap3A_53 = vector.shape_cast %broadcast_in_dim3A_0 : vector<16xf32> to vector<1x16xf32>
      tpu.vector_store %arg8[%swap3A_49, %swap3A_50], %swap3A_53 {strides = array<i32>} : memref<128x128xf32, #tpu.memory_space<vmem>>, vector<1x16xf32>,
      %swap3A_54 = arith.index_cast %add3A_44 : i32 to index
      %swap3A_55 = arith.constant 32 : index
      %swap3A_56 = tpu.vector_load %arg8[%swap3A_54, %swap3A_55] {strides = array<i32>} : memref<128x128xf32, #tpu.memory_space<vmem>>, vector<1x16xf32>,
      %swap3A_57 = vector.shape_cast %swap3A_56 : vector<1x16xf32> to vector<16xf32>
      %swap3A_58 = vector.shape_cast %broadcast_in_dim3A_0 : vector<16xf32> to vector<1x16xf32>
      tpu.vector_store %arg8[%swap3A_54, %swap3A_55], %swap3A_58 {strides = array<i32>} : memref<128x128xf32, #tpu.memory_space<vmem>>, vector<1x16xf32>,
      %swap3A_59 = arith.index_cast %add3A_44 : i32 to index
      %swap3A_60 = arith.constant 48 : index
      %swap3A_61 = tpu.vector_load %arg8[%swap3A_59, %swap3A_60] {strides = array<i32>} : memref<128x128xf32, #tpu.memory_space<vmem>>, vector<1x16xf32>,
      %swap3A_62 = vector.shape_cast %swap3A_61 : vector<1x16xf32> to vector<16xf32>
      %swap3A_63 = vector.shape_cast %broadcast_in_dim3A_0 : vector<16xf32> to vector<1x16xf32>
      tpu.vector_store %arg8[%swap3A_59, %swap3A_60], %swap3A_63 {strides = array<i32>} : memref<128x128xf32, #tpu.memory_space<vmem>>, vector<1x16xf32>,
      %swap3A_64 = arith.index_cast %add3A_44 : i32 to index
      %swap3A_65 = arith.constant 64 : index
      %swap3A_66 = tpu.vector_load %arg8[%swap3A_64, %swap3A_65] {strides = array<i32>} : memref<128x128xf32, #tpu.memory_space<vmem>>, vector<1x16xf32>,
      %swap3A_67 = vector.shape_cast %swap3A_66 : vector<1x16xf32> to vector<16xf32>
      %swap3A_68 = vector.shape_cast %broadcast_in_dim3A_0 : vector<16xf32> to vector<1x16xf32>
      tpu.vector_store %arg8[%swap3A_64, %swap3A_65], %swap3A_68 {strides = array<i32>} : memref<128x128xf32, #tpu.memory_space<vmem>>, vector<1x16xf32>,
      %swap3A_69 = arith.index_cast %add3A_44 : i32 to index
      %swap3A_70 = arith.constant 80 : index
      %swap3A_71 = tpu.vector_load %arg8[%swap3A_69, %swap3A_70] {strides = array<i32>} : memref<128x128xf32, #tpu.memory_space<vmem>>, vector<1x16xf32>,
      %swap3A_72 = vector.shape_cast %swap3A_71 : vector<1x16xf32> to vector<16xf32>
      %swap3A_73 = vector.shape_cast %broadcast_in_dim3A_0 : vector<16xf32> to vector<1x16xf32>
      tpu.vector_store %arg8[%swap3A_69, %swap3A_70], %swap3A_73 {strides = array<i32>} : memref<128x128xf32, #tpu.memory_space<vmem>>, vector<1x16xf32>,
      %swap3A_74 = arith.index_cast %add3A_44 : i32 to index
      %swap3A_75 = arith.constant 96 : index
      %swap3A_76 = tpu.vector_load %arg8[%swap3A_74, %swap3A_75] {strides = array<i32>} : memref<128x128xf32, #tpu.memory_space<vmem>>, vector<1x16xf32>,
      %swap3A_77 = vector.shape_cast %swap3A_76 : vector<1x16xf32> to vector<16xf32>
      %swap3A_78 = vector.shape_cast %broadcast_in_dim3A_0 : vector<16xf32> to vector<1x16xf32>
      tpu.vector_store %arg8[%swap3A_74, %swap3A_75], %swap3A_78 {strides = array<i32>} : memref<128x128xf32, #tpu.memory_space<vmem>>, vector<1x16xf32>,
      %swap3A_79 = arith.index_cast %add3A_44 : i32 to index
      %swap3A_80 = arith.constant 112 : index
      %swap3A_81 = tpu.vector_load %arg8[%swap3A_79, %swap3A_80] {strides = array<i32>} : memref<128x128xf32, #tpu.memory_space<vmem>>, vector<1x16xf32>,
      %swap3A_82 = vector.shape_cast %swap3A_81 : vector<1x16xf32> to vector<16xf32>
      %swap3A_83 = vector.shape_cast %broadcast_in_dim3A_0 : vector<16xf32> to vector<1x16xf32>
      tpu.vector_store %arg8[%swap3A_79, %swap3A_80], %swap3A_83 {strides = array<i32>} : memref<128x128xf32, #tpu.memory_space<vmem>>, vector<1x16xf32>,
    }
    %scan3A_4 = arith.constant 128 : i32
    %scan3A_5 = arith.constant 0 : i32
    %scan3A_6 = arith.constant 5 : i32
    %scan3A_7 = arith.addi %scan3A_5, %scan3A_6 : i32
    %scan3A_8 = arith.constant 1 : i32
    scf.for %scan3A_40 = %scan3A_5 to %scan3A_7 step %scan3A_8  : i32 {
      %mul3A_41 = arith.constant 1 : i32
      %mul3A_42 = arith.muli %scan3A_40, %mul3A_41 : i32
      %add3A_43 = arith.constant 0 : i32
      %add3A_44 = arith.addi %add3A_43, %mul3A_42 : i32
      %mul3A_45 = arith.constant 640 : i32
      %mul3A_46 = arith.muli %arg1, %mul3A_45 : i32
      %mul3A_47 = arith.constant 128 : i32
      %mul3A_48 = arith.muli %add3A_44, %mul3A_47 : i32
      %add3A_49 = arith.addi %mul3A_46, %mul3A_48 : i32
      "tpu.region"() ({
        %run_scoped3A = tpu.sem_alloc : memref<!tpu.dma_semaphore, #tpu.memory_space<semaphore_mem>>
        %dma_start3A = arith.constant 0 : i32
        %dma_start3A_50 = tpu.memref_slice %arg10[%add3A_49, %dma_start3A] : memref<10240x128xf32, #tpu.memory_space<vmem_shared>> -> memref<128x128xf32, #tpu.memory_space<vmem_shared>>
        %dma_start3A_51 = arith.constant 0 : i32
        %dma_start3A_52 = tpu.memref_slice %arg10[%add3A_49, %dma_start3A_51] : memref<10240x128xf32, #tpu.memory_space<vmem_shared>> -> memref<128x128xf32, #tpu.memory_space<vmem_shared>>
        tpu.enqueue_dma source(%arg8 : memref<128x128xf32, #tpu.memory_space<vmem>>) target(%dma_start3A_52 : memref<128x128xf32, #tpu.memory_space<vmem_shared>>) target_semaphore(%run_scoped3A : memref<!tpu.dma_semaphore, #tpu.memory_space<semaphore_mem>>)
        %dma_wait3A = arith.constant 0 : i32
        %dma_wait3A_53 = tpu.memref_slice %arg10[%add3A_49, %dma_wait3A] : memref<10240x128xf32, #tpu.memory_space<vmem_shared>> -> memref<128x128xf32, #tpu.memory_space<vmem_shared>>
        %dma_wait3A_54 = arith.constant 0 : i32
        %dma_wait3A_55 = tpu.memref_slice %arg10[%add3A_49, %dma_wait3A_54] : memref<10240x128xf32, #tpu.memory_space<vmem_shared>> -> memref<128x128xf32, #tpu.memory_space<vmem_shared>>
        tpu.wait_dma2 semaphore(%run_scoped3A : memref<!tpu.dma_semaphore, #tpu.memory_space<semaphore_mem>>) src(%arg8 : memref<128x128xf32, #tpu.memory_space<vmem>>) dst(%dma_wait3A_55 : memref<128x128xf32, #tpu.memory_space<vmem_shared>>)
        tpu.yield
      }) : () -> ()
    }
    %scan3A_9 = arith.constant 5 : i32
    %barrier3A = arith.constant 0 : index
    tpu.barrier barrier_id(%barrier3A)
    %eq3A = arith.constant 0 : i32
    %eq3A_10 = arith.cmpi eq, %arg0, %eq3A : i32
    %jit3A = arith.constant 10 : i32
    %jit3A_11 = arith.constant 0 : i32
    %select_n3A = arith.select %eq3A_10, %jit3A, %jit3A_11 : i32
    %eq3A_12 = arith.constant 0 : i32
    %eq3A_13 = arith.cmpi eq, %arg0, %eq3A_12 : i32
    %mul3A = arith.constant 160 : i32
    %mul3A_14 = arith.muli %arg1, %mul3A : i32
    %mul3A_15 = arith.constant 0 : i32
    %mul3A_16 = arith.muli %arg1, %mul3A_15 : i32
    %add3A = arith.constant 2560 : i32
    %add3A_17 = arith.addi %add3A, %mul3A_16 : i32
    %select_n3A_18 = arith.select %eq3A_13, %mul3A_14, %add3A_17 : i32
    %sub3A = arith.constant 0 : i32
    %sub3A_19 = arith.subi %select_n3A, %sub3A : i32
    %sub3A_20 = arith.constant 1 : i32
    %sub3A_21 = arith.constant 1 : i32
    %sub3A_22 = arith.subi %sub3A_20, %sub3A_21 : i32
    %add3A_23 = arith.addi %sub3A_19, %sub3A_22 : i32
    %div3A = arith.constant 1 : i32
    %div3A_24 = arith.divsi %add3A_23, %div3A : i32
    %while3A = arith.constant 1 : i32
    %while3A_25 = arith.constant 0 : i32
    %while3A_26 = arith.constant 0 : i32
    %while3A_27 = arith.subi %div3A_24, %while3A_26 : i32
    %while3A_28 = arith.addi %while3A_26, %while3A_27 : i32
    %while3A_29 = arith.constant 1 : i32
    %while3A_30 = arith.divsi %while3A_27, %while3A_29 : i32
    %while3A_31 = arith.muli %while3A_30, %while3A_29 : i32
    %while3A_32 = arith.addi %while3A_26, %while3A_31 : i32
    %while3A_33 = arith.constant 1 : i32
    scf.for %while3A_40 = %while3A_26 to %while3A_32 step %while3A_33  : i32 {
      %mul3A_41 = arith.muli %while3A_40, %while3A : i32
      %add3A_42 = arith.addi %while3A_25, %mul3A_41 : i32
      %mul3A_43 = arith.constant 16 : i32
      %mul3A_44 = arith.muli %add3A_42, %mul3A_43 : i32
      %add3A_45 = arith.addi %select_n3A_18, %mul3A_44 : i32
      "tpu.region"() ({
        %run_scoped3A_78 = tpu.sem_alloc : memref<!tpu.dma_semaphore, #tpu.memory_space<semaphore_mem>>
        %dma_start3A_79 = arith.constant 0 : i32
        %dma_start3A_80 = tpu.memref_slice %arg3[%add3A_45, %dma_start3A_79] : memref<2560x128xi32, #tpu.memory_space<hbm>> -> memref<16x128xi32, #tpu.memory_space<hbm>>
        %dma_start3A_81 = arith.constant 0 : i32
        %dma_start3A_82 = tpu.memref_slice %arg3[%add3A_45, %dma_start3A_81] : memref<2560x128xi32, #tpu.memory_space<hbm>> -> memref<16x128xi32, #tpu.memory_space<hbm>>
        tpu.enqueue_dma source(%dma_start3A_82 : memref<16x128xi32, #tpu.memory_space<hbm>>) target(%arg6 : memref<16x128xi32, #tpu.memory_space<vmem>>) target_semaphore(%run_scoped3A_78 : memref<!tpu.dma_semaphore, #tpu.memory_space<semaphore_mem>>)
        %dma_wait3A_83 = arith.constant 0 : i32
        %dma_wait3A_84 = tpu.memref_slice %arg3[%add3A_45, %dma_wait3A_83] : memref<2560x128xi32, #tpu.memory_space<hbm>> -> memref<16x128xi32, #tpu.memory_space<hbm>>
        %dma_wait3A_85 = arith.constant 0 : i32
        %dma_wait3A_86 = tpu.memref_slice %arg3[%add3A_45, %dma_wait3A_85] : memref<2560x128xi32, #tpu.memory_space<hbm>> -> memref<16x128xi32, #tpu.memory_space<hbm>>
        tpu.wait_dma2 semaphore(%run_scoped3A_78 : memref<!tpu.dma_semaphore, #tpu.memory_space<semaphore_mem>>) src(%dma_wait3A_86 : memref<16x128xi32, #tpu.memory_space<hbm>>) dst(%arg6 : memref<16x128xi32, #tpu.memory_space<vmem>>)
        tpu.yield
      }) : () -> ()
      "tpu.region"() ({
        %run_scoped3A_78 = tpu.sem_alloc : memref<!tpu.dma_semaphore, #tpu.memory_space<semaphore_mem>>
        %dma_start3A_79 = arith.constant 0 : i32
        %dma_start3A_80 = tpu.memref_slice %arg4[%add3A_45, %dma_start3A_79] : memref<2560x128xi32, #tpu.memory_space<hbm>> -> memref<16x128xi32, #tpu.memory_space<hbm>>
        %dma_start3A_81 = arith.constant 0 : i32
        %dma_start3A_82 = tpu.memref_slice %arg4[%add3A_45, %dma_start3A_81] : memref<2560x128xi32, #tpu.memory_space<hbm>> -> memref<16x128xi32, #tpu.memory_space<hbm>>
        tpu.enqueue_dma source(%dma_start3A_82 : memref<16x128xi32, #tpu.memory_space<hbm>>) target(%arg7 : memref<16x128xi32, #tpu.memory_space<vmem>>) target_semaphore(%run_scoped3A_78 : memref<!tpu.dma_semaphore, #tpu.memory_space<semaphore_mem>>)
        %dma_wait3A_83 = arith.constant 0 : i32
        %dma_wait3A_84 = tpu.memref_slice %arg4[%add3A_45, %dma_wait3A_83] : memref<2560x128xi32, #tpu.memory_space<hbm>> -> memref<16x128xi32, #tpu.memory_space<hbm>>
        %dma_wait3A_85 = arith.constant 0 : i32
        %dma_wait3A_86 = tpu.memref_slice %arg4[%add3A_45, %dma_wait3A_85] : memref<2560x128xi32, #tpu.memory_space<hbm>> -> memref<16x128xi32, #tpu.memory_space<hbm>>
        tpu.wait_dma2 semaphore(%run_scoped3A_78 : memref<!tpu.dma_semaphore, #tpu.memory_space<semaphore_mem>>) src(%dma_wait3A_86 : memref<16x128xi32, #tpu.memory_space<hbm>>) dst(%arg7 : memref<16x128xi32, #tpu.memory_space<vmem>>)
        tpu.yield
      }) : () -> ()
      %dma_start3A = arith.constant 0 : i32
      %dma_start3A_46 = arith.constant 0 : i32
      %dma_start3A_47 = tpu.memref_slice %arg6[%dma_start3A, %dma_start3A_46] : memref<16x128xi32, #tpu.memory_space<vmem>> -> memref<1x128xi32, #tpu.memory_space<vmem>>
      %dma_start3A_48 = tpu.memref_squeeze %dma_start3A_47 : memref<1x128xi32, #tpu.memory_space<vmem>> -> memref<128xi32, #tpu.memory_space<vmem>>
      %dma_start3A_49 = arith.constant 0 : i32
      %dma_start3A_50 = arith.constant 0 : i32
      %dma_start3A_51 = tpu.memref_slice %arg2[%dma_start3A_49, %dma_start3A_50] : memref<10000x128xf32, #tpu.memory_space<hbm>> -> memref<10000x128xf32, #tpu.memory_space<hbm>>
      tpu.enqueue_indirect_dma source(%dma_start3A_51 : memref<10000x128xf32, #tpu.memory_space<hbm>>) target(%arg8 : memref<128x128xf32, #tpu.memory_space<vmem>>) offsets(%dma_start3A_48 : memref<128xi32, #tpu.memory_space<vmem>>) semaphore(%arg11 : memref<!tpu.dma_semaphore, #tpu.memory_space<semaphore_mem>>)
      %scan3A_52 = arith.constant 0 : i32
      %scan3A_53 = arith.constant 7 : i32
      %scan3A_54 = arith.addi %scan3A_52, %scan3A_53 : i32
      %scan3A_55 = arith.constant 1 : i32
      scf.for %scan3A_78 = %scan3A_52 to %scan3A_54 step %scan3A_55  : i32 {
        %mul3A_79 = arith.constant 2 : i32
        %mul3A_80 = arith.muli %scan3A_78, %mul3A_79 : i32
        %add3A_81 = arith.constant 0 : i32
        %add3A_82 = arith.addi %add3A_81, %mul3A_80 : i32
        %add3A_83 = arith.constant 1 : i32
        %add3A_84 = arith.addi %add3A_82, %add3A_83 : i32
        %dma_start3A_85 = arith.constant 0 : i32
        %dma_start3A_86 = tpu.memref_slice %arg6[%add3A_84, %dma_start3A_85] : memref<16x128xi32, #tpu.memory_space<vmem>> -> memref<1x128xi32, #tpu.memory_space<vmem>>
        %dma_start3A_87 = tpu.memref_squeeze %dma_start3A_86 : memref<1x128xi32, #tpu.memory_space<vmem>> -> memref<128xi32, #tpu.memory_space<vmem>>
        %dma_start3A_88 = arith.constant 0 : i32
        %dma_start3A_89 = arith.constant 0 : i32
        %dma_start3A_90 = tpu.memref_slice %arg2[%dma_start3A_88, %dma_start3A_89] : memref<10000x128xf32, #tpu.memory_space<hbm>> -> memref<10000x128xf32, #tpu.memory_space<hbm>>
        tpu.enqueue_indirect_dma source(%dma_start3A_90 : memref<10000x128xf32, #tpu.memory_space<hbm>>) target(%arg9 : memref<128x128xf32, #tpu.memory_space<vmem>>) offsets(%dma_start3A_87 : memref<128xi32, #tpu.memory_space<vmem>>) semaphore(%arg12 : memref<!tpu.dma_semaphore, #tpu.memory_space<semaphore_mem>>)
        %dma_wait3A_91 = arith.constant 0 : i32
        %dma_wait3A_92 = tpu.memref_slice %arg6[%add3A_82, %dma_wait3A_91] : memref<16x128xi32, #tpu.memory_space<vmem>> -> memref<1x128xi32, #tpu.memory_space<vmem>>
        %dma_wait3A_93 = tpu.memref_squeeze %dma_wait3A_92 : memref<1x128xi32, #tpu.memory_space<vmem>> -> memref<128xi32, #tpu.memory_space<vmem>>
        %dma_wait3A_94 = arith.constant 0 : i32
        %dma_wait3A_95 = arith.constant 0 : i32
        %dma_wait3A_96 = tpu.memref_slice %arg2[%dma_wait3A_94, %dma_wait3A_95] : memref<10000x128xf32, #tpu.memory_space<hbm>> -> memref<10000x128xf32, #tpu.memory_space<hbm>>
        tpu.wait_indirect_dma semaphore(%arg11 : memref<!tpu.dma_semaphore, #tpu.memory_space<semaphore_mem>>) src(%dma_wait3A_96 : memref<10000x128xf32, #tpu.memory_space<hbm>>) dst(%arg8 : memref<128x128xf32, #tpu.memory_space<vmem>>)
        "tpu.region"() ({
          %run_scoped3A_115 = tpu.sem_alloc : memref<!tpu.dma_semaphore, #tpu.memory_space<semaphore_mem>>
          %dma_start3A_116 = arith.constant 0 : i32
          %dma_start3A_117 = tpu.memref_slice %arg7[%add3A_82, %dma_start3A_116] : memref<16x128xi32, #tpu.memory_space<vmem>> -> memref<1x128xi32, #tpu.memory_space<vmem>>
          %dma_start3A_118 = tpu.memref_squeeze %dma_start3A_117 : memref<1x128xi32, #tpu.memory_space<vmem>> -> memref<128xi32, #tpu.memory_space<vmem>>
          %dma_start3A_119 = arith.constant 0 : i32
          %dma_start3A_120 = arith.constant 0 : i32
          %dma_start3A_121 = tpu.memref_slice %arg10[%dma_start3A_119, %dma_start3A_120] : memref<10240x128xf32, #tpu.memory_space<vmem_shared>> -> memref<10240x128xf32, #tpu.memory_space<vmem_shared>>
          tpu.enqueue_indirect_dma source(%arg8 : memref<128x128xf32, #tpu.memory_space<vmem>>) target(%dma_start3A_121 : memref<10240x128xf32, #tpu.memory_space<vmem_shared>>) offsets(%dma_start3A_118 : memref<128xi32, #tpu.memory_space<vmem>>) semaphore(%run_scoped3A_115 : memref<!tpu.dma_semaphore, #tpu.memory_space<semaphore_mem>>) {add = true}
          %dma_wait3A_122 = arith.constant 0 : i32
          %dma_wait3A_123 = tpu.memref_slice %arg7[%add3A_82, %dma_wait3A_122] : memref<16x128xi32, #tpu.memory_space<vmem>> -> memref<1x128xi32, #tpu.memory_space<vmem>>
          %dma_wait3A_124 = tpu.memref_squeeze %dma_wait3A_123 : memref<1x128xi32, #tpu.memory_space<vmem>> -> memref<128xi32, #tpu.memory_space<vmem>>
          %dma_wait3A_125 = arith.constant 0 : i32
          %dma_wait3A_126 = arith.constant 0 : i32
          %dma_wait3A_127 = tpu.memref_slice %arg10[%dma_wait3A_125, %dma_wait3A_126] : memref<10240x128xf32, #tpu.memory_space<vmem_shared>> -> memref<10240x128xf32, #tpu.memory_space<vmem_shared>>
          tpu.wait_indirect_dma semaphore(%run_scoped3A_115 : memref<!tpu.dma_semaphore, #tpu.memory_space<semaphore_mem>>) src(%arg8 : memref<128x128xf32, #tpu.memory_space<vmem>>) dst(%dma_wait3A_127 : memref<10240x128xf32, #tpu.memory_space<vmem_shared>>)
          tpu.yield
        }) : () -> ()
        %add3A_97 = arith.constant 2 : i32
        %add3A_98 = arith.addi %add3A_82, %add3A_97 : i32
        %dma_start3A_99 = arith.constant 0 : i32
        %dma_start3A_100 = tpu.memref_slice %arg6[%add3A_98, %dma_start3A_99] : memref<16x128xi32, #tpu.memory_space<vmem>> -> memref<1x128xi32, #tpu.memory_space<vmem>>
        %dma_start3A_101 = tpu.memref_squeeze %dma_start3A_100 : memref<1x128xi32, #tpu.memory_space<vmem>> -> memref<128xi32, #tpu.memory_space<vmem>>
        %dma_start3A_102 = arith.constant 0 : i32
        %dma_start3A_103 = arith.constant 0 : i32
        %dma_start3A_104 = tpu.memref_slice %arg2[%dma_start3A_102, %dma_start3A_103] : memref<10000x128xf32, #tpu.memory_space<hbm>> -> memref<10000x128xf32, #tpu.memory_space<hbm>>
        tpu.enqueue_indirect_dma source(%dma_start3A_104 : memref<10000x128xf32, #tpu.memory_space<hbm>>) target(%arg8 : memref<128x128xf32, #tpu.memory_space<vmem>>) offsets(%dma_start3A_101 : memref<128xi32, #tpu.memory_space<vmem>>) semaphore(%arg11 : memref<!tpu.dma_semaphore, #tpu.memory_space<semaphore_mem>>)
        %add3A_105 = arith.constant 1 : i32
        %add3A_106 = arith.addi %add3A_82, %add3A_105 : i32
        %dma_wait3A_107 = arith.constant 0 : i32
        %dma_wait3A_108 = tpu.memref_slice %arg6[%add3A_106, %dma_wait3A_107] : memref<16x128xi32, #tpu.memory_space<vmem>> -> memref<1x128xi32, #tpu.memory_space<vmem>>
        %dma_wait3A_109 = tpu.memref_squeeze %dma_wait3A_108 : memref<1x128xi32, #tpu.memory_space<vmem>> -> memref<128xi32, #tpu.memory_space<vmem>>
        %dma_wait3A_110 = arith.constant 0 : i32
        %dma_wait3A_111 = arith.constant 0 : i32
        %dma_wait3A_112 = tpu.memref_slice %arg2[%dma_wait3A_110, %dma_wait3A_111] : memref<10000x128xf32, #tpu.memory_space<hbm>> -> memref<10000x128xf32, #tpu.memory_space<hbm>>
        tpu.wait_indirect_dma semaphore(%arg12 : memref<!tpu.dma_semaphore, #tpu.memory_space<semaphore_mem>>) src(%dma_wait3A_112 : memref<10000x128xf32, #tpu.memory_space<hbm>>) dst(%arg9 : memref<128x128xf32, #tpu.memory_space<vmem>>)
        %add3A_113 = arith.constant 1 : i32
        %add3A_114 = arith.addi %add3A_82, %add3A_113 : i32
        "tpu.region"() ({
          %run_scoped3A_115 = tpu.sem_alloc : memref<!tpu.dma_semaphore, #tpu.memory_space<semaphore_mem>>
          %dma_start3A_116 = arith.constant 0 : i32
          %dma_start3A_117 = tpu.memref_slice %arg7[%add3A_114, %dma_start3A_116] : memref<16x128xi32, #tpu.memory_space<vmem>> -> memref<1x128xi32, #tpu.memory_space<vmem>>
          %dma_start3A_118 = tpu.memref_squeeze %dma_start3A_117 : memref<1x128xi32, #tpu.memory_space<vmem>> -> memref<128xi32, #tpu.memory_space<vmem>>
          %dma_start3A_119 = arith.constant 0 : i32
          %dma_start3A_120 = arith.constant 0 : i32
          %dma_start3A_121 = tpu.memref_slice %arg10[%dma_start3A_119, %dma_start3A_120] : memref<10240x128xf32, #tpu.memory_space<vmem_shared>> -> memref<10240x128xf32, #tpu.memory_space<vmem_shared>>
          tpu.enqueue_indirect_dma source(%arg9 : memref<128x128xf32, #tpu.memory_space<vmem>>) target(%dma_start3A_121 : memref<10240x128xf32, #tpu.memory_space<vmem_shared>>) offsets(%dma_start3A_118 : memref<128xi32, #tpu.memory_space<vmem>>) semaphore(%run_scoped3A_115 : memref<!tpu.dma_semaphore, #tpu.memory_space<semaphore_mem>>) {add = true}
          %dma_wait3A_122 = arith.constant 0 : i32
          %dma_wait3A_123 = tpu.memref_slice %arg7[%add3A_114, %dma_wait3A_122] : memref<16x128xi32, #tpu.memory_space<vmem>> -> memref<1x128xi32, #tpu.memory_space<vmem>>
          %dma_wait3A_124 = tpu.memref_squeeze %dma_wait3A_123 : memref<1x128xi32, #tpu.memory_space<vmem>> -> memref<128xi32, #tpu.memory_space<vmem>>
          %dma_wait3A_125 = arith.constant 0 : i32
          %dma_wait3A_126 = arith.constant 0 : i32
          %dma_wait3A_127 = tpu.memref_slice %arg10[%dma_wait3A_125, %dma_wait3A_126] : memref<10240x128xf32, #tpu.memory_space<vmem_shared>> -> memref<10240x128xf32, #tpu.memory_space<vmem_shared>>
          tpu.wait_indirect_dma semaphore(%run_scoped3A_115 : memref<!tpu.dma_semaphore, #tpu.memory_space<semaphore_mem>>) src(%arg9 : memref<128x128xf32, #tpu.memory_space<vmem>>) dst(%dma_wait3A_127 : memref<10240x128xf32, #tpu.memory_space<vmem_shared>>)
          tpu.yield
        }) : () -> ()
      }
      %scan3A_56 = arith.constant 7 : i32
      %dma_start3A_57 = arith.constant 15 : i32
      %dma_start3A_58 = arith.constant 0 : i32
      %dma_start3A_59 = tpu.memref_slice %arg6[%dma_start3A_57, %dma_start3A_58] : memref<16x128xi32, #tpu.memory_space<vmem>> -> memref<1x128xi32, #tpu.memory_space<vmem>>
      %dma_start3A_60 = tpu.memref_squeeze %dma_start3A_59 : memref<1x128xi32, #tpu.memory_space<vmem>> -> memref<128xi32, #tpu.memory_space<vmem>>
      %dma_start3A_61 = arith.constant 0 : i32
      %dma_start3A_62 = arith.constant 0 : i32
      %dma_start3A_63 = tpu.memref_slice %arg2[%dma_start3A_61, %dma_start3A_62] : memref<10000x128xf32, #tpu.memory_space<hbm>> -> memref<10000x128xf32, #tpu.memory_space<hbm>>
      tpu.enqueue_indirect_dma source(%dma_start3A_63 : memref<10000x128xf32, #tpu.memory_space<hbm>>) target(%arg9 : memref<128x128xf32, #tpu.memory_space<vmem>>) offsets(%dma_start3A_60 : memref<128xi32, #tpu.memory_space<vmem>>) semaphore(%arg12 : memref<!tpu.dma_semaphore, #tpu.memory_space<semaphore_mem>>)
      %dma_wait3A = arith.constant 14 : i32
      %dma_wait3A_64 = arith.constant 0 : i32
      %dma_wait3A_65 = tpu.memref_slice %arg6[%dma_wait3A, %dma_wait3A_64] : memref<16x128xi32, #tpu.memory_space<vmem>> -> memref<1x128xi32, #tpu.memory_space<vmem>>
      %dma_wait3A_66 = tpu.memref_squeeze %dma_wait3A_65 : memref<1x128xi32, #tpu.memory_space<vmem>> -> memref<128xi32, #tpu.memory_space<vmem>>
      %dma_wait3A_67 = arith.constant 0 : i32
      %dma_wait3A_68 = arith.constant 0 : i32
      %dma_wait3A_69 = tpu.memref_slice %arg2[%dma_wait3A_67, %dma_wait3A_68] : memref<10000x128xf32, #tpu.memory_space<hbm>> -> memref<10000x128xf32, #tpu.memory_space<hbm>>
      tpu.wait_indirect_dma semaphore(%arg11 : memref<!tpu.dma_semaphore, #tpu.memory_space<semaphore_mem>>) src(%dma_wait3A_69 : memref<10000x128xf32, #tpu.memory_space<hbm>>) dst(%arg8 : memref<128x128xf32, #tpu.memory_space<vmem>>)
      %run_scoped3A = arith.constant 14 : i32
      "tpu.region"() ({
        %run_scoped3A_78 = tpu.sem_alloc : memref<!tpu.dma_semaphore, #tpu.memory_space<semaphore_mem>>
        %dma_start3A_79 = arith.constant 0 : i32
        %dma_start3A_80 = tpu.memref_slice %arg7[%run_scoped3A, %dma_start3A_79] : memref<16x128xi32, #tpu.memory_space<vmem>> -> memref<1x128xi32, #tpu.memory_space<vmem>>
        %dma_start3A_81 = tpu.memref_squeeze %dma_start3A_80 : memref<1x128xi32, #tpu.memory_space<vmem>> -> memref<128xi32, #tpu.memory_space<vmem>>
        %dma_start3A_82 = arith.constant 0 : i32
        %dma_start3A_83 = arith.constant 0 : i32
        %dma_start3A_84 = tpu.memref_slice %arg10[%dma_start3A_82, %dma_start3A_83] : memref<10240x128xf32, #tpu.memory_space<vmem_shared>> -> memref<10240x128xf32, #tpu.memory_space<vmem_shared>>
        tpu.enqueue_indirect_dma source(%arg8 : memref<128x128xf32, #tpu.memory_space<vmem>>) target(%dma_start3A_84 : memref<10240x128xf32, #tpu.memory_space<vmem_shared>>) offsets(%dma_start3A_81 : memref<128xi32, #tpu.memory_space<vmem>>) semaphore(%run_scoped3A_78 : memref<!tpu.dma_semaphore, #tpu.memory_space<semaphore_mem>>) {add = true}
        %dma_wait3A_85 = arith.constant 0 : i32
        %dma_wait3A_86 = tpu.memref_slice %arg7[%run_scoped3A, %dma_wait3A_85] : memref<16x128xi32, #tpu.memory_space<vmem>> -> memref<1x128xi32, #tpu.memory_space<vmem>>
        %dma_wait3A_87 = tpu.memref_squeeze %dma_wait3A_86 : memref<1x128xi32, #tpu.memory_space<vmem>> -> memref<128xi32, #tpu.memory_space<vmem>>
        %dma_wait3A_88 = arith.constant 0 : i32
        %dma_wait3A_89 = arith.constant 0 : i32
        %dma_wait3A_90 = tpu.memref_slice %arg10[%dma_wait3A_88, %dma_wait3A_89] : memref<10240x128xf32, #tpu.memory_space<vmem_shared>> -> memref<10240x128xf32, #tpu.memory_space<vmem_shared>>
        tpu.wait_indirect_dma semaphore(%run_scoped3A_78 : memref<!tpu.dma_semaphore, #tpu.memory_space<semaphore_mem>>) src(%arg8 : memref<128x128xf32, #tpu.memory_space<vmem>>) dst(%dma_wait3A_90 : memref<10240x128xf32, #tpu.memory_space<vmem_shared>>)
        tpu.yield
      }) : () -> ()
      %dma_wait3A_70 = arith.constant 15 : i32
      %dma_wait3A_71 = arith.constant 0 : i32
      %dma_wait3A_72 = tpu.memref_slice %arg6[%dma_wait3A_70, %dma_wait3A_71] : memref<16x128xi32, #tpu.memory_space<vmem>> -> memref<1x128xi32, #tpu.memory_space<vmem>>
      %dma_wait3A_73 = tpu.memref_squeeze %dma_wait3A_72 : memref<1x128xi32, #tpu.memory_space<vmem>> -> memref<128xi32, #tpu.memory_space<vmem>>
      %dma_wait3A_74 = arith.constant 0 : i32
      %dma_wait3A_75 = arith.constant 0 : i32
      %dma_wait3A_76 = tpu.memref_slice %arg2[%dma_wait3A_74, %dma_wait3A_75] : memref<10000x128xf32, #tpu.memory_space<hbm>> -> memref<10000x128xf32, #tpu.memory_space<hbm>>
      tpu.wait_indirect_dma semaphore(%arg12 : memref<!tpu.dma_semaphore, #tpu.memory_space<semaphore_mem>>) src(%dma_wait3A_76 : memref<10000x128xf32, #tpu.memory_space<hbm>>) dst(%arg9 : memref<128x128xf32, #tpu.memory_space<vmem>>)
      %run_scoped3A_77 = arith.constant 15 : i32
      "tpu.region"() ({
        %run_scoped3A_78 = tpu.sem_alloc : memref<!tpu.dma_semaphore, #tpu.memory_space<semaphore_mem>>
        %dma_start3A_79 = arith.constant 0 : i32
        %dma_start3A_80 = tpu.memref_slice %arg7[%run_scoped3A_77, %dma_start3A_79] : memref<16x128xi32, #tpu.memory_space<vmem>> -> memref<1x128xi32, #tpu.memory_space<vmem>>
        %dma_start3A_81 = tpu.memref_squeeze %dma_start3A_80 : memref<1x128xi32, #tpu.memory_space<vmem>> -> memref<128xi32, #tpu.memory_space<vmem>>
        %dma_start3A_82 = arith.constant 0 : i32
        %dma_start3A_83 = arith.constant 0 : i32
        %dma_start3A_84 = tpu.memref_slice %arg10[%dma_start3A_82, %dma_start3A_83] : memref<10240x128xf32, #tpu.memory_space<vmem_shared>> -> memref<10240x128xf32, #tpu.memory_space<vmem_shared>>
        tpu.enqueue_indirect_dma source(%arg9 : memref<128x128xf32, #tpu.memory_space<vmem>>) target(%dma_start3A_84 : memref<10240x128xf32, #tpu.memory_space<vmem_shared>>) offsets(%dma_start3A_81 : memref<128xi32, #tpu.memory_space<vmem>>) semaphore(%run_scoped3A_78 : memref<!tpu.dma_semaphore, #tpu.memory_space<semaphore_mem>>) {add = true}
        %dma_wait3A_85 = arith.constant 0 : i32
        %dma_wait3A_86 = tpu.memref_slice %arg7[%run_scoped3A_77, %dma_wait3A_85] : memref<16x128xi32, #tpu.memory_space<vmem>> -> memref<1x128xi32, #tpu.memory_space<vmem>>
        %dma_wait3A_87 = tpu.memref_squeeze %dma_wait3A_86 : memref<1x128xi32, #tpu.memory_space<vmem>> -> memref<128xi32, #tpu.memory_space<vmem>>
        %dma_wait3A_88 = arith.constant 0 : i32
        %dma_wait3A_89 = arith.constant 0 : i32
        %dma_wait3A_90 = tpu.memref_slice %arg10[%dma_wait3A_88, %dma_wait3A_89] : memref<10240x128xf32, #tpu.memory_space<vmem_shared>> -> memref<10240x128xf32, #tpu.memory_space<vmem_shared>>
        tpu.wait_indirect_dma semaphore(%run_scoped3A_78 : memref<!tpu.dma_semaphore, #tpu.memory_space<semaphore_mem>>) src(%arg9 : memref<128x128xf32, #tpu.memory_space<vmem>>) dst(%dma_wait3A_90 : memref<10240x128xf32, #tpu.memory_space<vmem_shared>>)
        tpu.yield
      }) : () -> ()
    }
    %while3A_34 = arith.constant 1 : i32
    scf.for %while3A_40 = %while3A_32 to %while3A_28 step %while3A_34  : i32 {
      %mul3A_41 = arith.muli %while3A_40, %while3A : i32
      %add3A_42 = arith.addi %while3A_25, %mul3A_41 : i32
      %mul3A_43 = arith.constant 16 : i32
      %mul3A_44 = arith.muli %add3A_42, %mul3A_43 : i32
      %add3A_45 = arith.addi %select_n3A_18, %mul3A_44 : i32
      "tpu.region"() ({
        %run_scoped3A_78 = tpu.sem_alloc : memref<!tpu.dma_semaphore, #tpu.memory_space<semaphore_mem>>
        %dma_start3A_79 = arith.constant 0 : i32
        %dma_start3A_80 = tpu.memref_slice %arg3[%add3A_45, %dma_start3A_79] : memref<2560x128xi32, #tpu.memory_space<hbm>> -> memref<16x128xi32, #tpu.memory_space<hbm>>
        %dma_start3A_81 = arith.constant 0 : i32
        %dma_start3A_82 = tpu.memref_slice %arg3[%add3A_45, %dma_start3A_81] : memref<2560x128xi32, #tpu.memory_space<hbm>> -> memref<16x128xi32, #tpu.memory_space<hbm>>
        tpu.enqueue_dma source(%dma_start3A_82 : memref<16x128xi32, #tpu.memory_space<hbm>>) target(%arg6 : memref<16x128xi32, #tpu.memory_space<vmem>>) target_semaphore(%run_scoped3A_78 : memref<!tpu.dma_semaphore, #tpu.memory_space<semaphore_mem>>)
        %dma_wait3A_83 = arith.constant 0 : i32
        %dma_wait3A_84 = tpu.memref_slice %arg3[%add3A_45, %dma_wait3A_83] : memref<2560x128xi32, #tpu.memory_space<hbm>> -> memref<16x128xi32, #tpu.memory_space<hbm>>
        %dma_wait3A_85 = arith.constant 0 : i32
        %dma_wait3A_86 = tpu.memref_slice %arg3[%add3A_45, %dma_wait3A_85] : memref<2560x128xi32, #tpu.memory_space<hbm>> -> memref<16x128xi32, #tpu.memory_space<hbm>>
        tpu.wait_dma2 semaphore(%run_scoped3A_78 : memref<!tpu.dma_semaphore, #tpu.memory_space<semaphore_mem>>) src(%dma_wait3A_86 : memref<16x128xi32, #tpu.memory_space<hbm>>) dst(%arg6 : memref<16x128xi32, #tpu.memory_space<vmem>>)
        tpu.yield
      }) : () -> ()
      "tpu.region"() ({
        %run_scoped3A_78 = tpu.sem_alloc : memref<!tpu.dma_semaphore, #tpu.memory_space<semaphore_mem>>
        %dma_start3A_79 = arith.constant 0 : i32
        %dma_start3A_80 = tpu.memref_slice %arg4[%add3A_45, %dma_start3A_79] : memref<2560x128xi32, #tpu.memory_space<hbm>> -> memref<16x128xi32, #tpu.memory_space<hbm>>
        %dma_start3A_81 = arith.constant 0 : i32
        %dma_start3A_82 = tpu.memref_slice %arg4[%add3A_45, %dma_start3A_81] : memref<2560x128xi32, #tpu.memory_space<hbm>> -> memref<16x128xi32, #tpu.memory_space<hbm>>
        tpu.enqueue_dma source(%dma_start3A_82 : memref<16x128xi32, #tpu.memory_space<hbm>>) target(%arg7 : memref<16x128xi32, #tpu.memory_space<vmem>>) target_semaphore(%run_scoped3A_78 : memref<!tpu.dma_semaphore, #tpu.memory_space<semaphore_mem>>)
        %dma_wait3A_83 = arith.constant 0 : i32
        %dma_wait3A_84 = tpu.memref_slice %arg4[%add3A_45, %dma_wait3A_83] : memref<2560x128xi32, #tpu.memory_space<hbm>> -> memref<16x128xi32, #tpu.memory_space<hbm>>
        %dma_wait3A_85 = arith.constant 0 : i32
        %dma_wait3A_86 = tpu.memref_slice %arg4[%add3A_45, %dma_wait3A_85] : memref<2560x128xi32, #tpu.memory_space<hbm>> -> memref<16x128xi32, #tpu.memory_space<hbm>>
        tpu.wait_dma2 semaphore(%run_scoped3A_78 : memref<!tpu.dma_semaphore, #tpu.memory_space<semaphore_mem>>) src(%dma_wait3A_86 : memref<16x128xi32, #tpu.memory_space<hbm>>) dst(%arg7 : memref<16x128xi32, #tpu.memory_space<vmem>>)
        tpu.yield
      }) : () -> ()
      %dma_start3A = arith.constant 0 : i32
      %dma_start3A_46 = arith.constant 0 : i32
      %dma_start3A_47 = tpu.memref_slice %arg6[%dma_start3A, %dma_start3A_46] : memref<16x128xi32, #tpu.memory_space<vmem>> -> memref<1x128xi32, #tpu.memory_space<vmem>>
      %dma_start3A_48 = tpu.memref_squeeze %dma_start3A_47 : memref<1x128xi32, #tpu.memory_space<vmem>> -> memref<128xi32, #tpu.memory_space<vmem>>
      %dma_start3A_49 = arith.constant 0 : i32
      %dma_start3A_50 = arith.constant 0 : i32
      %dma_start3A_51 = tpu.memref_slice %arg2[%dma_start3A_49, %dma_start3A_50] : memref<10000x128xf32, #tpu.memory_space<hbm>> -> memref<10000x128xf32, #tpu.memory_space<hbm>>
      tpu.enqueue_indirect_dma source(%dma_start3A_51 : memref<10000x128xf32, #tpu.memory_space<hbm>>) target(%arg8 : memref<128x128xf32, #tpu.memory_space<vmem>>) offsets(%dma_start3A_48 : memref<128xi32, #tpu.memory_space<vmem>>) semaphore(%arg11 : memref<!tpu.dma_semaphore, #tpu.memory_space<semaphore_mem>>)
      %scan3A_52 = arith.constant 0 : i32
      %scan3A_53 = arith.constant 7 : i32
      %scan3A_54 = arith.addi %scan3A_52, %scan3A_53 : i32
      %scan3A_55 = arith.constant 1 : i32
      scf.for %scan3A_78 = %scan3A_52 to %scan3A_54 step %scan3A_55  : i32 {
        %mul3A_79 = arith.constant 2 : i32
        %mul3A_80 = arith.muli %scan3A_78, %mul3A_79 : i32
        %add3A_81 = arith.constant 0 : i32
        %add3A_82 = arith.addi %add3A_81, %mul3A_80 : i32
        %add3A_83 = arith.constant 1 : i32
        %add3A_84 = arith.addi %add3A_82, %add3A_83 : i32
        %dma_start3A_85 = arith.constant 0 : i32
        %dma_start3A_86 = tpu.memref_slice %arg6[%add3A_84, %dma_start3A_85] : memref<16x128xi32, #tpu.memory_space<vmem>> -> memref<1x128xi32, #tpu.memory_space<vmem>>
        %dma_start3A_87 = tpu.memref_squeeze %dma_start3A_86 : memref<1x128xi32, #tpu.memory_space<vmem>> -> memref<128xi32, #tpu.memory_space<vmem>>
        %dma_start3A_88 = arith.constant 0 : i32
        %dma_start3A_89 = arith.constant 0 : i32
        %dma_start3A_90 = tpu.memref_slice %arg2[%dma_start3A_88, %dma_start3A_89] : memref<10000x128xf32, #tpu.memory_space<hbm>> -> memref<10000x128xf32, #tpu.memory_space<hbm>>
        tpu.enqueue_indirect_dma source(%dma_start3A_90 : memref<10000x128xf32, #tpu.memory_space<hbm>>) target(%arg9 : memref<128x128xf32, #tpu.memory_space<vmem>>) offsets(%dma_start3A_87 : memref<128xi32, #tpu.memory_space<vmem>>) semaphore(%arg12 : memref<!tpu.dma_semaphore, #tpu.memory_space<semaphore_mem>>)
        %dma_wait3A_91 = arith.constant 0 : i32
        %dma_wait3A_92 = tpu.memref_slice %arg6[%add3A_82, %dma_wait3A_91] : memref<16x128xi32, #tpu.memory_space<vmem>> -> memref<1x128xi32, #tpu.memory_space<vmem>>
        %dma_wait3A_93 = tpu.memref_squeeze %dma_wait3A_92 : memref<1x128xi32, #tpu.memory_space<vmem>> -> memref<128xi32, #tpu.memory_space<vmem>>
        %dma_wait3A_94 = arith.constant 0 : i32
        %dma_wait3A_95 = arith.constant 0 : i32
        %dma_wait3A_96 = tpu.memref_slice %arg2[%dma_wait3A_94, %dma_wait3A_95] : memref<10000x128xf32, #tpu.memory_space<hbm>> -> memref<10000x128xf32, #tpu.memory_space<hbm>>
        tpu.wait_indirect_dma semaphore(%arg11 : memref<!tpu.dma_semaphore, #tpu.memory_space<semaphore_mem>>) src(%dma_wait3A_96 : memref<10000x128xf32, #tpu.memory_space<hbm>>) dst(%arg8 : memref<128x128xf32, #tpu.memory_space<vmem>>)
        "tpu.region"() ({
          %run_scoped3A_115 = tpu.sem_alloc : memref<!tpu.dma_semaphore, #tpu.memory_space<semaphore_mem>>
          %dma_start3A_116 = arith.constant 0 : i32
          %dma_start3A_117 = tpu.memref_slice %arg7[%add3A_82, %dma_start3A_116] : memref<16x128xi32, #tpu.memory_space<vmem>> -> memref<1x128xi32, #tpu.memory_space<vmem>>
          %dma_start3A_118 = tpu.memref_squeeze %dma_start3A_117 : memref<1x128xi32, #tpu.memory_space<vmem>> -> memref<128xi32, #tpu.memory_space<vmem>>
          %dma_start3A_119 = arith.constant 0 : i32
          %dma_start3A_120 = arith.constant 0 : i32
          %dma_start3A_121 = tpu.memref_slice %arg10[%dma_start3A_119, %dma_start3A_120] : memref<10240x128xf32, #tpu.memory_space<vmem_shared>> -> memref<10240x128xf32, #tpu.memory_space<vmem_shared>>
          tpu.enqueue_indirect_dma source(%arg8 : memref<128x128xf32, #tpu.memory_space<vmem>>) target(%dma_start3A_121 : memref<10240x128xf32, #tpu.memory_space<vmem_shared>>) offsets(%dma_start3A_118 : memref<128xi32, #tpu.memory_space<vmem>>) semaphore(%run_scoped3A_115 : memref<!tpu.dma_semaphore, #tpu.memory_space<semaphore_mem>>) {add = true}
          %dma_wait3A_122 = arith.constant 0 : i32
          %dma_wait3A_123 = tpu.memref_slice %arg7[%add3A_82, %dma_wait3A_122] : memref<16x128xi32, #tpu.memory_space<vmem>> -> memref<1x128xi32, #tpu.memory_space<vmem>>
          %dma_wait3A_124 = tpu.memref_squeeze %dma_wait3A_123 : memref<1x128xi32, #tpu.memory_space<vmem>> -> memref<128xi32, #tpu.memory_space<vmem>>
          %dma_wait3A_125 = arith.constant 0 : i32
          %dma_wait3A_126 = arith.constant 0 : i32
          %dma_wait3A_127 = tpu.memref_slice %arg10[%dma_wait3A_125, %dma_wait3A_126] : memref<10240x128xf32, #tpu.memory_space<vmem_shared>> -> memref<10240x128xf32, #tpu.memory_space<vmem_shared>>
          tpu.wait_indirect_dma semaphore(%run_scoped3A_115 : memref<!tpu.dma_semaphore, #tpu.memory_space<semaphore_mem>>) src(%arg8 : memref<128x128xf32, #tpu.memory_space<vmem>>) dst(%dma_wait3A_127 : memref<10240x128xf32, #tpu.memory_space<vmem_shared>>)
          tpu.yield
        }) : () -> ()
        %add3A_97 = arith.constant 2 : i32
        %add3A_98 = arith.addi %add3A_82, %add3A_97 : i32
        %dma_start3A_99 = arith.constant 0 : i32
        %dma_start3A_100 = tpu.memref_slice %arg6[%add3A_98, %dma_start3A_99] : memref<16x128xi32, #tpu.memory_space<vmem>> -> memref<1x128xi32, #tpu.memory_space<vmem>>
        %dma_start3A_101 = tpu.memref_squeeze %dma_start3A_100 : memref<1x128xi32, #tpu.memory_space<vmem>> -> memref<128xi32, #tpu.memory_space<vmem>>
        %dma_start3A_102 = arith.constant 0 : i32
        %dma_start3A_103 = arith.constant 0 : i32
        %dma_start3A_104 = tpu.memref_slice %arg2[%dma_start3A_102, %dma_start3A_103] : memref<10000x128xf32, #tpu.memory_space<hbm>> -> memref<10000x128xf32, #tpu.memory_space<hbm>>
        tpu.enqueue_indirect_dma source(%dma_start3A_104 : memref<10000x128xf32, #tpu.memory_space<hbm>>) target(%arg8 : memref<128x128xf32, #tpu.memory_space<vmem>>) offsets(%dma_start3A_101 : memref<128xi32, #tpu.memory_space<vmem>>) semaphore(%arg11 : memref<!tpu.dma_semaphore, #tpu.memory_space<semaphore_mem>>)
        %add3A_105 = arith.constant 1 : i32
        %add3A_106 = arith.addi %add3A_82, %add3A_105 : i32
        %dma_wait3A_107 = arith.constant 0 : i32
        %dma_wait3A_108 = tpu.memref_slice %arg6[%add3A_106, %dma_wait3A_107] : memref<16x128xi32, #tpu.memory_space<vmem>> -> memref<1x128xi32, #tpu.memory_space<vmem>>
        %dma_wait3A_109 = tpu.memref_squeeze %dma_wait3A_108 : memref<1x128xi32, #tpu.memory_space<vmem>> -> memref<128xi32, #tpu.memory_space<vmem>>
        %dma_wait3A_110 = arith.constant 0 : i32
        %dma_wait3A_111 = arith.constant 0 : i32
        %dma_wait3A_112 = tpu.memref_slice %arg2[%dma_wait3A_110, %dma_wait3A_111] : memref<10000x128xf32, #tpu.memory_space<hbm>> -> memref<10000x128xf32, #tpu.memory_space<hbm>>
        tpu.wait_indirect_dma semaphore(%arg12 : memref<!tpu.dma_semaphore, #tpu.memory_space<semaphore_mem>>) src(%dma_wait3A_112 : memref<10000x128xf32, #tpu.memory_space<hbm>>) dst(%arg9 : memref<128x128xf32, #tpu.memory_space<vmem>>)
        %add3A_113 = arith.constant 1 : i32
        %add3A_114 = arith.addi %add3A_82, %add3A_113 : i32
        "tpu.region"() ({
          %run_scoped3A_115 = tpu.sem_alloc : memref<!tpu.dma_semaphore, #tpu.memory_space<semaphore_mem>>
          %dma_start3A_116 = arith.constant 0 : i32
          %dma_start3A_117 = tpu.memref_slice %arg7[%add3A_114, %dma_start3A_116] : memref<16x128xi32, #tpu.memory_space<vmem>> -> memref<1x128xi32, #tpu.memory_space<vmem>>
          %dma_start3A_118 = tpu.memref_squeeze %dma_start3A_117 : memref<1x128xi32, #tpu.memory_space<vmem>> -> memref<128xi32, #tpu.memory_space<vmem>>
          %dma_start3A_119 = arith.constant 0 : i32
          %dma_start3A_120 = arith.constant 0 : i32
          %dma_start3A_121 = tpu.memref_slice %arg10[%dma_start3A_119, %dma_start3A_120] : memref<10240x128xf32, #tpu.memory_space<vmem_shared>> -> memref<10240x128xf32, #tpu.memory_space<vmem_shared>>
          tpu.enqueue_indirect_dma source(%arg9 : memref<128x128xf32, #tpu.memory_space<vmem>>) target(%dma_start3A_121 : memref<10240x128xf32, #tpu.memory_space<vmem_shared>>) offsets(%dma_start3A_118 : memref<128xi32, #tpu.memory_space<vmem>>) semaphore(%run_scoped3A_115 : memref<!tpu.dma_semaphore, #tpu.memory_space<semaphore_mem>>) {add = true}
          %dma_wait3A_122 = arith.constant 0 : i32
          %dma_wait3A_123 = tpu.memref_slice %arg7[%add3A_114, %dma_wait3A_122] : memref<16x128xi32, #tpu.memory_space<vmem>> -> memref<1x128xi32, #tpu.memory_space<vmem>>
          %dma_wait3A_124 = tpu.memref_squeeze %dma_wait3A_123 : memref<1x128xi32, #tpu.memory_space<vmem>> -> memref<128xi32, #tpu.memory_space<vmem>>
          %dma_wait3A_125 = arith.constant 0 : i32
          %dma_wait3A_126 = arith.constant 0 : i32
          %dma_wait3A_127 = tpu.memref_slice %arg10[%dma_wait3A_125, %dma_wait3A_126] : memref<10240x128xf32, #tpu.memory_space<vmem_shared>> -> memref<10240x128xf32, #tpu.memory_space<vmem_shared>>
          tpu.wait_indirect_dma semaphore(%run_scoped3A_115 : memref<!tpu.dma_semaphore, #tpu.memory_space<semaphore_mem>>) src(%arg9 : memref<128x128xf32, #tpu.memory_space<vmem>>) dst(%dma_wait3A_127 : memref<10240x128xf32, #tpu.memory_space<vmem_shared>>)
          tpu.yield
        }) : () -> ()
      }
      %scan3A_56 = arith.constant 7 : i32
      %dma_start3A_57 = arith.constant 15 : i32
      %dma_start3A_58 = arith.constant 0 : i32
      %dma_start3A_59 = tpu.memref_slice %arg6[%dma_start3A_57, %dma_start3A_58] : memref<16x128xi32, #tpu.memory_space<vmem>> -> memref<1x128xi32, #tpu.memory_space<vmem>>
      %dma_start3A_60 = tpu.memref_squeeze %dma_start3A_59 : memref<1x128xi32, #tpu.memory_space<vmem>> -> memref<128xi32, #tpu.memory_space<vmem>>
      %dma_start3A_61 = arith.constant 0 : i32
      %dma_start3A_62 = arith.constant 0 : i32
      %dma_start3A_63 = tpu.memref_slice %arg2[%dma_start3A_61, %dma_start3A_62] : memref<10000x128xf32, #tpu.memory_space<hbm>> -> memref<10000x128xf32, #tpu.memory_space<hbm>>
      tpu.enqueue_indirect_dma source(%dma_start3A_63 : memref<10000x128xf32, #tpu.memory_space<hbm>>) target(%arg9 : memref<128x128xf32, #tpu.memory_space<vmem>>) offsets(%dma_start3A_60 : memref<128xi32, #tpu.memory_space<vmem>>) semaphore(%arg12 : memref<!tpu.dma_semaphore, #tpu.memory_space<semaphore_mem>>)
      %dma_wait3A = arith.constant 14 : i32
      %dma_wait3A_64 = arith.constant 0 : i32
      %dma_wait3A_65 = tpu.memref_slice %arg6[%dma_wait3A, %dma_wait3A_64] : memref<16x128xi32, #tpu.memory_space<vmem>> -> memref<1x128xi32, #tpu.memory_space<vmem>>
      %dma_wait3A_66 = tpu.memref_squeeze %dma_wait3A_65 : memref<1x128xi32, #tpu.memory_space<vmem>> -> memref<128xi32, #tpu.memory_space<vmem>>
      %dma_wait3A_67 = arith.constant 0 : i32
      %dma_wait3A_68 = arith.constant 0 : i32
      %dma_wait3A_69 = tpu.memref_slice %arg2[%dma_wait3A_67, %dma_wait3A_68] : memref<10000x128xf32, #tpu.memory_space<hbm>> -> memref<10000x128xf32, #tpu.memory_space<hbm>>
      tpu.wait_indirect_dma semaphore(%arg11 : memref<!tpu.dma_semaphore, #tpu.memory_space<semaphore_mem>>) src(%dma_wait3A_69 : memref<10000x128xf32, #tpu.memory_space<hbm>>) dst(%arg8 : memref<128x128xf32, #tpu.memory_space<vmem>>)
      %run_scoped3A = arith.constant 14 : i32
      "tpu.region"() ({
        %run_scoped3A_78 = tpu.sem_alloc : memref<!tpu.dma_semaphore, #tpu.memory_space<semaphore_mem>>
        %dma_start3A_79 = arith.constant 0 : i32
        %dma_start3A_80 = tpu.memref_slice %arg7[%run_scoped3A, %dma_start3A_79] : memref<16x128xi32, #tpu.memory_space<vmem>> -> memref<1x128xi32, #tpu.memory_space<vmem>>
        %dma_start3A_81 = tpu.memref_squeeze %dma_start3A_80 : memref<1x128xi32, #tpu.memory_space<vmem>> -> memref<128xi32, #tpu.memory_space<vmem>>
        %dma_start3A_82 = arith.constant 0 : i32
        %dma_start3A_83 = arith.constant 0 : i32
        %dma_start3A_84 = tpu.memref_slice %arg10[%dma_start3A_82, %dma_start3A_83] : memref<10240x128xf32, #tpu.memory_space<vmem_shared>> -> memref<10240x128xf32, #tpu.memory_space<vmem_shared>>
        tpu.enqueue_indirect_dma source(%arg8 : memref<128x128xf32, #tpu.memory_space<vmem>>) target(%dma_start3A_84 : memref<10240x128xf32, #tpu.memory_space<vmem_shared>>) offsets(%dma_start3A_81 : memref<128xi32, #tpu.memory_space<vmem>>) semaphore(%run_scoped3A_78 : memref<!tpu.dma_semaphore, #tpu.memory_space<semaphore_mem>>) {add = true}
        %dma_wait3A_85 = arith.constant 0 : i32
        %dma_wait3A_86 = tpu.memref_slice %arg7[%run_scoped3A, %dma_wait3A_85] : memref<16x128xi32, #tpu.memory_space<vmem>> -> memref<1x128xi32, #tpu.memory_space<vmem>>
        %dma_wait3A_87 = tpu.memref_squeeze %dma_wait3A_86 : memref<1x128xi32, #tpu.memory_space<vmem>> -> memref<128xi32, #tpu.memory_space<vmem>>
        %dma_wait3A_88 = arith.constant 0 : i32
        %dma_wait3A_89 = arith.constant 0 : i32
        %dma_wait3A_90 = tpu.memref_slice %arg10[%dma_wait3A_88, %dma_wait3A_89] : memref<10240x128xf32, #tpu.memory_space<vmem_shared>> -> memref<10240x128xf32, #tpu.memory_space<vmem_shared>>
        tpu.wait_indirect_dma semaphore(%run_scoped3A_78 : memref<!tpu.dma_semaphore, #tpu.memory_space<semaphore_mem>>) src(%arg8 : memref<128x128xf32, #tpu.memory_space<vmem>>) dst(%dma_wait3A_90 : memref<10240x128xf32, #tpu.memory_space<vmem_shared>>)
        tpu.yield
      }) : () -> ()
      %dma_wait3A_70 = arith.constant 15 : i32
      %dma_wait3A_71 = arith.constant 0 : i32
      %dma_wait3A_72 = tpu.memref_slice %arg6[%dma_wait3A_70, %dma_wait3A_71] : memref<16x128xi32, #tpu.memory_space<vmem>> -> memref<1x128xi32, #tpu.memory_space<vmem>>
      %dma_wait3A_73 = tpu.memref_squeeze %dma_wait3A_72 : memref<1x128xi32, #tpu.memory_space<vmem>> -> memref<128xi32, #tpu.memory_space<vmem>>
      %dma_wait3A_74 = arith.constant 0 : i32
      %dma_wait3A_75 = arith.constant 0 : i32
      %dma_wait3A_76 = tpu.memref_slice %arg2[%dma_wait3A_74, %dma_wait3A_75] : memref<10000x128xf32, #tpu.memory_space<hbm>> -> memref<10000x128xf32, #tpu.memory_space<hbm>>
      tpu.wait_indirect_dma semaphore(%arg12 : memref<!tpu.dma_semaphore, #tpu.memory_space<semaphore_mem>>) src(%dma_wait3A_76 : memref<10000x128xf32, #tpu.memory_space<hbm>>) dst(%arg9 : memref<128x128xf32, #tpu.memory_space<vmem>>)
      %run_scoped3A_77 = arith.constant 15 : i32
      "tpu.region"() ({
        %run_scoped3A_78 = tpu.sem_alloc : memref<!tpu.dma_semaphore, #tpu.memory_space<semaphore_mem>>
        %dma_start3A_79 = arith.constant 0 : i32
        %dma_start3A_80 = tpu.memref_slice %arg7[%run_scoped3A_77, %dma_start3A_79] : memref<16x128xi32, #tpu.memory_space<vmem>> -> memref<1x128xi32, #tpu.memory_space<vmem>>
        %dma_start3A_81 = tpu.memref_squeeze %dma_start3A_80 : memref<1x128xi32, #tpu.memory_space<vmem>> -> memref<128xi32, #tpu.memory_space<vmem>>
        %dma_start3A_82 = arith.constant 0 : i32
        %dma_start3A_83 = arith.constant 0 : i32
        %dma_start3A_84 = tpu.memref_slice %arg10[%dma_start3A_82, %dma_start3A_83] : memref<10240x128xf32, #tpu.memory_space<vmem_shared>> -> memref<10240x128xf32, #tpu.memory_space<vmem_shared>>
        tpu.enqueue_indirect_dma source(%arg9 : memref<128x128xf32, #tpu.memory_space<vmem>>) target(%dma_start3A_84 : memref<10240x128xf32, #tpu.memory_space<vmem_shared>>) offsets(%dma_start3A_81 : memref<128xi32, #tpu.memory_space<vmem>>) semaphore(%run_scoped3A_78 : memref<!tpu.dma_semaphore, #tpu.memory_space<semaphore_mem>>) {add = true}
        %dma_wait3A_85 = arith.constant 0 : i32
        %dma_wait3A_86 = tpu.memref_slice %arg7[%run_scoped3A_77, %dma_wait3A_85] : memref<16x128xi32, #tpu.memory_space<vmem>> -> memref<1x128xi32, #tpu.memory_space<vmem>>
        %dma_wait3A_87 = tpu.memref_squeeze %dma_wait3A_86 : memref<1x128xi32, #tpu.memory_space<vmem>> -> memref<128xi32, #tpu.memory_space<vmem>>
        %dma_wait3A_88 = arith.constant 0 : i32
        %dma_wait3A_89 = arith.constant 0 : i32
        %dma_wait3A_90 = tpu.memref_slice %arg10[%dma_wait3A_88, %dma_wait3A_89] : memref<10240x128xf32, #tpu.memory_space<vmem_shared>> -> memref<10240x128xf32, #tpu.memory_space<vmem_shared>>
        tpu.wait_indirect_dma semaphore(%run_scoped3A_78 : memref<!tpu.dma_semaphore, #tpu.memory_space<semaphore_mem>>) src(%arg9 : memref<128x128xf32, #tpu.memory_space<vmem>>) dst(%dma_wait3A_90 : memref<10240x128xf32, #tpu.memory_space<vmem_shared>>)
        tpu.yield
      }) : () -> ()
    }
    %barrier3A_35 = arith.constant 0 : index
    tpu.barrier barrier_id(%barrier3A_35)
    %mul3A_36 = arith.constant 640 : i32
    %mul3A_37 = arith.muli %arg1, %mul3A_36 : i32
    %mul3A_38 = arith.constant 640 : i32
    %mul3A_39 = arith.muli %arg1, %mul3A_38 : i32
    "tpu.region"() ({
      %run_scoped3A = tpu.sem_alloc : memref<!tpu.dma_semaphore, #tpu.memory_space<semaphore_mem>>
      %dma_start3A = arith.constant 0 : i32
      %dma_start3A_40 = tpu.memref_slice %arg5[%arg0, %mul3A_39, %dma_start3A] : memref<2x10240x128xf32, #tpu.memory_space<hbm>> -> memref<1x640x128xf32, #tpu.memory_space<hbm>>
      %dma_start3A_41 = tpu.memref_squeeze %dma_start3A_40 : memref<1x640x128xf32, #tpu.memory_space<hbm>> -> memref<640x128xf32, #tpu.memory_space<hbm>>
      %dma_start3A_42 = arith.constant 0 : i32
      %dma_start3A_43 = tpu.memref_slice %arg10[%mul3A_37, %dma_start3A_42] : memref<10240x128xf32, #tpu.memory_space<vmem_shared>> -> memref<640x128xf32, #tpu.memory_space<vmem_shared>>
      tpu.enqueue_dma source(%dma_start3A_43 : memref<640x128xf32, #tpu.memory_space<vmem_shared>>) target(%dma_start3A_41 : memref<640x128xf32, #tpu.memory_space<hbm>>) target_semaphore(%run_scoped3A : memref<!tpu.dma_semaphore, #tpu.memory_space<semaphore_mem>>)
      %dma_wait3A = arith.constant 0 : i32
      %dma_wait3A_44 = tpu.memref_slice %arg5[%arg0, %mul3A_39, %dma_wait3A] : memref<2x10240x128xf32, #tpu.memory_space<hbm>> -> memref<1x640x128xf32, #tpu.memory_space<hbm>>
      %dma_wait3A_45 = tpu.memref_squeeze %dma_wait3A_44 : memref<1x640x128xf32, #tpu.memory_space<hbm>> -> memref<640x128xf32, #tpu.memory_space<hbm>>
      %dma_wait3A_46 = arith.constant 0 : i32
      %dma_wait3A_47 = tpu.memref_slice %arg10[%mul3A_37, %dma_wait3A_46] : memref<10240x128xf32, #tpu.memory_space<vmem_shared>> -> memref<640x128xf32, #tpu.memory_space<vmem_shared>>
      tpu.wait_dma2 semaphore(%run_scoped3A : memref<!tpu.dma_semaphore, #tpu.memory_space<semaphore_mem>>) src(%dma_wait3A_47 : memref<640x128xf32, #tpu.memory_space<vmem_shared>>) dst(%dma_wait3A_45 : memref<640x128xf32, #tpu.memory_space<hbm>>)
      tpu.yield
    }) : () -> ()
    return
  }
}

#map = affine_map<(d0, d1) -> (0, 0)>
#map1 = affine_map<(d0, d1) -> (0, 0, 0)>
module attributes {stable_mosaic.version = 14 : i64} {
  func.func @_deg_body(%arg0: i32, %arg1: i32, %arg2: memref<2560x128xi32, #tpu.memory_space<hbm>>, %arg3: memref<2x10240x128xf32, #tpu.memory_space<hbm>>, %arg4: memref<80x128xi32, #tpu.memory_space<vmem>>, %arg5: memref<128x128xf32, #tpu.memory_space<vmem>>, %arg6: memref<10240x128xf32, #tpu.memory_space<vmem_shared>>) attributes {dimension_semantics = [#tpu.dimension_semantics<core_parallel>, #tpu.dimension_semantics<subcore_parallel>], iteration_bounds = array<i64: 2, 16>, scalar_prefetch = 0 : i64, scratch_operands = 3 : i64, tpu.core_type = #tpu.core_type<sc_vector_subcore>, window_params = [{transform_indices = #map}, {transform_indices = #map1}]} {
    %mul3A = arith.constant 2 : i32
    %mul3A_0 = arith.muli %arg1, %mul3A : i32
    %add3A = arith.addi %mul3A_0, %arg0 : i32
    %broadcast_in_dim3A = arith.constant 0.000000e+00 : f32
    %broadcast_in_dim3A_1 = vector.broadcast %broadcast_in_dim3A : f32 to vector<16xf32>
    %broadcast_in_dim3A_2 = arith.constant 1.000000e+00 : f32
    %broadcast_in_dim3A_3 = vector.broadcast %broadcast_in_dim3A_2 : f32 to vector<16xf32>
    %scan3A = arith.constant 0 : i32
    %scan3A_4 = arith.constant 128 : i32
    %scan3A_5 = arith.addi %scan3A, %scan3A_4 : i32
    %scan3A_6 = arith.constant 1 : i32
    scf.for %scan3A_30 = %scan3A to %scan3A_5 step %scan3A_6  : i32 {
      %mul3A_31 = arith.constant 1 : i32
      %mul3A_32 = arith.muli %scan3A_30, %mul3A_31 : i32
      %add3A_33 = arith.constant 0 : i32
      %add3A_34 = arith.addi %add3A_33, %mul3A_32 : i32
      %swap3A = arith.index_cast %add3A_34 : i32 to index
      %swap3A_35 = arith.constant 0 : index
      %swap3A_36 = tpu.vector_load %arg5[%swap3A, %swap3A_35] {strides = array<i32>} : memref<128x128xf32, #tpu.memory_space<vmem>>, vector<1x16xf32>,
      %swap3A_37 = vector.shape_cast %swap3A_36 : vector<1x16xf32> to vector<16xf32>
      %swap3A_38 = vector.shape_cast %broadcast_in_dim3A_1 : vector<16xf32> to vector<1x16xf32>
      tpu.vector_store %arg5[%swap3A, %swap3A_35], %swap3A_38 {strides = array<i32>} : memref<128x128xf32, #tpu.memory_space<vmem>>, vector<1x16xf32>,
      %swap3A_39 = arith.index_cast %add3A_34 : i32 to index
      %swap3A_40 = arith.constant 16 : index
      %swap3A_41 = tpu.vector_load %arg5[%swap3A_39, %swap3A_40] {strides = array<i32>} : memref<128x128xf32, #tpu.memory_space<vmem>>, vector<1x16xf32>,
      %swap3A_42 = vector.shape_cast %swap3A_41 : vector<1x16xf32> to vector<16xf32>
      %swap3A_43 = vector.shape_cast %broadcast_in_dim3A_1 : vector<16xf32> to vector<1x16xf32>
      tpu.vector_store %arg5[%swap3A_39, %swap3A_40], %swap3A_43 {strides = array<i32>} : memref<128x128xf32, #tpu.memory_space<vmem>>, vector<1x16xf32>,
      %swap3A_44 = arith.index_cast %add3A_34 : i32 to index
      %swap3A_45 = arith.constant 32 : index
      %swap3A_46 = tpu.vector_load %arg5[%swap3A_44, %swap3A_45] {strides = array<i32>} : memref<128x128xf32, #tpu.memory_space<vmem>>, vector<1x16xf32>,
      %swap3A_47 = vector.shape_cast %swap3A_46 : vector<1x16xf32> to vector<16xf32>
      %swap3A_48 = vector.shape_cast %broadcast_in_dim3A_1 : vector<16xf32> to vector<1x16xf32>
      tpu.vector_store %arg5[%swap3A_44, %swap3A_45], %swap3A_48 {strides = array<i32>} : memref<128x128xf32, #tpu.memory_space<vmem>>, vector<1x16xf32>,
      %swap3A_49 = arith.index_cast %add3A_34 : i32 to index
      %swap3A_50 = arith.constant 48 : index
      %swap3A_51 = tpu.vector_load %arg5[%swap3A_49, %swap3A_50] {strides = array<i32>} : memref<128x128xf32, #tpu.memory_space<vmem>>, vector<1x16xf32>,
      %swap3A_52 = vector.shape_cast %swap3A_51 : vector<1x16xf32> to vector<16xf32>
      %swap3A_53 = vector.shape_cast %broadcast_in_dim3A_1 : vector<16xf32> to vector<1x16xf32>
      tpu.vector_store %arg5[%swap3A_49, %swap3A_50], %swap3A_53 {strides = array<i32>} : memref<128x128xf32, #tpu.memory_space<vmem>>, vector<1x16xf32>,
      %swap3A_54 = arith.index_cast %add3A_34 : i32 to index
      %swap3A_55 = arith.constant 64 : index
      %swap3A_56 = tpu.vector_load %arg5[%swap3A_54, %swap3A_55] {strides = array<i32>} : memref<128x128xf32, #tpu.memory_space<vmem>>, vector<1x16xf32>,
      %swap3A_57 = vector.shape_cast %swap3A_56 : vector<1x16xf32> to vector<16xf32>
      %swap3A_58 = vector.shape_cast %broadcast_in_dim3A_1 : vector<16xf32> to vector<1x16xf32>
      tpu.vector_store %arg5[%swap3A_54, %swap3A_55], %swap3A_58 {strides = array<i32>} : memref<128x128xf32, #tpu.memory_space<vmem>>, vector<1x16xf32>,
      %swap3A_59 = arith.index_cast %add3A_34 : i32 to index
      %swap3A_60 = arith.constant 80 : index
      %swap3A_61 = tpu.vector_load %arg5[%swap3A_59, %swap3A_60] {strides = array<i32>} : memref<128x128xf32, #tpu.memory_space<vmem>>, vector<1x16xf32>,
      %swap3A_62 = vector.shape_cast %swap3A_61 : vector<1x16xf32> to vector<16xf32>
      %swap3A_63 = vector.shape_cast %broadcast_in_dim3A_1 : vector<16xf32> to vector<1x16xf32>
      tpu.vector_store %arg5[%swap3A_59, %swap3A_60], %swap3A_63 {strides = array<i32>} : memref<128x128xf32, #tpu.memory_space<vmem>>, vector<1x16xf32>,
      %swap3A_64 = arith.index_cast %add3A_34 : i32 to index
      %swap3A_65 = arith.constant 96 : index
      %swap3A_66 = tpu.vector_load %arg5[%swap3A_64, %swap3A_65] {strides = array<i32>} : memref<128x128xf32, #tpu.memory_space<vmem>>, vector<1x16xf32>,
      %swap3A_67 = vector.shape_cast %swap3A_66 : vector<1x16xf32> to vector<16xf32>
      %swap3A_68 = vector.shape_cast %broadcast_in_dim3A_1 : vector<16xf32> to vector<1x16xf32>
      tpu.vector_store %arg5[%swap3A_64, %swap3A_65], %swap3A_68 {strides = array<i32>} : memref<128x128xf32, #tpu.memory_space<vmem>>, vector<1x16xf32>,
      %swap3A_69 = arith.index_cast %add3A_34 : i32 to index
      %swap3A_70 = arith.constant 112 : index
      %swap3A_71 = tpu.vector_load %arg5[%swap3A_69, %swap3A_70] {strides = array<i32>} : memref<128x128xf32, #tpu.memory_space<vmem>>, vector<1x16xf32>,
      %swap3A_72 = vector.shape_cast %swap3A_71 : vector<1x16xf32> to vector<16xf32>
      %swap3A_73 = vector.shape_cast %broadcast_in_dim3A_1 : vector<16xf32> to vector<1x16xf32>
      tpu.vector_store %arg5[%swap3A_69, %swap3A_70], %swap3A_73 {strides = array<i32>} : memref<128x128xf32, #tpu.memory_space<vmem>>, vector<1x16xf32>,
    }
    %scan3A_7 = arith.constant 128 : i32
    %scan3A_8 = arith.constant 0 : i32
    %scan3A_9 = arith.constant 5 : i32
    %scan3A_10 = arith.addi %scan3A_8, %scan3A_9 : i32
    %scan3A_11 = arith.constant 1 : i32
    scf.for %scan3A_30 = %scan3A_8 to %scan3A_10 step %scan3A_11  : i32 {
      %mul3A_31 = arith.constant 1 : i32
      %mul3A_32 = arith.muli %scan3A_30, %mul3A_31 : i32
      %add3A_33 = arith.constant 0 : i32
      %add3A_34 = arith.addi %add3A_33, %mul3A_32 : i32
      %mul3A_35 = arith.constant 640 : i32
      %mul3A_36 = arith.muli %arg1, %mul3A_35 : i32
      %mul3A_37 = arith.constant 128 : i32
      %mul3A_38 = arith.muli %add3A_34, %mul3A_37 : i32
      %add3A_39 = arith.addi %mul3A_36, %mul3A_38 : i32
      "tpu.region"() ({
        %run_scoped3A = tpu.sem_alloc : memref<!tpu.dma_semaphore, #tpu.memory_space<semaphore_mem>>
        %dma_start3A = arith.constant 0 : i32
        %dma_start3A_40 = tpu.memref_slice %arg6[%add3A_39, %dma_start3A] : memref<10240x128xf32, #tpu.memory_space<vmem_shared>> -> memref<128x128xf32, #tpu.memory_space<vmem_shared>>
        %dma_start3A_41 = arith.constant 0 : i32
        %dma_start3A_42 = tpu.memref_slice %arg6[%add3A_39, %dma_start3A_41] : memref<10240x128xf32, #tpu.memory_space<vmem_shared>> -> memref<128x128xf32, #tpu.memory_space<vmem_shared>>
        tpu.enqueue_dma source(%arg5 : memref<128x128xf32, #tpu.memory_space<vmem>>) target(%dma_start3A_42 : memref<128x128xf32, #tpu.memory_space<vmem_shared>>) target_semaphore(%run_scoped3A : memref<!tpu.dma_semaphore, #tpu.memory_space<semaphore_mem>>)
        %dma_wait3A = arith.constant 0 : i32
        %dma_wait3A_43 = tpu.memref_slice %arg6[%add3A_39, %dma_wait3A] : memref<10240x128xf32, #tpu.memory_space<vmem_shared>> -> memref<128x128xf32, #tpu.memory_space<vmem_shared>>
        %dma_wait3A_44 = arith.constant 0 : i32
        %dma_wait3A_45 = tpu.memref_slice %arg6[%add3A_39, %dma_wait3A_44] : memref<10240x128xf32, #tpu.memory_space<vmem_shared>> -> memref<128x128xf32, #tpu.memory_space<vmem_shared>>
        tpu.wait_dma2 semaphore(%run_scoped3A : memref<!tpu.dma_semaphore, #tpu.memory_space<semaphore_mem>>) src(%arg5 : memref<128x128xf32, #tpu.memory_space<vmem>>) dst(%dma_wait3A_45 : memref<128x128xf32, #tpu.memory_space<vmem_shared>>)
        tpu.yield
      }) : () -> ()
    }
    %scan3A_12 = arith.constant 5 : i32
    %scan3A_13 = arith.constant 0 : i32
    %scan3A_14 = arith.constant 128 : i32
    %scan3A_15 = arith.addi %scan3A_13, %scan3A_14 : i32
    %scan3A_16 = arith.constant 1 : i32
    scf.for %scan3A_30 = %scan3A_13 to %scan3A_15 step %scan3A_16  : i32 {
      %mul3A_31 = arith.constant 1 : i32
      %mul3A_32 = arith.muli %scan3A_30, %mul3A_31 : i32
      %add3A_33 = arith.constant 0 : i32
      %add3A_34 = arith.addi %add3A_33, %mul3A_32 : i32
      %swap3A = arith.index_cast %add3A_34 : i32 to index
      %swap3A_35 = arith.constant 0 : index
      %swap3A_36 = tpu.vector_load %arg5[%swap3A, %swap3A_35] {strides = array<i32>} : memref<128x128xf32, #tpu.memory_space<vmem>>, vector<1x16xf32>,
      %swap3A_37 = vector.shape_cast %swap3A_36 : vector<1x16xf32> to vector<16xf32>
      %swap3A_38 = vector.shape_cast %broadcast_in_dim3A_3 : vector<16xf32> to vector<1x16xf32>
      tpu.vector_store %arg5[%swap3A, %swap3A_35], %swap3A_38 {strides = array<i32>} : memref<128x128xf32, #tpu.memory_space<vmem>>, vector<1x16xf32>,
      %swap3A_39 = arith.index_cast %add3A_34 : i32 to index
      %swap3A_40 = arith.constant 16 : index
      %swap3A_41 = tpu.vector_load %arg5[%swap3A_39, %swap3A_40] {strides = array<i32>} : memref<128x128xf32, #tpu.memory_space<vmem>>, vector<1x16xf32>,
      %swap3A_42 = vector.shape_cast %swap3A_41 : vector<1x16xf32> to vector<16xf32>
      %swap3A_43 = vector.shape_cast %broadcast_in_dim3A_3 : vector<16xf32> to vector<1x16xf32>
      tpu.vector_store %arg5[%swap3A_39, %swap3A_40], %swap3A_43 {strides = array<i32>} : memref<128x128xf32, #tpu.memory_space<vmem>>, vector<1x16xf32>,
      %swap3A_44 = arith.index_cast %add3A_34 : i32 to index
      %swap3A_45 = arith.constant 32 : index
      %swap3A_46 = tpu.vector_load %arg5[%swap3A_44, %swap3A_45] {strides = array<i32>} : memref<128x128xf32, #tpu.memory_space<vmem>>, vector<1x16xf32>,
      %swap3A_47 = vector.shape_cast %swap3A_46 : vector<1x16xf32> to vector<16xf32>
      %swap3A_48 = vector.shape_cast %broadcast_in_dim3A_3 : vector<16xf32> to vector<1x16xf32>
      tpu.vector_store %arg5[%swap3A_44, %swap3A_45], %swap3A_48 {strides = array<i32>} : memref<128x128xf32, #tpu.memory_space<vmem>>, vector<1x16xf32>,
      %swap3A_49 = arith.index_cast %add3A_34 : i32 to index
      %swap3A_50 = arith.constant 48 : index
      %swap3A_51 = tpu.vector_load %arg5[%swap3A_49, %swap3A_50] {strides = array<i32>} : memref<128x128xf32, #tpu.memory_space<vmem>>, vector<1x16xf32>,
      %swap3A_52 = vector.shape_cast %swap3A_51 : vector<1x16xf32> to vector<16xf32>
      %swap3A_53 = vector.shape_cast %broadcast_in_dim3A_3 : vector<16xf32> to vector<1x16xf32>
      tpu.vector_store %arg5[%swap3A_49, %swap3A_50], %swap3A_53 {strides = array<i32>} : memref<128x128xf32, #tpu.memory_space<vmem>>, vector<1x16xf32>,
      %swap3A_54 = arith.index_cast %add3A_34 : i32 to index
      %swap3A_55 = arith.constant 64 : index
      %swap3A_56 = tpu.vector_load %arg5[%swap3A_54, %swap3A_55] {strides = array<i32>} : memref<128x128xf32, #tpu.memory_space<vmem>>, vector<1x16xf32>,
      %swap3A_57 = vector.shape_cast %swap3A_56 : vector<1x16xf32> to vector<16xf32>
      %swap3A_58 = vector.shape_cast %broadcast_in_dim3A_3 : vector<16xf32> to vector<1x16xf32>
      tpu.vector_store %arg5[%swap3A_54, %swap3A_55], %swap3A_58 {strides = array<i32>} : memref<128x128xf32, #tpu.memory_space<vmem>>, vector<1x16xf32>,
      %swap3A_59 = arith.index_cast %add3A_34 : i32 to index
      %swap3A_60 = arith.constant 80 : index
      %swap3A_61 = tpu.vector_load %arg5[%swap3A_59, %swap3A_60] {strides = array<i32>} : memref<128x128xf32, #tpu.memory_space<vmem>>, vector<1x16xf32>,
      %swap3A_62 = vector.shape_cast %swap3A_61 : vector<1x16xf32> to vector<16xf32>
      %swap3A_63 = vector.shape_cast %broadcast_in_dim3A_3 : vector<16xf32> to vector<1x16xf32>
      tpu.vector_store %arg5[%swap3A_59, %swap3A_60], %swap3A_63 {strides = array<i32>} : memref<128x128xf32, #tpu.memory_space<vmem>>, vector<1x16xf32>,
      %swap3A_64 = arith.index_cast %add3A_34 : i32 to index
      %swap3A_65 = arith.constant 96 : index
      %swap3A_66 = tpu.vector_load %arg5[%swap3A_64, %swap3A_65] {strides = array<i32>} : memref<128x128xf32, #tpu.memory_space<vmem>>, vector<1x16xf32>,
      %swap3A_67 = vector.shape_cast %swap3A_66 : vector<1x16xf32> to vector<16xf32>
      %swap3A_68 = vector.shape_cast %broadcast_in_dim3A_3 : vector<16xf32> to vector<1x16xf32>
      tpu.vector_store %arg5[%swap3A_64, %swap3A_65], %swap3A_68 {strides = array<i32>} : memref<128x128xf32, #tpu.memory_space<vmem>>, vector<1x16xf32>,
      %swap3A_69 = arith.index_cast %add3A_34 : i32 to index
      %swap3A_70 = arith.constant 112 : index
      %swap3A_71 = tpu.vector_load %arg5[%swap3A_69, %swap3A_70] {strides = array<i32>} : memref<128x128xf32, #tpu.memory_space<vmem>>, vector<1x16xf32>,
      %swap3A_72 = vector.shape_cast %swap3A_71 : vector<1x16xf32> to vector<16xf32>
      %swap3A_73 = vector.shape_cast %broadcast_in_dim3A_3 : vector<16xf32> to vector<1x16xf32>
      tpu.vector_store %arg5[%swap3A_69, %swap3A_70], %swap3A_73 {strides = array<i32>} : memref<128x128xf32, #tpu.memory_space<vmem>>, vector<1x16xf32>,
    }
    %scan3A_17 = arith.constant 128 : i32
    %mul3A_18 = arith.constant 80 : i32
    %mul3A_19 = arith.muli %add3A, %mul3A_18 : i32
    "tpu.region"() ({
      %run_scoped3A = tpu.sem_alloc : memref<!tpu.dma_semaphore, #tpu.memory_space<semaphore_mem>>
      %dma_start3A = arith.constant 0 : i32
      %dma_start3A_30 = tpu.memref_slice %arg2[%mul3A_19, %dma_start3A] : memref<2560x128xi32, #tpu.memory_space<hbm>> -> memref<80x128xi32, #tpu.memory_space<hbm>>
      %dma_start3A_31 = arith.constant 0 : i32
      %dma_start3A_32 = tpu.memref_slice %arg2[%mul3A_19, %dma_start3A_31] : memref<2560x128xi32, #tpu.memory_space<hbm>> -> memref<80x128xi32, #tpu.memory_space<hbm>>
      tpu.enqueue_dma source(%dma_start3A_32 : memref<80x128xi32, #tpu.memory_space<hbm>>) target(%arg4 : memref<80x128xi32, #tpu.memory_space<vmem>>) target_semaphore(%run_scoped3A : memref<!tpu.dma_semaphore, #tpu.memory_space<semaphore_mem>>)
      %dma_wait3A = arith.constant 0 : i32
      %dma_wait3A_33 = tpu.memref_slice %arg2[%mul3A_19, %dma_wait3A] : memref<2560x128xi32, #tpu.memory_space<hbm>> -> memref<80x128xi32, #tpu.memory_space<hbm>>
      %dma_wait3A_34 = arith.constant 0 : i32
      %dma_wait3A_35 = tpu.memref_slice %arg2[%mul3A_19, %dma_wait3A_34] : memref<2560x128xi32, #tpu.memory_space<hbm>> -> memref<80x128xi32, #tpu.memory_space<hbm>>
      tpu.wait_dma2 semaphore(%run_scoped3A : memref<!tpu.dma_semaphore, #tpu.memory_space<semaphore_mem>>) src(%dma_wait3A_35 : memref<80x128xi32, #tpu.memory_space<hbm>>) dst(%arg4 : memref<80x128xi32, #tpu.memory_space<vmem>>)
      tpu.yield
    }) : () -> ()
    %barrier3A = arith.constant 0 : index
    tpu.barrier barrier_id(%barrier3A)
    %scan3A_20 = arith.constant 0 : i32
    %scan3A_21 = arith.constant 80 : i32
    %scan3A_22 = arith.addi %scan3A_20, %scan3A_21 : i32
    %scan3A_23 = arith.constant 1 : i32
    scf.for %scan3A_30 = %scan3A_20 to %scan3A_22 step %scan3A_23  : i32 {
      %mul3A_31 = arith.constant 1 : i32
      %mul3A_32 = arith.muli %scan3A_30, %mul3A_31 : i32
      %add3A_33 = arith.constant 0 : i32
      %add3A_34 = arith.addi %add3A_33, %mul3A_32 : i32
      "tpu.region"() ({
        %run_scoped3A = tpu.sem_alloc : memref<!tpu.dma_semaphore, #tpu.memory_space<semaphore_mem>>
        %dma_start3A = arith.constant 0 : i32
        %dma_start3A_35 = tpu.memref_slice %arg4[%add3A_34, %dma_start3A] : memref<80x128xi32, #tpu.memory_space<vmem>> -> memref<1x128xi32, #tpu.memory_space<vmem>>
        %dma_start3A_36 = tpu.memref_squeeze %dma_start3A_35 : memref<1x128xi32, #tpu.memory_space<vmem>> -> memref<128xi32, #tpu.memory_space<vmem>>
        %dma_start3A_37 = arith.constant 0 : i32
        %dma_start3A_38 = arith.constant 0 : i32
        %dma_start3A_39 = tpu.memref_slice %arg6[%dma_start3A_37, %dma_start3A_38] : memref<10240x128xf32, #tpu.memory_space<vmem_shared>> -> memref<10240x128xf32, #tpu.memory_space<vmem_shared>>
        tpu.enqueue_indirect_dma source(%arg5 : memref<128x128xf32, #tpu.memory_space<vmem>>) target(%dma_start3A_39 : memref<10240x128xf32, #tpu.memory_space<vmem_shared>>) offsets(%dma_start3A_36 : memref<128xi32, #tpu.memory_space<vmem>>) semaphore(%run_scoped3A : memref<!tpu.dma_semaphore, #tpu.memory_space<semaphore_mem>>) {add = true}
        %dma_wait3A = arith.constant 0 : i32
        %dma_wait3A_40 = tpu.memref_slice %arg4[%add3A_34, %dma_wait3A] : memref<80x128xi32, #tpu.memory_space<vmem>> -> memref<1x128xi32, #tpu.memory_space<vmem>>
        %dma_wait3A_41 = tpu.memref_squeeze %dma_wait3A_40 : memref<1x128xi32, #tpu.memory_space<vmem>> -> memref<128xi32, #tpu.memory_space<vmem>>
        %dma_wait3A_42 = arith.constant 0 : i32
        %dma_wait3A_43 = arith.constant 0 : i32
        %dma_wait3A_44 = tpu.memref_slice %arg6[%dma_wait3A_42, %dma_wait3A_43] : memref<10240x128xf32, #tpu.memory_space<vmem_shared>> -> memref<10240x128xf32, #tpu.memory_space<vmem_shared>>
        tpu.wait_indirect_dma semaphore(%run_scoped3A : memref<!tpu.dma_semaphore, #tpu.memory_space<semaphore_mem>>) src(%arg5 : memref<128x128xf32, #tpu.memory_space<vmem>>) dst(%dma_wait3A_44 : memref<10240x128xf32, #tpu.memory_space<vmem_shared>>)
        tpu.yield
      }) : () -> ()
    }
    %scan3A_24 = arith.constant 80 : i32
    %barrier3A_25 = arith.constant 0 : index
    tpu.barrier barrier_id(%barrier3A_25)
    %mul3A_26 = arith.constant 640 : i32
    %mul3A_27 = arith.muli %arg1, %mul3A_26 : i32
    %mul3A_28 = arith.constant 640 : i32
    %mul3A_29 = arith.muli %arg1, %mul3A_28 : i32
    "tpu.region"() ({
      %run_scoped3A = tpu.sem_alloc : memref<!tpu.dma_semaphore, #tpu.memory_space<semaphore_mem>>
      %dma_start3A = arith.constant 0 : i32
      %dma_start3A_30 = tpu.memref_slice %arg3[%arg0, %mul3A_29, %dma_start3A] : memref<2x10240x128xf32, #tpu.memory_space<hbm>> -> memref<1x640x128xf32, #tpu.memory_space<hbm>>
      %dma_start3A_31 = tpu.memref_squeeze %dma_start3A_30 : memref<1x640x128xf32, #tpu.memory_space<hbm>> -> memref<640x128xf32, #tpu.memory_space<hbm>>
      %dma_start3A_32 = arith.constant 0 : i32
      %dma_start3A_33 = tpu.memref_slice %arg6[%mul3A_27, %dma_start3A_32] : memref<10240x128xf32, #tpu.memory_space<vmem_shared>> -> memref<640x128xf32, #tpu.memory_space<vmem_shared>>
      tpu.enqueue_dma source(%dma_start3A_33 : memref<640x128xf32, #tpu.memory_space<vmem_shared>>) target(%dma_start3A_31 : memref<640x128xf32, #tpu.memory_space<hbm>>) target_semaphore(%run_scoped3A : memref<!tpu.dma_semaphore, #tpu.memory_space<semaphore_mem>>)
      %dma_wait3A = arith.constant 0 : i32
      %dma_wait3A_34 = tpu.memref_slice %arg3[%arg0, %mul3A_29, %dma_wait3A] : memref<2x10240x128xf32, #tpu.memory_space<hbm>> -> memref<1x640x128xf32, #tpu.memory_space<hbm>>
      %dma_wait3A_35 = tpu.memref_squeeze %dma_wait3A_34 : memref<1x640x128xf32, #tpu.memory_space<hbm>> -> memref<640x128xf32, #tpu.memory_space<hbm>>
      %dma_wait3A_36 = arith.constant 0 : i32
      %dma_wait3A_37 = tpu.memref_slice %arg6[%mul3A_27, %dma_wait3A_36] : memref<10240x128xf32, #tpu.memory_space<vmem_shared>> -> memref<640x128xf32, #tpu.memory_space<vmem_shared>>
      tpu.wait_dma2 semaphore(%run_scoped3A : memref<!tpu.dma_semaphore, #tpu.memory_space<semaphore_mem>>) src(%dma_wait3A_37 : memref<640x128xf32, #tpu.memory_space<vmem_shared>>) dst(%dma_wait3A_35 : memref<640x128xf32, #tpu.memory_space<hbm>>)
      tpu.yield
    }) : () -> ()
    return
  }
}

#map = affine_map<(d0, d1) -> (0, 0)>
#map1 = affine_map<(d0, d1) -> (0, 0, 0)>
module attributes {stable_mosaic.version = 14 : i64} {
  func.func @_agg_body(%arg0: i32, %arg1: i32, %arg2: memref<10000x128xf32, #tpu.memory_space<hbm>>, %arg3: memref<2560x128xi32, #tpu.memory_space<hbm>>, %arg4: memref<2560x128xi32, #tpu.memory_space<hbm>>, %arg5: memref<2x10240x128xf32, #tpu.memory_space<hbm>>, %arg6: memref<16x128xi32, #tpu.memory_space<vmem>>, %arg7: memref<16x128xi32, #tpu.memory_space<vmem>>, %arg8: memref<128x128xf32, #tpu.memory_space<vmem>>, %arg9: memref<128x128xf32, #tpu.memory_space<vmem>>, %arg10: memref<10240x128xf32, #tpu.memory_space<vmem_shared>>, %arg11: memref<!tpu.dma_semaphore, #tpu.memory_space<semaphore_mem>>, %arg12: memref<!tpu.dma_semaphore, #tpu.memory_space<semaphore_mem>>) attributes {dimension_semantics = [#tpu.dimension_semantics<core_parallel>, #tpu.dimension_semantics<subcore_parallel>], iteration_bounds = array<i64: 2, 16>, scalar_prefetch = 0 : i64, scratch_operands = 7 : i64, tpu.core_type = #tpu.core_type<sc_vector_subcore>, window_params = [{transform_indices = #map}, {transform_indices = #map}, {transform_indices = #map}, {transform_indices = #map1}]} {
    %broadcast_in_dim3A = arith.constant 0.000000e+00 : f32
    %broadcast_in_dim3A_0 = vector.broadcast %broadcast_in_dim3A : f32 to vector<16xf32>
    %scan3A = arith.constant 0 : i32
    %scan3A_1 = arith.constant 128 : i32
    %scan3A_2 = arith.addi %scan3A, %scan3A_1 : i32
    %scan3A_3 = arith.constant 1 : i32
    scf.for %scan3A_40 = %scan3A to %scan3A_2 step %scan3A_3  : i32 {
      %mul3A_41 = arith.constant 1 : i32
      %mul3A_42 = arith.muli %scan3A_40, %mul3A_41 : i32
      %add3A_43 = arith.constant 0 : i32
      %add3A_44 = arith.addi %add3A_43, %mul3A_42 : i32
      %swap3A = arith.index_cast %add3A_44 : i32 to index
      %swap3A_45 = arith.constant 0 : index
      %swap3A_46 = tpu.vector_load %arg8[%swap3A, %swap3A_45] {strides = array<i32>} : memref<128x128xf32, #tpu.memory_space<vmem>>, vector<1x16xf32>,
      %swap3A_47 = vector.shape_cast %swap3A_46 : vector<1x16xf32> to vector<16xf32>
      %swap3A_48 = vector.shape_cast %broadcast_in_dim3A_0 : vector<16xf32> to vector<1x16xf32>
      tpu.vector_store %arg8[%swap3A, %swap3A_45], %swap3A_48 {strides = array<i32>} : memref<128x128xf32, #tpu.memory_space<vmem>>, vector<1x16xf32>,
      %swap3A_49 = arith.index_cast %add3A_44 : i32 to index
      %swap3A_50 = arith.constant 16 : index
      %swap3A_51 = tpu.vector_load %arg8[%swap3A_49, %swap3A_50] {strides = array<i32>} : memref<128x128xf32, #tpu.memory_space<vmem>>, vector<1x16xf32>,
      %swap3A_52 = vector.shape_cast %swap3A_51 : vector<1x16xf32> to vector<16xf32>
      %swap3A_53 = vector.shape_cast %broadcast_in_dim3A_0 : vector<16xf32> to vector<1x16xf32>
      tpu.vector_store %arg8[%swap3A_49, %swap3A_50], %swap3A_53 {strides = array<i32>} : memref<128x128xf32, #tpu.memory_space<vmem>>, vector<1x16xf32>,
      %swap3A_54 = arith.index_cast %add3A_44 : i32 to index
      %swap3A_55 = arith.constant 32 : index
      %swap3A_56 = tpu.vector_load %arg8[%swap3A_54, %swap3A_55] {strides = array<i32>} : memref<128x128xf32, #tpu.memory_space<vmem>>, vector<1x16xf32>,
      %swap3A_57 = vector.shape_cast %swap3A_56 : vector<1x16xf32> to vector<16xf32>
      %swap3A_58 = vector.shape_cast %broadcast_in_dim3A_0 : vector<16xf32> to vector<1x16xf32>
      tpu.vector_store %arg8[%swap3A_54, %swap3A_55], %swap3A_58 {strides = array<i32>} : memref<128x128xf32, #tpu.memory_space<vmem>>, vector<1x16xf32>,
      %swap3A_59 = arith.index_cast %add3A_44 : i32 to index
      %swap3A_60 = arith.constant 48 : index
      %swap3A_61 = tpu.vector_load %arg8[%swap3A_59, %swap3A_60] {strides = array<i32>} : memref<128x128xf32, #tpu.memory_space<vmem>>, vector<1x16xf32>,
      %swap3A_62 = vector.shape_cast %swap3A_61 : vector<1x16xf32> to vector<16xf32>
      %swap3A_63 = vector.shape_cast %broadcast_in_dim3A_0 : vector<16xf32> to vector<1x16xf32>
      tpu.vector_store %arg8[%swap3A_59, %swap3A_60], %swap3A_63 {strides = array<i32>} : memref<128x128xf32, #tpu.memory_space<vmem>>, vector<1x16xf32>,
      %swap3A_64 = arith.index_cast %add3A_44 : i32 to index
      %swap3A_65 = arith.constant 64 : index
      %swap3A_66 = tpu.vector_load %arg8[%swap3A_64, %swap3A_65] {strides = array<i32>} : memref<128x128xf32, #tpu.memory_space<vmem>>, vector<1x16xf32>,
      %swap3A_67 = vector.shape_cast %swap3A_66 : vector<1x16xf32> to vector<16xf32>
      %swap3A_68 = vector.shape_cast %broadcast_in_dim3A_0 : vector<16xf32> to vector<1x16xf32>
      tpu.vector_store %arg8[%swap3A_64, %swap3A_65], %swap3A_68 {strides = array<i32>} : memref<128x128xf32, #tpu.memory_space<vmem>>, vector<1x16xf32>,
      %swap3A_69 = arith.index_cast %add3A_44 : i32 to index
      %swap3A_70 = arith.constant 80 : index
      %swap3A_71 = tpu.vector_load %arg8[%swap3A_69, %swap3A_70] {strides = array<i32>} : memref<128x128xf32, #tpu.memory_space<vmem>>, vector<1x16xf32>,
      %swap3A_72 = vector.shape_cast %swap3A_71 : vector<1x16xf32> to vector<16xf32>
      %swap3A_73 = vector.shape_cast %broadcast_in_dim3A_0 : vector<16xf32> to vector<1x16xf32>
      tpu.vector_store %arg8[%swap3A_69, %swap3A_70], %swap3A_73 {strides = array<i32>} : memref<128x128xf32, #tpu.memory_space<vmem>>, vector<1x16xf32>,
      %swap3A_74 = arith.index_cast %add3A_44 : i32 to index
      %swap3A_75 = arith.constant 96 : index
      %swap3A_76 = tpu.vector_load %arg8[%swap3A_74, %swap3A_75] {strides = array<i32>} : memref<128x128xf32, #tpu.memory_space<vmem>>, vector<1x16xf32>,
      %swap3A_77 = vector.shape_cast %swap3A_76 : vector<1x16xf32> to vector<16xf32>
      %swap3A_78 = vector.shape_cast %broadcast_in_dim3A_0 : vector<16xf32> to vector<1x16xf32>
      tpu.vector_store %arg8[%swap3A_74, %swap3A_75], %swap3A_78 {strides = array<i32>} : memref<128x128xf32, #tpu.memory_space<vmem>>, vector<1x16xf32>,
      %swap3A_79 = arith.index_cast %add3A_44 : i32 to index
      %swap3A_80 = arith.constant 112 : index
      %swap3A_81 = tpu.vector_load %arg8[%swap3A_79, %swap3A_80] {strides = array<i32>} : memref<128x128xf32, #tpu.memory_space<vmem>>, vector<1x16xf32>,
      %swap3A_82 = vector.shape_cast %swap3A_81 : vector<1x16xf32> to vector<16xf32>
      %swap3A_83 = vector.shape_cast %broadcast_in_dim3A_0 : vector<16xf32> to vector<1x16xf32>
      tpu.vector_store %arg8[%swap3A_79, %swap3A_80], %swap3A_83 {strides = array<i32>} : memref<128x128xf32, #tpu.memory_space<vmem>>, vector<1x16xf32>,
    }
    %scan3A_4 = arith.constant 128 : i32
    %scan3A_5 = arith.constant 0 : i32
    %scan3A_6 = arith.constant 5 : i32
    %scan3A_7 = arith.addi %scan3A_5, %scan3A_6 : i32
    %scan3A_8 = arith.constant 1 : i32
    scf.for %scan3A_40 = %scan3A_5 to %scan3A_7 step %scan3A_8  : i32 {
      %mul3A_41 = arith.constant 1 : i32
      %mul3A_42 = arith.muli %scan3A_40, %mul3A_41 : i32
      %add3A_43 = arith.constant 0 : i32
      %add3A_44 = arith.addi %add3A_43, %mul3A_42 : i32
      %mul3A_45 = arith.constant 640 : i32
      %mul3A_46 = arith.muli %arg1, %mul3A_45 : i32
      %mul3A_47 = arith.constant 128 : i32
      %mul3A_48 = arith.muli %add3A_44, %mul3A_47 : i32
      %add3A_49 = arith.addi %mul3A_46, %mul3A_48 : i32
      "tpu.region"() ({
        %run_scoped3A = tpu.sem_alloc : memref<!tpu.dma_semaphore, #tpu.memory_space<semaphore_mem>>
        %dma_start3A = arith.constant 0 : i32
        %dma_start3A_50 = tpu.memref_slice %arg10[%add3A_49, %dma_start3A] : memref<10240x128xf32, #tpu.memory_space<vmem_shared>> -> memref<128x128xf32, #tpu.memory_space<vmem_shared>>
        %dma_start3A_51 = arith.constant 0 : i32
        %dma_start3A_52 = tpu.memref_slice %arg10[%add3A_49, %dma_start3A_51] : memref<10240x128xf32, #tpu.memory_space<vmem_shared>> -> memref<128x128xf32, #tpu.memory_space<vmem_shared>>
        tpu.enqueue_dma source(%arg8 : memref<128x128xf32, #tpu.memory_space<vmem>>) target(%dma_start3A_52 : memref<128x128xf32, #tpu.memory_space<vmem_shared>>) target_semaphore(%run_scoped3A : memref<!tpu.dma_semaphore, #tpu.memory_space<semaphore_mem>>)
        %dma_wait3A = arith.constant 0 : i32
        %dma_wait3A_53 = tpu.memref_slice %arg10[%add3A_49, %dma_wait3A] : memref<10240x128xf32, #tpu.memory_space<vmem_shared>> -> memref<128x128xf32, #tpu.memory_space<vmem_shared>>
        %dma_wait3A_54 = arith.constant 0 : i32
        %dma_wait3A_55 = tpu.memref_slice %arg10[%add3A_49, %dma_wait3A_54] : memref<10240x128xf32, #tpu.memory_space<vmem_shared>> -> memref<128x128xf32, #tpu.memory_space<vmem_shared>>
        tpu.wait_dma2 semaphore(%run_scoped3A : memref<!tpu.dma_semaphore, #tpu.memory_space<semaphore_mem>>) src(%arg8 : memref<128x128xf32, #tpu.memory_space<vmem>>) dst(%dma_wait3A_55 : memref<128x128xf32, #tpu.memory_space<vmem_shared>>)
        tpu.yield
      }) : () -> ()
    }
    %scan3A_9 = arith.constant 5 : i32
    %barrier3A = arith.constant 0 : index
    tpu.barrier barrier_id(%barrier3A)
    %eq3A = arith.constant 0 : i32
    %eq3A_10 = arith.cmpi eq, %arg0, %eq3A : i32
    %jit3A = arith.constant 10 : i32
    %jit3A_11 = arith.constant 0 : i32
    %select_n3A = arith.select %eq3A_10, %jit3A, %jit3A_11 : i32
    %eq3A_12 = arith.constant 0 : i32
    %eq3A_13 = arith.cmpi eq, %arg0, %eq3A_12 : i32
    %mul3A = arith.constant 160 : i32
    %mul3A_14 = arith.muli %arg1, %mul3A : i32
    %mul3A_15 = arith.constant 0 : i32
    %mul3A_16 = arith.muli %arg1, %mul3A_15 : i32
    %add3A = arith.constant 2560 : i32
    %add3A_17 = arith.addi %add3A, %mul3A_16 : i32
    %select_n3A_18 = arith.select %eq3A_13, %mul3A_14, %add3A_17 : i32
    %sub3A = arith.constant 0 : i32
    %sub3A_19 = arith.subi %select_n3A, %sub3A : i32
    %sub3A_20 = arith.constant 1 : i32
    %sub3A_21 = arith.constant 1 : i32
    %sub3A_22 = arith.subi %sub3A_20, %sub3A_21 : i32
    %add3A_23 = arith.addi %sub3A_19, %sub3A_22 : i32
    %div3A = arith.constant 1 : i32
    %div3A_24 = arith.divsi %add3A_23, %div3A : i32
    %while3A = arith.constant 1 : i32
    %while3A_25 = arith.constant 0 : i32
    %while3A_26 = arith.constant 0 : i32
    %while3A_27 = arith.subi %div3A_24, %while3A_26 : i32
    %while3A_28 = arith.addi %while3A_26, %while3A_27 : i32
    %while3A_29 = arith.constant 1 : i32
    %while3A_30 = arith.divsi %while3A_27, %while3A_29 : i32
    %while3A_31 = arith.muli %while3A_30, %while3A_29 : i32
    %while3A_32 = arith.addi %while3A_26, %while3A_31 : i32
    %while3A_33 = arith.constant 1 : i32
    scf.for %while3A_40 = %while3A_26 to %while3A_32 step %while3A_33  : i32 {
      %mul3A_41 = arith.muli %while3A_40, %while3A : i32
      %add3A_42 = arith.addi %while3A_25, %mul3A_41 : i32
      %mul3A_43 = arith.constant 16 : i32
      %mul3A_44 = arith.muli %add3A_42, %mul3A_43 : i32
      %add3A_45 = arith.addi %select_n3A_18, %mul3A_44 : i32
      "tpu.region"() ({
        %run_scoped3A_78 = tpu.sem_alloc : memref<!tpu.dma_semaphore, #tpu.memory_space<semaphore_mem>>
        %dma_start3A_79 = arith.constant 0 : i32
        %dma_start3A_80 = tpu.memref_slice %arg3[%add3A_45, %dma_start3A_79] : memref<2560x128xi32, #tpu.memory_space<hbm>> -> memref<16x128xi32, #tpu.memory_space<hbm>>
        %dma_start3A_81 = arith.constant 0 : i32
        %dma_start3A_82 = tpu.memref_slice %arg3[%add3A_45, %dma_start3A_81] : memref<2560x128xi32, #tpu.memory_space<hbm>> -> memref<16x128xi32, #tpu.memory_space<hbm>>
        tpu.enqueue_dma source(%dma_start3A_82 : memref<16x128xi32, #tpu.memory_space<hbm>>) target(%arg6 : memref<16x128xi32, #tpu.memory_space<vmem>>) target_semaphore(%run_scoped3A_78 : memref<!tpu.dma_semaphore, #tpu.memory_space<semaphore_mem>>)
        %dma_wait3A_83 = arith.constant 0 : i32
        %dma_wait3A_84 = tpu.memref_slice %arg3[%add3A_45, %dma_wait3A_83] : memref<2560x128xi32, #tpu.memory_space<hbm>> -> memref<16x128xi32, #tpu.memory_space<hbm>>
        %dma_wait3A_85 = arith.constant 0 : i32
        %dma_wait3A_86 = tpu.memref_slice %arg3[%add3A_45, %dma_wait3A_85] : memref<2560x128xi32, #tpu.memory_space<hbm>> -> memref<16x128xi32, #tpu.memory_space<hbm>>
        tpu.wait_dma2 semaphore(%run_scoped3A_78 : memref<!tpu.dma_semaphore, #tpu.memory_space<semaphore_mem>>) src(%dma_wait3A_86 : memref<16x128xi32, #tpu.memory_space<hbm>>) dst(%arg6 : memref<16x128xi32, #tpu.memory_space<vmem>>)
        tpu.yield
      }) : () -> ()
      "tpu.region"() ({
        %run_scoped3A_78 = tpu.sem_alloc : memref<!tpu.dma_semaphore, #tpu.memory_space<semaphore_mem>>
        %dma_start3A_79 = arith.constant 0 : i32
        %dma_start3A_80 = tpu.memref_slice %arg4[%add3A_45, %dma_start3A_79] : memref<2560x128xi32, #tpu.memory_space<hbm>> -> memref<16x128xi32, #tpu.memory_space<hbm>>
        %dma_start3A_81 = arith.constant 0 : i32
        %dma_start3A_82 = tpu.memref_slice %arg4[%add3A_45, %dma_start3A_81] : memref<2560x128xi32, #tpu.memory_space<hbm>> -> memref<16x128xi32, #tpu.memory_space<hbm>>
        tpu.enqueue_dma source(%dma_start3A_82 : memref<16x128xi32, #tpu.memory_space<hbm>>) target(%arg7 : memref<16x128xi32, #tpu.memory_space<vmem>>) target_semaphore(%run_scoped3A_78 : memref<!tpu.dma_semaphore, #tpu.memory_space<semaphore_mem>>)
        %dma_wait3A_83 = arith.constant 0 : i32
        %dma_wait3A_84 = tpu.memref_slice %arg4[%add3A_45, %dma_wait3A_83] : memref<2560x128xi32, #tpu.memory_space<hbm>> -> memref<16x128xi32, #tpu.memory_space<hbm>>
        %dma_wait3A_85 = arith.constant 0 : i32
        %dma_wait3A_86 = tpu.memref_slice %arg4[%add3A_45, %dma_wait3A_85] : memref<2560x128xi32, #tpu.memory_space<hbm>> -> memref<16x128xi32, #tpu.memory_space<hbm>>
        tpu.wait_dma2 semaphore(%run_scoped3A_78 : memref<!tpu.dma_semaphore, #tpu.memory_space<semaphore_mem>>) src(%dma_wait3A_86 : memref<16x128xi32, #tpu.memory_space<hbm>>) dst(%arg7 : memref<16x128xi32, #tpu.memory_space<vmem>>)
        tpu.yield
      }) : () -> ()
      %dma_start3A = arith.constant 0 : i32
      %dma_start3A_46 = arith.constant 0 : i32
      %dma_start3A_47 = tpu.memref_slice %arg6[%dma_start3A, %dma_start3A_46] : memref<16x128xi32, #tpu.memory_space<vmem>> -> memref<1x128xi32, #tpu.memory_space<vmem>>
      %dma_start3A_48 = tpu.memref_squeeze %dma_start3A_47 : memref<1x128xi32, #tpu.memory_space<vmem>> -> memref<128xi32, #tpu.memory_space<vmem>>
      %dma_start3A_49 = arith.constant 0 : i32
      %dma_start3A_50 = arith.constant 0 : i32
      %dma_start3A_51 = tpu.memref_slice %arg2[%dma_start3A_49, %dma_start3A_50] : memref<10000x128xf32, #tpu.memory_space<hbm>> -> memref<10000x128xf32, #tpu.memory_space<hbm>>
      tpu.enqueue_indirect_dma source(%dma_start3A_51 : memref<10000x128xf32, #tpu.memory_space<hbm>>) target(%arg8 : memref<128x128xf32, #tpu.memory_space<vmem>>) offsets(%dma_start3A_48 : memref<128xi32, #tpu.memory_space<vmem>>) semaphore(%arg11 : memref<!tpu.dma_semaphore, #tpu.memory_space<semaphore_mem>>)
      %scan3A_52 = arith.constant 0 : i32
      %scan3A_53 = arith.constant 7 : i32
      %scan3A_54 = arith.addi %scan3A_52, %scan3A_53 : i32
      %scan3A_55 = arith.constant 1 : i32
      scf.for %scan3A_78 = %scan3A_52 to %scan3A_54 step %scan3A_55  : i32 {
        %mul3A_79 = arith.constant 2 : i32
        %mul3A_80 = arith.muli %scan3A_78, %mul3A_79 : i32
        %add3A_81 = arith.constant 0 : i32
        %add3A_82 = arith.addi %add3A_81, %mul3A_80 : i32
        %add3A_83 = arith.constant 1 : i32
        %add3A_84 = arith.addi %add3A_82, %add3A_83 : i32
        %dma_start3A_85 = arith.constant 0 : i32
        %dma_start3A_86 = tpu.memref_slice %arg6[%add3A_84, %dma_start3A_85] : memref<16x128xi32, #tpu.memory_space<vmem>> -> memref<1x128xi32, #tpu.memory_space<vmem>>
        %dma_start3A_87 = tpu.memref_squeeze %dma_start3A_86 : memref<1x128xi32, #tpu.memory_space<vmem>> -> memref<128xi32, #tpu.memory_space<vmem>>
        %dma_start3A_88 = arith.constant 0 : i32
        %dma_start3A_89 = arith.constant 0 : i32
        %dma_start3A_90 = tpu.memref_slice %arg2[%dma_start3A_88, %dma_start3A_89] : memref<10000x128xf32, #tpu.memory_space<hbm>> -> memref<10000x128xf32, #tpu.memory_space<hbm>>
        tpu.enqueue_indirect_dma source(%dma_start3A_90 : memref<10000x128xf32, #tpu.memory_space<hbm>>) target(%arg9 : memref<128x128xf32, #tpu.memory_space<vmem>>) offsets(%dma_start3A_87 : memref<128xi32, #tpu.memory_space<vmem>>) semaphore(%arg12 : memref<!tpu.dma_semaphore, #tpu.memory_space<semaphore_mem>>)
        %dma_wait3A_91 = arith.constant 0 : i32
        %dma_wait3A_92 = tpu.memref_slice %arg6[%add3A_82, %dma_wait3A_91] : memref<16x128xi32, #tpu.memory_space<vmem>> -> memref<1x128xi32, #tpu.memory_space<vmem>>
        %dma_wait3A_93 = tpu.memref_squeeze %dma_wait3A_92 : memref<1x128xi32, #tpu.memory_space<vmem>> -> memref<128xi32, #tpu.memory_space<vmem>>
        %dma_wait3A_94 = arith.constant 0 : i32
        %dma_wait3A_95 = arith.constant 0 : i32
        %dma_wait3A_96 = tpu.memref_slice %arg2[%dma_wait3A_94, %dma_wait3A_95] : memref<10000x128xf32, #tpu.memory_space<hbm>> -> memref<10000x128xf32, #tpu.memory_space<hbm>>
        tpu.wait_indirect_dma semaphore(%arg11 : memref<!tpu.dma_semaphore, #tpu.memory_space<semaphore_mem>>) src(%dma_wait3A_96 : memref<10000x128xf32, #tpu.memory_space<hbm>>) dst(%arg8 : memref<128x128xf32, #tpu.memory_space<vmem>>)
        "tpu.region"() ({
          %run_scoped3A_115 = tpu.sem_alloc : memref<!tpu.dma_semaphore, #tpu.memory_space<semaphore_mem>>
          %dma_start3A_116 = arith.constant 0 : i32
          %dma_start3A_117 = tpu.memref_slice %arg7[%add3A_82, %dma_start3A_116] : memref<16x128xi32, #tpu.memory_space<vmem>> -> memref<1x128xi32, #tpu.memory_space<vmem>>
          %dma_start3A_118 = tpu.memref_squeeze %dma_start3A_117 : memref<1x128xi32, #tpu.memory_space<vmem>> -> memref<128xi32, #tpu.memory_space<vmem>>
          %dma_start3A_119 = arith.constant 0 : i32
          %dma_start3A_120 = arith.constant 0 : i32
          %dma_start3A_121 = tpu.memref_slice %arg10[%dma_start3A_119, %dma_start3A_120] : memref<10240x128xf32, #tpu.memory_space<vmem_shared>> -> memref<10240x128xf32, #tpu.memory_space<vmem_shared>>
          tpu.enqueue_indirect_dma source(%arg8 : memref<128x128xf32, #tpu.memory_space<vmem>>) target(%dma_start3A_121 : memref<10240x128xf32, #tpu.memory_space<vmem_shared>>) offsets(%dma_start3A_118 : memref<128xi32, #tpu.memory_space<vmem>>) semaphore(%run_scoped3A_115 : memref<!tpu.dma_semaphore, #tpu.memory_space<semaphore_mem>>) {add = true}
          %dma_wait3A_122 = arith.constant 0 : i32
          %dma_wait3A_123 = tpu.memref_slice %arg7[%add3A_82, %dma_wait3A_122] : memref<16x128xi32, #tpu.memory_space<vmem>> -> memref<1x128xi32, #tpu.memory_space<vmem>>
          %dma_wait3A_124 = tpu.memref_squeeze %dma_wait3A_123 : memref<1x128xi32, #tpu.memory_space<vmem>> -> memref<128xi32, #tpu.memory_space<vmem>>
          %dma_wait3A_125 = arith.constant 0 : i32
          %dma_wait3A_126 = arith.constant 0 : i32
          %dma_wait3A_127 = tpu.memref_slice %arg10[%dma_wait3A_125, %dma_wait3A_126] : memref<10240x128xf32, #tpu.memory_space<vmem_shared>> -> memref<10240x128xf32, #tpu.memory_space<vmem_shared>>
          tpu.wait_indirect_dma semaphore(%run_scoped3A_115 : memref<!tpu.dma_semaphore, #tpu.memory_space<semaphore_mem>>) src(%arg8 : memref<128x128xf32, #tpu.memory_space<vmem>>) dst(%dma_wait3A_127 : memref<10240x128xf32, #tpu.memory_space<vmem_shared>>)
          tpu.yield
        }) : () -> ()
        %add3A_97 = arith.constant 2 : i32
        %add3A_98 = arith.addi %add3A_82, %add3A_97 : i32
        %dma_start3A_99 = arith.constant 0 : i32
        %dma_start3A_100 = tpu.memref_slice %arg6[%add3A_98, %dma_start3A_99] : memref<16x128xi32, #tpu.memory_space<vmem>> -> memref<1x128xi32, #tpu.memory_space<vmem>>
        %dma_start3A_101 = tpu.memref_squeeze %dma_start3A_100 : memref<1x128xi32, #tpu.memory_space<vmem>> -> memref<128xi32, #tpu.memory_space<vmem>>
        %dma_start3A_102 = arith.constant 0 : i32
        %dma_start3A_103 = arith.constant 0 : i32
        %dma_start3A_104 = tpu.memref_slice %arg2[%dma_start3A_102, %dma_start3A_103] : memref<10000x128xf32, #tpu.memory_space<hbm>> -> memref<10000x128xf32, #tpu.memory_space<hbm>>
        tpu.enqueue_indirect_dma source(%dma_start3A_104 : memref<10000x128xf32, #tpu.memory_space<hbm>>) target(%arg8 : memref<128x128xf32, #tpu.memory_space<vmem>>) offsets(%dma_start3A_101 : memref<128xi32, #tpu.memory_space<vmem>>) semaphore(%arg11 : memref<!tpu.dma_semaphore, #tpu.memory_space<semaphore_mem>>)
        %add3A_105 = arith.constant 1 : i32
        %add3A_106 = arith.addi %add3A_82, %add3A_105 : i32
        %dma_wait3A_107 = arith.constant 0 : i32
        %dma_wait3A_108 = tpu.memref_slice %arg6[%add3A_106, %dma_wait3A_107] : memref<16x128xi32, #tpu.memory_space<vmem>> -> memref<1x128xi32, #tpu.memory_space<vmem>>
        %dma_wait3A_109 = tpu.memref_squeeze %dma_wait3A_108 : memref<1x128xi32, #tpu.memory_space<vmem>> -> memref<128xi32, #tpu.memory_space<vmem>>
        %dma_wait3A_110 = arith.constant 0 : i32
        %dma_wait3A_111 = arith.constant 0 : i32
        %dma_wait3A_112 = tpu.memref_slice %arg2[%dma_wait3A_110, %dma_wait3A_111] : memref<10000x128xf32, #tpu.memory_space<hbm>> -> memref<10000x128xf32, #tpu.memory_space<hbm>>
        tpu.wait_indirect_dma semaphore(%arg12 : memref<!tpu.dma_semaphore, #tpu.memory_space<semaphore_mem>>) src(%dma_wait3A_112 : memref<10000x128xf32, #tpu.memory_space<hbm>>) dst(%arg9 : memref<128x128xf32, #tpu.memory_space<vmem>>)
        %add3A_113 = arith.constant 1 : i32
        %add3A_114 = arith.addi %add3A_82, %add3A_113 : i32
        "tpu.region"() ({
          %run_scoped3A_115 = tpu.sem_alloc : memref<!tpu.dma_semaphore, #tpu.memory_space<semaphore_mem>>
          %dma_start3A_116 = arith.constant 0 : i32
          %dma_start3A_117 = tpu.memref_slice %arg7[%add3A_114, %dma_start3A_116] : memref<16x128xi32, #tpu.memory_space<vmem>> -> memref<1x128xi32, #tpu.memory_space<vmem>>
          %dma_start3A_118 = tpu.memref_squeeze %dma_start3A_117 : memref<1x128xi32, #tpu.memory_space<vmem>> -> memref<128xi32, #tpu.memory_space<vmem>>
          %dma_start3A_119 = arith.constant 0 : i32
          %dma_start3A_120 = arith.constant 0 : i32
          %dma_start3A_121 = tpu.memref_slice %arg10[%dma_start3A_119, %dma_start3A_120] : memref<10240x128xf32, #tpu.memory_space<vmem_shared>> -> memref<10240x128xf32, #tpu.memory_space<vmem_shared>>
          tpu.enqueue_indirect_dma source(%arg9 : memref<128x128xf32, #tpu.memory_space<vmem>>) target(%dma_start3A_121 : memref<10240x128xf32, #tpu.memory_space<vmem_shared>>) offsets(%dma_start3A_118 : memref<128xi32, #tpu.memory_space<vmem>>) semaphore(%run_scoped3A_115 : memref<!tpu.dma_semaphore, #tpu.memory_space<semaphore_mem>>) {add = true}
          %dma_wait3A_122 = arith.constant 0 : i32
          %dma_wait3A_123 = tpu.memref_slice %arg7[%add3A_114, %dma_wait3A_122] : memref<16x128xi32, #tpu.memory_space<vmem>> -> memref<1x128xi32, #tpu.memory_space<vmem>>
          %dma_wait3A_124 = tpu.memref_squeeze %dma_wait3A_123 : memref<1x128xi32, #tpu.memory_space<vmem>> -> memref<128xi32, #tpu.memory_space<vmem>>
          %dma_wait3A_125 = arith.constant 0 : i32
          %dma_wait3A_126 = arith.constant 0 : i32
          %dma_wait3A_127 = tpu.memref_slice %arg10[%dma_wait3A_125, %dma_wait3A_126] : memref<10240x128xf32, #tpu.memory_space<vmem_shared>> -> memref<10240x128xf32, #tpu.memory_space<vmem_shared>>
          tpu.wait_indirect_dma semaphore(%run_scoped3A_115 : memref<!tpu.dma_semaphore, #tpu.memory_space<semaphore_mem>>) src(%arg9 : memref<128x128xf32, #tpu.memory_space<vmem>>) dst(%dma_wait3A_127 : memref<10240x128xf32, #tpu.memory_space<vmem_shared>>)
          tpu.yield
        }) : () -> ()
      }
      %scan3A_56 = arith.constant 7 : i32
      %dma_start3A_57 = arith.constant 15 : i32
      %dma_start3A_58 = arith.constant 0 : i32
      %dma_start3A_59 = tpu.memref_slice %arg6[%dma_start3A_57, %dma_start3A_58] : memref<16x128xi32, #tpu.memory_space<vmem>> -> memref<1x128xi32, #tpu.memory_space<vmem>>
      %dma_start3A_60 = tpu.memref_squeeze %dma_start3A_59 : memref<1x128xi32, #tpu.memory_space<vmem>> -> memref<128xi32, #tpu.memory_space<vmem>>
      %dma_start3A_61 = arith.constant 0 : i32
      %dma_start3A_62 = arith.constant 0 : i32
      %dma_start3A_63 = tpu.memref_slice %arg2[%dma_start3A_61, %dma_start3A_62] : memref<10000x128xf32, #tpu.memory_space<hbm>> -> memref<10000x128xf32, #tpu.memory_space<hbm>>
      tpu.enqueue_indirect_dma source(%dma_start3A_63 : memref<10000x128xf32, #tpu.memory_space<hbm>>) target(%arg9 : memref<128x128xf32, #tpu.memory_space<vmem>>) offsets(%dma_start3A_60 : memref<128xi32, #tpu.memory_space<vmem>>) semaphore(%arg12 : memref<!tpu.dma_semaphore, #tpu.memory_space<semaphore_mem>>)
      %dma_wait3A = arith.constant 14 : i32
      %dma_wait3A_64 = arith.constant 0 : i32
      %dma_wait3A_65 = tpu.memref_slice %arg6[%dma_wait3A, %dma_wait3A_64] : memref<16x128xi32, #tpu.memory_space<vmem>> -> memref<1x128xi32, #tpu.memory_space<vmem>>
      %dma_wait3A_66 = tpu.memref_squeeze %dma_wait3A_65 : memref<1x128xi32, #tpu.memory_space<vmem>> -> memref<128xi32, #tpu.memory_space<vmem>>
      %dma_wait3A_67 = arith.constant 0 : i32
      %dma_wait3A_68 = arith.constant 0 : i32
      %dma_wait3A_69 = tpu.memref_slice %arg2[%dma_wait3A_67, %dma_wait3A_68] : memref<10000x128xf32, #tpu.memory_space<hbm>> -> memref<10000x128xf32, #tpu.memory_space<hbm>>
      tpu.wait_indirect_dma semaphore(%arg11 : memref<!tpu.dma_semaphore, #tpu.memory_space<semaphore_mem>>) src(%dma_wait3A_69 : memref<10000x128xf32, #tpu.memory_space<hbm>>) dst(%arg8 : memref<128x128xf32, #tpu.memory_space<vmem>>)
      %run_scoped3A = arith.constant 14 : i32
      "tpu.region"() ({
        %run_scoped3A_78 = tpu.sem_alloc : memref<!tpu.dma_semaphore, #tpu.memory_space<semaphore_mem>>
        %dma_start3A_79 = arith.constant 0 : i32
        %dma_start3A_80 = tpu.memref_slice %arg7[%run_scoped3A, %dma_start3A_79] : memref<16x128xi32, #tpu.memory_space<vmem>> -> memref<1x128xi32, #tpu.memory_space<vmem>>
        %dma_start3A_81 = tpu.memref_squeeze %dma_start3A_80 : memref<1x128xi32, #tpu.memory_space<vmem>> -> memref<128xi32, #tpu.memory_space<vmem>>
        %dma_start3A_82 = arith.constant 0 : i32
        %dma_start3A_83 = arith.constant 0 : i32
        %dma_start3A_84 = tpu.memref_slice %arg10[%dma_start3A_82, %dma_start3A_83] : memref<10240x128xf32, #tpu.memory_space<vmem_shared>> -> memref<10240x128xf32, #tpu.memory_space<vmem_shared>>
        tpu.enqueue_indirect_dma source(%arg8 : memref<128x128xf32, #tpu.memory_space<vmem>>) target(%dma_start3A_84 : memref<10240x128xf32, #tpu.memory_space<vmem_shared>>) offsets(%dma_start3A_81 : memref<128xi32, #tpu.memory_space<vmem>>) semaphore(%run_scoped3A_78 : memref<!tpu.dma_semaphore, #tpu.memory_space<semaphore_mem>>) {add = true}
        %dma_wait3A_85 = arith.constant 0 : i32
        %dma_wait3A_86 = tpu.memref_slice %arg7[%run_scoped3A, %dma_wait3A_85] : memref<16x128xi32, #tpu.memory_space<vmem>> -> memref<1x128xi32, #tpu.memory_space<vmem>>
        %dma_wait3A_87 = tpu.memref_squeeze %dma_wait3A_86 : memref<1x128xi32, #tpu.memory_space<vmem>> -> memref<128xi32, #tpu.memory_space<vmem>>
        %dma_wait3A_88 = arith.constant 0 : i32
        %dma_wait3A_89 = arith.constant 0 : i32
        %dma_wait3A_90 = tpu.memref_slice %arg10[%dma_wait3A_88, %dma_wait3A_89] : memref<10240x128xf32, #tpu.memory_space<vmem_shared>> -> memref<10240x128xf32, #tpu.memory_space<vmem_shared>>
        tpu.wait_indirect_dma semaphore(%run_scoped3A_78 : memref<!tpu.dma_semaphore, #tpu.memory_space<semaphore_mem>>) src(%arg8 : memref<128x128xf32, #tpu.memory_space<vmem>>) dst(%dma_wait3A_90 : memref<10240x128xf32, #tpu.memory_space<vmem_shared>>)
        tpu.yield
      }) : () -> ()
      %dma_wait3A_70 = arith.constant 15 : i32
      %dma_wait3A_71 = arith.constant 0 : i32
      %dma_wait3A_72 = tpu.memref_slice %arg6[%dma_wait3A_70, %dma_wait3A_71] : memref<16x128xi32, #tpu.memory_space<vmem>> -> memref<1x128xi32, #tpu.memory_space<vmem>>
      %dma_wait3A_73 = tpu.memref_squeeze %dma_wait3A_72 : memref<1x128xi32, #tpu.memory_space<vmem>> -> memref<128xi32, #tpu.memory_space<vmem>>
      %dma_wait3A_74 = arith.constant 0 : i32
      %dma_wait3A_75 = arith.constant 0 : i32
      %dma_wait3A_76 = tpu.memref_slice %arg2[%dma_wait3A_74, %dma_wait3A_75] : memref<10000x128xf32, #tpu.memory_space<hbm>> -> memref<10000x128xf32, #tpu.memory_space<hbm>>
      tpu.wait_indirect_dma semaphore(%arg12 : memref<!tpu.dma_semaphore, #tpu.memory_space<semaphore_mem>>) src(%dma_wait3A_76 : memref<10000x128xf32, #tpu.memory_space<hbm>>) dst(%arg9 : memref<128x128xf32, #tpu.memory_space<vmem>>)
      %run_scoped3A_77 = arith.constant 15 : i32
      "tpu.region"() ({
        %run_scoped3A_78 = tpu.sem_alloc : memref<!tpu.dma_semaphore, #tpu.memory_space<semaphore_mem>>
        %dma_start3A_79 = arith.constant 0 : i32
        %dma_start3A_80 = tpu.memref_slice %arg7[%run_scoped3A_77, %dma_start3A_79] : memref<16x128xi32, #tpu.memory_space<vmem>> -> memref<1x128xi32, #tpu.memory_space<vmem>>
        %dma_start3A_81 = tpu.memref_squeeze %dma_start3A_80 : memref<1x128xi32, #tpu.memory_space<vmem>> -> memref<128xi32, #tpu.memory_space<vmem>>
        %dma_start3A_82 = arith.constant 0 : i32
        %dma_start3A_83 = arith.constant 0 : i32
        %dma_start3A_84 = tpu.memref_slice %arg10[%dma_start3A_82, %dma_start3A_83] : memref<10240x128xf32, #tpu.memory_space<vmem_shared>> -> memref<10240x128xf32, #tpu.memory_space<vmem_shared>>
        tpu.enqueue_indirect_dma source(%arg9 : memref<128x128xf32, #tpu.memory_space<vmem>>) target(%dma_start3A_84 : memref<10240x128xf32, #tpu.memory_space<vmem_shared>>) offsets(%dma_start3A_81 : memref<128xi32, #tpu.memory_space<vmem>>) semaphore(%run_scoped3A_78 : memref<!tpu.dma_semaphore, #tpu.memory_space<semaphore_mem>>) {add = true}
        %dma_wait3A_85 = arith.constant 0 : i32
        %dma_wait3A_86 = tpu.memref_slice %arg7[%run_scoped3A_77, %dma_wait3A_85] : memref<16x128xi32, #tpu.memory_space<vmem>> -> memref<1x128xi32, #tpu.memory_space<vmem>>
        %dma_wait3A_87 = tpu.memref_squeeze %dma_wait3A_86 : memref<1x128xi32, #tpu.memory_space<vmem>> -> memref<128xi32, #tpu.memory_space<vmem>>
        %dma_wait3A_88 = arith.constant 0 : i32
        %dma_wait3A_89 = arith.constant 0 : i32
        %dma_wait3A_90 = tpu.memref_slice %arg10[%dma_wait3A_88, %dma_wait3A_89] : memref<10240x128xf32, #tpu.memory_space<vmem_shared>> -> memref<10240x128xf32, #tpu.memory_space<vmem_shared>>
        tpu.wait_indirect_dma semaphore(%run_scoped3A_78 : memref<!tpu.dma_semaphore, #tpu.memory_space<semaphore_mem>>) src(%arg9 : memref<128x128xf32, #tpu.memory_space<vmem>>) dst(%dma_wait3A_90 : memref<10240x128xf32, #tpu.memory_space<vmem_shared>>)
        tpu.yield
      }) : () -> ()
    }
    %while3A_34 = arith.constant 1 : i32
    scf.for %while3A_40 = %while3A_32 to %while3A_28 step %while3A_34  : i32 {
      %mul3A_41 = arith.muli %while3A_40, %while3A : i32
      %add3A_42 = arith.addi %while3A_25, %mul3A_41 : i32
      %mul3A_43 = arith.constant 16 : i32
      %mul3A_44 = arith.muli %add3A_42, %mul3A_43 : i32
      %add3A_45 = arith.addi %select_n3A_18, %mul3A_44 : i32
      "tpu.region"() ({
        %run_scoped3A_78 = tpu.sem_alloc : memref<!tpu.dma_semaphore, #tpu.memory_space<semaphore_mem>>
        %dma_start3A_79 = arith.constant 0 : i32
        %dma_start3A_80 = tpu.memref_slice %arg3[%add3A_45, %dma_start3A_79] : memref<2560x128xi32, #tpu.memory_space<hbm>> -> memref<16x128xi32, #tpu.memory_space<hbm>>
        %dma_start3A_81 = arith.constant 0 : i32
        %dma_start3A_82 = tpu.memref_slice %arg3[%add3A_45, %dma_start3A_81] : memref<2560x128xi32, #tpu.memory_space<hbm>> -> memref<16x128xi32, #tpu.memory_space<hbm>>
        tpu.enqueue_dma source(%dma_start3A_82 : memref<16x128xi32, #tpu.memory_space<hbm>>) target(%arg6 : memref<16x128xi32, #tpu.memory_space<vmem>>) target_semaphore(%run_scoped3A_78 : memref<!tpu.dma_semaphore, #tpu.memory_space<semaphore_mem>>)
        %dma_wait3A_83 = arith.constant 0 : i32
        %dma_wait3A_84 = tpu.memref_slice %arg3[%add3A_45, %dma_wait3A_83] : memref<2560x128xi32, #tpu.memory_space<hbm>> -> memref<16x128xi32, #tpu.memory_space<hbm>>
        %dma_wait3A_85 = arith.constant 0 : i32
        %dma_wait3A_86 = tpu.memref_slice %arg3[%add3A_45, %dma_wait3A_85] : memref<2560x128xi32, #tpu.memory_space<hbm>> -> memref<16x128xi32, #tpu.memory_space<hbm>>
        tpu.wait_dma2 semaphore(%run_scoped3A_78 : memref<!tpu.dma_semaphore, #tpu.memory_space<semaphore_mem>>) src(%dma_wait3A_86 : memref<16x128xi32, #tpu.memory_space<hbm>>) dst(%arg6 : memref<16x128xi32, #tpu.memory_space<vmem>>)
        tpu.yield
      }) : () -> ()
      "tpu.region"() ({
        %run_scoped3A_78 = tpu.sem_alloc : memref<!tpu.dma_semaphore, #tpu.memory_space<semaphore_mem>>
        %dma_start3A_79 = arith.constant 0 : i32
        %dma_start3A_80 = tpu.memref_slice %arg4[%add3A_45, %dma_start3A_79] : memref<2560x128xi32, #tpu.memory_space<hbm>> -> memref<16x128xi32, #tpu.memory_space<hbm>>
        %dma_start3A_81 = arith.constant 0 : i32
        %dma_start3A_82 = tpu.memref_slice %arg4[%add3A_45, %dma_start3A_81] : memref<2560x128xi32, #tpu.memory_space<hbm>> -> memref<16x128xi32, #tpu.memory_space<hbm>>
        tpu.enqueue_dma source(%dma_start3A_82 : memref<16x128xi32, #tpu.memory_space<hbm>>) target(%arg7 : memref<16x128xi32, #tpu.memory_space<vmem>>) target_semaphore(%run_scoped3A_78 : memref<!tpu.dma_semaphore, #tpu.memory_space<semaphore_mem>>)
        %dma_wait3A_83 = arith.constant 0 : i32
        %dma_wait3A_84 = tpu.memref_slice %arg4[%add3A_45, %dma_wait3A_83] : memref<2560x128xi32, #tpu.memory_space<hbm>> -> memref<16x128xi32, #tpu.memory_space<hbm>>
        %dma_wait3A_85 = arith.constant 0 : i32
        %dma_wait3A_86 = tpu.memref_slice %arg4[%add3A_45, %dma_wait3A_85] : memref<2560x128xi32, #tpu.memory_space<hbm>> -> memref<16x128xi32, #tpu.memory_space<hbm>>
        tpu.wait_dma2 semaphore(%run_scoped3A_78 : memref<!tpu.dma_semaphore, #tpu.memory_space<semaphore_mem>>) src(%dma_wait3A_86 : memref<16x128xi32, #tpu.memory_space<hbm>>) dst(%arg7 : memref<16x128xi32, #tpu.memory_space<vmem>>)
        tpu.yield
      }) : () -> ()
      %dma_start3A = arith.constant 0 : i32
      %dma_start3A_46 = arith.constant 0 : i32
      %dma_start3A_47 = tpu.memref_slice %arg6[%dma_start3A, %dma_start3A_46] : memref<16x128xi32, #tpu.memory_space<vmem>> -> memref<1x128xi32, #tpu.memory_space<vmem>>
      %dma_start3A_48 = tpu.memref_squeeze %dma_start3A_47 : memref<1x128xi32, #tpu.memory_space<vmem>> -> memref<128xi32, #tpu.memory_space<vmem>>
      %dma_start3A_49 = arith.constant 0 : i32
      %dma_start3A_50 = arith.constant 0 : i32
      %dma_start3A_51 = tpu.memref_slice %arg2[%dma_start3A_49, %dma_start3A_50] : memref<10000x128xf32, #tpu.memory_space<hbm>> -> memref<10000x128xf32, #tpu.memory_space<hbm>>
      tpu.enqueue_indirect_dma source(%dma_start3A_51 : memref<10000x128xf32, #tpu.memory_space<hbm>>) target(%arg8 : memref<128x128xf32, #tpu.memory_space<vmem>>) offsets(%dma_start3A_48 : memref<128xi32, #tpu.memory_space<vmem>>) semaphore(%arg11 : memref<!tpu.dma_semaphore, #tpu.memory_space<semaphore_mem>>)
      %scan3A_52 = arith.constant 0 : i32
      %scan3A_53 = arith.constant 7 : i32
      %scan3A_54 = arith.addi %scan3A_52, %scan3A_53 : i32
      %scan3A_55 = arith.constant 1 : i32
      scf.for %scan3A_78 = %scan3A_52 to %scan3A_54 step %scan3A_55  : i32 {
        %mul3A_79 = arith.constant 2 : i32
        %mul3A_80 = arith.muli %scan3A_78, %mul3A_79 : i32
        %add3A_81 = arith.constant 0 : i32
        %add3A_82 = arith.addi %add3A_81, %mul3A_80 : i32
        %add3A_83 = arith.constant 1 : i32
        %add3A_84 = arith.addi %add3A_82, %add3A_83 : i32
        %dma_start3A_85 = arith.constant 0 : i32
        %dma_start3A_86 = tpu.memref_slice %arg6[%add3A_84, %dma_start3A_85] : memref<16x128xi32, #tpu.memory_space<vmem>> -> memref<1x128xi32, #tpu.memory_space<vmem>>
        %dma_start3A_87 = tpu.memref_squeeze %dma_start3A_86 : memref<1x128xi32, #tpu.memory_space<vmem>> -> memref<128xi32, #tpu.memory_space<vmem>>
        %dma_start3A_88 = arith.constant 0 : i32
        %dma_start3A_89 = arith.constant 0 : i32
        %dma_start3A_90 = tpu.memref_slice %arg2[%dma_start3A_88, %dma_start3A_89] : memref<10000x128xf32, #tpu.memory_space<hbm>> -> memref<10000x128xf32, #tpu.memory_space<hbm>>
        tpu.enqueue_indirect_dma source(%dma_start3A_90 : memref<10000x128xf32, #tpu.memory_space<hbm>>) target(%arg9 : memref<128x128xf32, #tpu.memory_space<vmem>>) offsets(%dma_start3A_87 : memref<128xi32, #tpu.memory_space<vmem>>) semaphore(%arg12 : memref<!tpu.dma_semaphore, #tpu.memory_space<semaphore_mem>>)
        %dma_wait3A_91 = arith.constant 0 : i32
        %dma_wait3A_92 = tpu.memref_slice %arg6[%add3A_82, %dma_wait3A_91] : memref<16x128xi32, #tpu.memory_space<vmem>> -> memref<1x128xi32, #tpu.memory_space<vmem>>
        %dma_wait3A_93 = tpu.memref_squeeze %dma_wait3A_92 : memref<1x128xi32, #tpu.memory_space<vmem>> -> memref<128xi32, #tpu.memory_space<vmem>>
        %dma_wait3A_94 = arith.constant 0 : i32
        %dma_wait3A_95 = arith.constant 0 : i32
        %dma_wait3A_96 = tpu.memref_slice %arg2[%dma_wait3A_94, %dma_wait3A_95] : memref<10000x128xf32, #tpu.memory_space<hbm>> -> memref<10000x128xf32, #tpu.memory_space<hbm>>
        tpu.wait_indirect_dma semaphore(%arg11 : memref<!tpu.dma_semaphore, #tpu.memory_space<semaphore_mem>>) src(%dma_wait3A_96 : memref<10000x128xf32, #tpu.memory_space<hbm>>) dst(%arg8 : memref<128x128xf32, #tpu.memory_space<vmem>>)
        "tpu.region"() ({
          %run_scoped3A_115 = tpu.sem_alloc : memref<!tpu.dma_semaphore, #tpu.memory_space<semaphore_mem>>
          %dma_start3A_116 = arith.constant 0 : i32
          %dma_start3A_117 = tpu.memref_slice %arg7[%add3A_82, %dma_start3A_116] : memref<16x128xi32, #tpu.memory_space<vmem>> -> memref<1x128xi32, #tpu.memory_space<vmem>>
          %dma_start3A_118 = tpu.memref_squeeze %dma_start3A_117 : memref<1x128xi32, #tpu.memory_space<vmem>> -> memref<128xi32, #tpu.memory_space<vmem>>
          %dma_start3A_119 = arith.constant 0 : i32
          %dma_start3A_120 = arith.constant 0 : i32
          %dma_start3A_121 = tpu.memref_slice %arg10[%dma_start3A_119, %dma_start3A_120] : memref<10240x128xf32, #tpu.memory_space<vmem_shared>> -> memref<10240x128xf32, #tpu.memory_space<vmem_shared>>
          tpu.enqueue_indirect_dma source(%arg8 : memref<128x128xf32, #tpu.memory_space<vmem>>) target(%dma_start3A_121 : memref<10240x128xf32, #tpu.memory_space<vmem_shared>>) offsets(%dma_start3A_118 : memref<128xi32, #tpu.memory_space<vmem>>) semaphore(%run_scoped3A_115 : memref<!tpu.dma_semaphore, #tpu.memory_space<semaphore_mem>>) {add = true}
          %dma_wait3A_122 = arith.constant 0 : i32
          %dma_wait3A_123 = tpu.memref_slice %arg7[%add3A_82, %dma_wait3A_122] : memref<16x128xi32, #tpu.memory_space<vmem>> -> memref<1x128xi32, #tpu.memory_space<vmem>>
          %dma_wait3A_124 = tpu.memref_squeeze %dma_wait3A_123 : memref<1x128xi32, #tpu.memory_space<vmem>> -> memref<128xi32, #tpu.memory_space<vmem>>
          %dma_wait3A_125 = arith.constant 0 : i32
          %dma_wait3A_126 = arith.constant 0 : i32
          %dma_wait3A_127 = tpu.memref_slice %arg10[%dma_wait3A_125, %dma_wait3A_126] : memref<10240x128xf32, #tpu.memory_space<vmem_shared>> -> memref<10240x128xf32, #tpu.memory_space<vmem_shared>>
          tpu.wait_indirect_dma semaphore(%run_scoped3A_115 : memref<!tpu.dma_semaphore, #tpu.memory_space<semaphore_mem>>) src(%arg8 : memref<128x128xf32, #tpu.memory_space<vmem>>) dst(%dma_wait3A_127 : memref<10240x128xf32, #tpu.memory_space<vmem_shared>>)
          tpu.yield
        }) : () -> ()
        %add3A_97 = arith.constant 2 : i32
        %add3A_98 = arith.addi %add3A_82, %add3A_97 : i32
        %dma_start3A_99 = arith.constant 0 : i32
        %dma_start3A_100 = tpu.memref_slice %arg6[%add3A_98, %dma_start3A_99] : memref<16x128xi32, #tpu.memory_space<vmem>> -> memref<1x128xi32, #tpu.memory_space<vmem>>
        %dma_start3A_101 = tpu.memref_squeeze %dma_start3A_100 : memref<1x128xi32, #tpu.memory_space<vmem>> -> memref<128xi32, #tpu.memory_space<vmem>>
        %dma_start3A_102 = arith.constant 0 : i32
        %dma_start3A_103 = arith.constant 0 : i32
        %dma_start3A_104 = tpu.memref_slice %arg2[%dma_start3A_102, %dma_start3A_103] : memref<10000x128xf32, #tpu.memory_space<hbm>> -> memref<10000x128xf32, #tpu.memory_space<hbm>>
        tpu.enqueue_indirect_dma source(%dma_start3A_104 : memref<10000x128xf32, #tpu.memory_space<hbm>>) target(%arg8 : memref<128x128xf32, #tpu.memory_space<vmem>>) offsets(%dma_start3A_101 : memref<128xi32, #tpu.memory_space<vmem>>) semaphore(%arg11 : memref<!tpu.dma_semaphore, #tpu.memory_space<semaphore_mem>>)
        %add3A_105 = arith.constant 1 : i32
        %add3A_106 = arith.addi %add3A_82, %add3A_105 : i32
        %dma_wait3A_107 = arith.constant 0 : i32
        %dma_wait3A_108 = tpu.memref_slice %arg6[%add3A_106, %dma_wait3A_107] : memref<16x128xi32, #tpu.memory_space<vmem>> -> memref<1x128xi32, #tpu.memory_space<vmem>>
        %dma_wait3A_109 = tpu.memref_squeeze %dma_wait3A_108 : memref<1x128xi32, #tpu.memory_space<vmem>> -> memref<128xi32, #tpu.memory_space<vmem>>
        %dma_wait3A_110 = arith.constant 0 : i32
        %dma_wait3A_111 = arith.constant 0 : i32
        %dma_wait3A_112 = tpu.memref_slice %arg2[%dma_wait3A_110, %dma_wait3A_111] : memref<10000x128xf32, #tpu.memory_space<hbm>> -> memref<10000x128xf32, #tpu.memory_space<hbm>>
        tpu.wait_indirect_dma semaphore(%arg12 : memref<!tpu.dma_semaphore, #tpu.memory_space<semaphore_mem>>) src(%dma_wait3A_112 : memref<10000x128xf32, #tpu.memory_space<hbm>>) dst(%arg9 : memref<128x128xf32, #tpu.memory_space<vmem>>)
        %add3A_113 = arith.constant 1 : i32
        %add3A_114 = arith.addi %add3A_82, %add3A_113 : i32
        "tpu.region"() ({
          %run_scoped3A_115 = tpu.sem_alloc : memref<!tpu.dma_semaphore, #tpu.memory_space<semaphore_mem>>
          %dma_start3A_116 = arith.constant 0 : i32
          %dma_start3A_117 = tpu.memref_slice %arg7[%add3A_114, %dma_start3A_116] : memref<16x128xi32, #tpu.memory_space<vmem>> -> memref<1x128xi32, #tpu.memory_space<vmem>>
          %dma_start3A_118 = tpu.memref_squeeze %dma_start3A_117 : memref<1x128xi32, #tpu.memory_space<vmem>> -> memref<128xi32, #tpu.memory_space<vmem>>
          %dma_start3A_119 = arith.constant 0 : i32
          %dma_start3A_120 = arith.constant 0 : i32
          %dma_start3A_121 = tpu.memref_slice %arg10[%dma_start3A_119, %dma_start3A_120] : memref<10240x128xf32, #tpu.memory_space<vmem_shared>> -> memref<10240x128xf32, #tpu.memory_space<vmem_shared>>
          tpu.enqueue_indirect_dma source(%arg9 : memref<128x128xf32, #tpu.memory_space<vmem>>) target(%dma_start3A_121 : memref<10240x128xf32, #tpu.memory_space<vmem_shared>>) offsets(%dma_start3A_118 : memref<128xi32, #tpu.memory_space<vmem>>) semaphore(%run_scoped3A_115 : memref<!tpu.dma_semaphore, #tpu.memory_space<semaphore_mem>>) {add = true}
          %dma_wait3A_122 = arith.constant 0 : i32
          %dma_wait3A_123 = tpu.memref_slice %arg7[%add3A_114, %dma_wait3A_122] : memref<16x128xi32, #tpu.memory_space<vmem>> -> memref<1x128xi32, #tpu.memory_space<vmem>>
          %dma_wait3A_124 = tpu.memref_squeeze %dma_wait3A_123 : memref<1x128xi32, #tpu.memory_space<vmem>> -> memref<128xi32, #tpu.memory_space<vmem>>
          %dma_wait3A_125 = arith.constant 0 : i32
          %dma_wait3A_126 = arith.constant 0 : i32
          %dma_wait3A_127 = tpu.memref_slice %arg10[%dma_wait3A_125, %dma_wait3A_126] : memref<10240x128xf32, #tpu.memory_space<vmem_shared>> -> memref<10240x128xf32, #tpu.memory_space<vmem_shared>>
          tpu.wait_indirect_dma semaphore(%run_scoped3A_115 : memref<!tpu.dma_semaphore, #tpu.memory_space<semaphore_mem>>) src(%arg9 : memref<128x128xf32, #tpu.memory_space<vmem>>) dst(%dma_wait3A_127 : memref<10240x128xf32, #tpu.memory_space<vmem_shared>>)
          tpu.yield
        }) : () -> ()
      }
      %scan3A_56 = arith.constant 7 : i32
      %dma_start3A_57 = arith.constant 15 : i32
      %dma_start3A_58 = arith.constant 0 : i32
      %dma_start3A_59 = tpu.memref_slice %arg6[%dma_start3A_57, %dma_start3A_58] : memref<16x128xi32, #tpu.memory_space<vmem>> -> memref<1x128xi32, #tpu.memory_space<vmem>>
      %dma_start3A_60 = tpu.memref_squeeze %dma_start3A_59 : memref<1x128xi32, #tpu.memory_space<vmem>> -> memref<128xi32, #tpu.memory_space<vmem>>
      %dma_start3A_61 = arith.constant 0 : i32
      %dma_start3A_62 = arith.constant 0 : i32
      %dma_start3A_63 = tpu.memref_slice %arg2[%dma_start3A_61, %dma_start3A_62] : memref<10000x128xf32, #tpu.memory_space<hbm>> -> memref<10000x128xf32, #tpu.memory_space<hbm>>
      tpu.enqueue_indirect_dma source(%dma_start3A_63 : memref<10000x128xf32, #tpu.memory_space<hbm>>) target(%arg9 : memref<128x128xf32, #tpu.memory_space<vmem>>) offsets(%dma_start3A_60 : memref<128xi32, #tpu.memory_space<vmem>>) semaphore(%arg12 : memref<!tpu.dma_semaphore, #tpu.memory_space<semaphore_mem>>)
      %dma_wait3A = arith.constant 14 : i32
      %dma_wait3A_64 = arith.constant 0 : i32
      %dma_wait3A_65 = tpu.memref_slice %arg6[%dma_wait3A, %dma_wait3A_64] : memref<16x128xi32, #tpu.memory_space<vmem>> -> memref<1x128xi32, #tpu.memory_space<vmem>>
      %dma_wait3A_66 = tpu.memref_squeeze %dma_wait3A_65 : memref<1x128xi32, #tpu.memory_space<vmem>> -> memref<128xi32, #tpu.memory_space<vmem>>
      %dma_wait3A_67 = arith.constant 0 : i32
      %dma_wait3A_68 = arith.constant 0 : i32
      %dma_wait3A_69 = tpu.memref_slice %arg2[%dma_wait3A_67, %dma_wait3A_68] : memref<10000x128xf32, #tpu.memory_space<hbm>> -> memref<10000x128xf32, #tpu.memory_space<hbm>>
      tpu.wait_indirect_dma semaphore(%arg11 : memref<!tpu.dma_semaphore, #tpu.memory_space<semaphore_mem>>) src(%dma_wait3A_69 : memref<10000x128xf32, #tpu.memory_space<hbm>>) dst(%arg8 : memref<128x128xf32, #tpu.memory_space<vmem>>)
      %run_scoped3A = arith.constant 14 : i32
      "tpu.region"() ({
        %run_scoped3A_78 = tpu.sem_alloc : memref<!tpu.dma_semaphore, #tpu.memory_space<semaphore_mem>>
        %dma_start3A_79 = arith.constant 0 : i32
        %dma_start3A_80 = tpu.memref_slice %arg7[%run_scoped3A, %dma_start3A_79] : memref<16x128xi32, #tpu.memory_space<vmem>> -> memref<1x128xi32, #tpu.memory_space<vmem>>
        %dma_start3A_81 = tpu.memref_squeeze %dma_start3A_80 : memref<1x128xi32, #tpu.memory_space<vmem>> -> memref<128xi32, #tpu.memory_space<vmem>>
        %dma_start3A_82 = arith.constant 0 : i32
        %dma_start3A_83 = arith.constant 0 : i32
        %dma_start3A_84 = tpu.memref_slice %arg10[%dma_start3A_82, %dma_start3A_83] : memref<10240x128xf32, #tpu.memory_space<vmem_shared>> -> memref<10240x128xf32, #tpu.memory_space<vmem_shared>>
        tpu.enqueue_indirect_dma source(%arg8 : memref<128x128xf32, #tpu.memory_space<vmem>>) target(%dma_start3A_84 : memref<10240x128xf32, #tpu.memory_space<vmem_shared>>) offsets(%dma_start3A_81 : memref<128xi32, #tpu.memory_space<vmem>>) semaphore(%run_scoped3A_78 : memref<!tpu.dma_semaphore, #tpu.memory_space<semaphore_mem>>) {add = true}
        %dma_wait3A_85 = arith.constant 0 : i32
        %dma_wait3A_86 = tpu.memref_slice %arg7[%run_scoped3A, %dma_wait3A_85] : memref<16x128xi32, #tpu.memory_space<vmem>> -> memref<1x128xi32, #tpu.memory_space<vmem>>
        %dma_wait3A_87 = tpu.memref_squeeze %dma_wait3A_86 : memref<1x128xi32, #tpu.memory_space<vmem>> -> memref<128xi32, #tpu.memory_space<vmem>>
        %dma_wait3A_88 = arith.constant 0 : i32
        %dma_wait3A_89 = arith.constant 0 : i32
        %dma_wait3A_90 = tpu.memref_slice %arg10[%dma_wait3A_88, %dma_wait3A_89] : memref<10240x128xf32, #tpu.memory_space<vmem_shared>> -> memref<10240x128xf32, #tpu.memory_space<vmem_shared>>
        tpu.wait_indirect_dma semaphore(%run_scoped3A_78 : memref<!tpu.dma_semaphore, #tpu.memory_space<semaphore_mem>>) src(%arg8 : memref<128x128xf32, #tpu.memory_space<vmem>>) dst(%dma_wait3A_90 : memref<10240x128xf32, #tpu.memory_space<vmem_shared>>)
        tpu.yield
      }) : () -> ()
      %dma_wait3A_70 = arith.constant 15 : i32
      %dma_wait3A_71 = arith.constant 0 : i32
      %dma_wait3A_72 = tpu.memref_slice %arg6[%dma_wait3A_70, %dma_wait3A_71] : memref<16x128xi32, #tpu.memory_space<vmem>> -> memref<1x128xi32, #tpu.memory_space<vmem>>
      %dma_wait3A_73 = tpu.memref_squeeze %dma_wait3A_72 : memref<1x128xi32, #tpu.memory_space<vmem>> -> memref<128xi32, #tpu.memory_space<vmem>>
      %dma_wait3A_74 = arith.constant 0 : i32
      %dma_wait3A_75 = arith.constant 0 : i32
      %dma_wait3A_76 = tpu.memref_slice %arg2[%dma_wait3A_74, %dma_wait3A_75] : memref<10000x128xf32, #tpu.memory_space<hbm>> -> memref<10000x128xf32, #tpu.memory_space<hbm>>
      tpu.wait_indirect_dma semaphore(%arg12 : memref<!tpu.dma_semaphore, #tpu.memory_space<semaphore_mem>>) src(%dma_wait3A_76 : memref<10000x128xf32, #tpu.memory_space<hbm>>) dst(%arg9 : memref<128x128xf32, #tpu.memory_space<vmem>>)
      %run_scoped3A_77 = arith.constant 15 : i32
      "tpu.region"() ({
        %run_scoped3A_78 = tpu.sem_alloc : memref<!tpu.dma_semaphore, #tpu.memory_space<semaphore_mem>>
        %dma_start3A_79 = arith.constant 0 : i32
        %dma_start3A_80 = tpu.memref_slice %arg7[%run_scoped3A_77, %dma_start3A_79] : memref<16x128xi32, #tpu.memory_space<vmem>> -> memref<1x128xi32, #tpu.memory_space<vmem>>
        %dma_start3A_81 = tpu.memref_squeeze %dma_start3A_80 : memref<1x128xi32, #tpu.memory_space<vmem>> -> memref<128xi32, #tpu.memory_space<vmem>>
        %dma_start3A_82 = arith.constant 0 : i32
        %dma_start3A_83 = arith.constant 0 : i32
        %dma_start3A_84 = tpu.memref_slice %arg10[%dma_start3A_82, %dma_start3A_83] : memref<10240x128xf32, #tpu.memory_space<vmem_shared>> -> memref<10240x128xf32, #tpu.memory_space<vmem_shared>>
        tpu.enqueue_indirect_dma source(%arg9 : memref<128x128xf32, #tpu.memory_space<vmem>>) target(%dma_start3A_84 : memref<10240x128xf32, #tpu.memory_space<vmem_shared>>) offsets(%dma_start3A_81 : memref<128xi32, #tpu.memory_space<vmem>>) semaphore(%run_scoped3A_78 : memref<!tpu.dma_semaphore, #tpu.memory_space<semaphore_mem>>) {add = true}
        %dma_wait3A_85 = arith.constant 0 : i32
        %dma_wait3A_86 = tpu.memref_slice %arg7[%run_scoped3A_77, %dma_wait3A_85] : memref<16x128xi32, #tpu.memory_space<vmem>> -> memref<1x128xi32, #tpu.memory_space<vmem>>
        %dma_wait3A_87 = tpu.memref_squeeze %dma_wait3A_86 : memref<1x128xi32, #tpu.memory_space<vmem>> -> memref<128xi32, #tpu.memory_space<vmem>>
        %dma_wait3A_88 = arith.constant 0 : i32
        %dma_wait3A_89 = arith.constant 0 : i32
        %dma_wait3A_90 = tpu.memref_slice %arg10[%dma_wait3A_88, %dma_wait3A_89] : memref<10240x128xf32, #tpu.memory_space<vmem_shared>> -> memref<10240x128xf32, #tpu.memory_space<vmem_shared>>
        tpu.wait_indirect_dma semaphore(%run_scoped3A_78 : memref<!tpu.dma_semaphore, #tpu.memory_space<semaphore_mem>>) src(%arg9 : memref<128x128xf32, #tpu.memory_space<vmem>>) dst(%dma_wait3A_90 : memref<10240x128xf32, #tpu.memory_space<vmem_shared>>)
        tpu.yield
      }) : () -> ()
    }
    %barrier3A_35 = arith.constant 0 : index
    tpu.barrier barrier_id(%barrier3A_35)
    %mul3A_36 = arith.constant 640 : i32
    %mul3A_37 = arith.muli %arg1, %mul3A_36 : i32
    %mul3A_38 = arith.constant 640 : i32
    %mul3A_39 = arith.muli %arg1, %mul3A_38 : i32
    "tpu.region"() ({
      %run_scoped3A = tpu.sem_alloc : memref<!tpu.dma_semaphore, #tpu.memory_space<semaphore_mem>>
      %dma_start3A = arith.constant 0 : i32
      %dma_start3A_40 = tpu.memref_slice %arg5[%arg0, %mul3A_39, %dma_start3A] : memref<2x10240x128xf32, #tpu.memory_space<hbm>> -> memref<1x640x128xf32, #tpu.memory_space<hbm>>
      %dma_start3A_41 = tpu.memref_squeeze %dma_start3A_40 : memref<1x640x128xf32, #tpu.memory_space<hbm>> -> memref<640x128xf32, #tpu.memory_space<hbm>>
      %dma_start3A_42 = arith.constant 0 : i32
      %dma_start3A_43 = tpu.memref_slice %arg10[%mul3A_37, %dma_start3A_42] : memref<10240x128xf32, #tpu.memory_space<vmem_shared>> -> memref<640x128xf32, #tpu.memory_space<vmem_shared>>
      tpu.enqueue_dma source(%dma_start3A_43 : memref<640x128xf32, #tpu.memory_space<vmem_shared>>) target(%dma_start3A_41 : memref<640x128xf32, #tpu.memory_space<hbm>>) target_semaphore(%run_scoped3A : memref<!tpu.dma_semaphore, #tpu.memory_space<semaphore_mem>>)
      %dma_wait3A = arith.constant 0 : i32
      %dma_wait3A_44 = tpu.memref_slice %arg5[%arg0, %mul3A_39, %dma_wait3A] : memref<2x10240x128xf32, #tpu.memory_space<hbm>> -> memref<1x640x128xf32, #tpu.memory_space<hbm>>
      %dma_wait3A_45 = tpu.memref_squeeze %dma_wait3A_44 : memref<1x640x128xf32, #tpu.memory_space<hbm>> -> memref<640x128xf32, #tpu.memory_space<hbm>>
      %dma_wait3A_46 = arith.constant 0 : i32
      %dma_wait3A_47 = tpu.memref_slice %arg10[%mul3A_37, %dma_wait3A_46] : memref<10240x128xf32, #tpu.memory_space<vmem_shared>> -> memref<640x128xf32, #tpu.memory_space<vmem_shared>>
      tpu.wait_dma2 semaphore(%run_scoped3A : memref<!tpu.dma_semaphore, #tpu.memory_space<semaphore_mem>>) src(%dma_wait3A_47 : memref<640x128xf32, #tpu.memory_space<vmem_shared>>) dst(%dma_wait3A_45 : memref<640x128xf32, #tpu.memory_space<hbm>>)
      tpu.yield
    }) : () -> ()
    return
  }
}

#map = affine_map<(d0, d1) -> (0, 0)>
#map1 = affine_map<(d0, d1) -> (0, 0, 0)>
module attributes {stable_mosaic.version = 14 : i64} {
  func.func @_agg_body(%arg0: i32, %arg1: i32, %arg2: memref<10000x128xf32, #tpu.memory_space<hbm>>, %arg3: memref<2560x128xi32, #tpu.memory_space<hbm>>, %arg4: memref<2560x128xi32, #tpu.memory_space<hbm>>, %arg5: memref<2x10240x128xf32, #tpu.memory_space<hbm>>, %arg6: memref<16x128xi32, #tpu.memory_space<vmem>>, %arg7: memref<16x128xi32, #tpu.memory_space<vmem>>, %arg8: memref<128x128xf32, #tpu.memory_space<vmem>>, %arg9: memref<128x128xf32, #tpu.memory_space<vmem>>, %arg10: memref<10240x128xf32, #tpu.memory_space<vmem_shared>>, %arg11: memref<!tpu.dma_semaphore, #tpu.memory_space<semaphore_mem>>, %arg12: memref<!tpu.dma_semaphore, #tpu.memory_space<semaphore_mem>>) attributes {dimension_semantics = [#tpu.dimension_semantics<core_parallel>, #tpu.dimension_semantics<subcore_parallel>], iteration_bounds = array<i64: 2, 16>, scalar_prefetch = 0 : i64, scratch_operands = 7 : i64, tpu.core_type = #tpu.core_type<sc_vector_subcore>, window_params = [{transform_indices = #map}, {transform_indices = #map}, {transform_indices = #map}, {transform_indices = #map1}]} {
    %broadcast_in_dim3A = arith.constant 0.000000e+00 : f32
    %broadcast_in_dim3A_0 = vector.broadcast %broadcast_in_dim3A : f32 to vector<16xf32>
    %scan3A = arith.constant 0 : i32
    %scan3A_1 = arith.constant 128 : i32
    %scan3A_2 = arith.addi %scan3A, %scan3A_1 : i32
    %scan3A_3 = arith.constant 1 : i32
    scf.for %scan3A_40 = %scan3A to %scan3A_2 step %scan3A_3  : i32 {
      %mul3A_41 = arith.constant 1 : i32
      %mul3A_42 = arith.muli %scan3A_40, %mul3A_41 : i32
      %add3A_43 = arith.constant 0 : i32
      %add3A_44 = arith.addi %add3A_43, %mul3A_42 : i32
      %swap3A = arith.index_cast %add3A_44 : i32 to index
      %swap3A_45 = arith.constant 0 : index
      %swap3A_46 = tpu.vector_load %arg8[%swap3A, %swap3A_45] {strides = array<i32>} : memref<128x128xf32, #tpu.memory_space<vmem>>, vector<1x16xf32>,
      %swap3A_47 = vector.shape_cast %swap3A_46 : vector<1x16xf32> to vector<16xf32>
      %swap3A_48 = vector.shape_cast %broadcast_in_dim3A_0 : vector<16xf32> to vector<1x16xf32>
      tpu.vector_store %arg8[%swap3A, %swap3A_45], %swap3A_48 {strides = array<i32>} : memref<128x128xf32, #tpu.memory_space<vmem>>, vector<1x16xf32>,
      %swap3A_49 = arith.index_cast %add3A_44 : i32 to index
      %swap3A_50 = arith.constant 16 : index
      %swap3A_51 = tpu.vector_load %arg8[%swap3A_49, %swap3A_50] {strides = array<i32>} : memref<128x128xf32, #tpu.memory_space<vmem>>, vector<1x16xf32>,
      %swap3A_52 = vector.shape_cast %swap3A_51 : vector<1x16xf32> to vector<16xf32>
      %swap3A_53 = vector.shape_cast %broadcast_in_dim3A_0 : vector<16xf32> to vector<1x16xf32>
      tpu.vector_store %arg8[%swap3A_49, %swap3A_50], %swap3A_53 {strides = array<i32>} : memref<128x128xf32, #tpu.memory_space<vmem>>, vector<1x16xf32>,
      %swap3A_54 = arith.index_cast %add3A_44 : i32 to index
      %swap3A_55 = arith.constant 32 : index
      %swap3A_56 = tpu.vector_load %arg8[%swap3A_54, %swap3A_55] {strides = array<i32>} : memref<128x128xf32, #tpu.memory_space<vmem>>, vector<1x16xf32>,
      %swap3A_57 = vector.shape_cast %swap3A_56 : vector<1x16xf32> to vector<16xf32>
      %swap3A_58 = vector.shape_cast %broadcast_in_dim3A_0 : vector<16xf32> to vector<1x16xf32>
      tpu.vector_store %arg8[%swap3A_54, %swap3A_55], %swap3A_58 {strides = array<i32>} : memref<128x128xf32, #tpu.memory_space<vmem>>, vector<1x16xf32>,
      %swap3A_59 = arith.index_cast %add3A_44 : i32 to index
      %swap3A_60 = arith.constant 48 : index
      %swap3A_61 = tpu.vector_load %arg8[%swap3A_59, %swap3A_60] {strides = array<i32>} : memref<128x128xf32, #tpu.memory_space<vmem>>, vector<1x16xf32>,
      %swap3A_62 = vector.shape_cast %swap3A_61 : vector<1x16xf32> to vector<16xf32>
      %swap3A_63 = vector.shape_cast %broadcast_in_dim3A_0 : vector<16xf32> to vector<1x16xf32>
      tpu.vector_store %arg8[%swap3A_59, %swap3A_60], %swap3A_63 {strides = array<i32>} : memref<128x128xf32, #tpu.memory_space<vmem>>, vector<1x16xf32>,
      %swap3A_64 = arith.index_cast %add3A_44 : i32 to index
      %swap3A_65 = arith.constant 64 : index
      %swap3A_66 = tpu.vector_load %arg8[%swap3A_64, %swap3A_65] {strides = array<i32>} : memref<128x128xf32, #tpu.memory_space<vmem>>, vector<1x16xf32>,
      %swap3A_67 = vector.shape_cast %swap3A_66 : vector<1x16xf32> to vector<16xf32>
      %swap3A_68 = vector.shape_cast %broadcast_in_dim3A_0 : vector<16xf32> to vector<1x16xf32>
      tpu.vector_store %arg8[%swap3A_64, %swap3A_65], %swap3A_68 {strides = array<i32>} : memref<128x128xf32, #tpu.memory_space<vmem>>, vector<1x16xf32>,
      %swap3A_69 = arith.index_cast %add3A_44 : i32 to index
      %swap3A_70 = arith.constant 80 : index
      %swap3A_71 = tpu.vector_load %arg8[%swap3A_69, %swap3A_70] {strides = array<i32>} : memref<128x128xf32, #tpu.memory_space<vmem>>, vector<1x16xf32>,
      %swap3A_72 = vector.shape_cast %swap3A_71 : vector<1x16xf32> to vector<16xf32>
      %swap3A_73 = vector.shape_cast %broadcast_in_dim3A_0 : vector<16xf32> to vector<1x16xf32>
      tpu.vector_store %arg8[%swap3A_69, %swap3A_70], %swap3A_73 {strides = array<i32>} : memref<128x128xf32, #tpu.memory_space<vmem>>, vector<1x16xf32>,
      %swap3A_74 = arith.index_cast %add3A_44 : i32 to index
      %swap3A_75 = arith.constant 96 : index
      %swap3A_76 = tpu.vector_load %arg8[%swap3A_74, %swap3A_75] {strides = array<i32>} : memref<128x128xf32, #tpu.memory_space<vmem>>, vector<1x16xf32>,
      %swap3A_77 = vector.shape_cast %swap3A_76 : vector<1x16xf32> to vector<16xf32>
      %swap3A_78 = vector.shape_cast %broadcast_in_dim3A_0 : vector<16xf32> to vector<1x16xf32>
      tpu.vector_store %arg8[%swap3A_74, %swap3A_75], %swap3A_78 {strides = array<i32>} : memref<128x128xf32, #tpu.memory_space<vmem>>, vector<1x16xf32>,
      %swap3A_79 = arith.index_cast %add3A_44 : i32 to index
      %swap3A_80 = arith.constant 112 : index
      %swap3A_81 = tpu.vector_load %arg8[%swap3A_79, %swap3A_80] {strides = array<i32>} : memref<128x128xf32, #tpu.memory_space<vmem>>, vector<1x16xf32>,
      %swap3A_82 = vector.shape_cast %swap3A_81 : vector<1x16xf32> to vector<16xf32>
      %swap3A_83 = vector.shape_cast %broadcast_in_dim3A_0 : vector<16xf32> to vector<1x16xf32>
      tpu.vector_store %arg8[%swap3A_79, %swap3A_80], %swap3A_83 {strides = array<i32>} : memref<128x128xf32, #tpu.memory_space<vmem>>, vector<1x16xf32>,
    }
    %scan3A_4 = arith.constant 128 : i32
    %scan3A_5 = arith.constant 0 : i32
    %scan3A_6 = arith.constant 5 : i32
    %scan3A_7 = arith.addi %scan3A_5, %scan3A_6 : i32
    %scan3A_8 = arith.constant 1 : i32
    scf.for %scan3A_40 = %scan3A_5 to %scan3A_7 step %scan3A_8  : i32 {
      %mul3A_41 = arith.constant 1 : i32
      %mul3A_42 = arith.muli %scan3A_40, %mul3A_41 : i32
      %add3A_43 = arith.constant 0 : i32
      %add3A_44 = arith.addi %add3A_43, %mul3A_42 : i32
      %mul3A_45 = arith.constant 640 : i32
      %mul3A_46 = arith.muli %arg1, %mul3A_45 : i32
      %mul3A_47 = arith.constant 128 : i32
      %mul3A_48 = arith.muli %add3A_44, %mul3A_47 : i32
      %add3A_49 = arith.addi %mul3A_46, %mul3A_48 : i32
      "tpu.region"() ({
        %run_scoped3A = tpu.sem_alloc : memref<!tpu.dma_semaphore, #tpu.memory_space<semaphore_mem>>
        %dma_start3A = arith.constant 0 : i32
        %dma_start3A_50 = tpu.memref_slice %arg10[%add3A_49, %dma_start3A] : memref<10240x128xf32, #tpu.memory_space<vmem_shared>> -> memref<128x128xf32, #tpu.memory_space<vmem_shared>>
        %dma_start3A_51 = arith.constant 0 : i32
        %dma_start3A_52 = tpu.memref_slice %arg10[%add3A_49, %dma_start3A_51] : memref<10240x128xf32, #tpu.memory_space<vmem_shared>> -> memref<128x128xf32, #tpu.memory_space<vmem_shared>>
        tpu.enqueue_dma source(%arg8 : memref<128x128xf32, #tpu.memory_space<vmem>>) target(%dma_start3A_52 : memref<128x128xf32, #tpu.memory_space<vmem_shared>>) target_semaphore(%run_scoped3A : memref<!tpu.dma_semaphore, #tpu.memory_space<semaphore_mem>>)
        %dma_wait3A = arith.constant 0 : i32
        %dma_wait3A_53 = tpu.memref_slice %arg10[%add3A_49, %dma_wait3A] : memref<10240x128xf32, #tpu.memory_space<vmem_shared>> -> memref<128x128xf32, #tpu.memory_space<vmem_shared>>
        %dma_wait3A_54 = arith.constant 0 : i32
        %dma_wait3A_55 = tpu.memref_slice %arg10[%add3A_49, %dma_wait3A_54] : memref<10240x128xf32, #tpu.memory_space<vmem_shared>> -> memref<128x128xf32, #tpu.memory_space<vmem_shared>>
        tpu.wait_dma2 semaphore(%run_scoped3A : memref<!tpu.dma_semaphore, #tpu.memory_space<semaphore_mem>>) src(%arg8 : memref<128x128xf32, #tpu.memory_space<vmem>>) dst(%dma_wait3A_55 : memref<128x128xf32, #tpu.memory_space<vmem_shared>>)
        tpu.yield
      }) : () -> ()
    }
    %scan3A_9 = arith.constant 5 : i32
    %barrier3A = arith.constant 0 : index
    tpu.barrier barrier_id(%barrier3A)
    %eq3A = arith.constant 0 : i32
    %eq3A_10 = arith.cmpi eq, %arg0, %eq3A : i32
    %jit3A = arith.constant 10 : i32
    %jit3A_11 = arith.constant 0 : i32
    %select_n3A = arith.select %eq3A_10, %jit3A, %jit3A_11 : i32
    %eq3A_12 = arith.constant 0 : i32
    %eq3A_13 = arith.cmpi eq, %arg0, %eq3A_12 : i32
    %mul3A = arith.constant 160 : i32
    %mul3A_14 = arith.muli %arg1, %mul3A : i32
    %mul3A_15 = arith.constant 0 : i32
    %mul3A_16 = arith.muli %arg1, %mul3A_15 : i32
    %add3A = arith.constant 2560 : i32
    %add3A_17 = arith.addi %add3A, %mul3A_16 : i32
    %select_n3A_18 = arith.select %eq3A_13, %mul3A_14, %add3A_17 : i32
    %sub3A = arith.constant 0 : i32
    %sub3A_19 = arith.subi %select_n3A, %sub3A : i32
    %sub3A_20 = arith.constant 1 : i32
    %sub3A_21 = arith.constant 1 : i32
    %sub3A_22 = arith.subi %sub3A_20, %sub3A_21 : i32
    %add3A_23 = arith.addi %sub3A_19, %sub3A_22 : i32
    %div3A = arith.constant 1 : i32
    %div3A_24 = arith.divsi %add3A_23, %div3A : i32
    %while3A = arith.constant 1 : i32
    %while3A_25 = arith.constant 0 : i32
    %while3A_26 = arith.constant 0 : i32
    %while3A_27 = arith.subi %div3A_24, %while3A_26 : i32
    %while3A_28 = arith.addi %while3A_26, %while3A_27 : i32
    %while3A_29 = arith.constant 1 : i32
    %while3A_30 = arith.divsi %while3A_27, %while3A_29 : i32
    %while3A_31 = arith.muli %while3A_30, %while3A_29 : i32
    %while3A_32 = arith.addi %while3A_26, %while3A_31 : i32
    %while3A_33 = arith.constant 1 : i32
    scf.for %while3A_40 = %while3A_26 to %while3A_32 step %while3A_33  : i32 {
      %mul3A_41 = arith.muli %while3A_40, %while3A : i32
      %add3A_42 = arith.addi %while3A_25, %mul3A_41 : i32
      %mul3A_43 = arith.constant 16 : i32
      %mul3A_44 = arith.muli %add3A_42, %mul3A_43 : i32
      %add3A_45 = arith.addi %select_n3A_18, %mul3A_44 : i32
      "tpu.region"() ({
        %run_scoped3A_78 = tpu.sem_alloc : memref<!tpu.dma_semaphore, #tpu.memory_space<semaphore_mem>>
        %dma_start3A_79 = arith.constant 0 : i32
        %dma_start3A_80 = tpu.memref_slice %arg3[%add3A_45, %dma_start3A_79] : memref<2560x128xi32, #tpu.memory_space<hbm>> -> memref<16x128xi32, #tpu.memory_space<hbm>>
        %dma_start3A_81 = arith.constant 0 : i32
        %dma_start3A_82 = tpu.memref_slice %arg3[%add3A_45, %dma_start3A_81] : memref<2560x128xi32, #tpu.memory_space<hbm>> -> memref<16x128xi32, #tpu.memory_space<hbm>>
        tpu.enqueue_dma source(%dma_start3A_82 : memref<16x128xi32, #tpu.memory_space<hbm>>) target(%arg6 : memref<16x128xi32, #tpu.memory_space<vmem>>) target_semaphore(%run_scoped3A_78 : memref<!tpu.dma_semaphore, #tpu.memory_space<semaphore_mem>>)
        %dma_wait3A_83 = arith.constant 0 : i32
        %dma_wait3A_84 = tpu.memref_slice %arg3[%add3A_45, %dma_wait3A_83] : memref<2560x128xi32, #tpu.memory_space<hbm>> -> memref<16x128xi32, #tpu.memory_space<hbm>>
        %dma_wait3A_85 = arith.constant 0 : i32
        %dma_wait3A_86 = tpu.memref_slice %arg3[%add3A_45, %dma_wait3A_85] : memref<2560x128xi32, #tpu.memory_space<hbm>> -> memref<16x128xi32, #tpu.memory_space<hbm>>
        tpu.wait_dma2 semaphore(%run_scoped3A_78 : memref<!tpu.dma_semaphore, #tpu.memory_space<semaphore_mem>>) src(%dma_wait3A_86 : memref<16x128xi32, #tpu.memory_space<hbm>>) dst(%arg6 : memref<16x128xi32, #tpu.memory_space<vmem>>)
        tpu.yield
      }) : () -> ()
      "tpu.region"() ({
        %run_scoped3A_78 = tpu.sem_alloc : memref<!tpu.dma_semaphore, #tpu.memory_space<semaphore_mem>>
        %dma_start3A_79 = arith.constant 0 : i32
        %dma_start3A_80 = tpu.memref_slice %arg4[%add3A_45, %dma_start3A_79] : memref<2560x128xi32, #tpu.memory_space<hbm>> -> memref<16x128xi32, #tpu.memory_space<hbm>>
        %dma_start3A_81 = arith.constant 0 : i32
        %dma_start3A_82 = tpu.memref_slice %arg4[%add3A_45, %dma_start3A_81] : memref<2560x128xi32, #tpu.memory_space<hbm>> -> memref<16x128xi32, #tpu.memory_space<hbm>>
        tpu.enqueue_dma source(%dma_start3A_82 : memref<16x128xi32, #tpu.memory_space<hbm>>) target(%arg7 : memref<16x128xi32, #tpu.memory_space<vmem>>) target_semaphore(%run_scoped3A_78 : memref<!tpu.dma_semaphore, #tpu.memory_space<semaphore_mem>>)
        %dma_wait3A_83 = arith.constant 0 : i32
        %dma_wait3A_84 = tpu.memref_slice %arg4[%add3A_45, %dma_wait3A_83] : memref<2560x128xi32, #tpu.memory_space<hbm>> -> memref<16x128xi32, #tpu.memory_space<hbm>>
        %dma_wait3A_85 = arith.constant 0 : i32
        %dma_wait3A_86 = tpu.memref_slice %arg4[%add3A_45, %dma_wait3A_85] : memref<2560x128xi32, #tpu.memory_space<hbm>> -> memref<16x128xi32, #tpu.memory_space<hbm>>
        tpu.wait_dma2 semaphore(%run_scoped3A_78 : memref<!tpu.dma_semaphore, #tpu.memory_space<semaphore_mem>>) src(%dma_wait3A_86 : memref<16x128xi32, #tpu.memory_space<hbm>>) dst(%arg7 : memref<16x128xi32, #tpu.memory_space<vmem>>)
        tpu.yield
      }) : () -> ()
      %dma_start3A = arith.constant 0 : i32
      %dma_start3A_46 = arith.constant 0 : i32
      %dma_start3A_47 = tpu.memref_slice %arg6[%dma_start3A, %dma_start3A_46] : memref<16x128xi32, #tpu.memory_space<vmem>> -> memref<1x128xi32, #tpu.memory_space<vmem>>
      %dma_start3A_48 = tpu.memref_squeeze %dma_start3A_47 : memref<1x128xi32, #tpu.memory_space<vmem>> -> memref<128xi32, #tpu.memory_space<vmem>>
      %dma_start3A_49 = arith.constant 0 : i32
      %dma_start3A_50 = arith.constant 0 : i32
      %dma_start3A_51 = tpu.memref_slice %arg2[%dma_start3A_49, %dma_start3A_50] : memref<10000x128xf32, #tpu.memory_space<hbm>> -> memref<10000x128xf32, #tpu.memory_space<hbm>>
      tpu.enqueue_indirect_dma source(%dma_start3A_51 : memref<10000x128xf32, #tpu.memory_space<hbm>>) target(%arg8 : memref<128x128xf32, #tpu.memory_space<vmem>>) offsets(%dma_start3A_48 : memref<128xi32, #tpu.memory_space<vmem>>) semaphore(%arg11 : memref<!tpu.dma_semaphore, #tpu.memory_space<semaphore_mem>>)
      %scan3A_52 = arith.constant 0 : i32
      %scan3A_53 = arith.constant 7 : i32
      %scan3A_54 = arith.addi %scan3A_52, %scan3A_53 : i32
      %scan3A_55 = arith.constant 1 : i32
      scf.for %scan3A_78 = %scan3A_52 to %scan3A_54 step %scan3A_55  : i32 {
        %mul3A_79 = arith.constant 2 : i32
        %mul3A_80 = arith.muli %scan3A_78, %mul3A_79 : i32
        %add3A_81 = arith.constant 0 : i32
        %add3A_82 = arith.addi %add3A_81, %mul3A_80 : i32
        %add3A_83 = arith.constant 1 : i32
        %add3A_84 = arith.addi %add3A_82, %add3A_83 : i32
        %dma_start3A_85 = arith.constant 0 : i32
        %dma_start3A_86 = tpu.memref_slice %arg6[%add3A_84, %dma_start3A_85] : memref<16x128xi32, #tpu.memory_space<vmem>> -> memref<1x128xi32, #tpu.memory_space<vmem>>
        %dma_start3A_87 = tpu.memref_squeeze %dma_start3A_86 : memref<1x128xi32, #tpu.memory_space<vmem>> -> memref<128xi32, #tpu.memory_space<vmem>>
        %dma_start3A_88 = arith.constant 0 : i32
        %dma_start3A_89 = arith.constant 0 : i32
        %dma_start3A_90 = tpu.memref_slice %arg2[%dma_start3A_88, %dma_start3A_89] : memref<10000x128xf32, #tpu.memory_space<hbm>> -> memref<10000x128xf32, #tpu.memory_space<hbm>>
        tpu.enqueue_indirect_dma source(%dma_start3A_90 : memref<10000x128xf32, #tpu.memory_space<hbm>>) target(%arg9 : memref<128x128xf32, #tpu.memory_space<vmem>>) offsets(%dma_start3A_87 : memref<128xi32, #tpu.memory_space<vmem>>) semaphore(%arg12 : memref<!tpu.dma_semaphore, #tpu.memory_space<semaphore_mem>>)
        %dma_wait3A_91 = arith.constant 0 : i32
        %dma_wait3A_92 = tpu.memref_slice %arg6[%add3A_82, %dma_wait3A_91] : memref<16x128xi32, #tpu.memory_space<vmem>> -> memref<1x128xi32, #tpu.memory_space<vmem>>
        %dma_wait3A_93 = tpu.memref_squeeze %dma_wait3A_92 : memref<1x128xi32, #tpu.memory_space<vmem>> -> memref<128xi32, #tpu.memory_space<vmem>>
        %dma_wait3A_94 = arith.constant 0 : i32
        %dma_wait3A_95 = arith.constant 0 : i32
        %dma_wait3A_96 = tpu.memref_slice %arg2[%dma_wait3A_94, %dma_wait3A_95] : memref<10000x128xf32, #tpu.memory_space<hbm>> -> memref<10000x128xf32, #tpu.memory_space<hbm>>
        tpu.wait_indirect_dma semaphore(%arg11 : memref<!tpu.dma_semaphore, #tpu.memory_space<semaphore_mem>>) src(%dma_wait3A_96 : memref<10000x128xf32, #tpu.memory_space<hbm>>) dst(%arg8 : memref<128x128xf32, #tpu.memory_space<vmem>>)
        "tpu.region"() ({
          %run_scoped3A_115 = tpu.sem_alloc : memref<!tpu.dma_semaphore, #tpu.memory_space<semaphore_mem>>
          %dma_start3A_116 = arith.constant 0 : i32
          %dma_start3A_117 = tpu.memref_slice %arg7[%add3A_82, %dma_start3A_116] : memref<16x128xi32, #tpu.memory_space<vmem>> -> memref<1x128xi32, #tpu.memory_space<vmem>>
          %dma_start3A_118 = tpu.memref_squeeze %dma_start3A_117 : memref<1x128xi32, #tpu.memory_space<vmem>> -> memref<128xi32, #tpu.memory_space<vmem>>
          %dma_start3A_119 = arith.constant 0 : i32
          %dma_start3A_120 = arith.constant 0 : i32
          %dma_start3A_121 = tpu.memref_slice %arg10[%dma_start3A_119, %dma_start3A_120] : memref<10240x128xf32, #tpu.memory_space<vmem_shared>> -> memref<10240x128xf32, #tpu.memory_space<vmem_shared>>
          tpu.enqueue_indirect_dma source(%arg8 : memref<128x128xf32, #tpu.memory_space<vmem>>) target(%dma_start3A_121 : memref<10240x128xf32, #tpu.memory_space<vmem_shared>>) offsets(%dma_start3A_118 : memref<128xi32, #tpu.memory_space<vmem>>) semaphore(%run_scoped3A_115 : memref<!tpu.dma_semaphore, #tpu.memory_space<semaphore_mem>>) {add = true}
          %dma_wait3A_122 = arith.constant 0 : i32
          %dma_wait3A_123 = tpu.memref_slice %arg7[%add3A_82, %dma_wait3A_122] : memref<16x128xi32, #tpu.memory_space<vmem>> -> memref<1x128xi32, #tpu.memory_space<vmem>>
          %dma_wait3A_124 = tpu.memref_squeeze %dma_wait3A_123 : memref<1x128xi32, #tpu.memory_space<vmem>> -> memref<128xi32, #tpu.memory_space<vmem>>
          %dma_wait3A_125 = arith.constant 0 : i32
          %dma_wait3A_126 = arith.constant 0 : i32
          %dma_wait3A_127 = tpu.memref_slice %arg10[%dma_wait3A_125, %dma_wait3A_126] : memref<10240x128xf32, #tpu.memory_space<vmem_shared>> -> memref<10240x128xf32, #tpu.memory_space<vmem_shared>>
          tpu.wait_indirect_dma semaphore(%run_scoped3A_115 : memref<!tpu.dma_semaphore, #tpu.memory_space<semaphore_mem>>) src(%arg8 : memref<128x128xf32, #tpu.memory_space<vmem>>) dst(%dma_wait3A_127 : memref<10240x128xf32, #tpu.memory_space<vmem_shared>>)
          tpu.yield
        }) : () -> ()
        %add3A_97 = arith.constant 2 : i32
        %add3A_98 = arith.addi %add3A_82, %add3A_97 : i32
        %dma_start3A_99 = arith.constant 0 : i32
        %dma_start3A_100 = tpu.memref_slice %arg6[%add3A_98, %dma_start3A_99] : memref<16x128xi32, #tpu.memory_space<vmem>> -> memref<1x128xi32, #tpu.memory_space<vmem>>
        %dma_start3A_101 = tpu.memref_squeeze %dma_start3A_100 : memref<1x128xi32, #tpu.memory_space<vmem>> -> memref<128xi32, #tpu.memory_space<vmem>>
        %dma_start3A_102 = arith.constant 0 : i32
        %dma_start3A_103 = arith.constant 0 : i32
        %dma_start3A_104 = tpu.memref_slice %arg2[%dma_start3A_102, %dma_start3A_103] : memref<10000x128xf32, #tpu.memory_space<hbm>> -> memref<10000x128xf32, #tpu.memory_space<hbm>>
        tpu.enqueue_indirect_dma source(%dma_start3A_104 : memref<10000x128xf32, #tpu.memory_space<hbm>>) target(%arg8 : memref<128x128xf32, #tpu.memory_space<vmem>>) offsets(%dma_start3A_101 : memref<128xi32, #tpu.memory_space<vmem>>) semaphore(%arg11 : memref<!tpu.dma_semaphore, #tpu.memory_space<semaphore_mem>>)
        %add3A_105 = arith.constant 1 : i32
        %add3A_106 = arith.addi %add3A_82, %add3A_105 : i32
        %dma_wait3A_107 = arith.constant 0 : i32
        %dma_wait3A_108 = tpu.memref_slice %arg6[%add3A_106, %dma_wait3A_107] : memref<16x128xi32, #tpu.memory_space<vmem>> -> memref<1x128xi32, #tpu.memory_space<vmem>>
        %dma_wait3A_109 = tpu.memref_squeeze %dma_wait3A_108 : memref<1x128xi32, #tpu.memory_space<vmem>> -> memref<128xi32, #tpu.memory_space<vmem>>
        %dma_wait3A_110 = arith.constant 0 : i32
        %dma_wait3A_111 = arith.constant 0 : i32
        %dma_wait3A_112 = tpu.memref_slice %arg2[%dma_wait3A_110, %dma_wait3A_111] : memref<10000x128xf32, #tpu.memory_space<hbm>> -> memref<10000x128xf32, #tpu.memory_space<hbm>>
        tpu.wait_indirect_dma semaphore(%arg12 : memref<!tpu.dma_semaphore, #tpu.memory_space<semaphore_mem>>) src(%dma_wait3A_112 : memref<10000x128xf32, #tpu.memory_space<hbm>>) dst(%arg9 : memref<128x128xf32, #tpu.memory_space<vmem>>)
        %add3A_113 = arith.constant 1 : i32
        %add3A_114 = arith.addi %add3A_82, %add3A_113 : i32
        "tpu.region"() ({
          %run_scoped3A_115 = tpu.sem_alloc : memref<!tpu.dma_semaphore, #tpu.memory_space<semaphore_mem>>
          %dma_start3A_116 = arith.constant 0 : i32
          %dma_start3A_117 = tpu.memref_slice %arg7[%add3A_114, %dma_start3A_116] : memref<16x128xi32, #tpu.memory_space<vmem>> -> memref<1x128xi32, #tpu.memory_space<vmem>>
          %dma_start3A_118 = tpu.memref_squeeze %dma_start3A_117 : memref<1x128xi32, #tpu.memory_space<vmem>> -> memref<128xi32, #tpu.memory_space<vmem>>
          %dma_start3A_119 = arith.constant 0 : i32
          %dma_start3A_120 = arith.constant 0 : i32
          %dma_start3A_121 = tpu.memref_slice %arg10[%dma_start3A_119, %dma_start3A_120] : memref<10240x128xf32, #tpu.memory_space<vmem_shared>> -> memref<10240x128xf32, #tpu.memory_space<vmem_shared>>
          tpu.enqueue_indirect_dma source(%arg9 : memref<128x128xf32, #tpu.memory_space<vmem>>) target(%dma_start3A_121 : memref<10240x128xf32, #tpu.memory_space<vmem_shared>>) offsets(%dma_start3A_118 : memref<128xi32, #tpu.memory_space<vmem>>) semaphore(%run_scoped3A_115 : memref<!tpu.dma_semaphore, #tpu.memory_space<semaphore_mem>>) {add = true}
          %dma_wait3A_122 = arith.constant 0 : i32
          %dma_wait3A_123 = tpu.memref_slice %arg7[%add3A_114, %dma_wait3A_122] : memref<16x128xi32, #tpu.memory_space<vmem>> -> memref<1x128xi32, #tpu.memory_space<vmem>>
          %dma_wait3A_124 = tpu.memref_squeeze %dma_wait3A_123 : memref<1x128xi32, #tpu.memory_space<vmem>> -> memref<128xi32, #tpu.memory_space<vmem>>
          %dma_wait3A_125 = arith.constant 0 : i32
          %dma_wait3A_126 = arith.constant 0 : i32
          %dma_wait3A_127 = tpu.memref_slice %arg10[%dma_wait3A_125, %dma_wait3A_126] : memref<10240x128xf32, #tpu.memory_space<vmem_shared>> -> memref<10240x128xf32, #tpu.memory_space<vmem_shared>>
          tpu.wait_indirect_dma semaphore(%run_scoped3A_115 : memref<!tpu.dma_semaphore, #tpu.memory_space<semaphore_mem>>) src(%arg9 : memref<128x128xf32, #tpu.memory_space<vmem>>) dst(%dma_wait3A_127 : memref<10240x128xf32, #tpu.memory_space<vmem_shared>>)
          tpu.yield
        }) : () -> ()
      }
      %scan3A_56 = arith.constant 7 : i32
      %dma_start3A_57 = arith.constant 15 : i32
      %dma_start3A_58 = arith.constant 0 : i32
      %dma_start3A_59 = tpu.memref_slice %arg6[%dma_start3A_57, %dma_start3A_58] : memref<16x128xi32, #tpu.memory_space<vmem>> -> memref<1x128xi32, #tpu.memory_space<vmem>>
      %dma_start3A_60 = tpu.memref_squeeze %dma_start3A_59 : memref<1x128xi32, #tpu.memory_space<vmem>> -> memref<128xi32, #tpu.memory_space<vmem>>
      %dma_start3A_61 = arith.constant 0 : i32
      %dma_start3A_62 = arith.constant 0 : i32
      %dma_start3A_63 = tpu.memref_slice %arg2[%dma_start3A_61, %dma_start3A_62] : memref<10000x128xf32, #tpu.memory_space<hbm>> -> memref<10000x128xf32, #tpu.memory_space<hbm>>
      tpu.enqueue_indirect_dma source(%dma_start3A_63 : memref<10000x128xf32, #tpu.memory_space<hbm>>) target(%arg9 : memref<128x128xf32, #tpu.memory_space<vmem>>) offsets(%dma_start3A_60 : memref<128xi32, #tpu.memory_space<vmem>>) semaphore(%arg12 : memref<!tpu.dma_semaphore, #tpu.memory_space<semaphore_mem>>)
      %dma_wait3A = arith.constant 14 : i32
      %dma_wait3A_64 = arith.constant 0 : i32
      %dma_wait3A_65 = tpu.memref_slice %arg6[%dma_wait3A, %dma_wait3A_64] : memref<16x128xi32, #tpu.memory_space<vmem>> -> memref<1x128xi32, #tpu.memory_space<vmem>>
      %dma_wait3A_66 = tpu.memref_squeeze %dma_wait3A_65 : memref<1x128xi32, #tpu.memory_space<vmem>> -> memref<128xi32, #tpu.memory_space<vmem>>
      %dma_wait3A_67 = arith.constant 0 : i32
      %dma_wait3A_68 = arith.constant 0 : i32
      %dma_wait3A_69 = tpu.memref_slice %arg2[%dma_wait3A_67, %dma_wait3A_68] : memref<10000x128xf32, #tpu.memory_space<hbm>> -> memref<10000x128xf32, #tpu.memory_space<hbm>>
      tpu.wait_indirect_dma semaphore(%arg11 : memref<!tpu.dma_semaphore, #tpu.memory_space<semaphore_mem>>) src(%dma_wait3A_69 : memref<10000x128xf32, #tpu.memory_space<hbm>>) dst(%arg8 : memref<128x128xf32, #tpu.memory_space<vmem>>)
      %run_scoped3A = arith.constant 14 : i32
      "tpu.region"() ({
        %run_scoped3A_78 = tpu.sem_alloc : memref<!tpu.dma_semaphore, #tpu.memory_space<semaphore_mem>>
        %dma_start3A_79 = arith.constant 0 : i32
        %dma_start3A_80 = tpu.memref_slice %arg7[%run_scoped3A, %dma_start3A_79] : memref<16x128xi32, #tpu.memory_space<vmem>> -> memref<1x128xi32, #tpu.memory_space<vmem>>
        %dma_start3A_81 = tpu.memref_squeeze %dma_start3A_80 : memref<1x128xi32, #tpu.memory_space<vmem>> -> memref<128xi32, #tpu.memory_space<vmem>>
        %dma_start3A_82 = arith.constant 0 : i32
        %dma_start3A_83 = arith.constant 0 : i32
        %dma_start3A_84 = tpu.memref_slice %arg10[%dma_start3A_82, %dma_start3A_83] : memref<10240x128xf32, #tpu.memory_space<vmem_shared>> -> memref<10240x128xf32, #tpu.memory_space<vmem_shared>>
        tpu.enqueue_indirect_dma source(%arg8 : memref<128x128xf32, #tpu.memory_space<vmem>>) target(%dma_start3A_84 : memref<10240x128xf32, #tpu.memory_space<vmem_shared>>) offsets(%dma_start3A_81 : memref<128xi32, #tpu.memory_space<vmem>>) semaphore(%run_scoped3A_78 : memref<!tpu.dma_semaphore, #tpu.memory_space<semaphore_mem>>) {add = true}
        %dma_wait3A_85 = arith.constant 0 : i32
        %dma_wait3A_86 = tpu.memref_slice %arg7[%run_scoped3A, %dma_wait3A_85] : memref<16x128xi32, #tpu.memory_space<vmem>> -> memref<1x128xi32, #tpu.memory_space<vmem>>
        %dma_wait3A_87 = tpu.memref_squeeze %dma_wait3A_86 : memref<1x128xi32, #tpu.memory_space<vmem>> -> memref<128xi32, #tpu.memory_space<vmem>>
        %dma_wait3A_88 = arith.constant 0 : i32
        %dma_wait3A_89 = arith.constant 0 : i32
        %dma_wait3A_90 = tpu.memref_slice %arg10[%dma_wait3A_88, %dma_wait3A_89] : memref<10240x128xf32, #tpu.memory_space<vmem_shared>> -> memref<10240x128xf32, #tpu.memory_space<vmem_shared>>
        tpu.wait_indirect_dma semaphore(%run_scoped3A_78 : memref<!tpu.dma_semaphore, #tpu.memory_space<semaphore_mem>>) src(%arg8 : memref<128x128xf32, #tpu.memory_space<vmem>>) dst(%dma_wait3A_90 : memref<10240x128xf32, #tpu.memory_space<vmem_shared>>)
        tpu.yield
      }) : () -> ()
      %dma_wait3A_70 = arith.constant 15 : i32
      %dma_wait3A_71 = arith.constant 0 : i32
      %dma_wait3A_72 = tpu.memref_slice %arg6[%dma_wait3A_70, %dma_wait3A_71] : memref<16x128xi32, #tpu.memory_space<vmem>> -> memref<1x128xi32, #tpu.memory_space<vmem>>
      %dma_wait3A_73 = tpu.memref_squeeze %dma_wait3A_72 : memref<1x128xi32, #tpu.memory_space<vmem>> -> memref<128xi32, #tpu.memory_space<vmem>>
      %dma_wait3A_74 = arith.constant 0 : i32
      %dma_wait3A_75 = arith.constant 0 : i32
      %dma_wait3A_76 = tpu.memref_slice %arg2[%dma_wait3A_74, %dma_wait3A_75] : memref<10000x128xf32, #tpu.memory_space<hbm>> -> memref<10000x128xf32, #tpu.memory_space<hbm>>
      tpu.wait_indirect_dma semaphore(%arg12 : memref<!tpu.dma_semaphore, #tpu.memory_space<semaphore_mem>>) src(%dma_wait3A_76 : memref<10000x128xf32, #tpu.memory_space<hbm>>) dst(%arg9 : memref<128x128xf32, #tpu.memory_space<vmem>>)
      %run_scoped3A_77 = arith.constant 15 : i32
      "tpu.region"() ({
        %run_scoped3A_78 = tpu.sem_alloc : memref<!tpu.dma_semaphore, #tpu.memory_space<semaphore_mem>>
        %dma_start3A_79 = arith.constant 0 : i32
        %dma_start3A_80 = tpu.memref_slice %arg7[%run_scoped3A_77, %dma_start3A_79] : memref<16x128xi32, #tpu.memory_space<vmem>> -> memref<1x128xi32, #tpu.memory_space<vmem>>
        %dma_start3A_81 = tpu.memref_squeeze %dma_start3A_80 : memref<1x128xi32, #tpu.memory_space<vmem>> -> memref<128xi32, #tpu.memory_space<vmem>>
        %dma_start3A_82 = arith.constant 0 : i32
        %dma_start3A_83 = arith.constant 0 : i32
        %dma_start3A_84 = tpu.memref_slice %arg10[%dma_start3A_82, %dma_start3A_83] : memref<10240x128xf32, #tpu.memory_space<vmem_shared>> -> memref<10240x128xf32, #tpu.memory_space<vmem_shared>>
        tpu.enqueue_indirect_dma source(%arg9 : memref<128x128xf32, #tpu.memory_space<vmem>>) target(%dma_start3A_84 : memref<10240x128xf32, #tpu.memory_space<vmem_shared>>) offsets(%dma_start3A_81 : memref<128xi32, #tpu.memory_space<vmem>>) semaphore(%run_scoped3A_78 : memref<!tpu.dma_semaphore, #tpu.memory_space<semaphore_mem>>) {add = true}
        %dma_wait3A_85 = arith.constant 0 : i32
        %dma_wait3A_86 = tpu.memref_slice %arg7[%run_scoped3A_77, %dma_wait3A_85] : memref<16x128xi32, #tpu.memory_space<vmem>> -> memref<1x128xi32, #tpu.memory_space<vmem>>
        %dma_wait3A_87 = tpu.memref_squeeze %dma_wait3A_86 : memref<1x128xi32, #tpu.memory_space<vmem>> -> memref<128xi32, #tpu.memory_space<vmem>>
        %dma_wait3A_88 = arith.constant 0 : i32
        %dma_wait3A_89 = arith.constant 0 : i32
        %dma_wait3A_90 = tpu.memref_slice %arg10[%dma_wait3A_88, %dma_wait3A_89] : memref<10240x128xf32, #tpu.memory_space<vmem_shared>> -> memref<10240x128xf32, #tpu.memory_space<vmem_shared>>
        tpu.wait_indirect_dma semaphore(%run_scoped3A_78 : memref<!tpu.dma_semaphore, #tpu.memory_space<semaphore_mem>>) src(%arg9 : memref<128x128xf32, #tpu.memory_space<vmem>>) dst(%dma_wait3A_90 : memref<10240x128xf32, #tpu.memory_space<vmem_shared>>)
        tpu.yield
      }) : () -> ()
    }
    %while3A_34 = arith.constant 1 : i32
    scf.for %while3A_40 = %while3A_32 to %while3A_28 step %while3A_34  : i32 {
      %mul3A_41 = arith.muli %while3A_40, %while3A : i32
      %add3A_42 = arith.addi %while3A_25, %mul3A_41 : i32
      %mul3A_43 = arith.constant 16 : i32
      %mul3A_44 = arith.muli %add3A_42, %mul3A_43 : i32
      %add3A_45 = arith.addi %select_n3A_18, %mul3A_44 : i32
      "tpu.region"() ({
        %run_scoped3A_78 = tpu.sem_alloc : memref<!tpu.dma_semaphore, #tpu.memory_space<semaphore_mem>>
        %dma_start3A_79 = arith.constant 0 : i32
        %dma_start3A_80 = tpu.memref_slice %arg3[%add3A_45, %dma_start3A_79] : memref<2560x128xi32, #tpu.memory_space<hbm>> -> memref<16x128xi32, #tpu.memory_space<hbm>>
        %dma_start3A_81 = arith.constant 0 : i32
        %dma_start3A_82 = tpu.memref_slice %arg3[%add3A_45, %dma_start3A_81] : memref<2560x128xi32, #tpu.memory_space<hbm>> -> memref<16x128xi32, #tpu.memory_space<hbm>>
        tpu.enqueue_dma source(%dma_start3A_82 : memref<16x128xi32, #tpu.memory_space<hbm>>) target(%arg6 : memref<16x128xi32, #tpu.memory_space<vmem>>) target_semaphore(%run_scoped3A_78 : memref<!tpu.dma_semaphore, #tpu.memory_space<semaphore_mem>>)
        %dma_wait3A_83 = arith.constant 0 : i32
        %dma_wait3A_84 = tpu.memref_slice %arg3[%add3A_45, %dma_wait3A_83] : memref<2560x128xi32, #tpu.memory_space<hbm>> -> memref<16x128xi32, #tpu.memory_space<hbm>>
        %dma_wait3A_85 = arith.constant 0 : i32
        %dma_wait3A_86 = tpu.memref_slice %arg3[%add3A_45, %dma_wait3A_85] : memref<2560x128xi32, #tpu.memory_space<hbm>> -> memref<16x128xi32, #tpu.memory_space<hbm>>
        tpu.wait_dma2 semaphore(%run_scoped3A_78 : memref<!tpu.dma_semaphore, #tpu.memory_space<semaphore_mem>>) src(%dma_wait3A_86 : memref<16x128xi32, #tpu.memory_space<hbm>>) dst(%arg6 : memref<16x128xi32, #tpu.memory_space<vmem>>)
        tpu.yield
      }) : () -> ()
      "tpu.region"() ({
        %run_scoped3A_78 = tpu.sem_alloc : memref<!tpu.dma_semaphore, #tpu.memory_space<semaphore_mem>>
        %dma_start3A_79 = arith.constant 0 : i32
        %dma_start3A_80 = tpu.memref_slice %arg4[%add3A_45, %dma_start3A_79] : memref<2560x128xi32, #tpu.memory_space<hbm>> -> memref<16x128xi32, #tpu.memory_space<hbm>>
        %dma_start3A_81 = arith.constant 0 : i32
        %dma_start3A_82 = tpu.memref_slice %arg4[%add3A_45, %dma_start3A_81] : memref<2560x128xi32, #tpu.memory_space<hbm>> -> memref<16x128xi32, #tpu.memory_space<hbm>>
        tpu.enqueue_dma source(%dma_start3A_82 : memref<16x128xi32, #tpu.memory_space<hbm>>) target(%arg7 : memref<16x128xi32, #tpu.memory_space<vmem>>) target_semaphore(%run_scoped3A_78 : memref<!tpu.dma_semaphore, #tpu.memory_space<semaphore_mem>>)
        %dma_wait3A_83 = arith.constant 0 : i32
        %dma_wait3A_84 = tpu.memref_slice %arg4[%add3A_45, %dma_wait3A_83] : memref<2560x128xi32, #tpu.memory_space<hbm>> -> memref<16x128xi32, #tpu.memory_space<hbm>>
        %dma_wait3A_85 = arith.constant 0 : i32
        %dma_wait3A_86 = tpu.memref_slice %arg4[%add3A_45, %dma_wait3A_85] : memref<2560x128xi32, #tpu.memory_space<hbm>> -> memref<16x128xi32, #tpu.memory_space<hbm>>
        tpu.wait_dma2 semaphore(%run_scoped3A_78 : memref<!tpu.dma_semaphore, #tpu.memory_space<semaphore_mem>>) src(%dma_wait3A_86 : memref<16x128xi32, #tpu.memory_space<hbm>>) dst(%arg7 : memref<16x128xi32, #tpu.memory_space<vmem>>)
        tpu.yield
      }) : () -> ()
      %dma_start3A = arith.constant 0 : i32
      %dma_start3A_46 = arith.constant 0 : i32
      %dma_start3A_47 = tpu.memref_slice %arg6[%dma_start3A, %dma_start3A_46] : memref<16x128xi32, #tpu.memory_space<vmem>> -> memref<1x128xi32, #tpu.memory_space<vmem>>
      %dma_start3A_48 = tpu.memref_squeeze %dma_start3A_47 : memref<1x128xi32, #tpu.memory_space<vmem>> -> memref<128xi32, #tpu.memory_space<vmem>>
      %dma_start3A_49 = arith.constant 0 : i32
      %dma_start3A_50 = arith.constant 0 : i32
      %dma_start3A_51 = tpu.memref_slice %arg2[%dma_start3A_49, %dma_start3A_50] : memref<10000x128xf32, #tpu.memory_space<hbm>> -> memref<10000x128xf32, #tpu.memory_space<hbm>>
      tpu.enqueue_indirect_dma source(%dma_start3A_51 : memref<10000x128xf32, #tpu.memory_space<hbm>>) target(%arg8 : memref<128x128xf32, #tpu.memory_space<vmem>>) offsets(%dma_start3A_48 : memref<128xi32, #tpu.memory_space<vmem>>) semaphore(%arg11 : memref<!tpu.dma_semaphore, #tpu.memory_space<semaphore_mem>>)
      %scan3A_52 = arith.constant 0 : i32
      %scan3A_53 = arith.constant 7 : i32
      %scan3A_54 = arith.addi %scan3A_52, %scan3A_53 : i32
      %scan3A_55 = arith.constant 1 : i32
      scf.for %scan3A_78 = %scan3A_52 to %scan3A_54 step %scan3A_55  : i32 {
        %mul3A_79 = arith.constant 2 : i32
        %mul3A_80 = arith.muli %scan3A_78, %mul3A_79 : i32
        %add3A_81 = arith.constant 0 : i32
        %add3A_82 = arith.addi %add3A_81, %mul3A_80 : i32
        %add3A_83 = arith.constant 1 : i32
        %add3A_84 = arith.addi %add3A_82, %add3A_83 : i32
        %dma_start3A_85 = arith.constant 0 : i32
        %dma_start3A_86 = tpu.memref_slice %arg6[%add3A_84, %dma_start3A_85] : memref<16x128xi32, #tpu.memory_space<vmem>> -> memref<1x128xi32, #tpu.memory_space<vmem>>
        %dma_start3A_87 = tpu.memref_squeeze %dma_start3A_86 : memref<1x128xi32, #tpu.memory_space<vmem>> -> memref<128xi32, #tpu.memory_space<vmem>>
        %dma_start3A_88 = arith.constant 0 : i32
        %dma_start3A_89 = arith.constant 0 : i32
        %dma_start3A_90 = tpu.memref_slice %arg2[%dma_start3A_88, %dma_start3A_89] : memref<10000x128xf32, #tpu.memory_space<hbm>> -> memref<10000x128xf32, #tpu.memory_space<hbm>>
        tpu.enqueue_indirect_dma source(%dma_start3A_90 : memref<10000x128xf32, #tpu.memory_space<hbm>>) target(%arg9 : memref<128x128xf32, #tpu.memory_space<vmem>>) offsets(%dma_start3A_87 : memref<128xi32, #tpu.memory_space<vmem>>) semaphore(%arg12 : memref<!tpu.dma_semaphore, #tpu.memory_space<semaphore_mem>>)
        %dma_wait3A_91 = arith.constant 0 : i32
        %dma_wait3A_92 = tpu.memref_slice %arg6[%add3A_82, %dma_wait3A_91] : memref<16x128xi32, #tpu.memory_space<vmem>> -> memref<1x128xi32, #tpu.memory_space<vmem>>
        %dma_wait3A_93 = tpu.memref_squeeze %dma_wait3A_92 : memref<1x128xi32, #tpu.memory_space<vmem>> -> memref<128xi32, #tpu.memory_space<vmem>>
        %dma_wait3A_94 = arith.constant 0 : i32
        %dma_wait3A_95 = arith.constant 0 : i32
        %dma_wait3A_96 = tpu.memref_slice %arg2[%dma_wait3A_94, %dma_wait3A_95] : memref<10000x128xf32, #tpu.memory_space<hbm>> -> memref<10000x128xf32, #tpu.memory_space<hbm>>
        tpu.wait_indirect_dma semaphore(%arg11 : memref<!tpu.dma_semaphore, #tpu.memory_space<semaphore_mem>>) src(%dma_wait3A_96 : memref<10000x128xf32, #tpu.memory_space<hbm>>) dst(%arg8 : memref<128x128xf32, #tpu.memory_space<vmem>>)
        "tpu.region"() ({
          %run_scoped3A_115 = tpu.sem_alloc : memref<!tpu.dma_semaphore, #tpu.memory_space<semaphore_mem>>
          %dma_start3A_116 = arith.constant 0 : i32
          %dma_start3A_117 = tpu.memref_slice %arg7[%add3A_82, %dma_start3A_116] : memref<16x128xi32, #tpu.memory_space<vmem>> -> memref<1x128xi32, #tpu.memory_space<vmem>>
          %dma_start3A_118 = tpu.memref_squeeze %dma_start3A_117 : memref<1x128xi32, #tpu.memory_space<vmem>> -> memref<128xi32, #tpu.memory_space<vmem>>
          %dma_start3A_119 = arith.constant 0 : i32
          %dma_start3A_120 = arith.constant 0 : i32
          %dma_start3A_121 = tpu.memref_slice %arg10[%dma_start3A_119, %dma_start3A_120] : memref<10240x128xf32, #tpu.memory_space<vmem_shared>> -> memref<10240x128xf32, #tpu.memory_space<vmem_shared>>
          tpu.enqueue_indirect_dma source(%arg8 : memref<128x128xf32, #tpu.memory_space<vmem>>) target(%dma_start3A_121 : memref<10240x128xf32, #tpu.memory_space<vmem_shared>>) offsets(%dma_start3A_118 : memref<128xi32, #tpu.memory_space<vmem>>) semaphore(%run_scoped3A_115 : memref<!tpu.dma_semaphore, #tpu.memory_space<semaphore_mem>>) {add = true}
          %dma_wait3A_122 = arith.constant 0 : i32
          %dma_wait3A_123 = tpu.memref_slice %arg7[%add3A_82, %dma_wait3A_122] : memref<16x128xi32, #tpu.memory_space<vmem>> -> memref<1x128xi32, #tpu.memory_space<vmem>>
          %dma_wait3A_124 = tpu.memref_squeeze %dma_wait3A_123 : memref<1x128xi32, #tpu.memory_space<vmem>> -> memref<128xi32, #tpu.memory_space<vmem>>
          %dma_wait3A_125 = arith.constant 0 : i32
          %dma_wait3A_126 = arith.constant 0 : i32
          %dma_wait3A_127 = tpu.memref_slice %arg10[%dma_wait3A_125, %dma_wait3A_126] : memref<10240x128xf32, #tpu.memory_space<vmem_shared>> -> memref<10240x128xf32, #tpu.memory_space<vmem_shared>>
          tpu.wait_indirect_dma semaphore(%run_scoped3A_115 : memref<!tpu.dma_semaphore, #tpu.memory_space<semaphore_mem>>) src(%arg8 : memref<128x128xf32, #tpu.memory_space<vmem>>) dst(%dma_wait3A_127 : memref<10240x128xf32, #tpu.memory_space<vmem_shared>>)
          tpu.yield
        }) : () -> ()
        %add3A_97 = arith.constant 2 : i32
        %add3A_98 = arith.addi %add3A_82, %add3A_97 : i32
        %dma_start3A_99 = arith.constant 0 : i32
        %dma_start3A_100 = tpu.memref_slice %arg6[%add3A_98, %dma_start3A_99] : memref<16x128xi32, #tpu.memory_space<vmem>> -> memref<1x128xi32, #tpu.memory_space<vmem>>
        %dma_start3A_101 = tpu.memref_squeeze %dma_start3A_100 : memref<1x128xi32, #tpu.memory_space<vmem>> -> memref<128xi32, #tpu.memory_space<vmem>>
        %dma_start3A_102 = arith.constant 0 : i32
        %dma_start3A_103 = arith.constant 0 : i32
        %dma_start3A_104 = tpu.memref_slice %arg2[%dma_start3A_102, %dma_start3A_103] : memref<10000x128xf32, #tpu.memory_space<hbm>> -> memref<10000x128xf32, #tpu.memory_space<hbm>>
        tpu.enqueue_indirect_dma source(%dma_start3A_104 : memref<10000x128xf32, #tpu.memory_space<hbm>>) target(%arg8 : memref<128x128xf32, #tpu.memory_space<vmem>>) offsets(%dma_start3A_101 : memref<128xi32, #tpu.memory_space<vmem>>) semaphore(%arg11 : memref<!tpu.dma_semaphore, #tpu.memory_space<semaphore_mem>>)
        %add3A_105 = arith.constant 1 : i32
        %add3A_106 = arith.addi %add3A_82, %add3A_105 : i32
        %dma_wait3A_107 = arith.constant 0 : i32
        %dma_wait3A_108 = tpu.memref_slice %arg6[%add3A_106, %dma_wait3A_107] : memref<16x128xi32, #tpu.memory_space<vmem>> -> memref<1x128xi32, #tpu.memory_space<vmem>>
        %dma_wait3A_109 = tpu.memref_squeeze %dma_wait3A_108 : memref<1x128xi32, #tpu.memory_space<vmem>> -> memref<128xi32, #tpu.memory_space<vmem>>
        %dma_wait3A_110 = arith.constant 0 : i32
        %dma_wait3A_111 = arith.constant 0 : i32
        %dma_wait3A_112 = tpu.memref_slice %arg2[%dma_wait3A_110, %dma_wait3A_111] : memref<10000x128xf32, #tpu.memory_space<hbm>> -> memref<10000x128xf32, #tpu.memory_space<hbm>>
        tpu.wait_indirect_dma semaphore(%arg12 : memref<!tpu.dma_semaphore, #tpu.memory_space<semaphore_mem>>) src(%dma_wait3A_112 : memref<10000x128xf32, #tpu.memory_space<hbm>>) dst(%arg9 : memref<128x128xf32, #tpu.memory_space<vmem>>)
        %add3A_113 = arith.constant 1 : i32
        %add3A_114 = arith.addi %add3A_82, %add3A_113 : i32
        "tpu.region"() ({
          %run_scoped3A_115 = tpu.sem_alloc : memref<!tpu.dma_semaphore, #tpu.memory_space<semaphore_mem>>
          %dma_start3A_116 = arith.constant 0 : i32
          %dma_start3A_117 = tpu.memref_slice %arg7[%add3A_114, %dma_start3A_116] : memref<16x128xi32, #tpu.memory_space<vmem>> -> memref<1x128xi32, #tpu.memory_space<vmem>>
          %dma_start3A_118 = tpu.memref_squeeze %dma_start3A_117 : memref<1x128xi32, #tpu.memory_space<vmem>> -> memref<128xi32, #tpu.memory_space<vmem>>
          %dma_start3A_119 = arith.constant 0 : i32
          %dma_start3A_120 = arith.constant 0 : i32
          %dma_start3A_121 = tpu.memref_slice %arg10[%dma_start3A_119, %dma_start3A_120] : memref<10240x128xf32, #tpu.memory_space<vmem_shared>> -> memref<10240x128xf32, #tpu.memory_space<vmem_shared>>
          tpu.enqueue_indirect_dma source(%arg9 : memref<128x128xf32, #tpu.memory_space<vmem>>) target(%dma_start3A_121 : memref<10240x128xf32, #tpu.memory_space<vmem_shared>>) offsets(%dma_start3A_118 : memref<128xi32, #tpu.memory_space<vmem>>) semaphore(%run_scoped3A_115 : memref<!tpu.dma_semaphore, #tpu.memory_space<semaphore_mem>>) {add = true}
          %dma_wait3A_122 = arith.constant 0 : i32
          %dma_wait3A_123 = tpu.memref_slice %arg7[%add3A_114, %dma_wait3A_122] : memref<16x128xi32, #tpu.memory_space<vmem>> -> memref<1x128xi32, #tpu.memory_space<vmem>>
          %dma_wait3A_124 = tpu.memref_squeeze %dma_wait3A_123 : memref<1x128xi32, #tpu.memory_space<vmem>> -> memref<128xi32, #tpu.memory_space<vmem>>
          %dma_wait3A_125 = arith.constant 0 : i32
          %dma_wait3A_126 = arith.constant 0 : i32
          %dma_wait3A_127 = tpu.memref_slice %arg10[%dma_wait3A_125, %dma_wait3A_126] : memref<10240x128xf32, #tpu.memory_space<vmem_shared>> -> memref<10240x128xf32, #tpu.memory_space<vmem_shared>>
          tpu.wait_indirect_dma semaphore(%run_scoped3A_115 : memref<!tpu.dma_semaphore, #tpu.memory_space<semaphore_mem>>) src(%arg9 : memref<128x128xf32, #tpu.memory_space<vmem>>) dst(%dma_wait3A_127 : memref<10240x128xf32, #tpu.memory_space<vmem_shared>>)
          tpu.yield
        }) : () -> ()
      }
      %scan3A_56 = arith.constant 7 : i32
      %dma_start3A_57 = arith.constant 15 : i32
      %dma_start3A_58 = arith.constant 0 : i32
      %dma_start3A_59 = tpu.memref_slice %arg6[%dma_start3A_57, %dma_start3A_58] : memref<16x128xi32, #tpu.memory_space<vmem>> -> memref<1x128xi32, #tpu.memory_space<vmem>>
      %dma_start3A_60 = tpu.memref_squeeze %dma_start3A_59 : memref<1x128xi32, #tpu.memory_space<vmem>> -> memref<128xi32, #tpu.memory_space<vmem>>
      %dma_start3A_61 = arith.constant 0 : i32
      %dma_start3A_62 = arith.constant 0 : i32
      %dma_start3A_63 = tpu.memref_slice %arg2[%dma_start3A_61, %dma_start3A_62] : memref<10000x128xf32, #tpu.memory_space<hbm>> -> memref<10000x128xf32, #tpu.memory_space<hbm>>
      tpu.enqueue_indirect_dma source(%dma_start3A_63 : memref<10000x128xf32, #tpu.memory_space<hbm>>) target(%arg9 : memref<128x128xf32, #tpu.memory_space<vmem>>) offsets(%dma_start3A_60 : memref<128xi32, #tpu.memory_space<vmem>>) semaphore(%arg12 : memref<!tpu.dma_semaphore, #tpu.memory_space<semaphore_mem>>)
      %dma_wait3A = arith.constant 14 : i32
      %dma_wait3A_64 = arith.constant 0 : i32
      %dma_wait3A_65 = tpu.memref_slice %arg6[%dma_wait3A, %dma_wait3A_64] : memref<16x128xi32, #tpu.memory_space<vmem>> -> memref<1x128xi32, #tpu.memory_space<vmem>>
      %dma_wait3A_66 = tpu.memref_squeeze %dma_wait3A_65 : memref<1x128xi32, #tpu.memory_space<vmem>> -> memref<128xi32, #tpu.memory_space<vmem>>
      %dma_wait3A_67 = arith.constant 0 : i32
      %dma_wait3A_68 = arith.constant 0 : i32
      %dma_wait3A_69 = tpu.memref_slice %arg2[%dma_wait3A_67, %dma_wait3A_68] : memref<10000x128xf32, #tpu.memory_space<hbm>> -> memref<10000x128xf32, #tpu.memory_space<hbm>>
      tpu.wait_indirect_dma semaphore(%arg11 : memref<!tpu.dma_semaphore, #tpu.memory_space<semaphore_mem>>) src(%dma_wait3A_69 : memref<10000x128xf32, #tpu.memory_space<hbm>>) dst(%arg8 : memref<128x128xf32, #tpu.memory_space<vmem>>)
      %run_scoped3A = arith.constant 14 : i32
      "tpu.region"() ({
        %run_scoped3A_78 = tpu.sem_alloc : memref<!tpu.dma_semaphore, #tpu.memory_space<semaphore_mem>>
        %dma_start3A_79 = arith.constant 0 : i32
        %dma_start3A_80 = tpu.memref_slice %arg7[%run_scoped3A, %dma_start3A_79] : memref<16x128xi32, #tpu.memory_space<vmem>> -> memref<1x128xi32, #tpu.memory_space<vmem>>
        %dma_start3A_81 = tpu.memref_squeeze %dma_start3A_80 : memref<1x128xi32, #tpu.memory_space<vmem>> -> memref<128xi32, #tpu.memory_space<vmem>>
        %dma_start3A_82 = arith.constant 0 : i32
        %dma_start3A_83 = arith.constant 0 : i32
        %dma_start3A_84 = tpu.memref_slice %arg10[%dma_start3A_82, %dma_start3A_83] : memref<10240x128xf32, #tpu.memory_space<vmem_shared>> -> memref<10240x128xf32, #tpu.memory_space<vmem_shared>>
        tpu.enqueue_indirect_dma source(%arg8 : memref<128x128xf32, #tpu.memory_space<vmem>>) target(%dma_start3A_84 : memref<10240x128xf32, #tpu.memory_space<vmem_shared>>) offsets(%dma_start3A_81 : memref<128xi32, #tpu.memory_space<vmem>>) semaphore(%run_scoped3A_78 : memref<!tpu.dma_semaphore, #tpu.memory_space<semaphore_mem>>) {add = true}
        %dma_wait3A_85 = arith.constant 0 : i32
        %dma_wait3A_86 = tpu.memref_slice %arg7[%run_scoped3A, %dma_wait3A_85] : memref<16x128xi32, #tpu.memory_space<vmem>> -> memref<1x128xi32, #tpu.memory_space<vmem>>
        %dma_wait3A_87 = tpu.memref_squeeze %dma_wait3A_86 : memref<1x128xi32, #tpu.memory_space<vmem>> -> memref<128xi32, #tpu.memory_space<vmem>>
        %dma_wait3A_88 = arith.constant 0 : i32
        %dma_wait3A_89 = arith.constant 0 : i32
        %dma_wait3A_90 = tpu.memref_slice %arg10[%dma_wait3A_88, %dma_wait3A_89] : memref<10240x128xf32, #tpu.memory_space<vmem_shared>> -> memref<10240x128xf32, #tpu.memory_space<vmem_shared>>
        tpu.wait_indirect_dma semaphore(%run_scoped3A_78 : memref<!tpu.dma_semaphore, #tpu.memory_space<semaphore_mem>>) src(%arg8 : memref<128x128xf32, #tpu.memory_space<vmem>>) dst(%dma_wait3A_90 : memref<10240x128xf32, #tpu.memory_space<vmem_shared>>)
        tpu.yield
      }) : () -> ()
      %dma_wait3A_70 = arith.constant 15 : i32
      %dma_wait3A_71 = arith.constant 0 : i32
      %dma_wait3A_72 = tpu.memref_slice %arg6[%dma_wait3A_70, %dma_wait3A_71] : memref<16x128xi32, #tpu.memory_space<vmem>> -> memref<1x128xi32, #tpu.memory_space<vmem>>
      %dma_wait3A_73 = tpu.memref_squeeze %dma_wait3A_72 : memref<1x128xi32, #tpu.memory_space<vmem>> -> memref<128xi32, #tpu.memory_space<vmem>>
      %dma_wait3A_74 = arith.constant 0 : i32
      %dma_wait3A_75 = arith.constant 0 : i32
      %dma_wait3A_76 = tpu.memref_slice %arg2[%dma_wait3A_74, %dma_wait3A_75] : memref<10000x128xf32, #tpu.memory_space<hbm>> -> memref<10000x128xf32, #tpu.memory_space<hbm>>
      tpu.wait_indirect_dma semaphore(%arg12 : memref<!tpu.dma_semaphore, #tpu.memory_space<semaphore_mem>>) src(%dma_wait3A_76 : memref<10000x128xf32, #tpu.memory_space<hbm>>) dst(%arg9 : memref<128x128xf32, #tpu.memory_space<vmem>>)
      %run_scoped3A_77 = arith.constant 15 : i32
      "tpu.region"() ({
        %run_scoped3A_78 = tpu.sem_alloc : memref<!tpu.dma_semaphore, #tpu.memory_space<semaphore_mem>>
        %dma_start3A_79 = arith.constant 0 : i32
        %dma_start3A_80 = tpu.memref_slice %arg7[%run_scoped3A_77, %dma_start3A_79] : memref<16x128xi32, #tpu.memory_space<vmem>> -> memref<1x128xi32, #tpu.memory_space<vmem>>
        %dma_start3A_81 = tpu.memref_squeeze %dma_start3A_80 : memref<1x128xi32, #tpu.memory_space<vmem>> -> memref<128xi32, #tpu.memory_space<vmem>>
        %dma_start3A_82 = arith.constant 0 : i32
        %dma_start3A_83 = arith.constant 0 : i32
        %dma_start3A_84 = tpu.memref_slice %arg10[%dma_start3A_82, %dma_start3A_83] : memref<10240x128xf32, #tpu.memory_space<vmem_shared>> -> memref<10240x128xf32, #tpu.memory_space<vmem_shared>>
        tpu.enqueue_indirect_dma source(%arg9 : memref<128x128xf32, #tpu.memory_space<vmem>>) target(%dma_start3A_84 : memref<10240x128xf32, #tpu.memory_space<vmem_shared>>) offsets(%dma_start3A_81 : memref<128xi32, #tpu.memory_space<vmem>>) semaphore(%run_scoped3A_78 : memref<!tpu.dma_semaphore, #tpu.memory_space<semaphore_mem>>) {add = true}
        %dma_wait3A_85 = arith.constant 0 : i32
        %dma_wait3A_86 = tpu.memref_slice %arg7[%run_scoped3A_77, %dma_wait3A_85] : memref<16x128xi32, #tpu.memory_space<vmem>> -> memref<1x128xi32, #tpu.memory_space<vmem>>
        %dma_wait3A_87 = tpu.memref_squeeze %dma_wait3A_86 : memref<1x128xi32, #tpu.memory_space<vmem>> -> memref<128xi32, #tpu.memory_space<vmem>>
        %dma_wait3A_88 = arith.constant 0 : i32
        %dma_wait3A_89 = arith.constant 0 : i32
        %dma_wait3A_90 = tpu.memref_slice %arg10[%dma_wait3A_88, %dma_wait3A_89] : memref<10240x128xf32, #tpu.memory_space<vmem_shared>> -> memref<10240x128xf32, #tpu.memory_space<vmem_shared>>
        tpu.wait_indirect_dma semaphore(%run_scoped3A_78 : memref<!tpu.dma_semaphore, #tpu.memory_space<semaphore_mem>>) src(%arg9 : memref<128x128xf32, #tpu.memory_space<vmem>>) dst(%dma_wait3A_90 : memref<10240x128xf32, #tpu.memory_space<vmem_shared>>)
        tpu.yield
      }) : () -> ()
    }
    %barrier3A_35 = arith.constant 0 : index
    tpu.barrier barrier_id(%barrier3A_35)
    %mul3A_36 = arith.constant 640 : i32
    %mul3A_37 = arith.muli %arg1, %mul3A_36 : i32
    %mul3A_38 = arith.constant 640 : i32
    %mul3A_39 = arith.muli %arg1, %mul3A_38 : i32
    "tpu.region"() ({
      %run_scoped3A = tpu.sem_alloc : memref<!tpu.dma_semaphore, #tpu.memory_space<semaphore_mem>>
      %dma_start3A = arith.constant 0 : i32
      %dma_start3A_40 = tpu.memref_slice %arg5[%arg0, %mul3A_39, %dma_start3A] : memref<2x10240x128xf32, #tpu.memory_space<hbm>> -> memref<1x640x128xf32, #tpu.memory_space<hbm>>
      %dma_start3A_41 = tpu.memref_squeeze %dma_start3A_40 : memref<1x640x128xf32, #tpu.memory_space<hbm>> -> memref<640x128xf32, #tpu.memory_space<hbm>>
      %dma_start3A_42 = arith.constant 0 : i32
      %dma_start3A_43 = tpu.memref_slice %arg10[%mul3A_37, %dma_start3A_42] : memref<10240x128xf32, #tpu.memory_space<vmem_shared>> -> memref<640x128xf32, #tpu.memory_space<vmem_shared>>
      tpu.enqueue_dma source(%dma_start3A_43 : memref<640x128xf32, #tpu.memory_space<vmem_shared>>) target(%dma_start3A_41 : memref<640x128xf32, #tpu.memory_space<hbm>>) target_semaphore(%run_scoped3A : memref<!tpu.dma_semaphore, #tpu.memory_space<semaphore_mem>>)
      %dma_wait3A = arith.constant 0 : i32
      %dma_wait3A_44 = tpu.memref_slice %arg5[%arg0, %mul3A_39, %dma_wait3A] : memref<2x10240x128xf32, #tpu.memory_space<hbm>> -> memref<1x640x128xf32, #tpu.memory_space<hbm>>
      %dma_wait3A_45 = tpu.memref_squeeze %dma_wait3A_44 : memref<1x640x128xf32, #tpu.memory_space<hbm>> -> memref<640x128xf32, #tpu.memory_space<hbm>>
      %dma_wait3A_46 = arith.constant 0 : i32
      %dma_wait3A_47 = tpu.memref_slice %arg10[%mul3A_37, %dma_wait3A_46] : memref<10240x128xf32, #tpu.memory_space<vmem_shared>> -> memref<640x128xf32, #tpu.memory_space<vmem_shared>>
      tpu.wait_dma2 semaphore(%run_scoped3A : memref<!tpu.dma_semaphore, #tpu.memory_space<semaphore_mem>>) src(%dma_wait3A_47 : memref<640x128xf32, #tpu.memory_space<vmem_shared>>) dst(%dma_wait3A_45 : memref<640x128xf32, #tpu.memory_space<hbm>>)
      tpu.yield
    }) : () -> ()
    return
  }
}

module attributes {stable_mosaic.version = 14 : i64} {
  func.func @_mid_body(%arg0: i32, %arg1: memref<2x2000x128xf32, #tpu.memory_space<vmem>>, %arg2: memref<2000x128xf32, #tpu.memory_space<vmem>>, %arg3: memref<2x2000x128xf32, #tpu.memory_space<vmem>>, %arg4: memref<128x128xf32, #tpu.memory_space<vmem>>, %arg5: memref<1x128xf32, #tpu.memory_space<vmem>>, %arg6: memref<2000x128xf32, #tpu.memory_space<vmem>>) attributes {dimension_semantics = [#tpu.dimension_semantics<arbitrary>], iteration_bounds = array<i64: 5>, scalar_prefetch = 0 : i64, scratch_operands = 0 : i64, tpu.core_type = #tpu.core_type<tc>, window_params = [{transform_indices = @transform_0, window_bounds = array<i64: 2, 2000, 128>}, {transform_indices = @transform_1, window_bounds = array<i64: 2000, 128>}, {transform_indices = @transform_2, window_bounds = array<i64: 2, 2000, 128>}, {pipeline_mode = #tpu.pipeline_mode<synchronous>, transform_indices = @transform_3, window_bounds = array<i64: 128, 128>}, {pipeline_mode = #tpu.pipeline_mode<synchronous>, transform_indices = @transform_4, window_bounds = array<i64: 1, 128>}, {transform_indices = @transform_5, window_bounds = array<i64: 2000, 128>}]} {
    %get3A = arith.constant 0 : index
    %get3A_0 = arith.constant 0 : index
    %get3A_1 = arith.constant 0 : index
    %get3A_2 = vector.load %arg3[%get3A, %get3A_0, %get3A_1] : memref<2x2000x128xf32, #tpu.memory_space<vmem>>, vector<1x2000x1xf32>
    %get3A_3 = vector.shape_cast %get3A_2 : vector<1x2000x1xf32> to vector<2000x1xf32>
    %get3A_4 = arith.constant 1 : index
    %get3A_5 = arith.constant 0 : index
    %get3A_6 = arith.constant 0 : index
    %get3A_7 = vector.load %arg3[%get3A_4, %get3A_5, %get3A_6] : memref<2x2000x128xf32, #tpu.memory_space<vmem>>, vector<1x2000x1xf32>
    %get3A_8 = vector.shape_cast %get3A_7 : vector<1x2000x1xf32> to vector<2000x1xf32>
    %add3A = arith.addf %get3A_3, %get3A_8 : vector<2000x1xf32>
    %add3A_9 = arith.constant 1.000000e+00 : f32
    %add3A_10 = vector.broadcast %add3A_9 : f32 to vector<2000x1xf32>
    %add3A_11 = arith.addf %add3A, %add3A_10 : vector<2000x1xf32>
    %rsqrt3A = math.rsqrt %add3A_11 : vector<2000x1xf32>
    %get3A_12 = arith.constant 0 : index
    %get3A_13 = arith.constant 0 : index
    %get3A_14 = arith.constant 0 : index
    %get3A_15 = vector.load %arg1[%get3A_12, %get3A_13, %get3A_14] : memref<2x2000x128xf32, #tpu.memory_space<vmem>>, vector<1x2000x128xf32>
    %get3A_16 = vector.shape_cast %get3A_15 : vector<1x2000x128xf32> to vector<2000x128xf32>
    %get3A_17 = arith.constant 1 : index
    %get3A_18 = arith.constant 0 : index
    %get3A_19 = arith.constant 0 : index
    %get3A_20 = vector.load %arg1[%get3A_17, %get3A_18, %get3A_19] : memref<2x2000x128xf32, #tpu.memory_space<vmem>>, vector<1x2000x128xf32>
    %get3A_21 = vector.shape_cast %get3A_20 : vector<1x2000x128xf32> to vector<2000x128xf32>
    %add3A_22 = arith.addf %get3A_16, %get3A_21 : vector<2000x128xf32>
    %get3A_23 = arith.constant 0 : index
    %get3A_24 = arith.constant 0 : index
    %get3A_25 = vector.load %arg2[%get3A_23, %get3A_24] : memref<2000x128xf32, #tpu.memory_space<vmem>>, vector<2000x128xf32>
    %add3A_26 = arith.addf %add3A_22, %get3A_25 : vector<2000x128xf32>
    %mul3A = vector.broadcast %rsqrt3A : vector<2000x1xf32> to vector<2000x128xf32>
    %mul3A_27 = arith.mulf %mul3A, %add3A_26 : vector<2000x128xf32>
    %get3A_28 = arith.constant 0 : index
    %get3A_29 = arith.constant 0 : index
    %get3A_30 = vector.load %arg5[%get3A_28, %get3A_29] : memref<1x128xf32, #tpu.memory_space<vmem>>, vector<1x128xf32>
    %add3A_31 = vector.broadcast %get3A_30 : vector<1x128xf32> to vector<2000x128xf32>
    %add3A_32 = arith.addf %mul3A_27, %add3A_31 : vector<2000x128xf32>
    %max3A = arith.constant 0.000000e+00 : f32
    %max3A_33 = vector.broadcast %max3A : f32 to vector<2000x128xf32>
    %max3A_34 = arith.maximumf %add3A_32, %max3A_33 : vector<2000x128xf32>
    %get3A_35 = arith.constant 0 : index
    %get3A_36 = arith.constant 0 : index
    %get3A_37 = vector.load %arg4[%get3A_35, %get3A_36] : memref<128x128xf32, #tpu.memory_space<vmem>>, vector<128x128xf32>
    %dot_general3A = arith.constant dense<0.000000e+00> : vector<2000x128xf32>
    %dot_general3A_38 = tpu.matmul %max3A_34, %get3A_37, %dot_general3A {dimension_numbers = #tpu.dot_dimension_numbers<[1], [0], [0], [1], [0, 0, 1, 1], [], []>, transpose_lhs_hint = false} : vector<2000x128xf32>, vector<128x128xf32>, vector<2000x128xf32> -> vector<2000x128xf32>
    %mul3A_39 = vector.broadcast %rsqrt3A : vector<2000x1xf32> to vector<2000x128xf32>
    %mul3A_40 = arith.mulf %mul3A_39, %dot_general3A_38 : vector<2000x128xf32>
    %swap3A = arith.constant 0 : index
    %swap3A_41 = arith.constant 0 : index
    %swap3A_42 = vector.load %arg6[%swap3A, %swap3A_41] : memref<2000x128xf32, #tpu.memory_space<vmem>>, vector<2000x128xf32>
    tpu.vector_store %arg6[%swap3A, %swap3A_41], %mul3A_40 {strides = array<i32>} : memref<2000x128xf32, #tpu.memory_space<vmem>>, vector<2000x128xf32>,
    return
  }
  func.func @transform_0(%arg0: i32) -> (i32, i32, i32) {
    %c0_i32 = arith.constant 0 : i32
    %c0_i32_0 = arith.constant 0 : i32
    %c0_i32_1 = arith.constant 0 : i32
    return %c0_i32, %arg0, %c0_i32_0 : i32, i32, i32
  }
  func.func @transform_1(%arg0: i32) -> (i32, i32) {
    %c0_i32 = arith.constant 0 : i32
    %c0_i32_0 = arith.constant 0 : i32
    return %arg0, %c0_i32 : i32, i32
  }
  func.func @transform_2(%arg0: i32) -> (i32, i32, i32) {
    %c0_i32 = arith.constant 0 : i32
    %c0_i32_0 = arith.constant 0 : i32
    %c0_i32_1 = arith.constant 0 : i32
    return %c0_i32, %arg0, %c0_i32_0 : i32, i32, i32
  }
  func.func @transform_3(%arg0: i32) -> (i32, i32) {
    %c0_i32 = arith.constant 0 : i32
    %c0_i32_0 = arith.constant 0 : i32
    %c0_i32_1 = arith.constant 0 : i32
    return %c0_i32, %c0_i32_0 : i32, i32
  }
  func.func @transform_4(%arg0: i32) -> (i32, i32) {
    %c0_i32 = arith.constant 0 : i32
    %c0_i32_0 = arith.constant 0 : i32
    %c0_i32_1 = arith.constant 0 : i32
    return %c0_i32, %c0_i32_0 : i32, i32
  }
  func.func @transform_5(%arg0: i32) -> (i32, i32) {
    %c0_i32 = arith.constant 0 : i32
    %c0_i32_0 = arith.constant 0 : i32
    return %arg0, %c0_i32 : i32, i32
  }
}

module attributes {stable_mosaic.version = 14 : i64} {
  func.func @_pre_body(%arg0: i32, %arg1: memref<2000x128xf32, #tpu.memory_space<vmem>>, %arg2: memref<128x128xf32, #tpu.memory_space<vmem>>, %arg3: memref<2x2000x128xf32, #tpu.memory_space<vmem>>, %arg4: memref<2000x128xf32, #tpu.memory_space<vmem>>) attributes {dimension_semantics = [#tpu.dimension_semantics<arbitrary>], iteration_bounds = array<i64: 5>, scalar_prefetch = 0 : i64, scratch_operands = 0 : i64, tpu.core_type = #tpu.core_type<tc>, window_params = [{transform_indices = @transform_0, window_bounds = array<i64: 2000, 128>}, {pipeline_mode = #tpu.pipeline_mode<synchronous>, transform_indices = @transform_1, window_bounds = array<i64: 128, 128>}, {transform_indices = @transform_2, window_bounds = array<i64: 2, 2000, 128>}, {transform_indices = @transform_3, window_bounds = array<i64: 2000, 128>}]} {
    %get3A = arith.constant 0 : index
    %get3A_0 = arith.constant 0 : index
    %get3A_1 = arith.constant 0 : index
    %get3A_2 = vector.load %arg3[%get3A, %get3A_0, %get3A_1] : memref<2x2000x128xf32, #tpu.memory_space<vmem>>, vector<1x2000x1xf32>
    %get3A_3 = vector.shape_cast %get3A_2 : vector<1x2000x1xf32> to vector<2000x1xf32>
    %get3A_4 = arith.constant 1 : index
    %get3A_5 = arith.constant 0 : index
    %get3A_6 = arith.constant 0 : index
    %get3A_7 = vector.load %arg3[%get3A_4, %get3A_5, %get3A_6] : memref<2x2000x128xf32, #tpu.memory_space<vmem>>, vector<1x2000x1xf32>
    %get3A_8 = vector.shape_cast %get3A_7 : vector<1x2000x1xf32> to vector<2000x1xf32>
    %add3A = arith.addf %get3A_3, %get3A_8 : vector<2000x1xf32>
    %add3A_9 = arith.constant 1.000000e+00 : f32
    %add3A_10 = vector.broadcast %add3A_9 : f32 to vector<2000x1xf32>
    %add3A_11 = arith.addf %add3A, %add3A_10 : vector<2000x1xf32>
    %rsqrt3A = math.rsqrt %add3A_11 : vector<2000x1xf32>
    %get3A_12 = arith.constant 0 : index
    %get3A_13 = arith.constant 0 : index
    %get3A_14 = vector.load %arg1[%get3A_12, %get3A_13] : memref<2000x128xf32, #tpu.memory_space<vmem>>, vector<2000x128xf32>
    %get3A_15 = arith.constant 0 : index
    %get3A_16 = arith.constant 0 : index
    %get3A_17 = vector.load %arg2[%get3A_15, %get3A_16] : memref<128x128xf32, #tpu.memory_space<vmem>>, vector<128x128xf32>
    %dot_general3A = arith.constant dense<0.000000e+00> : vector<2000x128xf32>
    %dot_general3A_18 = tpu.matmul %get3A_14, %get3A_17, %dot_general3A {dimension_numbers = #tpu.dot_dimension_numbers<[1], [0], [0], [1], [0, 0, 1, 1], [], []>, transpose_lhs_hint = false} : vector<2000x128xf32>, vector<128x128xf32>, vector<2000x128xf32> -> vector<2000x128xf32>
    %mul3A = vector.broadcast %rsqrt3A : vector<2000x1xf32> to vector<2000x128xf32>
    %mul3A_19 = arith.mulf %mul3A, %dot_general3A_18 : vector<2000x128xf32>
    %swap3A = arith.constant 0 : index
    %swap3A_20 = arith.constant 0 : index
    %swap3A_21 = vector.load %arg4[%swap3A, %swap3A_20] : memref<2000x128xf32, #tpu.memory_space<vmem>>, vector<2000x128xf32>
    tpu.vector_store %arg4[%swap3A, %swap3A_20], %mul3A_19 {strides = array<i32>} : memref<2000x128xf32, #tpu.memory_space<vmem>>, vector<2000x128xf32>,
    return
  }
  func.func @transform_0(%arg0: i32) -> (i32, i32) {
    %c0_i32 = arith.constant 0 : i32
    %c0_i32_0 = arith.constant 0 : i32
    return %arg0, %c0_i32 : i32, i32
  }
  func.func @transform_1(%arg0: i32) -> (i32, i32) {
    %c0_i32 = arith.constant 0 : i32
    %c0_i32_0 = arith.constant 0 : i32
    %c0_i32_1 = arith.constant 0 : i32
    return %c0_i32, %c0_i32_0 : i32, i32
  }
  func.func @transform_2(%arg0: i32) -> (i32, i32, i32) {
    %c0_i32 = arith.constant 0 : i32
    %c0_i32_0 = arith.constant 0 : i32
    %c0_i32_1 = arith.constant 0 : i32
    return %c0_i32, %arg0, %c0_i32_0 : i32, i32, i32
  }
  func.func @transform_3(%arg0: i32) -> (i32, i32) {
    %c0_i32 = arith.constant 0 : i32
    %c0_i32_0 = arith.constant 0 : i32
    return %arg0, %c0_i32 : i32, i32
  }
}

module attributes {stable_mosaic.version = 14 : i64} {
  func.func @_post_body(%arg0: i32, %arg1: memref<2x2000x128xf32, #tpu.memory_space<vmem>>, %arg2: memref<2000x128xf32, #tpu.memory_space<vmem>>, %arg3: memref<2x2000x128xf32, #tpu.memory_space<vmem>>, %arg4: memref<1x128xf32, #tpu.memory_space<vmem>>, %arg5: memref<2000x128xf32, #tpu.memory_space<vmem>>) attributes {dimension_semantics = [#tpu.dimension_semantics<arbitrary>], iteration_bounds = array<i64: 5>, scalar_prefetch = 0 : i64, scratch_operands = 0 : i64, tpu.core_type = #tpu.core_type<tc>, window_params = [{transform_indices = @transform_0, window_bounds = array<i64: 2, 2000, 128>}, {transform_indices = @transform_1, window_bounds = array<i64: 2000, 128>}, {transform_indices = @transform_2, window_bounds = array<i64: 2, 2000, 128>}, {pipeline_mode = #tpu.pipeline_mode<synchronous>, transform_indices = @transform_3, window_bounds = array<i64: 1, 128>}, {transform_indices = @transform_4, window_bounds = array<i64: 2000, 128>}]} {
    %get3A = arith.constant 0 : index
    %get3A_0 = arith.constant 0 : index
    %get3A_1 = arith.constant 0 : index
    %get3A_2 = vector.load %arg3[%get3A, %get3A_0, %get3A_1] : memref<2x2000x128xf32, #tpu.memory_space<vmem>>, vector<1x2000x1xf32>
    %get3A_3 = vector.shape_cast %get3A_2 : vector<1x2000x1xf32> to vector<2000x1xf32>
    %get3A_4 = arith.constant 1 : index
    %get3A_5 = arith.constant 0 : index
    %get3A_6 = arith.constant 0 : index
    %get3A_7 = vector.load %arg3[%get3A_4, %get3A_5, %get3A_6] : memref<2x2000x128xf32, #tpu.memory_space<vmem>>, vector<1x2000x1xf32>
    %get3A_8 = vector.shape_cast %get3A_7 : vector<1x2000x1xf32> to vector<2000x1xf32>
    %add3A = arith.addf %get3A_3, %get3A_8 : vector<2000x1xf32>
    %add3A_9 = arith.constant 1.000000e+00 : f32
    %add3A_10 = vector.broadcast %add3A_9 : f32 to vector<2000x1xf32>
    %add3A_11 = arith.addf %add3A, %add3A_10 : vector<2000x1xf32>
    %rsqrt3A = math.rsqrt %add3A_11 : vector<2000x1xf32>
    %get3A_12 = arith.constant 0 : index
    %get3A_13 = arith.constant 0 : index
    %get3A_14 = arith.constant 0 : index
    %get3A_15 = vector.load %arg1[%get3A_12, %get3A_13, %get3A_14] : memref<2x2000x128xf32, #tpu.memory_space<vmem>>, vector<1x2000x128xf32>
    %get3A_16 = vector.shape_cast %get3A_15 : vector<1x2000x128xf32> to vector<2000x128xf32>
    %get3A_17 = arith.constant 1 : index
    %get3A_18 = arith.constant 0 : index
    %get3A_19 = arith.constant 0 : index
    %get3A_20 = vector.load %arg1[%get3A_17, %get3A_18, %get3A_19] : memref<2x2000x128xf32, #tpu.memory_space<vmem>>, vector<1x2000x128xf32>
    %get3A_21 = vector.shape_cast %get3A_20 : vector<1x2000x128xf32> to vector<2000x128xf32>
    %add3A_22 = arith.addf %get3A_16, %get3A_21 : vector<2000x128xf32>
    %get3A_23 = arith.constant 0 : index
    %get3A_24 = arith.constant 0 : index
    %get3A_25 = vector.load %arg2[%get3A_23, %get3A_24] : memref<2000x128xf32, #tpu.memory_space<vmem>>, vector<2000x128xf32>
    %add3A_26 = arith.addf %add3A_22, %get3A_25 : vector<2000x128xf32>
    %mul3A = vector.broadcast %rsqrt3A : vector<2000x1xf32> to vector<2000x128xf32>
    %mul3A_27 = arith.mulf %mul3A, %add3A_26 : vector<2000x128xf32>
    %get3A_28 = arith.constant 0 : index
    %get3A_29 = arith.constant 0 : index
    %get3A_30 = vector.load %arg4[%get3A_28, %get3A_29] : memref<1x128xf32, #tpu.memory_space<vmem>>, vector<1x128xf32>
    %add3A_31 = vector.broadcast %get3A_30 : vector<1x128xf32> to vector<2000x128xf32>
    %add3A_32 = arith.addf %mul3A_27, %add3A_31 : vector<2000x128xf32>
    %swap3A = arith.constant 0 : index
    %swap3A_33 = arith.constant 0 : index
    %swap3A_34 = vector.load %arg5[%swap3A, %swap3A_33] : memref<2000x128xf32, #tpu.memory_space<vmem>>, vector<2000x128xf32>
    tpu.vector_store %arg5[%swap3A, %swap3A_33], %add3A_32 {strides = array<i32>} : memref<2000x128xf32, #tpu.memory_space<vmem>>, vector<2000x128xf32>,
    return
  }
  func.func @transform_0(%arg0: i32) -> (i32, i32, i32) {
    %c0_i32 = arith.constant 0 : i32
    %c0_i32_0 = arith.constant 0 : i32
    %c0_i32_1 = arith.constant 0 : i32
    return %c0_i32, %arg0, %c0_i32_0 : i32, i32, i32
  }
  func.func @transform_1(%arg0: i32) -> (i32, i32) {
    %c0_i32 = arith.constant 0 : i32
    %c0_i32_0 = arith.constant 0 : i32
    return %arg0, %c0_i32 : i32, i32
  }
  func.func @transform_2(%arg0: i32) -> (i32, i32, i32) {
    %c0_i32 = arith.constant 0 : i32
    %c0_i32_0 = arith.constant 0 : i32
    %c0_i32_1 = arith.constant 0 : i32
    return %c0_i32, %arg0, %c0_i32_0 : i32, i32, i32
  }
  func.func @transform_3(%arg0: i32) -> (i32, i32) {
    %c0_i32 = arith.constant 0 : i32
    %c0_i32_0 = arith.constant 0 : i32
    %c0_i32_1 = arith.constant 0 : i32
    return %c0_i32, %c0_i32_0 : i32, i32
  }
  func.func @transform_4(%arg0: i32) -> (i32, i32) {
    %c0_i32 = arith.constant 0 : i32
    %c0_i32_0 = arith.constant 0 : i32
    return %arg0, %c0_i32 : i32, i32
  }
}

</mosaic_0001>

<sc_bundles>
// kernel: kernel.10.cloned.1.call-start
scs
__scs_entry_jumppad:
0x0: {  	(pc) =	sbr.rel $0x88, $3  }
0x1: {  	(tag) =	ssettag $0x0;
	lr =	simm.s32 $0x1  }
0x2: {  	[smem:$0x3F99] =	sst lr;
	_ =	strace $0xD0000000  }
0x3: {  	_ = 	snop  }
0x4: {  	_ = 	snop  }
0x5: {  	_ = 	snop  }
0x6: {  	_ = 	snop  }
0x7: {  	_ = 	snop  }
__scs_overlays_trampoline_lowered:
0x8: {  	[smem:$0x3FA8] =	sst s0  }
0x9: {  	[smem:$0x3FA9] =	sst s1  }
0xa: {  	[smem:$0x3FAA] =	sst s2  }
0xb: {  	[smem:$0x3FAB] =	sst s3  }
0xc: {  	[smem:$0x3FAC] =	sst s4  }
0xd: {  	[smem:$0x3FAD] =	sst s5  }
0xe: {  	[smem:$0x3FAE] =	sst s6  }
0xf: {  	[smem:$0x3FAF] =	sst s7  }
0x10: {  	[smem:$0x3FB0] =	sst s8  }
0x11: {  	[smem:$0x3FB1] =	sst s9;
	s0 =	simm.s32 @!p0 $0x0  }
0x12: {  	s1 =	sld [smem:$0x3F97];
	s0 =	simm.s32 @p0 $0x1  }
0x13: {  	[smem:$0x3FB2] =	sst s0;
	s0 =	simm.s32 @!p1 $0x0  }
0x14: {  	s2 =	sld [smem:$0x3F96];
	s0 =	simm.s32 @p1 $0x1  }
0x15: {  	[smem:$0x3FB3] =	sst s0;
	s0 =	simm.s32 @!p2 $0x0  }
0x16: {  	s3 =	sld [smem:$0x3FDB];
	s0 =	simm.s32 @p2 $0x1  }
0x17: {  	s4 =	simm.s32 $0x1BF5;
	[smem:$0x3FB5] =	sst s0  }
0x18: {  	s0 =	sld [smem:$0x3F98];
	_ =	swait.ge [sflag:s4], $0x0  }
0x19: {  	s7 =	sld [smem:$0x3F99]  }
0x1a: {  	s8 =	sadd.s32 $0xFFFFE003, lr  }
0x1b: {  	s9 =	sadd.s32 $0xFFFFFEF7, lr;
	s5 =	simm.s32 $0xFFFFFFFF;
	p2 =	slt.u32 s8, $0xFFFFF086  }
0x1c: {  	p1 =	slt.u32 s9, $0xF7A;
	s5 =	simm.s32 @!p2 $0x0  }
0x1d: {  	s5 =	simm.s32 @p1 $0x1;
	p0 =	seq.s32 s7, s2  }
0x1e: {  	s7 =	smul.u32 @!p0 $0xF7A, s2;
	p2 =	seq.s32 @!p0 s5, $0x0  }
0x1f: {  	s9 =	smul.u32 $0xF7A, s1;
	s8 =	simm.s32 @!p0 $0x1BF5;
	p2 =	por !p2, p0  }
0x20: {  	[sflag:s8] =	ssyncset.s32 @!p0 $0xFFFFF086;
	s6 =	sadd.s32 @!p0 s3, s7;
	s7 =	simm.s32 @!p0 $0x108  }
0x21: {  	s3 =	sadd.s32 s3, s9;
	s6 =	sadd.s32 @!p0 $0x88, s6;
	s7 =	simm.s32 @p2 $0x1082  }
0x22: {  	[simem:s7], [sflag:s8] =	dma.local @!p0 [hbm:s6], $0xF7A  }
0x23: {  	s9 =	sor.u32 $0xD0000000, s2;
	s6 =	simm.s32 $0x108;
	_ =	swait.ge @!p0 [sflag:s8], $0x0  }
0x24: {  	s3 =	sadd.s32 $0x88, s3;
	s6 =	simm.s32 @!p1 $0x1082;
	[sflag:s4] =	ssyncset.s32 $0xFFFFF086  }
0x25: {  	[simem:s6], [sflag:s4] =	dma.local [hbm:s3], $0xF7A  }
0x26: {  	[smem:$0x3F99] =	sst s1;
	(tag) =	ssettag s2;
	_ =	strace s9  }
0x27: {  	s1 =	sld [smem:$0x3FA9]  }
0x28: {  	s2 =	sld [smem:$0x3FAA]  }
0x29: {  	s4 =	sld [smem:$0x3FAC]  }
0x2a: {  	p0 =	seq.s32 s5, $0x0;
	s5 =	sld [smem:$0x3FAD]  }
0x2b: {  	s6 =	sld [smem:$0x3FAE]  }
0x2c: {  	s7 =	sld [smem:$0x3FAF]  }
0x2d: {  	s3 =	simm.s32 $0x108;
	s8 =	sld [smem:$0x3FB0]  }
0x2e: {  	s3 =	simm.s32 @!p0 $0x1082;
	s9 =	sld [smem:$0x3FB1]  }
0x2f: {  	lr =	sadd.s32 s0, s3;
	s0 =	sld [smem:$0x3FA8]  }
0x30: {  	s3 =	sld [smem:$0x3FAB]  }
0x31: {  	[smem:$0x3FB4] =	sst s10  }
0x32: {  	s10 =	sld [smem:$0x3FB2];
	_ =	sdelay $0x3  }
0x33: {  	p0 =	seq.s32 s10, $0x1;
	s10 =	sld [smem:$0x3FB4];
	_ =	sdelay $0x3  }
0x34: {  	[smem:$0x3FB4] =	sst s10  }
0x35: {  	s10 =	sld [smem:$0x3FB3];
	_ =	sdelay $0x3  }
0x36: {  	p1 =	seq.s32 s10, $0x1;
	s10 =	sld [smem:$0x3FB4];
	_ =	sdelay $0x3  }
0x37: {  	[smem:$0x3FB4] =	sst s10  }
0x38: {  	s10 =	sld [smem:$0x3FB5]  }
0x39: {  	_ = 	snop;
	(pc) =	sbr.ind lr, $3  }
0x3a: {  	_ = 	snop  }
0x3b: {  	_ = 	snop  }
0x3c: {  	p2 =	seq.s32 s10, $0x1;
	s10 =	sld [smem:$0x3FB4]  }
0x3d: {  	_ =	shalt  }
0x3e: {  	_ =	shalt  }
0x3f: {  	_ =	shalt  }
0x40: {  	_ =	shalt  }
0x41: {  	_ =	shalt  }
0x42: {  	_ =	shalt  }
0x43: {  	_ =	shalt  }
0x44: {  	_ =	shalt  }
0x45: {  	_ =	shalt  }
0x46: {  	_ =	shalt  }
0x47: {  	_ =	shalt  }
0x48: {  	_ =	shalt  }
0x49: {  	_ =	shalt  }
0x4a: {  	_ =	shalt  }
0x4b: {  	_ =	shalt  }
0x4c: {  	_ =	shalt  }
0x4d: {  	_ =	shalt  }
0x4e: {  	_ =	shalt  }
0x4f: {  	_ =	shalt  }
0x50: {  	_ =	shalt  }
0x51: {  	_ =	shalt  }
0x52: {  	_ =	shalt  }
0x53: {  	_ =	shalt  }
0x54: {  	_ =	shalt  }
0x55: {  	_ =	shalt  }
0x56: {  	_ =	shalt  }
0x57: {  	_ =	shalt  }
0x58: {  	_ =	shalt  }
0x59: {  	_ =	shalt  }
0x5a: {  	_ =	shalt  }
0x5b: {  	_ =	shalt  }
0x5c: {  	_ =	shalt  }
0x5d: {  	_ =	shalt  }
0x5e: {  	_ =	shalt  }
0x5f: {  	_ =	shalt  }
0x60: {  	_ =	shalt  }
0x61: {  	_ =	shalt  }
0x62: {  	_ =	shalt  }
0x63: {  	_ =	shalt  }
0x64: {  	_ =	shalt  }
0x65: {  	_ =	shalt  }
0x66: {  	_ =	shalt  }
0x67: {  	_ =	shalt  }
0x68: {  	_ =	shalt  }
0x69: {  	_ =	shalt  }
0x6a: {  	_ =	shalt  }
0x6b: {  	_ =	shalt  }
0x6c: {  	_ =	shalt  }
0x6d: {  	_ =	shalt  }
0x6e: {  	_ =	shalt  }
0x6f: {  	_ =	shalt  }
0x70: {  	_ =	shalt  }
0x71: {  	_ =	shalt  }
0x72: {  	_ =	shalt  }
0x73: {  	_ =	shalt  }
0x74: {  	_ =	shalt  }
0x75: {  	_ =	shalt  }
0x76: {  	_ =	shalt  }
0x77: {  	_ =	shalt  }
0x78: {  	_ =	shalt  }
0x79: {  	_ =	shalt  }
0x7a: {  	_ =	shalt  }
0x7b: {  	_ =	shalt  }
0x7c: {  	_ =	shalt  }
0x7d: {  	_ =	shalt  }
0x7e: {  	_ =	shalt  }
0x7f: {  	_ =	shalt  }
0x80: {  	_ =	shalt  }
0x81: {  	_ =	shalt  }
0x82: {  	_ =	shalt  }
0x83: {  	_ =	shalt  }
0x84: {  	_ =	shalt  }
0x85: {  	_ =	shalt  }
0x86: {  	_ =	shalt  }
0x87: {  	_ =	shalt  }
.Lfunc_end0:
.L_simem_size_0:
called_computation_lowered:
.L_overlay_start_0:
0x88: {  	s2 =	sld [smem:$0x3FD9]  }
0x89: {  	s3 =	sld [smem:$0x3FFE];
	_ =	sdelay $0x1  }
0x8a: {  	s1 =	srdreg.scid  }
0x8b: {  	s0 =	sand.u32 $0x1, s1  }
0x8c: {  	s16 =	sshll.u32 s0, $0xA;
	s2 =	sadd.s32 s3, s2  }
0x8d: {  	s2 =	sadd.s32 s2, s16  }
0x8e: {  	[smem:$0x3FC0] =	sst s2  }
0x8f: {  	_ = 	snop  }
0x90: {  	(tm) =	ssettm $0x1  }
0x91: {  	s17 =	sld [smem:$0x3FFB];
	_ =	sdelay $0x3  }
0x92: {  	_ =	strace s17  }
0x93: {  	s2 =	sld [smem:$0x3FFC];
	_ =	sdelay $0x3  }
0x94: {  	_ =	strace s2  }
0x95: {  	s2 =	sld [smem:$0x3FFD];
	_ =	sdelay $0x3  }
0x96: {  	_ =	strace s2  }
0x97: {  	_ =	strace $0x8FFFFFFF  }
0x98: {  	s18 =	sld [smem:$0x3FDB];
	_ =	sdelay $0x1  }
0x99: {  	s19 =	simm.s32 $_scs_section_size  }
0x9a: {  	s4 =	simm.s32 $_size__tile_overlayer_lowered;
	s5 =	simm.s32 $_tile_overlayer_lowered  }
0x9b: {  	s22 =	simm.s32 $0x1BFF;
	s21 =	sshll.u32 s5, $0x1;
	s2 =	sadd.s32 s19, s18  }
0x9c: {  	s6 =	simm.s32 $0x0;
	s20 =	sshll.u32 s4, $0x1;
	s4 =	sadd.s32 s21, s2  }
0x9d: {  	[timem:s6], [sflag:s22] =	dma.local [hbm:s4], s20  }
0x9e: {  	_ =	swait.ge [sflag:s22], s20  }
0x9f: {  	s3 =	ssub.s32 $0x0, s20;
	[sflag:s22] =	ssyncset.done $0x0  }
0xa0: {  	[sflag:s22] =	ssyncadd.s32 s3;
	_ =	sdelay $0x1  }
0xa1: {  	s23 =	simm.s32 $0x1B8B  }
0xa2: {  	_ =	swait.ge [sflag:s23], $0x1  }
0xa3: {  	[sflag:s23] =	ssyncset.done $0x0  }
0xa4: {  	s25 =	simm.s32 $0x1B8E;
	s24 =	sld [smem:$0x3FFE];
	[sflag:s23] =	ssyncadd.s32 $0xFFFFFFFF  }
0xa5: {  	s26 =	simm.s32 $execute0_lowered;
	[smem:$0x3FD2] =	sst s25  }
0xa6: {  	s4 =	sshll.u32 s26, $0x1;
	_ =	strace $0x80000046;
	[dreg:$0x1] =	wrdreg $0xFFFFFFFF  }
0xa7: {  	s28 =	simm.s32 $_size_execute0_lowered;
	s2 =	sadd.s32 s2, s4;
	[dreg:$0x0] =	wrdreg $0x0  }
0xa8: {  	s4 =	sshll.u32 s28, $0x1;
	[dreg:$0x2] =	wrdreg s2  }
0xa9: {  	[dreg:$0x3] =	wrdreg s4  }
0xaa: {  	[dreg:$0x4] =	wrdreg $0xC0  }
0xab: {  	_ =	task [dreg:s6], $0x5FFFF  }
0xac: {  	[dreg:$0x1] =	wrdreg $0xFFFFFFFF  }
0xad: {  	[dreg:$0x0] =	wrdreg $0x60  }
0xae: {  	[dreg:$0x2] =	wrdreg s24  }
0xaf: {  	[dreg:$0x3] =	wrdreg $0x68000  }
0xb0: {  	[dreg:$0x4] =	wrdreg $0x9  }
0xb1: {  	_ =	task.clear_ibuf [dreg:s6], $0x5FFFF;
	_ =	strace $0x90000046  }
0xb2: {  	s29 =	simm.s32 $0x9;
	_ =	strace $0x80000048  }
0xb3: {  	_ =	swait.ge [sflag:s29], $0x1  }
0xb4: {  	[sflag:s29] =	ssyncadd.s32 $0xFFFFFFFF  }
0xb5: {  	_ =	strace $0x90000048  }
0xb6: {  	_ =	sfence  }
0xb7: {  	s30 =	sld [smem:$0x0];
	_ =	sdelay $0x2  }
0xb8: {  	s31 =	sshll.u32 s1, $0xD;
	s1 =	sshrl.u32 s1, $0x2  }
0xb9: {  	s3 =	sand.u32 $0x4000, s31;
	s1 =	sadd.s32 s1, s30  }
0xba: {  	s0 =	sor.u32 s3, s0;
	s1 =	sshll.u32 s1, $0x11  }
0xbb: {  	s0 =	sor.u32 s1, s0  }
0xbc: {  	s0 =	sadd.s32 $0x8F2B, s0  }
0xbd: {  	[sflag:s0] =	ssyncadd.remote.s32 $0x1  }
0xbe: {  	_ =	sfence.sel $0xFFFF  }
0xbf: {  	[dreg:$0x0] =	wrdreg $0xFFFFFFFF;
	(pc) =	sbr.abs _section_cstart, $3  }
0xc0: {  	[dreg:$0x1] =	wrdreg $0xFFFFFFFF  }
0xc1: {  	_ =	task.clear_ibuf [dreg:s6], $0x2FFFF;
	_ =	strace $0x9FFFFFFF  }
0xc2: {  	(tm) =	ssettm $0x7FFFFFFF  }
0xc3: {  	_ =	shalt  }
tec
execute0_lowered:
.L_overlay_start_1:
0x0: {  	(tag) =	ssettag $0x1  }
0x1: {  	s4 =	rddreg [dreg:$0x0];
	s0 =	srdreg.scid  }
0x2: {  	s2 =	rddreg [dreg:$0x1];
	s1 =	stileid.u32  }
0x3: {  	s3 =	simm.s32 $0x0;
	s12 =	simm.s32 $0x2800;
	s13 =	simm.s32 $0x1  }
0x4: {  	s14 =	simm.s32 $0x80;
	s5 =	sand.u32 $0x1, s0;
	s8 =	smul.u32 $0x14000, s1  }
0x5: {  	s0 =	rddreg [dreg:$0x2];
	s6 =	sshll.u32 s1, $0x1;
	s30 =	smul.u32 $0x50000, s1  }
0x6: {  	[smem:$0x7FF] =	sst s3;
	s15 =	sshll.u32 s1, $0x6;
	s7 =	smul.u32 $0x140000, s5  }
0x7: {  	s6 =	sor.u32 s5, s6;
	_ =	strace $0x80000047;
	s5 =	ssub.s32 $0x2, s5  }
0x8: {  	s15 =	sor.u32 $0x1C01, s15;
	s6 =	smul.u32 $0x500, s6;
	s7 =	sadd.s32 s8, s7  }
0x9: {  	s31 =	sshrl.u32 s5, $0x1;
	s8 =	sshrl.u32 s30, $0x2;
	s7 =	sshrl.u32 s7, $0x3  }
0xa: {  	s9 =	ssub.s32 s5, s31;
	s6 =	sadd.s32 s6, s4;
	s7 =	sadd.s32 s7, s4  }
0xb: {  	s4 =	sadd.s32 s8, s2;
	s5 =	sadd.s32 $0xD800, s6;
	s6 =	sadd.s32 $0x17800, s7  }
0xc: {  	s7 =	smax.u32 s9, $0x1;
	s8 =	sadd.s32 $0x4000, s4;
	s9 =	sadd.s32 $0x8000, s4  }
0xd: {  	v0 =	vimm.f32 $0.0e+00;
	v1 =	vimm.f32 $1.000000000e+00;
	s10 =	sadd.s32 $0xC000, s4;
	s11 =	sadd.s32 $0x10000, s4;
	s16 =	sshrl.u32 s4, $0x3  }
.LBB2_1:
0xe: {  	s17 =	simm.s32 $0x0;
	s18 =	simm.s32 $0x200  }
.LBB2_2:
0xf: {  	p0 =	sne.s32 s18, $0xFE00;
	[tilespmem:s17+$0x2870] =	vst v0  }
0x10: {  	[tilespmem:s17+$0x2800] =	vst v0  }
0x11: {  	[tilespmem:s17+$0x2810] =	vst v0  }
.Ltmp0:
0x12: {  	[tilespmem:s17+$0x2820] =	vst v0;
	(pc) =	sbr.rel @p0 .LBB2_2-.Ltmp0, $4  }
0x13: {  	[tilespmem:s17+$0x2830] =	vst v0  }
0x14: {  	[tilespmem:s17+$0x2840] =	vst v0  }
0x15: {  	[tilespmem:s17+$0x2850] =	vst v0  }
0x16: {  	[tilespmem:s17+$0x2860] =	vst v0;
	s17 =	sshra.s32 s18, $0x2;
	s18 =	sadd.s32 $0x200, s18  }
0x17: {  	[tilespmem:s17+$0x2870] =	vst v0  }
0x18: {  	[tilespmem:s17+$0x2800] =	vst v0  }
0x19: {  	[tilespmem:s17+$0x2810] =	vst v0  }
0x1a: {  	[tilespmem:s17+$0x2820] =	vst v0  }
0x1b: {  	[tilespmem:s17+$0x2830] =	vst v0  }
0x1c: {  	[tilespmem:s17+$0x2840] =	vst v0  }
0x1d: {  	[tilespmem:s17+$0x2850] =	vst v0  }
0x1e: {  	[tilespmem:s17+$0x2860] =	vst v0  }
0x1f: {  	[spmem:s4] =	stream.linear.scatter [tilespmem:s12], [sflag:$0x1], $0x4000, $0x38;
	[tilespmem:$0x1A800] =	vst v63  }
0x20: {  	_ =	swait.ge [sflag:s13], $0x4000  }
0x21: {  	[sflag:s13] =	ssyncset.done $0x0  }
0x22: {  	[sflag:s13] =	ssyncadd.s32 $0xFFFFC000  }
0x23: {  	[spmem:s8] =	stream.linear.scatter [tilespmem:s12], [sflag:$0x1], $0x4000, $0x38;
	[tilespmem:$0x1A800] =	vst v63  }
0x24: {  	_ =	swait.ge [sflag:s13], $0x4000  }
0x25: {  	[sflag:s13] =	ssyncset.done $0x0  }
0x26: {  	[sflag:s13] =	ssyncadd.s32 $0xFFFFC000  }
0x27: {  	[spmem:s9] =	stream.linear.scatter [tilespmem:s12], [sflag:$0x1], $0x4000, $0x38;
	[tilespmem:$0x1A800] =	vst v63  }
0x28: {  	_ =	swait.ge [sflag:s13], $0x4000  }
0x29: {  	[sflag:s13] =	ssyncset.done $0x0  }
0x2a: {  	[sflag:s13] =	ssyncadd.s32 $0xFFFFC000  }
0x2b: {  	[spmem:s10] =	stream.linear.scatter [tilespmem:s12], [sflag:$0x1], $0x4000, $0x38;
	[tilespmem:$0x1A800] =	vst v63  }
0x2c: {  	_ =	swait.ge [sflag:s13], $0x4000  }
0x2d: {  	[sflag:s13] =	ssyncset.done $0x0  }
0x2e: {  	[sflag:s13] =	ssyncadd.s32 $0xFFFFC000  }
0x2f: {  	[spmem:s11] =	stream.linear.scatter [tilespmem:s12], [sflag:$0x1], $0x4000, $0x38;
	[tilespmem:$0x1A800] =	vst v63  }
0x30: {  	_ =	swait.ge [sflag:s13], $0x4000  }
0x31: {  	[sflag:s13] =	ssyncset.done $0x0  }
0x32: {  	s17 =	simm.s32 $0x0;
	s18 =	simm.s32 $0x200;
	[sflag:s13] =	ssyncadd.s32 $0xFFFFC000  }
.LBB2_4:
0x33: {  	p0 =	sne.s32 s18, $0xFE00;
	[tilespmem:s17+$0x2870] =	vst v1  }
0x34: {  	[tilespmem:s17+$0x2800] =	vst v1  }
0x35: {  	[tilespmem:s17+$0x2810] =	vst v1  }
.Ltmp1:
0x36: {  	[tilespmem:s17+$0x2820] =	vst v1;
	(pc) =	sbr.rel @p0 .LBB2_4-.Ltmp1, $4  }
0x37: {  	[tilespmem:s17+$0x2830] =	vst v1  }
0x38: {  	[tilespmem:s17+$0x2840] =	vst v1  }
0x39: {  	[tilespmem:s17+$0x2850] =	vst v1  }
0x3a: {  	[tilespmem:s17+$0x2860] =	vst v1;
	s17 =	sshra.s32 s18, $0x2;
	s18 =	sadd.s32 $0x200, s18  }
0x3b: {  	[tilespmem:s17+$0x2870] =	vst v1  }
0x3c: {  	[tilespmem:s17+$0x2800] =	vst v1  }
0x3d: {  	[tilespmem:s17+$0x2810] =	vst v1  }
0x3e: {  	[tilespmem:s17+$0x2820] =	vst v1  }
0x3f: {  	[tilespmem:s17+$0x2830] =	vst v1  }
0x40: {  	[tilespmem:s17+$0x2840] =	vst v1  }
0x41: {  	[tilespmem:s17+$0x2850] =	vst v1  }
0x42: {  	[tilespmem:s17+$0x2860] =	vst v1;
	s30 =	simm.s32 $0x0  }
0x43: {  	[tilespmem:s30], [sflag:$0x1] =	stream.linear.gather [hbm4b:s5+s30], $0x2800, $0x38;
	[tilespmem:$0x1A800] =	vst v63  }
0x44: {  	_ =	swait.ge [sflag:s13], $0x2800  }
0x45: {  	[sflag:s13] =	ssyncset.done $0x0  }
0x46: {  	[sflag:s13] =	ssyncadd.s32 $0xFFFFD800  }
0x47: {  	s31 =	simm.s32 $0x0;
	[bflag:$0x0] =	sbarrier.arrive $0xFFFF  }
0x48: {  	[spmem:s2] =	stream.indirect.scatter.add.f32 [tilespmem:s12], [sflag:$0x1], $0x80, s31, s14, $0xb8;
	[tilespmem:$0x1A800] =	vst v63  }
0x49: {  	_ =	swait.ge [sflag:s13], $0x4000  }
0x4a: {  	s17 =	simm.s32 $0x200;
	[sflag:s13] =	ssyncset.done $0x0  }
.LBB2_6:
0x4b: {  	s18 =	sshra.s32 s17, $0x2;
	[sflag:s13] =	ssyncadd.s32 $0xFFFFC000;
	p0 =	sne.s32 s17, $0x9E00  }
0x4c: {  	[spmem:s2] =	stream.indirect.scatter.add.f32 [tilespmem:s12], [sflag:$0x1], $0x80, s18, s14, $0xb8;
	[tilespmem:$0x1A800] =	vst v63  }
.Ltmp2:
0x4d: {  	_ = 	snop;
	(pc) =	sbr.rel @p0 .LBB2_6-.Ltmp2, $4  }
0x4e: {  	_ = 	snop  }
0x4f: {  	s17 =	sadd.s32 $0x200, s17  }
0x50: {  	_ =	swait.ge [sflag:s13], $0x4000  }
0x51: {  	[sflag:s13] =	ssyncset.done $0x0  }
0x52: {  	s3 =	sadd.s32 $0x1, s3  }
0x53: {  	[sflag:s13] =	ssyncadd.s32 $0xFFFFC000;
	p0 =	sne.s32 s3, s7  }
.Ltmp3:
0x54: {  	[bflag:$0x0] =	sbarrier.arrive $0xFFFF;
	(pc) =	sbr.rel @p0 .LBB2_1-.Ltmp3, $4  }
0x55: {  	[hbm:s6], [sflag:s15] =	dma.local [spmem:s16], $0x2800  }
0x56: {  	_ =	swait.ge [sflag:s13], $0x2800  }
0x57: {  	[sflag:s13] =	ssyncset.done $0x0  }
0x58: {  	[sflag:s13] =	ssyncadd.s32 $0xFFFFD800  }
0x59: {  	_ =	sfence.sel $0x180000  }
0x5a: {  	[bflag:$0x0] =	sbarrier.arrive $0xFFFF  }
0x5b: {  	p0 =	sne.s32 s1, $0x0;
	_ =	strace $0x90000047  }
0x5c: {  	s0 =	sadd.s32 @!p0 $0x100000, s0;
	[bflag:$0x2] =	sbarrier.arrive $0xFFFF  }
0x5d: {  	[sflag:s0] =	ssyncadd.tile.s32 @!p0 $0x1;
	_ =	shalt  }
.Lfunc_end2:
_tile_overlayer_lowered:
.L_overlay_start_2:
0x5e: {  	(tag) =	ssettag $0x2  }
0x5f: {  	s0 =	rddreg [dreg:$0x0];
	s2 =	stileid.u32  }
0x60: {  	s1 =	rddreg [dreg:$0x1];
	p0 =	sne.s32 s2, $0x0  }
0x61: {  	s3 =	rddreg [dreg:$0x2];
	[bflag:$0x3] =	sbarrier.arrive $0xFFFF;
	s2 =	simm.s32 @!p0 $0x1C01  }
0x62: {  	[timem:s3], [sflag:s2] =	dma.local @!p0 [hbm:s0], s1  }
0x63: {  	s0 =	simm.s32 @!p0 $0x1  }
0x64: {  	_ =	swait.ge @!p0 [sflag:s0], s1  }
0x65: {  	s1 =	ssub.s32 @!p0 $0x0, s1;
	[sflag:s0] =	ssyncset.done @!p0 $0x0  }
0x66: {  	[sflag:s0] =	ssyncadd.s32 @!p0 s1  }
0x67: {  	[bflag:$0x3] =	sbarrier.arrive $0xFFFF  }
0x68: {  	_ =	shalt  }

// kernel: kernel.13.cloned.1.call-start
scs
__scs_entry_jumppad:
0x0: {  	(pc) =	sbr.rel $0x88, $3  }
0x1: {  	(tag) =	ssettag $0x0;
	lr =	simm.s32 $0x1  }
0x2: {  	[smem:$0x3F99] =	sst lr;
	_ =	strace $0xD0000000  }
0x3: {  	_ = 	snop  }
0x4: {  	_ = 	snop  }
0x5: {  	_ = 	snop  }
0x6: {  	_ = 	snop  }
0x7: {  	_ = 	snop  }
__scs_overlays_trampoline_lowered:
0x8: {  	[smem:$0x3FA8] =	sst s0  }
0x9: {  	[smem:$0x3FA9] =	sst s1  }
0xa: {  	[smem:$0x3FAA] =	sst s2  }
0xb: {  	[smem:$0x3FAB] =	sst s3  }
0xc: {  	[smem:$0x3FAC] =	sst s4  }
0xd: {  	[smem:$0x3FAD] =	sst s5  }
0xe: {  	[smem:$0x3FAE] =	sst s6  }
0xf: {  	[smem:$0x3FAF] =	sst s7  }
0x10: {  	[smem:$0x3FB0] =	sst s8  }
0x11: {  	[smem:$0x3FB1] =	sst s9;
	s0 =	simm.s32 @!p0 $0x0  }
0x12: {  	s1 =	sld [smem:$0x3F97];
	s0 =	simm.s32 @p0 $0x1  }
0x13: {  	[smem:$0x3FB2] =	sst s0;
	s0 =	simm.s32 @!p1 $0x0  }
0x14: {  	s2 =	sld [smem:$0x3F96];
	s0 =	simm.s32 @p1 $0x1  }
0x15: {  	[smem:$0x3FB3] =	sst s0;
	s0 =	simm.s32 @!p2 $0x0  }
0x16: {  	s3 =	sld [smem:$0x3FDB];
	s0 =	simm.s32 @p2 $0x1  }
0x17: {  	s4 =	simm.s32 $0x1BF5;
	[smem:$0x3FB5] =	sst s0  }
0x18: {  	s0 =	sld [smem:$0x3F98];
	_ =	swait.ge [sflag:s4], $0x0  }
0x19: {  	s7 =	sld [smem:$0x3F99]  }
0x1a: {  	s8 =	sadd.s32 $0xFFFFE003, lr  }
0x1b: {  	s9 =	sadd.s32 $0xFFFFFEF7, lr;
	s5 =	simm.s32 $0xFFFFFFFF;
	p2 =	slt.u32 s8, $0xFFFFF086  }
0x1c: {  	p1 =	slt.u32 s9, $0xF7A;
	s5 =	simm.s32 @!p2 $0x0  }
0x1d: {  	s5 =	simm.s32 @p1 $0x1;
	p0 =	seq.s32 s7, s2  }
0x1e: {  	s7 =	smul.u32 @!p0 $0xF7A, s2;
	p2 =	seq.s32 @!p0 s5, $0x0  }
0x1f: {  	s9 =	smul.u32 $0xF7A, s1;
	s8 =	simm.s32 @!p0 $0x1BF5;
	p2 =	por !p2, p0  }
0x20: {  	[sflag:s8] =	ssyncset.s32 @!p0 $0xFFFFF086;
	s6 =	sadd.s32 @!p0 s3, s7;
	s7 =	simm.s32 @!p0 $0x108  }
0x21: {  	s3 =	sadd.s32 s3, s9;
	s6 =	sadd.s32 @!p0 $0x88, s6;
	s7 =	simm.s32 @p2 $0x1082  }
0x22: {  	[simem:s7], [sflag:s8] =	dma.local @!p0 [hbm:s6], $0xF7A  }
0x23: {  	s9 =	sor.u32 $0xD0000000, s2;
	s6 =	simm.s32 $0x108;
	_ =	swait.ge @!p0 [sflag:s8], $0x0  }
0x24: {  	s3 =	sadd.s32 $0x88, s3;
	s6 =	simm.s32 @!p1 $0x1082;
	[sflag:s4] =	ssyncset.s32 $0xFFFFF086  }
0x25: {  	[simem:s6], [sflag:s4] =	dma.local [hbm:s3], $0xF7A  }
0x26: {  	[smem:$0x3F99] =	sst s1;
	(tag) =	ssettag s2;
	_ =	strace s9  }
0x27: {  	s1 =	sld [smem:$0x3FA9]  }
0x28: {  	s2 =	sld [smem:$0x3FAA]  }
0x29: {  	s4 =	sld [smem:$0x3FAC]  }
0x2a: {  	p0 =	seq.s32 s5, $0x0;
	s5 =	sld [smem:$0x3FAD]  }
0x2b: {  	s6 =	sld [smem:$0x3FAE]  }
0x2c: {  	s7 =	sld [smem:$0x3FAF]  }
0x2d: {  	s3 =	simm.s32 $0x108;
	s8 =	sld [smem:$0x3FB0]  }
0x2e: {  	s3 =	simm.s32 @!p0 $0x1082;
	s9 =	sld [smem:$0x3FB1]  }
0x2f: {  	lr =	sadd.s32 s0, s3;
	s0 =	sld [smem:$0x3FA8]  }
0x30: {  	s3 =	sld [smem:$0x3FAB]  }
0x31: {  	[smem:$0x3FB4] =	sst s10  }
0x32: {  	s10 =	sld [smem:$0x3FB2];
	_ =	sdelay $0x3  }
0x33: {  	p0 =	seq.s32 s10, $0x1;
	s10 =	sld [smem:$0x3FB4];
	_ =	sdelay $0x3  }
0x34: {  	[smem:$0x3FB4] =	sst s10  }
0x35: {  	s10 =	sld [smem:$0x3FB3];
	_ =	sdelay $0x3  }
0x36: {  	p1 =	seq.s32 s10, $0x1;
	s10 =	sld [smem:$0x3FB4];
	_ =	sdelay $0x3  }
0x37: {  	[smem:$0x3FB4] =	sst s10  }
0x38: {  	s10 =	sld [smem:$0x3FB5]  }
0x39: {  	_ = 	snop;
	(pc) =	sbr.ind lr, $3  }
0x3a: {  	_ = 	snop  }
0x3b: {  	_ = 	snop  }
0x3c: {  	p2 =	seq.s32 s10, $0x1;
	s10 =	sld [smem:$0x3FB4]  }
0x3d: {  	_ =	shalt  }
0x3e: {  	_ =	shalt  }
0x3f: {  	_ =	shalt  }
0x40: {  	_ =	shalt  }
0x41: {  	_ =	shalt  }
0x42: {  	_ =	shalt  }
0x43: {  	_ =	shalt  }
0x44: {  	_ =	shalt  }
0x45: {  	_ =	shalt  }
0x46: {  	_ =	shalt  }
0x47: {  	_ =	shalt  }
0x48: {  	_ =	shalt  }
0x49: {  	_ =	shalt  }
0x4a: {  	_ =	shalt  }
0x4b: {  	_ =	shalt  }
0x4c: {  	_ =	shalt  }
0x4d: {  	_ =	shalt  }
0x4e: {  	_ =	shalt  }
0x4f: {  	_ =	shalt  }
0x50: {  	_ =	shalt  }
0x51: {  	_ =	shalt  }
0x52: {  	_ =	shalt  }
0x53: {  	_ =	shalt  }
0x54: {  	_ =	shalt  }
0x55: {  	_ =	shalt  }
0x56: {  	_ =	shalt  }
0x57: {  	_ =	shalt  }
0x58: {  	_ =	shalt  }
0x59: {  	_ =	shalt  }
0x5a: {  	_ =	shalt  }
0x5b: {  	_ =	shalt  }
0x5c: {  	_ =	shalt  }
0x5d: {  	_ =	shalt  }
0x5e: {  	_ =	shalt  }
0x5f: {  	_ =	shalt  }
0x60: {  	_ =	shalt  }
0x61: {  	_ =	shalt  }
0x62: {  	_ =	shalt  }
0x63: {  	_ =	shalt  }
0x64: {  	_ =	shalt  }
0x65: {  	_ =	shalt  }
0x66: {  	_ =	shalt  }
0x67: {  	_ =	shalt  }
0x68: {  	_ =	shalt  }
0x69: {  	_ =	shalt  }
0x6a: {  	_ =	shalt  }
0x6b: {  	_ =	shalt  }
0x6c: {  	_ =	shalt  }
0x6d: {  	_ =	shalt  }
0x6e: {  	_ =	shalt  }
0x6f: {  	_ =	shalt  }
0x70: {  	_ =	shalt  }
0x71: {  	_ =	shalt  }
0x72: {  	_ =	shalt  }
0x73: {  	_ =	shalt  }
0x74: {  	_ =	shalt  }
0x75: {  	_ =	shalt  }
0x76: {  	_ =	shalt  }
0x77: {  	_ =	shalt  }
0x78: {  	_ =	shalt  }
0x79: {  	_ =	shalt  }
0x7a: {  	_ =	shalt  }
0x7b: {  	_ =	shalt  }
0x7c: {  	_ =	shalt  }
0x7d: {  	_ =	shalt  }
0x7e: {  	_ =	shalt  }
0x7f: {  	_ =	shalt  }
0x80: {  	_ =	shalt  }
0x81: {  	_ =	shalt  }
0x82: {  	_ =	shalt  }
0x83: {  	_ =	shalt  }
0x84: {  	_ =	shalt  }
0x85: {  	_ =	shalt  }
0x86: {  	_ =	shalt  }
0x87: {  	_ =	shalt  }
.Lfunc_end0:
.L_simem_size_0:
called_computation.1_lowered:
.L_overlay_start_0:
0x88: {  	s2 =	sld [smem:$0x3FD9]  }
0x89: {  	s3 =	sld [smem:$0x3FFE];
	_ =	sdelay $0x1  }
0x8a: {  	s1 =	srdreg.scid  }
0x8b: {  	s0 =	sand.u32 $0x1, s1  }
0x8c: {  	s17 =	sshll.u32 s0, $0xA;
	s2 =	sadd.s32 s3, s2  }
0x8d: {  	s2 =	sadd.s32 s2, s17  }
0x8e: {  	[smem:$0x3FC0] =	sst s2  }
0x8f: {  	_ = 	snop  }
0x90: {  	s2 =	sld [smem:$0x3FD0];
	(tm) =	ssettm $0x1  }
0x91: {  	s18 =	sld [smem:$0x3FFB];
	_ =	sdelay $0x3  }
0x92: {  	_ =	strace s18  }
0x93: {  	s3 =	sld [smem:$0x3FFC];
	_ =	sdelay $0x3  }
0x94: {  	_ =	strace s3  }
0x95: {  	s3 =	sld [smem:$0x3FFD];
	_ =	sdelay $0x3  }
0x96: {  	_ =	strace s3  }
0x97: {  	_ =	strace $0x8FFFFFFF  }
0x98: {  	s19 =	sld [smem:$0x3FDB];
	_ =	sdelay $0x1  }
0x99: {  	s4 =	simm.s32 $_scs_section_size  }
0x9a: {  	s5 =	simm.s32 $_size__tile_overlayer_lowered;
	s6 =	simm.s32 $_tile_overlayer_lowered  }
0x9b: {  	s22 =	simm.s32 $0x1BFF;
	s21 =	sshll.u32 s6, $0x1;
	s3 =	sadd.s32 s4, s19  }
0x9c: {  	s7 =	simm.s32 $0x0;
	s20 =	sshll.u32 s5, $0x1;
	s5 =	sadd.s32 s21, s3  }
0x9d: {  	[timem:s7], [sflag:s22] =	dma.local [hbm:s5], s20  }
0x9e: {  	_ =	swait.ge [sflag:s22], s20  }
0x9f: {  	s4 =	ssub.s32 $0x0, s20;
	[sflag:s22] =	ssyncset.done $0x0  }
0xa0: {  	[sflag:s22] =	ssyncadd.s32 s4;
	_ =	sdelay $0x1  }
0xa1: {  	s23 =	simm.s32 $0x1B8B  }
0xa2: {  	_ =	swait.ge [sflag:s23], $0x1  }
0xa3: {  	[sflag:s23] =	ssyncset.done $0x0  }
0xa4: {  	s25 =	simm.s32 $0x1B8E;
	s24 =	sld [smem:$0x3FFE];
	[sflag:s23] =	ssyncadd.s32 $0xFFFFFFFF  }
0xa5: {  	s26 =	simm.s32 $execute0_lowered;
	[smem:$0x3FD2] =	sst s25  }
0xa6: {  	s5 =	sshll.u32 s26, $0x1;
	_ =	strace $0x80000049;
	[dreg:$0x1] =	wrdreg $0xFFFFFFFF  }
0xa7: {  	s28 =	simm.s32 $_size_execute0_lowered;
	s3 =	sadd.s32 s3, s5;
	[dreg:$0x0] =	wrdreg $0x0  }
0xa8: {  	s5 =	sshll.u32 s28, $0x1;
	[dreg:$0x2] =	wrdreg s3  }
0xa9: {  	[dreg:$0x3] =	wrdreg s5  }
0xaa: {  	[dreg:$0x4] =	wrdreg $0xC0  }
0xab: {  	_ =	task [dreg:s7], $0x5FFFF  }
0xac: {  	[dreg:$0x1] =	wrdreg $0xFFFFFFFF  }
0xad: {  	[dreg:$0x0] =	wrdreg $0x60  }
0xae: {  	[dreg:$0x2] =	wrdreg s2  }
0xaf: {  	[dreg:$0x3] =	wrdreg s24  }
0xb0: {  	[dreg:$0x4] =	wrdreg $0x90000  }
0xb1: {  	[dreg:$0x5] =	wrdreg $0x9  }
0xb2: {  	_ =	task.clear_ibuf [dreg:s7], $0x6FFFF;
	_ =	strace $0x90000049  }
0xb3: {  	s29 =	simm.s32 $0x9;
	_ =	strace $0x8000004B  }
0xb4: {  	_ =	swait.ge [sflag:s29], $0x1  }
0xb5: {  	[sflag:s29] =	ssyncadd.s32 $0xFFFFFFFF  }
0xb6: {  	_ =	strace $0x9000004B  }
0xb7: {  	_ =	sfence  }
0xb8: {  	s30 =	sld [smem:$0x0];
	_ =	sdelay $0x2  }
0xb9: {  	s31 =	sshll.u32 s1, $0xD;
	s1 =	sshrl.u32 s1, $0x2  }
0xba: {  	s3 =	sand.u32 $0x4000, s31;
	s1 =	sadd.s32 s1, s30  }
0xbb: {  	s0 =	sor.u32 s3, s0;
	s1 =	sshll.u32 s1, $0x11  }
0xbc: {  	s0 =	sor.u32 s1, s0  }
0xbd: {  	s0 =	sadd.s32 $0x8F2B, s0  }
0xbe: {  	[sflag:s0] =	ssyncadd.remote.s32 $0x1  }
0xbf: {  	_ =	sfence.sel $0xFFFF  }
0xc0: {  	[dreg:$0x0] =	wrdreg $0xFFFFFFFF;
	(pc) =	sbr.abs _section_cstart, $3  }
0xc1: {  	[dreg:$0x1] =	wrdreg $0xFFFFFFFF  }
0xc2: {  	_ =	task.clear_ibuf [dreg:s7], $0x2FFFF;
	_ =	strace $0x9FFFFFFF  }
0xc3: {  	(tm) =	ssettm $0x7FFFFFFF  }
tec
execute0_lowered:
.L_overlay_start_1:
0x0: {  	(tag) =	ssettag $0x1  }
0x1: {  	s0 =	rddreg [dreg:$0x0]  }
0x2: {  	s1 =	rddreg [dreg:$0x1];
	s2 =	srdreg.scid  }
0x3: {  	s3 =	rddreg [dreg:$0x2];
	s8 =	stileid.u32;
	s4 =	simm.s32 $0x0  }
0x4: {  	s11 =	simm.s32 $0x100;
	s12 =	simm.s32 $0x880;
	s14 =	simm.s32 $0x180  }
0x5: {  	s16 =	simm.s32 $0x900;
	s18 =	simm.s32 $0x200;
	[smem:$0x7FF] =	sst s4  }
0x6: {  	s20 =	simm.s32 $0x980;
	_ =	strace $0x8000004A;
	[dreg:$0x6] =	wrdreg s11  }
0x7: {  	s21 =	simm.s32 $0x280;
	s22 =	simm.s32 $0xA00;
	[dreg:$0x7] =	wrdreg s12  }
0x8: {  	s28 =	simm.s32 $0x600;
	s29 =	simm.s32 $0xD80;
	[dreg:$0x8] =	wrdreg s14  }
0x9: {  	s30 =	simm.s32 $0x680;
	s6 =	smul.u32 $0x14000, s8;
	[dreg:$0x9] =	wrdreg s16  }
0xa: {  	s31 =	simm.s32 $0xE00;
	s7 =	smul.u32 $0xA00, s8;
	[dreg:$0xa] =	wrdreg s18  }
0xb: {  	s2 =	sand.u32 $0x1, s2;
	s8 =	smul.u32 $0x50000, s8;
	[dreg:$0xb] =	wrdreg s20  }
0xc: {  	s5 =	smul.u32 $0x140000, s2;
	s23 =	ssub.s32 $0x2, s2;
	[dreg:$0xc] =	wrdreg s21  }
0xd: {  	p0 =	sne.s32 s2, $0x0;
	s12 =	simm.s32 $0x1000;
	[dreg:$0xd] =	wrdreg s22  }
0xe: {  	s14 =	simm.s32 $0x800;
	s16 =	simm.s32 $0x5000;
	s18 =	simm.s32 $0x2  }
0xf: {  	s20 =	simm.s32 $0xB80;
	s21 =	simm.s32 $0x480;
	s22 =	simm.s32 $0xC00  }
0x10: {  	s2 =	simm.s32 $0xE80;
	s7 =	sadd.s32 s7, s1;
	s24 =	sshrl.u32 s23, $0x1  }
0x11: {  	s25 =	sshrl.u32 s8, $0x2;
	s8 =	simm.s32 $0xF80;
	s26 =	sadd.s32 $0xD800, s7  }
0x12: {  	s5 =	sadd.s32 s6, s5;
	s10 =	sadd.s32 $0x3800, s7;
	[dreg:$0x4] =	wrdreg s26  }
0x13: {  	s9 =	sadd.s32 s25, s3;
	s25 =	simm.s32 $0x380;
	[dreg:$0x5] =	wrdreg s10  }
0x14: {  	s6 =	simm.s32 $0x780;
	s7 =	simm.s32 $0xF00;
	[dreg:$0x12] =	wrdreg s9  }
0x15: {  	s5 =	sshrl.u32 s5, $0x3;
	s13 =	sadd.s32 $0x4000, s9;
	[dreg:$0x10] =	wrdreg s25  }
0x16: {  	s15 =	sadd.s32 $0x8000, s9;
	s17 =	sadd.s32 $0xC000, s9;
	[dreg:$0x15] =	wrdreg s13  }
0x17: {  	s19 =	sadd.s32 $0x10000, s9;
	s26 =	simm.s32 $0xB00;
	[dreg:$0x16] =	wrdreg s15  }
0x18: {  	s25 =	simm.s32 $0x580;
	s9 =	simm.s32 $0x0;
	[dreg:$0x17] =	wrdreg s17  }
0x19: {  	s1 =	sadd.s32 s5, s1;
	s5 =	ssub.s32 s23, s24;
	[dreg:$0x18] =	wrdreg s19  }
0x1a: {  	s13 =	simm.s32 $0x3;
	s23 =	simm.s32 $0x300;
	s24 =	simm.s32 $0xA80  }
.Ltmp0:
0x1b: {  	s15 =	simm.s32 $0x80;
	[dreg:$0x11] =	wrdreg s26;
	(pc) =	sbr.rel .LBB2_1-.Ltmp0, $4  }
0x1c: {  	s17 =	simm.s32 $0x1;
	s19 =	simm.s32 $0x400;
	[dreg:$0xe] =	wrdreg s23  }
0x1d: {  	s26 =	simm.s32 $0xD00;
	s1 =	sadd.s32 $0x67800, s1;
	[dreg:$0xf] =	wrdreg s24  }
0x1e: {  	s5 =	smax.u32 s5, $0x1;
	s23 =	simm.s32 $0x500;
	[dreg:$0x13] =	wrdreg s1  }
0x1f: {  	v0 =	vimm.f32 $0.0e+00;
	s24 =	simm.s32 $0xC80;
	[dreg:$0x14] =	wrdreg s5;
	s1 =	simm.s32 $0x700  }
.LBB2_6:
0x20: {  	[sflag:s13] =	ssyncadd.s32 $0xFFFFC000;
	s5 =	sadd.s32 s10, s5  }
0x21: {  	[tilespmem:s4], [sflag:$0x3] =	stream.linear.gather [hbm4b:s5+s4], $0x800, $0x38;
	[tilespmem:$0x1D000] =	vst v63  }
0x22: {  	_ =	swait.ge [sflag:s13], $0x800  }
0x23: {  	s11 =	rddreg [dreg:$0x4];
	[sflag:s13] =	ssyncset.done $0x0  }
0x24: {  	s5 =	sadd.s32 s10, s11;
	[sflag:s13] =	ssyncadd.s32 $0xFFFFF800  }
0x25: {  	[tilespmem:s14], [sflag:$0x3] =	stream.linear.gather [hbm4b:s5+s4], $0x800, $0x38;
	[tilespmem:$0x1D000] =	vst v63  }
0x26: {  	_ =	swait.ge [sflag:s13], $0x800  }
0x27: {  	[sflag:s13] =	ssyncset.done $0x0  }
0x28: {  	[sflag:s13] =	ssyncadd.s32 $0xFFFFF800  }
0x29: {  	[tilespmem:s12], [sflag:$0x1] =	stream.indirect.gather [hbm4b:s0+s15], $0x80, s4, s15, $0xb8;
	[tilespmem:$0x1D000] =	vst v63  }
0x2a: {  	_ = 	snop  }
0x2b: {  	[tilespmem:s16], [sflag:$0x2] =	stream.indirect.gather [hbm4b:s0+s15], $0x80, s15, s15, $0xb8;
	[tilespmem:$0x1D000] =	vst v63  }
0x2c: {  	_ =	swait.ge [sflag:s17], $0x4000  }
0x2d: {  	[sflag:s17] =	ssyncset.done $0x0  }
0x2e: {  	[sflag:s17] =	ssyncadd.s32 $0xFFFFC000  }
0x2f: {  	[spmem:s3] =	stream.indirect.scatter.add.f32 [tilespmem:s12], [sflag:$0x3], $0x80, s14, s15, $0xb8;
	[tilespmem:$0x1D000] =	vst v63  }
0x30: {  	_ =	swait.ge [sflag:s13], $0x4000  }
0x31: {  	[sflag:s13] =	ssyncset.done $0x0  }
0x32: {  	s9 =	rddreg [dreg:$0x6];
	[sflag:s13] =	ssyncadd.s32 $0xFFFFC000  }
0x33: {  	[tilespmem:s12], [sflag:$0x1] =	stream.indirect.gather [hbm4b:s0+s15], $0x80, s9, s15, $0xb8;
	[tilespmem:$0x1D000] =	vst v63  }
0x34: {  	_ =	swait.ge [sflag:s18], $0x4000  }
0x35: {  	[sflag:s18] =	ssyncset.done $0x0  }
0x36: {  	s10 =	rddreg [dreg:$0x7];
	[sflag:s18] =	ssyncadd.s32 $0xFFFFC000  }
0x37: {  	[spmem:s3] =	stream.indirect.scatter.add.f32 [tilespmem:s16], [sflag:$0x3], $0x80, s10, s15, $0xb8;
	[tilespmem:$0x1D000] =	vst v63  }
0x38: {  	_ =	swait.ge [sflag:s13], $0x4000  }
0x39: {  	[sflag:s13] =	ssyncset.done $0x0  }
0x3a: {  	s11 =	rddreg [dreg:$0x8];
	[sflag:s13] =	ssyncadd.s32 $0xFFFFC000  }
0x3b: {  	[tilespmem:s16], [sflag:$0x2] =	stream.indirect.gather [hbm4b:s0+s15], $0x80, s11, s15, $0xb8;
	[tilespmem:$0x1D000] =	vst v63  }
0x3c: {  	_ =	swait.ge [sflag:s17], $0x4000  }
0x3d: {  	[sflag:s17] =	ssyncset.done $0x0  }
0x3e: {  	s9 =	rddreg [dreg:$0x9];
	[sflag:s17] =	ssyncadd.s32 $0xFFFFC000  }
0x3f: {  	[spmem:s3] =	stream.indirect.scatter.add.f32 [tilespmem:s12], [sflag:$0x3], $0x80, s9, s15, $0xb8;
	[tilespmem:$0x1D000] =	vst v63  }
0x40: {  	_ =	swait.ge [sflag:s13], $0x4000  }
0x41: {  	[sflag:s13] =	ssyncset.done $0x0  }
0x42: {  	s10 =	rddreg [dreg:$0xa];
	[sflag:s13] =	ssyncadd.s32 $0xFFFFC000  }
0x43: {  	[tilespmem:s12], [sflag:$0x1] =	stream.indirect.gather [hbm4b:s0+s15], $0x80, s10, s15, $0xb8;
	[tilespmem:$0x1D000] =	vst v63  }
0x44: {  	_ =	swait.ge [sflag:s18], $0x4000  }
0x45: {  	[sflag:s18] =	ssyncset.done $0x0  }
0x46: {  	s11 =	rddreg [dreg:$0xb];
	[sflag:s18] =	ssyncadd.s32 $0xFFFFC000  }
0x47: {  	[spmem:s3] =	stream.indirect.scatter.add.f32 [tilespmem:s16], [sflag:$0x3], $0x80, s11, s15, $0xb8;
	[tilespmem:$0x1D000] =	vst v63  }
0x48: {  	_ =	swait.ge [sflag:s13], $0x4000  }
0x49: {  	[sflag:s13] =	ssyncset.done $0x0  }
0x4a: {  	s9 =	rddreg [dreg:$0xc];
	[sflag:s13] =	ssyncadd.s32 $0xFFFFC000  }
0x4b: {  	[tilespmem:s16], [sflag:$0x2] =	stream.indirect.gather [hbm4b:s0+s15], $0x80, s9, s15, $0xb8;
	[tilespmem:$0x1D000] =	vst v63  }
0x4c: {  	_ =	swait.ge [sflag:s17], $0x4000  }
0x4d: {  	[sflag:s17] =	ssyncset.done $0x0  }
0x4e: {  	s10 =	rddreg [dreg:$0xd];
	[sflag:s17] =	ssyncadd.s32 $0xFFFFC000  }
0x4f: {  	[spmem:s3] =	stream.indirect.scatter.add.f32 [tilespmem:s12], [sflag:$0x3], $0x80, s10, s15, $0xb8;
	[tilespmem:$0x1D000] =	vst v63  }
0x50: {  	_ =	swait.ge [sflag:s13], $0x4000  }
0x51: {  	[sflag:s13] =	ssyncset.done $0x0  }
0x52: {  	s11 =	rddreg [dreg:$0xe];
	[sflag:s13] =	ssyncadd.s32 $0xFFFFC000  }
0x53: {  	[tilespmem:s12], [sflag:$0x1] =	stream.indirect.gather [hbm4b:s0+s15], $0x80, s11, s15, $0xb8;
	[tilespmem:$0x1D000] =	vst v63  }
0x54: {  	_ =	swait.ge [sflag:s18], $0x4000  }
0x55: {  	[sflag:s18] =	ssyncset.done $0x0  }
0x56: {  	s9 =	rddreg [dreg:$0xf];
	[sflag:s18] =	ssyncadd.s32 $0xFFFFC000  }
0x57: {  	[spmem:s3] =	stream.indirect.scatter.add.f32 [tilespmem:s16], [sflag:$0x3], $0x80, s9, s15, $0xb8;
	[tilespmem:$0x1D000] =	vst v63  }
0x58: {  	_ =	swait.ge [sflag:s13], $0x4000  }
0x59: {  	[sflag:s13] =	ssyncset.done $0x0  }
0x5a: {  	s10 =	rddreg [dreg:$0x10];
	[sflag:s13] =	ssyncadd.s32 $0xFFFFC000  }
0x5b: {  	[tilespmem:s16], [sflag:$0x2] =	stream.indirect.gather [hbm4b:s0+s15], $0x80, s10, s15, $0xb8;
	[tilespmem:$0x1D000] =	vst v63  }
0x5c: {  	_ =	swait.ge [sflag:s17], $0x4000  }
0x5d: {  	[sflag:s17] =	ssyncset.done $0x0  }
0x5e: {  	s11 =	rddreg [dreg:$0x11];
	[sflag:s17] =	ssyncadd.s32 $0xFFFFC000  }
0x5f: {  	[spmem:s3] =	stream.indirect.scatter.add.f32 [tilespmem:s12], [sflag:$0x3], $0x80, s11, s15, $0xb8;
	[tilespmem:$0x1D000] =	vst v63  }
0x60: {  	_ =	swait.ge [sflag:s13], $0x4000  }
0x61: {  	[sflag:s13] =	ssyncset.done $0x0  }
0x62: {  	[sflag:s13] =	ssyncadd.s32 $0xFFFFC000  }
0x63: {  	[tilespmem:s12], [sflag:$0x1] =	stream.indirect.gather [hbm4b:s0+s15], $0x80, s19, s15, $0xb8;
	[tilespmem:$0x1D000] =	vst v63  }
0x64: {  	_ =	swait.ge [sflag:s18], $0x4000  }
0x65: {  	[sflag:s18] =	ssyncset.done $0x0  }
0x66: {  	[sflag:s18] =	ssyncadd.s32 $0xFFFFC000  }
0x67: {  	[spmem:s3] =	stream.indirect.scatter.add.f32 [tilespmem:s16], [sflag:$0x3], $0x80, s20, s15, $0xb8;
	[tilespmem:$0x1D000] =	vst v63  }
0x68: {  	_ =	swait.ge [sflag:s13], $0x4000  }
0x69: {  	[sflag:s13] =	ssyncset.done $0x0  }
0x6a: {  	[sflag:s13] =	ssyncadd.s32 $0xFFFFC000  }
0x6b: {  	[tilespmem:s16], [sflag:$0x2] =	stream.indirect.gather [hbm4b:s0+s15], $0x80, s21, s15, $0xb8;
	[tilespmem:$0x1D000] =	vst v63  }
0x6c: {  	_ =	swait.ge [sflag:s17], $0x4000  }
0x6d: {  	[sflag:s17] =	ssyncset.done $0x0  }
0x6e: {  	[sflag:s17] =	ssyncadd.s32 $0xFFFFC000  }
0x6f: {  	[spmem:s3] =	stream.indirect.scatter.add.f32 [tilespmem:s12], [sflag:$0x3], $0x80, s22, s15, $0xb8;
	[tilespmem:$0x1D000] =	vst v63  }
0x70: {  	_ =	swait.ge [sflag:s13], $0x4000  }
0x71: {  	[sflag:s13] =	ssyncset.done $0x0  }
0x72: {  	[sflag:s13] =	ssyncadd.s32 $0xFFFFC000  }
0x73: {  	[tilespmem:s12], [sflag:$0x1] =	stream.indirect.gather [hbm4b:s0+s15], $0x80, s23, s15, $0xb8;
	[tilespmem:$0x1D000] =	vst v63  }
0x74: {  	_ =	swait.ge [sflag:s18], $0x4000  }
0x75: {  	[sflag:s18] =	ssyncset.done $0x0  }
0x76: {  	[sflag:s18] =	ssyncadd.s32 $0xFFFFC000  }
0x77: {  	[spmem:s3] =	stream.indirect.scatter.add.f32 [tilespmem:s16], [sflag:$0x3], $0x80, s24, s15, $0xb8;
	[tilespmem:$0x1D000] =	vst v63  }
0x78: {  	_ =	swait.ge [sflag:s13], $0x4000  }
0x79: {  	[sflag:s13] =	ssyncset.done $0x0  }
0x7a: {  	[sflag:s13] =	ssyncadd.s32 $0xFFFFC000  }
0x7b: {  	[tilespmem:s16], [sflag:$0x2] =	stream.indirect.gather [hbm4b:s0+s15], $0x80, s25, s15, $0xb8;
	[tilespmem:$0x1D000] =	vst v63  }
0x7c: {  	_ =	swait.ge [sflag:s17], $0x4000  }
0x7d: {  	[sflag:s17] =	ssyncset.done $0x0  }
0x7e: {  	[sflag:s17] =	ssyncadd.s32 $0xFFFFC000  }
0x7f: {  	[spmem:s3] =	stream.indirect.scatter.add.f32 [tilespmem:s12], [sflag:$0x3], $0x80, s26, s15, $0xb8;
	[tilespmem:$0x1D000] =	vst v63  }
0x80: {  	_ =	swait.ge [sflag:s13], $0x4000  }
0x81: {  	[sflag:s13] =	ssyncset.done $0x0  }
0x82: {  	[sflag:s13] =	ssyncadd.s32 $0xFFFFC000  }
0x83: {  	[tilespmem:s12], [sflag:$0x1] =	stream.indirect.gather [hbm4b:s0+s15], $0x80, s28, s15, $0xb8;
	[tilespmem:$0x1D000] =	vst v63  }
0x84: {  	_ =	swait.ge [sflag:s18], $0x4000  }
0x85: {  	[sflag:s18] =	ssyncset.done $0x0  }
0x86: {  	[sflag:s18] =	ssyncadd.s32 $0xFFFFC000  }
0x87: {  	[spmem:s3] =	stream.indirect.scatter.add.f32 [tilespmem:s16], [sflag:$0x3], $0x80, s29, s15, $0xb8;
	[tilespmem:$0x1D000] =	vst v63  }
0x88: {  	_ =	swait.ge [sflag:s13], $0x4000  }
0x89: {  	[sflag:s13] =	ssyncset.done $0x0  }
0x8a: {  	[sflag:s13] =	ssyncadd.s32 $0xFFFFC000  }
0x8b: {  	[tilespmem:s16], [sflag:$0x2] =	stream.indirect.gather [hbm4b:s0+s15], $0x80, s30, s15, $0xb8;
	[tilespmem:$0x1D000] =	vst v63  }
0x8c: {  	_ =	swait.ge [sflag:s17], $0x4000  }
0x8d: {  	[sflag:s17] =	ssyncset.done $0x0  }
0x8e: {  	[sflag:s17] =	ssyncadd.s32 $0xFFFFC000  }
0x8f: {  	[spmem:s3] =	stream.indirect.scatter.add.f32 [tilespmem:s12], [sflag:$0x3], $0x80, s31, s15, $0xb8;
	[tilespmem:$0x1D000] =	vst v63  }
0x90: {  	_ =	swait.ge [sflag:s13], $0x4000  }
0x91: {  	[sflag:s13] =	ssyncset.done $0x0  }
0x92: {  	[sflag:s13] =	ssyncadd.s32 $0xFFFFC000  }
0x93: {  	[tilespmem:s12], [sflag:$0x1] =	stream.indirect.gather [hbm4b:s0+s15], $0x80, s1, s15, $0xb8;
	[tilespmem:$0x1D000] =	vst v63  }
0x94: {  	_ =	swait.ge [sflag:s18], $0x4000  }
0x95: {  	[sflag:s18] =	ssyncset.done $0x0  }
0x96: {  	[sflag:s18] =	ssyncadd.s32 $0xFFFFC000  }
0x97: {  	[spmem:s3] =	stream.indirect.scatter.add.f32 [tilespmem:s16], [sflag:$0x3], $0x80, s2, s15, $0xb8;
	[tilespmem:$0x1D000] =	vst v63  }
0x98: {  	_ =	swait.ge [sflag:s13], $0x4000  }
0x99: {  	[sflag:s13] =	ssyncset.done $0x0  }
0x9a: {  	[sflag:s13] =	ssyncadd.s32 $0xFFFFC000  }
0x9b: {  	[tilespmem:s16], [sflag:$0x2] =	stream.indirect.gather [hbm4b:s0+s15], $0x80, s6, s15, $0xb8;
	[tilespmem:$0x1D000] =	vst v63  }
0x9c: {  	_ =	swait.ge [sflag:s17], $0x4000  }
0x9d: {  	[sflag:s17] =	ssyncset.done $0x0  }
0x9e: {  	[sflag:s17] =	ssyncadd.s32 $0xFFFFC000  }
0x9f: {  	[spmem:s3] =	stream.indirect.scatter.add.f32 [tilespmem:s12], [sflag:$0x3], $0x80, s7, s15, $0xb8;
	[tilespmem:$0x1D000] =	vst v63  }
0xa0: {  	_ =	swait.ge [sflag:s13], $0x4000  }
0xa1: {  	[sflag:s13] =	ssyncset.done $0x0  }
0xa2: {  	[sflag:s13] =	ssyncadd.s32 $0xFFFFC000  }
0xa3: {  	_ =	swait.ge [sflag:s18], $0x4000  }
0xa4: {  	[sflag:s18] =	ssyncset.done $0x0  }
0xa5: {  	[sflag:s18] =	ssyncadd.s32 $0xFFFFC000  }
0xa6: {  	[spmem:s3] =	stream.indirect.scatter.add.f32 [tilespmem:s16], [sflag:$0x3], $0x80, s8, s15, $0xb8;
	[tilespmem:$0x1D000] =	vst v63  }
0xa7: {  	_ =	swait.ge [sflag:s13], $0x4000  }
0xa8: {  	[sflag:s13] =	ssyncset.done $0x0  }
0xa9: {  	s11 =	rddreg [dreg:$0x19];
	[sflag:s13] =	ssyncadd.s32 $0xFFFFC000  }
.LBB2_7:
0xaa: {  	s5 =	stileid.u32;
	[bflag:$0x0] =	sbarrier.arrive $0xFFFF  }
0xab: {  	s5 =	sshll.u32 s5, $0x6;
	s9 =	rddreg [dreg:$0x12]  }
0xac: {  	s10 =	rddreg [dreg:$0x13];
	s5 =	sor.u32 $0x1C03, s5;
	s9 =	sshrl.u32 s9, $0x3  }
0xad: {  	[hbm:s10], [sflag:s5] =	dma.local [spmem:s9], $0x2800  }
0xae: {  	_ =	swait.ge [sflag:s13], $0x2800  }
0xaf: {  	s9 =	sadd.s32 $0x1, s11;
	s11 =	rddreg [dreg:$0x14]  }
0xb0: {  	p1 =	sne.s32 s9, s11  }
.Ltmp1:
0xb1: {  	_ = 	snop;
	(pc) =	sbr.rel @!p1 .LBB2_8-.Ltmp1, $3  }
0xb2: {  	_ =	sdelay $0x1  }
0xb3: {  	[sflag:s13] =	ssyncset.done $0x0  }
0xb4: {  	[sflag:s13] =	ssyncadd.s32 $0xFFFFD800  }
.LBB2_1:
0xb5: {  	s10 =	simm.s32 $0x0;
	s11 =	simm.s32 $0x200  }
.LBB2_2:
0xb6: {  	p1 =	sne.s32 s11, $0xFE00;
	[tilespmem:s10+$0x1070] =	vst v0  }
0xb7: {  	[tilespmem:s10+$0x1000] =	vst v0  }
0xb8: {  	[tilespmem:s10+$0x1010] =	vst v0  }
.Ltmp2:
0xb9: {  	[tilespmem:s10+$0x1020] =	vst v0;
	(pc) =	sbr.rel @p1 .LBB2_2-.Ltmp2, $4  }
0xba: {  	[tilespmem:s10+$0x1030] =	vst v0  }
0xbb: {  	[tilespmem:s10+$0x1040] =	vst v0  }
0xbc: {  	[tilespmem:s10+$0x1050] =	vst v0  }
0xbd: {  	[tilespmem:s10+$0x1060] =	vst v0;
	s10 =	sshra.s32 s11, $0x2;
	s11 =	sadd.s32 $0x200, s11  }
0xbe: {  	[tilespmem:s10+$0x1070] =	vst v0  }
0xbf: {  	[tilespmem:s10+$0x1000] =	vst v0  }
0xc0: {  	[tilespmem:s10+$0x1010] =	vst v0  }
0xc1: {  	[tilespmem:s10+$0x1020] =	vst v0  }
0xc2: {  	[tilespmem:s10+$0x1030] =	vst v0  }
0xc3: {  	[tilespmem:s10+$0x1040] =	vst v0  }
0xc4: {  	[tilespmem:s10+$0x1050] =	vst v0  }
0xc5: {  	[tilespmem:s10+$0x1060] =	vst v0;
	s5 =	rddreg [dreg:$0x12]  }
0xc6: {  	[spmem:s5] =	stream.linear.scatter [tilespmem:s12], [sflag:$0x3], $0x4000, $0x38;
	[tilespmem:$0x1D000] =	vst v63  }
0xc7: {  	_ =	swait.ge [sflag:s13], $0x4000  }
0xc8: {  	[sflag:s13] =	ssyncset.done $0x0  }
0xc9: {  	s10 =	rddreg [dreg:$0x15];
	[sflag:s13] =	ssyncadd.s32 $0xFFFFC000  }
0xca: {  	[spmem:s10] =	stream.linear.scatter [tilespmem:s12], [sflag:$0x3], $0x4000, $0x38;
	[tilespmem:$0x1D000] =	vst v63  }
0xcb: {  	_ =	swait.ge [sflag:s13], $0x4000  }
0xcc: {  	[sflag:s13] =	ssyncset.done $0x0  }
0xcd: {  	s11 =	rddreg [dreg:$0x16];
	[sflag:s13] =	ssyncadd.s32 $0xFFFFC000  }
0xce: {  	[spmem:s11] =	stream.linear.scatter [tilespmem:s12], [sflag:$0x3], $0x4000, $0x38;
	[tilespmem:$0x1D000] =	vst v63  }
0xcf: {  	_ =	swait.ge [sflag:s13], $0x4000  }
0xd0: {  	[sflag:s13] =	ssyncset.done $0x0  }
0xd1: {  	s10 =	rddreg [dreg:$0x17];
	[sflag:s13] =	ssyncadd.s32 $0xFFFFC000  }
0xd2: {  	[spmem:s10] =	stream.linear.scatter [tilespmem:s12], [sflag:$0x3], $0x4000, $0x38;
	[tilespmem:$0x1D000] =	vst v63  }
0xd3: {  	_ =	swait.ge [sflag:s13], $0x4000  }
0xd4: {  	[sflag:s13] =	ssyncset.done $0x0  }
0xd5: {  	s11 =	rddreg [dreg:$0x18];
	[sflag:s13] =	ssyncadd.s32 $0xFFFFC000  }
0xd6: {  	[spmem:s11] =	stream.linear.scatter [tilespmem:s12], [sflag:$0x3], $0x4000, $0x38;
	[tilespmem:$0x1D000] =	vst v63  }
.Ltmp3:
0xd7: {  	_ =	swait.ge [sflag:s13], $0x4000;
	(pc) =	sbr.rel @p0 .LBB2_7-.Ltmp3, $4  }
0xd8: {  	[sflag:s13] =	ssyncset.done $0x0  }
0xd9: {  	[sflag:s13] =	ssyncadd.s32 $0xFFFFC000  }
0xda: {  	[bflag:$0x0] =	sbarrier.arrive $0xFFFF  }
0xdb: {  	s11 =	smov.u32 s9  }
0xdc: {  	s5 =	rddreg [dreg:$0x5]  }
0xdd: {  	[dreg:$0x19] =	wrdreg s11;
	s5 =	sadd.s32 $0x0, s5  }
0xde: {  	[tilespmem:s4], [sflag:$0x3] =	stream.linear.gather [hbm4b:s5+s4], $0x800, $0x38;
	[tilespmem:$0x1D000] =	vst v63  }
0xdf: {  	_ =	swait.ge [sflag:s13], $0x800  }
0xe0: {  	s11 =	rddreg [dreg:$0x4];
	[sflag:s13] =	ssyncset.done $0x0  }
0xe1: {  	[sflag:s13] =	ssyncadd.s32 $0xFFFFF800;
	s5 =	sadd.s32 $0x0, s11  }
0xe2: {  	[tilespmem:s14], [sflag:$0x3] =	stream.linear.gather [hbm4b:s5+s4], $0x800, $0x38;
	[tilespmem:$0x1D000] =	vst v63  }
0xe3: {  	_ =	swait.ge [sflag:s13], $0x800  }
0xe4: {  	[sflag:s13] =	ssyncset.done $0x0  }
0xe5: {  	[sflag:s13] =	ssyncadd.s32 $0xFFFFF800  }
0xe6: {  	[tilespmem:s12], [sflag:$0x1] =	stream.indirect.gather [hbm4b:s0+s15], $0x80, s4, s15, $0xb8;
	[tilespmem:$0x1D000] =	vst v63  }
0xe7: {  	_ = 	snop  }
0xe8: {  	[tilespmem:s16], [sflag:$0x2] =	stream.indirect.gather [hbm4b:s0+s15], $0x80, s15, s15, $0xb8;
	[tilespmem:$0x1D000] =	vst v63  }
0xe9: {  	_ =	swait.ge [sflag:s17], $0x4000  }
0xea: {  	[sflag:s17] =	ssyncset.done $0x0  }
0xeb: {  	[sflag:s17] =	ssyncadd.s32 $0xFFFFC000  }
0xec: {  	[spmem:s3] =	stream.indirect.scatter.add.f32 [tilespmem:s12], [sflag:$0x3], $0x80, s14, s15, $0xb8;
	[tilespmem:$0x1D000] =	vst v63  }
0xed: {  	_ =	swait.ge [sflag:s13], $0x4000  }
0xee: {  	[sflag:s13] =	ssyncset.done $0x0  }
0xef: {  	s9 =	rddreg [dreg:$0x6];
	[sflag:s13] =	ssyncadd.s32 $0xFFFFC000  }
0xf0: {  	[tilespmem:s12], [sflag:$0x1] =	stream.indirect.gather [hbm4b:s0+s15], $0x80, s9, s15, $0xb8;
	[tilespmem:$0x1D000] =	vst v63  }
0xf1: {  	_ =	swait.ge [sflag:s18], $0x4000  }
0xf2: {  	[sflag:s18] =	ssyncset.done $0x0  }
0xf3: {  	s10 =	rddreg [dreg:$0x7];
	[sflag:s18] =	ssyncadd.s32 $0xFFFFC000  }
0xf4: {  	[spmem:s3] =	stream.indirect.scatter.add.f32 [tilespmem:s16], [sflag:$0x3], $0x80, s10, s15, $0xb8;
	[tilespmem:$0x1D000] =	vst v63  }
0xf5: {  	_ =	swait.ge [sflag:s13], $0x4000  }
0xf6: {  	[sflag:s13] =	ssyncset.done $0x0  }
0xf7: {  	s11 =	rddreg [dreg:$0x8];
	[sflag:s13] =	ssyncadd.s32 $0xFFFFC000  }
0xf8: {  	[tilespmem:s16], [sflag:$0x2] =	stream.indirect.gather [hbm4b:s0+s15], $0x80, s11, s15, $0xb8;
	[tilespmem:$0x1D000] =	vst v63  }
0xf9: {  	_ =	swait.ge [sflag:s17], $0x4000  }
0xfa: {  	[sflag:s17] =	ssyncset.done $0x0  }
0xfb: {  	s9 =	rddreg [dreg:$0x9];
	[sflag:s17] =	ssyncadd.s32 $0xFFFFC000  }
0xfc: {  	[spmem:s3] =	stream.indirect.scatter.add.f32 [tilespmem:s12], [sflag:$0x3], $0x80, s9, s15, $0xb8;
	[tilespmem:$0x1D000] =	vst v63  }
0xfd: {  	_ =	swait.ge [sflag:s13], $0x4000  }
0xfe: {  	[sflag:s13] =	ssyncset.done $0x0  }
0xff: {  	s10 =	rddreg [dreg:$0xa];
	[sflag:s13] =	ssyncadd.s32 $0xFFFFC000  }
0x100: {  	[tilespmem:s12], [sflag:$0x1] =	stream.indirect.gather [hbm4b:s0+s15], $0x80, s10, s15, $0xb8;
	[tilespmem:$0x1D000] =	vst v63  }
0x101: {  	_ =	swait.ge [sflag:s18], $0x4000  }
0x102: {  	[sflag:s18] =	ssyncset.done $0x0  }
0x103: {  	s11 =	rddreg [dreg:$0xb];
	[sflag:s18] =	ssyncadd.s32 $0xFFFFC000  }
0x104: {  	[spmem:s3] =	stream.indirect.scatter.add.f32 [tilespmem:s16], [sflag:$0x3], $0x80, s11, s15, $0xb8;
	[tilespmem:$0x1D000] =	vst v63  }
0x105: {  	_ =	swait.ge [sflag:s13], $0x4000  }
0x106: {  	[sflag:s13] =	ssyncset.done $0x0  }
0x107: {  	s9 =	rddreg [dreg:$0xc];
	[sflag:s13] =	ssyncadd.s32 $0xFFFFC000  }
0x108: {  	[tilespmem:s16], [sflag:$0x2] =	stream.indirect.gather [hbm4b:s0+s15], $0x80, s9, s15, $0xb8;
	[tilespmem:$0x1D000] =	vst v63  }
0x109: {  	_ =	swait.ge [sflag:s17], $0x4000  }
0x10a: {  	[sflag:s17] =	ssyncset.done $0x0  }
0x10b: {  	s10 =	rddreg [dreg:$0xd];
	[sflag:s17] =	ssyncadd.s32 $0xFFFFC000  }
0x10c: {  	[spmem:s3] =	stream.indirect.scatter.add.f32 [tilespmem:s12], [sflag:$0x3], $0x80, s10, s15, $0xb8;
	[tilespmem:$0x1D000] =	vst v63  }
0x10d: {  	_ =	swait.ge [sflag:s13], $0x4000  }
0x10e: {  	[sflag:s13] =	ssyncset.done $0x0  }
0x10f: {  	s11 =	rddreg [dreg:$0xe];
	[sflag:s13] =	ssyncadd.s32 $0xFFFFC000  }
0x110: {  	[tilespmem:s12], [sflag:$0x1] =	stream.indirect.gather [hbm4b:s0+s15], $0x80, s11, s15, $0xb8;
	[tilespmem:$0x1D000] =	vst v63  }
0x111: {  	_ =	swait.ge [sflag:s18], $0x4000  }
0x112: {  	[sflag:s18] =	ssyncset.done $0x0  }
0x113: {  	s9 =	rddreg [dreg:$0xf];
	[sflag:s18] =	ssyncadd.s32 $0xFFFFC000  }
0x114: {  	[spmem:s3] =	stream.indirect.scatter.add.f32 [tilespmem:s16], [sflag:$0x3], $0x80, s9, s15, $0xb8;
	[tilespmem:$0x1D000] =	vst v63  }
0x115: {  	_ =	swait.ge [sflag:s13], $0x4000  }
0x116: {  	[sflag:s13] =	ssyncset.done $0x0  }
0x117: {  	s10 =	rddreg [dreg:$0x10];
	[sflag:s13] =	ssyncadd.s32 $0xFFFFC000  }
0x118: {  	[tilespmem:s16], [sflag:$0x2] =	stream.indirect.gather [hbm4b:s0+s15], $0x80, s10, s15, $0xb8;
	[tilespmem:$0x1D000] =	vst v63  }
0x119: {  	_ =	swait.ge [sflag:s17], $0x4000  }
0x11a: {  	[sflag:s17] =	ssyncset.done $0x0  }
0x11b: {  	s11 =	rddreg [dreg:$0x11];
	[sflag:s17] =	ssyncadd.s32 $0xFFFFC000  }
0x11c: {  	[spmem:s3] =	stream.indirect.scatter.add.f32 [tilespmem:s12], [sflag:$0x3], $0x80, s11, s15, $0xb8;
	[tilespmem:$0x1D000] =	vst v63  }
0x11d: {  	_ =	swait.ge [sflag:s13], $0x4000  }
0x11e: {  	[sflag:s13] =	ssyncset.done $0x0  }
0x11f: {  	[sflag:s13] =	ssyncadd.s32 $0xFFFFC000  }
0x120: {  	[tilespmem:s12], [sflag:$0x1] =	stream.indirect.gather [hbm4b:s0+s15], $0x80, s19, s15, $0xb8;
	[tilespmem:$0x1D000] =	vst v63  }
0x121: {  	_ =	swait.ge [sflag:s18], $0x4000  }
0x122: {  	[sflag:s18] =	ssyncset.done $0x0  }
0x123: {  	[sflag:s18] =	ssyncadd.s32 $0xFFFFC000  }
0x124: {  	[spmem:s3] =	stream.indirect.scatter.add.f32 [tilespmem:s16], [sflag:$0x3], $0x80, s20, s15, $0xb8;
	[tilespmem:$0x1D000] =	vst v63  }
0x125: {  	_ =	swait.ge [sflag:s13], $0x4000  }
0x126: {  	[sflag:s13] =	ssyncset.done $0x0  }
0x127: {  	[sflag:s13] =	ssyncadd.s32 $0xFFFFC000  }
0x128: {  	[tilespmem:s16], [sflag:$0x2] =	stream.indirect.gather [hbm4b:s0+s15], $0x80, s21, s15, $0xb8;
	[tilespmem:$0x1D000] =	vst v63  }
0x129: {  	_ =	swait.ge [sflag:s17], $0x4000  }
0x12a: {  	[sflag:s17] =	ssyncset.done $0x0  }
0x12b: {  	[sflag:s17] =	ssyncadd.s32 $0xFFFFC000  }
0x12c: {  	[spmem:s3] =	stream.indirect.scatter.add.f32 [tilespmem:s12], [sflag:$0x3], $0x80, s22, s15, $0xb8;
	[tilespmem:$0x1D000] =	vst v63  }
0x12d: {  	_ =	swait.ge [sflag:s13], $0x4000  }
0x12e: {  	[sflag:s13] =	ssyncset.done $0x0  }
0x12f: {  	[sflag:s13] =	ssyncadd.s32 $0xFFFFC000  }
0x130: {  	[tilespmem:s12], [sflag:$0x1] =	stream.indirect.gather [hbm4b:s0+s15], $0x80, s23, s15, $0xb8;
	[tilespmem:$0x1D000] =	vst v63  }
0x131: {  	_ =	swait.ge [sflag:s18], $0x4000  }
0x132: {  	[sflag:s18] =	ssyncset.done $0x0  }
0x133: {  	[sflag:s18] =	ssyncadd.s32 $0xFFFFC000  }
0x134: {  	[spmem:s3] =	stream.indirect.scatter.add.f32 [tilespmem:s16], [sflag:$0x3], $0x80, s24, s15, $0xb8;
	[tilespmem:$0x1D000] =	vst v63  }
0x135: {  	_ =	swait.ge [sflag:s13], $0x4000  }
0x136: {  	[sflag:s13] =	ssyncset.done $0x0  }
0x137: {  	[sflag:s13] =	ssyncadd.s32 $0xFFFFC000  }
0x138: {  	[tilespmem:s16], [sflag:$0x2] =	stream.indirect.gather [hbm4b:s0+s15], $0x80, s25, s15, $0xb8;
	[tilespmem:$0x1D000] =	vst v63  }
0x139: {  	_ =	swait.ge [sflag:s17], $0x4000  }
0x13a: {  	[sflag:s17] =	ssyncset.done $0x0  }
0x13b: {  	[sflag:s17] =	ssyncadd.s32 $0xFFFFC000  }
0x13c: {  	[spmem:s3] =	stream.indirect.scatter.add.f32 [tilespmem:s12], [sflag:$0x3], $0x80, s26, s15, $0xb8;
	[tilespmem:$0x1D000] =	vst v63  }
0x13d: {  	_ =	swait.ge [sflag:s13], $0x4000  }
0x13e: {  	[sflag:s13] =	ssyncset.done $0x0  }
0x13f: {  	[sflag:s13] =	ssyncadd.s32 $0xFFFFC000  }
0x140: {  	[tilespmem:s12], [sflag:$0x1] =	stream.indirect.gather [hbm4b:s0+s15], $0x80, s28, s15, $0xb8;
	[tilespmem:$0x1D000] =	vst v63  }
0x141: {  	_ =	swait.ge [sflag:s18], $0x4000  }
0x142: {  	[sflag:s18] =	ssyncset.done $0x0  }
0x143: {  	[sflag:s18] =	ssyncadd.s32 $0xFFFFC000  }
0x144: {  	[spmem:s3] =	stream.indirect.scatter.add.f32 [tilespmem:s16], [sflag:$0x3], $0x80, s29, s15, $0xb8;
	[tilespmem:$0x1D000] =	vst v63  }
0x145: {  	_ =	swait.ge [sflag:s13], $0x4000  }
0x146: {  	[sflag:s13] =	ssyncset.done $0x0  }
0x147: {  	[sflag:s13] =	ssyncadd.s32 $0xFFFFC000  }
0x148: {  	[tilespmem:s16], [sflag:$0x2] =	stream.indirect.gather [hbm4b:s0+s15], $0x80, s30, s15, $0xb8;
	[tilespmem:$0x1D000] =	vst v63  }
0x149: {  	_ =	swait.ge [sflag:s17], $0x4000  }
0x14a: {  	[sflag:s17] =	ssyncset.done $0x0  }
0x14b: {  	[sflag:s17] =	ssyncadd.s32 $0xFFFFC000  }
0x14c: {  	[spmem:s3] =	stream.indirect.scatter.add.f32 [tilespmem:s12], [sflag:$0x3], $0x80, s31, s15, $0xb8;
	[tilespmem:$0x1D000] =	vst v63  }
0x14d: {  	_ =	swait.ge [sflag:s13], $0x4000  }
0x14e: {  	[sflag:s13] =	ssyncset.done $0x0  }
0x14f: {  	[sflag:s13] =	ssyncadd.s32 $0xFFFFC000  }
0x150: {  	[tilespmem:s12], [sflag:$0x1] =	stream.indirect.gather [hbm4b:s0+s15], $0x80, s1, s15, $0xb8;
	[tilespmem:$0x1D000] =	vst v63  }
0x151: {  	_ =	swait.ge [sflag:s18], $0x4000  }
0x152: {  	[sflag:s18] =	ssyncset.done $0x0  }
0x153: {  	[sflag:s18] =	ssyncadd.s32 $0xFFFFC000  }
0x154: {  	[spmem:s3] =	stream.indirect.scatter.add.f32 [tilespmem:s16], [sflag:$0x3], $0x80, s2, s15, $0xb8;
	[tilespmem:$0x1D000] =	vst v63  }
0x155: {  	_ =	swait.ge [sflag:s13], $0x4000  }
0x156: {  	[sflag:s13] =	ssyncset.done $0x0  }
0x157: {  	[sflag:s13] =	ssyncadd.s32 $0xFFFFC000  }
0x158: {  	[tilespmem:s16], [sflag:$0x2] =	stream.indirect.gather [hbm4b:s0+s15], $0x80, s6, s15, $0xb8;
	[tilespmem:$0x1D000] =	vst v63  }
0x159: {  	_ =	swait.ge [sflag:s17], $0x4000  }
0x15a: {  	[sflag:s17] =	ssyncset.done $0x0  }
0x15b: {  	[sflag:s17] =	ssyncadd.s32 $0xFFFFC000  }
0x15c: {  	[spmem:s3] =	stream.indirect.scatter.add.f32 [tilespmem:s12], [sflag:$0x3], $0x80, s7, s15, $0xb8;
	[tilespmem:$0x1D000] =	vst v63  }
0x15d: {  	_ =	swait.ge [sflag:s13], $0x4000  }
0x15e: {  	[sflag:s13] =	ssyncset.done $0x0  }
0x15f: {  	[sflag:s13] =	ssyncadd.s32 $0xFFFFC000  }
0x160: {  	_ =	swait.ge [sflag:s18], $0x4000  }
0x161: {  	[sflag:s18] =	ssyncset.done $0x0  }
0x162: {  	[sflag:s18] =	ssyncadd.s32 $0xFFFFC000  }
0x163: {  	[spmem:s3] =	stream.indirect.scatter.add.f32 [tilespmem:s16], [sflag:$0x3], $0x80, s8, s15, $0xb8;
	[tilespmem:$0x1D000] =	vst v63  }
0x164: {  	s10 =	simm.s32 $0x100;
	_ =	swait.ge [sflag:s13], $0x4000  }
0x165: {  	s11 =	simm.s32 $0x200;
	s5 =	rddreg [dreg:$0x5];
	[sflag:s13] =	ssyncset.done $0x0  }
.LBB2_5:
0x166: {  	[sflag:s13] =	ssyncadd.s32 $0xFFFFC000;
	s5 =	sadd.s32 s10, s5  }
0x167: {  	[tilespmem:s4], [sflag:$0x3] =	stream.linear.gather [hbm4b:s5+s4], $0x800, $0x38;
	[tilespmem:$0x1D000] =	vst v63  }
0x168: {  	_ =	swait.ge [sflag:s13], $0x800  }
0x169: {  	s5 =	rddreg [dreg:$0x4];
	[sflag:s13] =	ssyncset.done $0x0  }
0x16a: {  	[sflag:s13] =	ssyncadd.s32 $0xFFFFF800;
	s5 =	sadd.s32 s10, s5  }
0x16b: {  	[tilespmem:s14], [sflag:$0x3] =	stream.linear.gather [hbm4b:s5+s4], $0x800, $0x38;
	[tilespmem:$0x1D000] =	vst v63  }
0x16c: {  	_ =	swait.ge [sflag:s13], $0x800  }
0x16d: {  	[sflag:s13] =	ssyncset.done $0x0  }
0x16e: {  	[sflag:s13] =	ssyncadd.s32 $0xFFFFF800  }
0x16f: {  	[tilespmem:s12], [sflag:$0x1] =	stream.indirect.gather [hbm4b:s0+s15], $0x80, s4, s15, $0xb8;
	[tilespmem:$0x1D000] =	vst v63  }
0x170: {  	_ = 	snop  }
0x171: {  	[tilespmem:s16], [sflag:$0x2] =	stream.indirect.gather [hbm4b:s0+s15], $0x80, s15, s15, $0xb8;
	[tilespmem:$0x1D000] =	vst v63  }
0x172: {  	_ =	swait.ge [sflag:s17], $0x4000  }
0x173: {  	[sflag:s17] =	ssyncset.done $0x0  }
0x174: {  	[sflag:s17] =	ssyncadd.s32 $0xFFFFC000  }
0x175: {  	[spmem:s3] =	stream.indirect.scatter.add.f32 [tilespmem:s12], [sflag:$0x3], $0x80, s14, s15, $0xb8;
	[tilespmem:$0x1D000] =	vst v63  }
0x176: {  	_ =	swait.ge [sflag:s13], $0x4000  }
0x177: {  	s9 =	smov.u32 s11;
	[sflag:s13] =	ssyncset.done $0x0  }
0x178: {  	s10 =	smov.u32 s9;
	s9 =	rddreg [dreg:$0x6];
	[sflag:s13] =	ssyncadd.s32 $0xFFFFC000  }
0x179: {  	[tilespmem:s12], [sflag:$0x1] =	stream.indirect.gather [hbm4b:s0+s15], $0x80, s9, s15, $0xb8;
	[tilespmem:$0x1D000] =	vst v63  }
0x17a: {  	_ =	swait.ge [sflag:s18], $0x4000  }
0x17b: {  	[sflag:s18] =	ssyncset.done $0x0  }
0x17c: {  	s9 =	rddreg [dreg:$0x7];
	[sflag:s18] =	ssyncadd.s32 $0xFFFFC000  }
0x17d: {  	[spmem:s3] =	stream.indirect.scatter.add.f32 [tilespmem:s16], [sflag:$0x3], $0x80, s9, s15, $0xb8;
	[tilespmem:$0x1D000] =	vst v63  }
0x17e: {  	_ =	swait.ge [sflag:s13], $0x4000  }
0x17f: {  	[sflag:s13] =	ssyncset.done $0x0  }
0x180: {  	s9 =	rddreg [dreg:$0x8];
	[sflag:s13] =	ssyncadd.s32 $0xFFFFC000  }
0x181: {  	[tilespmem:s16], [sflag:$0x2] =	stream.indirect.gather [hbm4b:s0+s15], $0x80, s9, s15, $0xb8;
	[tilespmem:$0x1D000] =	vst v63  }
0x182: {  	_ =	swait.ge [sflag:s17], $0x4000  }
0x183: {  	[sflag:s17] =	ssyncset.done $0x0  }
0x184: {  	s9 =	rddreg [dreg:$0x9];
	[sflag:s17] =	ssyncadd.s32 $0xFFFFC000  }
0x185: {  	[spmem:s3] =	stream.indirect.scatter.add.f32 [tilespmem:s12], [sflag:$0x3], $0x80, s9, s15, $0xb8;
	[tilespmem:$0x1D000] =	vst v63  }
0x186: {  	_ =	swait.ge [sflag:s13], $0x4000  }
0x187: {  	[sflag:s13] =	ssyncset.done $0x0  }
0x188: {  	s9 =	rddreg [dreg:$0xa];
	[sflag:s13] =	ssyncadd.s32 $0xFFFFC000  }
0x189: {  	[tilespmem:s12], [sflag:$0x1] =	stream.indirect.gather [hbm4b:s0+s15], $0x80, s9, s15, $0xb8;
	[tilespmem:$0x1D000] =	vst v63  }
0x18a: {  	_ =	swait.ge [sflag:s18], $0x4000  }
0x18b: {  	[sflag:s18] =	ssyncset.done $0x0  }
0x18c: {  	s9 =	rddreg [dreg:$0xb];
	[sflag:s18] =	ssyncadd.s32 $0xFFFFC000  }
0x18d: {  	[spmem:s3] =	stream.indirect.scatter.add.f32 [tilespmem:s16], [sflag:$0x3], $0x80, s9, s15, $0xb8;
	[tilespmem:$0x1D000] =	vst v63  }
0x18e: {  	_ =	swait.ge [sflag:s13], $0x4000  }
0x18f: {  	[sflag:s13] =	ssyncset.done $0x0  }
0x190: {  	s9 =	rddreg [dreg:$0xc];
	[sflag:s13] =	ssyncadd.s32 $0xFFFFC000  }
0x191: {  	[tilespmem:s16], [sflag:$0x2] =	stream.indirect.gather [hbm4b:s0+s15], $0x80, s9, s15, $0xb8;
	[tilespmem:$0x1D000] =	vst v63  }
0x192: {  	_ =	swait.ge [sflag:s17], $0x4000  }
0x193: {  	[sflag:s17] =	ssyncset.done $0x0  }
0x194: {  	s9 =	rddreg [dreg:$0xd];
	[sflag:s17] =	ssyncadd.s32 $0xFFFFC000  }
0x195: {  	[spmem:s3] =	stream.indirect.scatter.add.f32 [tilespmem:s12], [sflag:$0x3], $0x80, s9, s15, $0xb8;
	[tilespmem:$0x1D000] =	vst v63  }
0x196: {  	_ =	swait.ge [sflag:s13], $0x4000  }
0x197: {  	[sflag:s13] =	ssyncset.done $0x0  }
0x198: {  	s9 =	rddreg [dreg:$0xe];
	[sflag:s13] =	ssyncadd.s32 $0xFFFFC000  }
0x199: {  	[tilespmem:s12], [sflag:$0x1] =	stream.indirect.gather [hbm4b:s0+s15], $0x80, s9, s15, $0xb8;
	[tilespmem:$0x1D000] =	vst v63  }
0x19a: {  	_ =	swait.ge [sflag:s18], $0x4000  }
0x19b: {  	[sflag:s18] =	ssyncset.done $0x0  }
0x19c: {  	s9 =	rddreg [dreg:$0xf];
	[sflag:s18] =	ssyncadd.s32 $0xFFFFC000  }
0x19d: {  	[spmem:s3] =	stream.indirect.scatter.add.f32 [tilespmem:s16], [sflag:$0x3], $0x80, s9, s15, $0xb8;
	[tilespmem:$0x1D000] =	vst v63  }
0x19e: {  	_ =	swait.ge [sflag:s13], $0x4000  }
0x19f: {  	[sflag:s13] =	ssyncset.done $0x0  }
0x1a0: {  	s9 =	rddreg [dreg:$0x10];
	[sflag:s13] =	ssyncadd.s32 $0xFFFFC000  }
0x1a1: {  	[tilespmem:s16], [sflag:$0x2] =	stream.indirect.gather [hbm4b:s0+s15], $0x80, s9, s15, $0xb8;
	[tilespmem:$0x1D000] =	vst v63  }
0x1a2: {  	_ =	swait.ge [sflag:s17], $0x4000  }
0x1a3: {  	[sflag:s17] =	ssyncset.done $0x0  }
0x1a4: {  	s9 =	rddreg [dreg:$0x11];
	[sflag:s17] =	ssyncadd.s32 $0xFFFFC000  }
0x1a5: {  	[spmem:s3] =	stream.indirect.scatter.add.f32 [tilespmem:s12], [sflag:$0x3], $0x80, s9, s15, $0xb8;
	[tilespmem:$0x1D000] =	vst v63  }
0x1a6: {  	_ =	swait.ge [sflag:s13], $0x4000  }
0x1a7: {  	[sflag:s13] =	ssyncset.done $0x0  }
0x1a8: {  	[sflag:s13] =	ssyncadd.s32 $0xFFFFC000  }
0x1a9: {  	[tilespmem:s12], [sflag:$0x1] =	stream.indirect.gather [hbm4b:s0+s15], $0x80, s19, s15, $0xb8;
	[tilespmem:$0x1D000] =	vst v63  }
0x1aa: {  	_ =	swait.ge [sflag:s18], $0x4000  }
0x1ab: {  	[sflag:s18] =	ssyncset.done $0x0  }
0x1ac: {  	[sflag:s18] =	ssyncadd.s32 $0xFFFFC000  }
0x1ad: {  	[spmem:s3] =	stream.indirect.scatter.add.f32 [tilespmem:s16], [sflag:$0x3], $0x80, s20, s15, $0xb8;
	[tilespmem:$0x1D000] =	vst v63  }
0x1ae: {  	_ =	swait.ge [sflag:s13], $0x4000  }
0x1af: {  	[sflag:s13] =	ssyncset.done $0x0  }
0x1b0: {  	[sflag:s13] =	ssyncadd.s32 $0xFFFFC000  }
0x1b1: {  	[tilespmem:s16], [sflag:$0x2] =	stream.indirect.gather [hbm4b:s0+s15], $0x80, s21, s15, $0xb8;
	[tilespmem:$0x1D000] =	vst v63  }
0x1b2: {  	_ =	swait.ge [sflag:s17], $0x4000  }
0x1b3: {  	[sflag:s17] =	ssyncset.done $0x0  }
0x1b4: {  	[sflag:s17] =	ssyncadd.s32 $0xFFFFC000  }
0x1b5: {  	[spmem:s3] =	stream.indirect.scatter.add.f32 [tilespmem:s12], [sflag:$0x3], $0x80, s22, s15, $0xb8;
	[tilespmem:$0x1D000] =	vst v63  }
0x1b6: {  	_ =	swait.ge [sflag:s13], $0x4000  }
0x1b7: {  	[sflag:s13] =	ssyncset.done $0x0  }
0x1b8: {  	[sflag:s13] =	ssyncadd.s32 $0xFFFFC000  }
0x1b9: {  	[tilespmem:s12], [sflag:$0x1] =	stream.indirect.gather [hbm4b:s0+s15], $0x80, s23, s15, $0xb8;
	[tilespmem:$0x1D000] =	vst v63  }
0x1ba: {  	_ =	swait.ge [sflag:s18], $0x4000  }
0x1bb: {  	[sflag:s18] =	ssyncset.done $0x0  }
0x1bc: {  	[sflag:s18] =	ssyncadd.s32 $0xFFFFC000  }
0x1bd: {  	[spmem:s3] =	stream.indirect.scatter.add.f32 [tilespmem:s16], [sflag:$0x3], $0x80, s24, s15, $0xb8;
	[tilespmem:$0x1D000] =	vst v63  }
0x1be: {  	_ =	swait.ge [sflag:s13], $0x4000  }
0x1bf: {  	[sflag:s13] =	ssyncset.done $0x0  }
0x1c0: {  	[sflag:s13] =	ssyncadd.s32 $0xFFFFC000  }
0x1c1: {  	[tilespmem:s16], [sflag:$0x2] =	stream.indirect.gather [hbm4b:s0+s15], $0x80, s25, s15, $0xb8;
	[tilespmem:$0x1D000] =	vst v63  }
0x1c2: {  	_ =	swait.ge [sflag:s17], $0x4000  }
0x1c3: {  	[sflag:s17] =	ssyncset.done $0x0  }
0x1c4: {  	[sflag:s17] =	ssyncadd.s32 $0xFFFFC000  }
0x1c5: {  	[spmem:s3] =	stream.indirect.scatter.add.f32 [tilespmem:s12], [sflag:$0x3], $0x80, s26, s15, $0xb8;
	[tilespmem:$0x1D000] =	vst v63  }
0x1c6: {  	_ =	swait.ge [sflag:s13], $0x4000  }
0x1c7: {  	[sflag:s13] =	ssyncset.done $0x0  }
0x1c8: {  	[sflag:s13] =	ssyncadd.s32 $0xFFFFC000  }
0x1c9: {  	[tilespmem:s12], [sflag:$0x1] =	stream.indirect.gather [hbm4b:s0+s15], $0x80, s28, s15, $0xb8;
	[tilespmem:$0x1D000] =	vst v63  }
0x1ca: {  	_ =	swait.ge [sflag:s18], $0x4000  }
0x1cb: {  	[sflag:s18] =	ssyncset.done $0x0  }
0x1cc: {  	[sflag:s18] =	ssyncadd.s32 $0xFFFFC000  }
0x1cd: {  	[spmem:s3] =	stream.indirect.scatter.add.f32 [tilespmem:s16], [sflag:$0x3], $0x80, s29, s15, $0xb8;
	[tilespmem:$0x1D000] =	vst v63  }
0x1ce: {  	_ =	swait.ge [sflag:s13], $0x4000  }
0x1cf: {  	[sflag:s13] =	ssyncset.done $0x0  }
0x1d0: {  	[sflag:s13] =	ssyncadd.s32 $0xFFFFC000  }
0x1d1: {  	[tilespmem:s16], [sflag:$0x2] =	stream.indirect.gather [hbm4b:s0+s15], $0x80, s30, s15, $0xb8;
	[tilespmem:$0x1D000] =	vst v63  }
0x1d2: {  	_ =	swait.ge [sflag:s17], $0x4000  }
0x1d3: {  	[sflag:s17] =	ssyncset.done $0x0  }
0x1d4: {  	[sflag:s17] =	ssyncadd.s32 $0xFFFFC000  }
0x1d5: {  	[spmem:s3] =	stream.indirect.scatter.add.f32 [tilespmem:s12], [sflag:$0x3], $0x80, s31, s15, $0xb8;
	[tilespmem:$0x1D000] =	vst v63  }
0x1d6: {  	_ =	swait.ge [sflag:s13], $0x4000  }
0x1d7: {  	[sflag:s13] =	ssyncset.done $0x0  }
0x1d8: {  	[sflag:s13] =	ssyncadd.s32 $0xFFFFC000  }
0x1d9: {  	[tilespmem:s12], [sflag:$0x1] =	stream.indirect.gather [hbm4b:s0+s15], $0x80, s1, s15, $0xb8;
	[tilespmem:$0x1D000] =	vst v63  }
0x1da: {  	_ =	swait.ge [sflag:s18], $0x4000  }
0x1db: {  	[sflag:s18] =	ssyncset.done $0x0  }
0x1dc: {  	[sflag:s18] =	ssyncadd.s32 $0xFFFFC000  }
0x1dd: {  	[spmem:s3] =	stream.indirect.scatter.add.f32 [tilespmem:s16], [sflag:$0x3], $0x80, s2, s15, $0xb8;
	[tilespmem:$0x1D000] =	vst v63  }
0x1de: {  	_ =	swait.ge [sflag:s13], $0x4000  }
0x1df: {  	[sflag:s13] =	ssyncset.done $0x0  }
0x1e0: {  	[sflag:s13] =	ssyncadd.s32 $0xFFFFC000  }
0x1e1: {  	[tilespmem:s16], [sflag:$0x2] =	stream.indirect.gather [hbm4b:s0+s15], $0x80, s6, s15, $0xb8;
	[tilespmem:$0x1D000] =	vst v63  }
0x1e2: {  	_ =	swait.ge [sflag:s17], $0x4000  }
0x1e3: {  	[sflag:s17] =	ssyncset.done $0x0  }
0x1e4: {  	[sflag:s17] =	ssyncadd.s32 $0xFFFFC000  }
0x1e5: {  	[spmem:s3] =	stream.indirect.scatter.add.f32 [tilespmem:s12], [sflag:$0x3], $0x80, s7, s15, $0xb8;
	[tilespmem:$0x1D000] =	vst v63  }
0x1e6: {  	_ =	swait.ge [sflag:s13], $0x4000  }
0x1e7: {  	[sflag:s13] =	ssyncset.done $0x0  }
0x1e8: {  	[sflag:s13] =	ssyncadd.s32 $0xFFFFC000  }
0x1e9: {  	p1 =	sne.s32 s11, $0x900;
	_ =	swait.ge [sflag:s18], $0x4000  }
.Ltmp4:
0x1ea: {  	[sflag:s18] =	ssyncset.done $0x0;
	(pc) =	sbr.rel @p1 .LBB2_5-.Ltmp4, $4  }
0x1eb: {  	[sflag:s18] =	ssyncadd.s32 $0xFFFFC000  }
0x1ec: {  	[spmem:s3] =	stream.indirect.scatter.add.f32 [tilespmem:s16], [sflag:$0x3], $0x80, s8, s15, $0xb8;
	[tilespmem:$0x1D000] =	vst v63  }
0x1ed: {  	_ =	swait.ge [sflag:s13], $0x4000  }
0x1ee: {  	s11 =	sadd.s32 $0x100, s11;
	s5 =	rddreg [dreg:$0x5];
	[sflag:s13] =	ssyncset.done $0x0  }
.Ltmp5:
0x1ef: {  	_ = 	snop;
	(pc) =	sbr.rel .LBB2_6-.Ltmp5, $1  }
0x1f0: {  	_ =	sdelay $0x3  }
.LBB2_8:
0x1f1: {  	_ =	sfence.sel $0x180000  }
0x1f2: {  	[bflag:$0x0] =	sbarrier.arrive $0xFFFF  }
0x1f3: {  	_ =	strace $0x9000004A  }
0x1f4: {  	s0 =	stileid.u32;
	[bflag:$0x2] =	sbarrier.arrive $0xFFFF  }
0x1f5: {  	p0 =	sne.s32 s0, $0x0;
	s0 =	rddreg [dreg:$0x3]  }
0x1f6: {  	s0 =	sadd.s32 @!p0 $0x100000, s0  }
0x1f7: {  	[sflag:s0] =	ssyncadd.tile.s32 @!p0 $0x1;
	_ =	shalt  }
.Lfunc_end2:
_tile_overlayer_lowered:
.L_overlay_start_2:
0x1f8: {  	(tag) =	ssettag $0x2  }
0x1f9: {  	s0 =	rddreg [dreg:$0x0];
	s2 =	stileid.u32  }
0x1fa: {  	s1 =	rddreg [dreg:$0x1];
	p0 =	sne.s32 s2, $0x0  }
0x1fb: {  	s3 =	rddreg [dreg:$0x2];
	[bflag:$0x3] =	sbarrier.arrive $0xFFFF;
	s2 =	simm.s32 @!p0 $0x1C03  }
0x1fc: {  	[timem:s3], [sflag:s2] =	dma.local @!p0 [hbm:s0], s1  }
0x1fd: {  	s0 =	simm.s32 @!p0 $0x3  }
0x1fe: {  	_ =	swait.ge @!p0 [sflag:s0], s1  }
0x1ff: {  	s1 =	ssub.s32 @!p0 $0x0, s1;
	[sflag:s0] =	ssyncset.done @!p0 $0x0  }
0x200: {  	[sflag:s0] =	ssyncadd.s32 @!p0 s1  }
0x201: {  	[bflag:$0x3] =	sbarrier.arrive $0xFFFF  }
0x202: {  	_ =	shalt  }

// kernel: kernel.16.cloned.1.call-start
scs
__scs_entry_jumppad:
0x0: {  	(pc) =	sbr.rel $0x88, $3  }
0x1: {  	(tag) =	ssettag $0x0;
	lr =	simm.s32 $0x1  }
0x2: {  	[smem:$0x3F99] =	sst lr;
	_ =	strace $0xD0000000  }
0x3: {  	_ = 	snop  }
0x4: {  	_ = 	snop  }
0x5: {  	_ = 	snop  }
0x6: {  	_ = 	snop  }
0x7: {  	_ = 	snop  }
__scs_overlays_trampoline_lowered:
0x8: {  	[smem:$0x3FA8] =	sst s0  }
0x9: {  	[smem:$0x3FA9] =	sst s1  }
0xa: {  	[smem:$0x3FAA] =	sst s2  }
0xb: {  	[smem:$0x3FAB] =	sst s3  }
0xc: {  	[smem:$0x3FAC] =	sst s4  }
0xd: {  	[smem:$0x3FAD] =	sst s5  }
0xe: {  	[smem:$0x3FAE] =	sst s6  }
0xf: {  	[smem:$0x3FAF] =	sst s7  }
0x10: {  	[smem:$0x3FB0] =	sst s8  }
0x11: {  	[smem:$0x3FB1] =	sst s9;
	s0 =	simm.s32 @!p0 $0x0  }
0x12: {  	s1 =	sld [smem:$0x3F97];
	s0 =	simm.s32 @p0 $0x1  }
0x13: {  	[smem:$0x3FB2] =	sst s0;
	s0 =	simm.s32 @!p1 $0x0  }
0x14: {  	s2 =	sld [smem:$0x3F96];
	s0 =	simm.s32 @p1 $0x1  }
0x15: {  	[smem:$0x3FB3] =	sst s0;
	s0 =	simm.s32 @!p2 $0x0  }
0x16: {  	s3 =	sld [smem:$0x3FDB];
	s0 =	simm.s32 @p2 $0x1  }
0x17: {  	s4 =	simm.s32 $0x1BF5;
	[smem:$0x3FB5] =	sst s0  }
0x18: {  	s0 =	sld [smem:$0x3F98];
	_ =	swait.ge [sflag:s4], $0x0  }
0x19: {  	s7 =	sld [smem:$0x3F99]  }
0x1a: {  	s8 =	sadd.s32 $0xFFFFE003, lr  }
0x1b: {  	s9 =	sadd.s32 $0xFFFFFEF7, lr;
	s5 =	simm.s32 $0xFFFFFFFF;
	p2 =	slt.u32 s8, $0xFFFFF086  }
0x1c: {  	p1 =	slt.u32 s9, $0xF7A;
	s5 =	simm.s32 @!p2 $0x0  }
0x1d: {  	s5 =	simm.s32 @p1 $0x1;
	p0 =	seq.s32 s7, s2  }
0x1e: {  	s7 =	smul.u32 @!p0 $0xF7A, s2;
	p2 =	seq.s32 @!p0 s5, $0x0  }
0x1f: {  	s9 =	smul.u32 $0xF7A, s1;
	s8 =	simm.s32 @!p0 $0x1BF5;
	p2 =	por !p2, p0  }
0x20: {  	[sflag:s8] =	ssyncset.s32 @!p0 $0xFFFFF086;
	s6 =	sadd.s32 @!p0 s3, s7;
	s7 =	simm.s32 @!p0 $0x108  }
0x21: {  	s3 =	sadd.s32 s3, s9;
	s6 =	sadd.s32 @!p0 $0x88, s6;
	s7 =	simm.s32 @p2 $0x1082  }
0x22: {  	[simem:s7], [sflag:s8] =	dma.local @!p0 [hbm:s6], $0xF7A  }
0x23: {  	s9 =	sor.u32 $0xD0000000, s2;
	s6 =	simm.s32 $0x108;
	_ =	swait.ge @!p0 [sflag:s8], $0x0  }
0x24: {  	s3 =	sadd.s32 $0x88, s3;
	s6 =	simm.s32 @!p1 $0x1082;
	[sflag:s4] =	ssyncset.s32 $0xFFFFF086  }
0x25: {  	[simem:s6], [sflag:s4] =	dma.local [hbm:s3], $0xF7A  }
0x26: {  	[smem:$0x3F99] =	sst s1;
	(tag) =	ssettag s2;
	_ =	strace s9  }
0x27: {  	s1 =	sld [smem:$0x3FA9]  }
0x28: {  	s2 =	sld [smem:$0x3FAA]  }
0x29: {  	s4 =	sld [smem:$0x3FAC]  }
0x2a: {  	p0 =	seq.s32 s5, $0x0;
	s5 =	sld [smem:$0x3FAD]  }
0x2b: {  	s6 =	sld [smem:$0x3FAE]  }
0x2c: {  	s7 =	sld [smem:$0x3FAF]  }
0x2d: {  	s3 =	simm.s32 $0x108;
	s8 =	sld [smem:$0x3FB0]  }
0x2e: {  	s3 =	simm.s32 @!p0 $0x1082;
	s9 =	sld [smem:$0x3FB1]  }
0x2f: {  	lr =	sadd.s32 s0, s3;
	s0 =	sld [smem:$0x3FA8]  }
0x30: {  	s3 =	sld [smem:$0x3FAB]  }
0x31: {  	[smem:$0x3FB4] =	sst s10  }
0x32: {  	s10 =	sld [smem:$0x3FB2];
	_ =	sdelay $0x3  }
0x33: {  	p0 =	seq.s32 s10, $0x1;
	s10 =	sld [smem:$0x3FB4];
	_ =	sdelay $0x3  }
0x34: {  	[smem:$0x3FB4] =	sst s10  }
0x35: {  	s10 =	sld [smem:$0x3FB3];
	_ =	sdelay $0x3  }
0x36: {  	p1 =	seq.s32 s10, $0x1;
	s10 =	sld [smem:$0x3FB4];
	_ =	sdelay $0x3  }
0x37: {  	[smem:$0x3FB4] =	sst s10  }
0x38: {  	s10 =	sld [smem:$0x3FB5]  }
0x39: {  	_ = 	snop;
	(pc) =	sbr.ind lr, $3  }
0x3a: {  	_ = 	snop  }
0x3b: {  	_ = 	snop  }
0x3c: {  	p2 =	seq.s32 s10, $0x1;
	s10 =	sld [smem:$0x3FB4]  }
0x3d: {  	_ =	shalt  }
0x3e: {  	_ =	shalt  }
0x3f: {  	_ =	shalt  }
0x40: {  	_ =	shalt  }
0x41: {  	_ =	shalt  }
0x42: {  	_ =	shalt  }
0x43: {  	_ =	shalt  }
0x44: {  	_ =	shalt  }
0x45: {  	_ =	shalt  }
0x46: {  	_ =	shalt  }
0x47: {  	_ =	shalt  }
0x48: {  	_ =	shalt  }
0x49: {  	_ =	shalt  }
0x4a: {  	_ =	shalt  }
0x4b: {  	_ =	shalt  }
0x4c: {  	_ =	shalt  }
0x4d: {  	_ =	shalt  }
0x4e: {  	_ =	shalt  }
0x4f: {  	_ =	shalt  }
0x50: {  	_ =	shalt  }
0x51: {  	_ =	shalt  }
0x52: {  	_ =	shalt  }
0x53: {  	_ =	shalt  }
0x54: {  	_ =	shalt  }
0x55: {  	_ =	shalt  }
0x56: {  	_ =	shalt  }
0x57: {  	_ =	shalt  }
0x58: {  	_ =	shalt  }
0x59: {  	_ =	shalt  }
0x5a: {  	_ =	shalt  }
0x5b: {  	_ =	shalt  }
0x5c: {  	_ =	shalt  }
0x5d: {  	_ =	shalt  }
0x5e: {  	_ =	shalt  }
0x5f: {  	_ =	shalt  }
0x60: {  	_ =	shalt  }
0x61: {  	_ =	shalt  }
0x62: {  	_ =	shalt  }
0x63: {  	_ =	shalt  }
0x64: {  	_ =	shalt  }
0x65: {  	_ =	shalt  }
0x66: {  	_ =	shalt  }
0x67: {  	_ =	shalt  }
0x68: {  	_ =	shalt  }
0x69: {  	_ =	shalt  }
0x6a: {  	_ =	shalt  }
0x6b: {  	_ =	shalt  }
0x6c: {  	_ =	shalt  }
0x6d: {  	_ =	shalt  }
0x6e: {  	_ =	shalt  }
0x6f: {  	_ =	shalt  }
0x70: {  	_ =	shalt  }
0x71: {  	_ =	shalt  }
0x72: {  	_ =	shalt  }
0x73: {  	_ =	shalt  }
0x74: {  	_ =	shalt  }
0x75: {  	_ =	shalt  }
0x76: {  	_ =	shalt  }
0x77: {  	_ =	shalt  }
0x78: {  	_ =	shalt  }
0x79: {  	_ =	shalt  }
0x7a: {  	_ =	shalt  }
0x7b: {  	_ =	shalt  }
0x7c: {  	_ =	shalt  }
0x7d: {  	_ =	shalt  }
0x7e: {  	_ =	shalt  }
0x7f: {  	_ =	shalt  }
0x80: {  	_ =	shalt  }
0x81: {  	_ =	shalt  }
0x82: {  	_ =	shalt  }
0x83: {  	_ =	shalt  }
0x84: {  	_ =	shalt  }
0x85: {  	_ =	shalt  }
0x86: {  	_ =	shalt  }
0x87: {  	_ =	shalt  }
.Lfunc_end0:
.L_simem_size_0:
called_computation.2_lowered:
.L_overlay_start_0:
0x88: {  	s2 =	sld [smem:$0x3FD9]  }
0x89: {  	s3 =	sld [smem:$0x3FFE];
	_ =	sdelay $0x1  }
0x8a: {  	s1 =	srdreg.scid  }
0x8b: {  	s0 =	sand.u32 $0x1, s1  }
0x8c: {  	s17 =	sshll.u32 s0, $0xA;
	s2 =	sadd.s32 s3, s2  }
0x8d: {  	s2 =	sadd.s32 s2, s17  }
0x8e: {  	[smem:$0x3FC0] =	sst s2  }
0x8f: {  	_ = 	snop  }
0x90: {  	s2 =	sld [smem:$0x3FD0];
	(tm) =	ssettm $0x1  }
0x91: {  	s18 =	sld [smem:$0x3FFB];
	_ =	sdelay $0x3  }
0x92: {  	_ =	strace s18  }
0x93: {  	s3 =	sld [smem:$0x3FFC];
	_ =	sdelay $0x3  }
0x94: {  	_ =	strace s3  }
0x95: {  	s3 =	sld [smem:$0x3FFD];
	_ =	sdelay $0x3  }
0x96: {  	_ =	strace s3  }
0x97: {  	_ =	strace $0x8FFFFFFF  }
0x98: {  	s19 =	sld [smem:$0x3FDB];
	_ =	sdelay $0x1  }
0x99: {  	s4 =	simm.s32 $_scs_section_size  }
0x9a: {  	s5 =	simm.s32 $_size__tile_overlayer_lowered;
	s6 =	simm.s32 $_tile_overlayer_lowered  }
0x9b: {  	s22 =	simm.s32 $0x1BFF;
	s21 =	sshll.u32 s6, $0x1;
	s3 =	sadd.s32 s4, s19  }
0x9c: {  	s7 =	simm.s32 $0x0;
	s20 =	sshll.u32 s5, $0x1;
	s5 =	sadd.s32 s21, s3  }
0x9d: {  	[timem:s7], [sflag:s22] =	dma.local [hbm:s5], s20  }
0x9e: {  	_ =	swait.ge [sflag:s22], s20  }
0x9f: {  	s4 =	ssub.s32 $0x0, s20;
	[sflag:s22] =	ssyncset.done $0x0  }
0xa0: {  	[sflag:s22] =	ssyncadd.s32 s4;
	_ =	sdelay $0x1  }
0xa1: {  	s23 =	simm.s32 $0x1B8B  }
0xa2: {  	_ =	swait.ge [sflag:s23], $0x1  }
0xa3: {  	[sflag:s23] =	ssyncset.done $0x0  }
0xa4: {  	s25 =	simm.s32 $0x1B8E;
	s24 =	sld [smem:$0x3FFE];
	[sflag:s23] =	ssyncadd.s32 $0xFFFFFFFF  }
0xa5: {  	s26 =	simm.s32 $execute0_lowered;
	[smem:$0x3FD2] =	sst s25  }
0xa6: {  	s5 =	sshll.u32 s26, $0x1;
	_ =	strace $0x8000004C;
	[dreg:$0x1] =	wrdreg $0xFFFFFFFF  }
0xa7: {  	s28 =	simm.s32 $_size_execute0_lowered;
	s3 =	sadd.s32 s3, s5;
	[dreg:$0x0] =	wrdreg $0x0  }
0xa8: {  	s5 =	sshll.u32 s28, $0x1;
	[dreg:$0x2] =	wrdreg s3  }
0xa9: {  	[dreg:$0x3] =	wrdreg s5  }
0xaa: {  	[dreg:$0x4] =	wrdreg $0xC0  }
0xab: {  	_ =	task [dreg:s7], $0x5FFFF  }
0xac: {  	[dreg:$0x1] =	wrdreg $0xFFFFFFFF  }
0xad: {  	[dreg:$0x0] =	wrdreg $0x60  }
0xae: {  	[dreg:$0x2] =	wrdreg s2  }
0xaf: {  	[dreg:$0x3] =	wrdreg s24  }
0xb0: {  	[dreg:$0x4] =	wrdreg $0x90000  }
0xb1: {  	[dreg:$0x5] =	wrdreg $0x9  }
0xb2: {  	_ =	task.clear_ibuf [dreg:s7], $0x6FFFF;
	_ =	strace $0x9000004C  }
0xb3: {  	s29 =	simm.s32 $0x9;
	_ =	strace $0x8000004E  }
0xb4: {  	_ =	swait.ge [sflag:s29], $0x1  }
0xb5: {  	[sflag:s29] =	ssyncadd.s32 $0xFFFFFFFF  }
0xb6: {  	_ =	strace $0x9000004E  }
0xb7: {  	_ =	sfence  }
0xb8: {  	s30 =	sld [smem:$0x0];
	_ =	sdelay $0x2  }
0xb9: {  	s31 =	sshll.u32 s1, $0xD;
	s1 =	sshrl.u32 s1, $0x2  }
0xba: {  	s3 =	sand.u32 $0x4000, s31;
	s1 =	sadd.s32 s1, s30  }
0xbb: {  	s0 =	sor.u32 s3, s0;
	s1 =	sshll.u32 s1, $0x11  }
0xbc: {  	s0 =	sor.u32 s1, s0  }
0xbd: {  	s0 =	sadd.s32 $0x8F2B, s0  }
0xbe: {  	[sflag:s0] =	ssyncadd.remote.s32 $0x1  }
0xbf: {  	_ =	sfence.sel $0xFFFF  }
0xc0: {  	[dreg:$0x0] =	wrdreg $0xFFFFFFFF;
	(pc) =	sbr.abs _section_cstart, $3  }
0xc1: {  	[dreg:$0x1] =	wrdreg $0xFFFFFFFF  }
0xc2: {  	_ =	task.clear_ibuf [dreg:s7], $0x2FFFF;
	_ =	strace $0x9FFFFFFF  }
0xc3: {  	(tm) =	ssettm $0x7FFFFFFF  }
tec
execute0_lowered:
.L_overlay_start_1:
0x0: {  	(tag) =	ssettag $0x1  }
0x1: {  	s0 =	rddreg [dreg:$0x0]  }
0x2: {  	s1 =	rddreg [dreg:$0x1];
	s2 =	srdreg.scid  }
0x3: {  	s3 =	rddreg [dreg:$0x2];
	s8 =	stileid.u32;
	s4 =	simm.s32 $0x0  }
0x4: {  	s11 =	simm.s32 $0x100;
	s12 =	simm.s32 $0x880;
	s14 =	simm.s32 $0x180  }
0x5: {  	s16 =	simm.s32 $0x900;
	s18 =	simm.s32 $0x200;
	[smem:$0x7FF] =	sst s4  }
0x6: {  	s20 =	simm.s32 $0x980;
	_ =	strace $0x8000004D;
	[dreg:$0x6] =	wrdreg s11  }
0x7: {  	s21 =	simm.s32 $0x280;
	s22 =	simm.s32 $0xA00;
	[dreg:$0x7] =	wrdreg s12  }
0x8: {  	s28 =	simm.s32 $0x600;
	s29 =	simm.s32 $0xD80;
	[dreg:$0x8] =	wrdreg s14  }
0x9: {  	s30 =	simm.s32 $0x680;
	s6 =	smul.u32 $0x14000, s8;
	[dreg:$0x9] =	wrdreg s16  }
0xa: {  	s31 =	simm.s32 $0xE00;
	s7 =	smul.u32 $0xA00, s8;
	[dreg:$0xa] =	wrdreg s18  }
0xb: {  	s2 =	sand.u32 $0x1, s2;
	s8 =	smul.u32 $0x50000, s8;
	[dreg:$0xb] =	wrdreg s20  }
0xc: {  	s5 =	smul.u32 $0x140000, s2;
	s23 =	ssub.s32 $0x2, s2;
	[dreg:$0xc] =	wrdreg s21  }
0xd: {  	p0 =	sne.s32 s2, $0x0;
	s12 =	simm.s32 $0x1000;
	[dreg:$0xd] =	wrdreg s22  }
0xe: {  	s14 =	simm.s32 $0x800;
	s16 =	simm.s32 $0x5000;
	s18 =	simm.s32 $0x2  }
0xf: {  	s20 =	simm.s32 $0xB80;
	s21 =	simm.s32 $0x480;
	s22 =	simm.s32 $0xC00  }
0x10: {  	s2 =	simm.s32 $0xE80;
	s7 =	sadd.s32 s7, s1;
	s24 =	sshrl.u32 s23, $0x1  }
0x11: {  	s25 =	sshrl.u32 s8, $0x2;
	s8 =	simm.s32 $0xF80;
	s26 =	sadd.s32 $0xD800, s7  }
0x12: {  	s5 =	sadd.s32 s6, s5;
	s10 =	sadd.s32 $0x3800, s7;
	[dreg:$0x4] =	wrdreg s26  }
0x13: {  	s9 =	sadd.s32 s25, s3;
	s25 =	simm.s32 $0x380;
	[dreg:$0x5] =	wrdreg s10  }
0x14: {  	s6 =	simm.s32 $0x780;
	s7 =	simm.s32 $0xF00;
	[dreg:$0x12] =	wrdreg s9  }
0x15: {  	s5 =	sshrl.u32 s5, $0x3;
	s13 =	sadd.s32 $0x4000, s9;
	[dreg:$0x10] =	wrdreg s25  }
0x16: {  	s15 =	sadd.s32 $0x8000, s9;
	s17 =	sadd.s32 $0xC000, s9;
	[dreg:$0x15] =	wrdreg s13  }
0x17: {  	s19 =	sadd.s32 $0x10000, s9;
	s26 =	simm.s32 $0xB00;
	[dreg:$0x16] =	wrdreg s15  }
0x18: {  	s25 =	simm.s32 $0x580;
	s9 =	simm.s32 $0x0;
	[dreg:$0x17] =	wrdreg s17  }
0x19: {  	s1 =	sadd.s32 s5, s1;
	s5 =	ssub.s32 s23, s24;
	[dreg:$0x18] =	wrdreg s19  }
0x1a: {  	s13 =	simm.s32 $0x3;
	s23 =	simm.s32 $0x300;
	s24 =	simm.s32 $0xA80  }
.Ltmp0:
0x1b: {  	s15 =	simm.s32 $0x80;
	[dreg:$0x11] =	wrdreg s26;
	(pc) =	sbr.rel .LBB2_1-.Ltmp0, $4  }
0x1c: {  	s17 =	simm.s32 $0x1;
	s19 =	simm.s32 $0x400;
	[dreg:$0xe] =	wrdreg s23  }
0x1d: {  	s26 =	simm.s32 $0xD00;
	s1 =	sadd.s32 $0x67800, s1;
	[dreg:$0xf] =	wrdreg s24  }
0x1e: {  	s5 =	smax.u32 s5, $0x1;
	s23 =	simm.s32 $0x500;
	[dreg:$0x13] =	wrdreg s1  }
0x1f: {  	v0 =	vimm.f32 $0.0e+00;
	s24 =	simm.s32 $0xC80;
	[dreg:$0x14] =	wrdreg s5;
	s1 =	simm.s32 $0x700  }
.LBB2_6:
0x20: {  	[sflag:s13] =	ssyncadd.s32 $0xFFFFC000;
	s5 =	sadd.s32 s10, s5  }
0x21: {  	[tilespmem:s4], [sflag:$0x3] =	stream.linear.gather [hbm4b:s5+s4], $0x800, $0x38;
	[tilespmem:$0x1D000] =	vst v63  }
0x22: {  	_ =	swait.ge [sflag:s13], $0x800  }
0x23: {  	s11 =	rddreg [dreg:$0x4];
	[sflag:s13] =	ssyncset.done $0x0  }
0x24: {  	s5 =	sadd.s32 s10, s11;
	[sflag:s13] =	ssyncadd.s32 $0xFFFFF800  }
0x25: {  	[tilespmem:s14], [sflag:$0x3] =	stream.linear.gather [hbm4b:s5+s4], $0x800, $0x38;
	[tilespmem:$0x1D000] =	vst v63  }
0x26: {  	_ =	swait.ge [sflag:s13], $0x800  }
0x27: {  	[sflag:s13] =	ssyncset.done $0x0  }
0x28: {  	[sflag:s13] =	ssyncadd.s32 $0xFFFFF800  }
0x29: {  	[tilespmem:s12], [sflag:$0x1] =	stream.indirect.gather [hbm4b:s0+s15], $0x80, s4, s15, $0xb8;
	[tilespmem:$0x1D000] =	vst v63  }
0x2a: {  	_ = 	snop  }
0x2b: {  	[tilespmem:s16], [sflag:$0x2] =	stream.indirect.gather [hbm4b:s0+s15], $0x80, s15, s15, $0xb8;
	[tilespmem:$0x1D000] =	vst v63  }
0x2c: {  	_ =	swait.ge [sflag:s17], $0x4000  }
0x2d: {  	[sflag:s17] =	ssyncset.done $0x0  }
0x2e: {  	[sflag:s17] =	ssyncadd.s32 $0xFFFFC000  }
0x2f: {  	[spmem:s3] =	stream.indirect.scatter.add.f32 [tilespmem:s12], [sflag:$0x3], $0x80, s14, s15, $0xb8;
	[tilespmem:$0x1D000] =	vst v63  }
0x30: {  	_ =	swait.ge [sflag:s13], $0x4000  }
0x31: {  	[sflag:s13] =	ssyncset.done $0x0  }
0x32: {  	s9 =	rddreg [dreg:$0x6];
	[sflag:s13] =	ssyncadd.s32 $0xFFFFC000  }
0x33: {  	[tilespmem:s12], [sflag:$0x1] =	stream.indirect.gather [hbm4b:s0+s15], $0x80, s9, s15, $0xb8;
	[tilespmem:$0x1D000] =	vst v63  }
0x34: {  	_ =	swait.ge [sflag:s18], $0x4000  }
0x35: {  	[sflag:s18] =	ssyncset.done $0x0  }
0x36: {  	s10 =	rddreg [dreg:$0x7];
	[sflag:s18] =	ssyncadd.s32 $0xFFFFC000  }
0x37: {  	[spmem:s3] =	stream.indirect.scatter.add.f32 [tilespmem:s16], [sflag:$0x3], $0x80, s10, s15, $0xb8;
	[tilespmem:$0x1D000] =	vst v63  }
0x38: {  	_ =	swait.ge [sflag:s13], $0x4000  }
0x39: {  	[sflag:s13] =	ssyncset.done $0x0  }
0x3a: {  	s11 =	rddreg [dreg:$0x8];
	[sflag:s13] =	ssyncadd.s32 $0xFFFFC000  }
0x3b: {  	[tilespmem:s16], [sflag:$0x2] =	stream.indirect.gather [hbm4b:s0+s15], $0x80, s11, s15, $0xb8;
	[tilespmem:$0x1D000] =	vst v63  }
0x3c: {  	_ =	swait.ge [sflag:s17], $0x4000  }
0x3d: {  	[sflag:s17] =	ssyncset.done $0x0  }
0x3e: {  	s9 =	rddreg [dreg:$0x9];
	[sflag:s17] =	ssyncadd.s32 $0xFFFFC000  }
0x3f: {  	[spmem:s3] =	stream.indirect.scatter.add.f32 [tilespmem:s12], [sflag:$0x3], $0x80, s9, s15, $0xb8;
	[tilespmem:$0x1D000] =	vst v63  }
0x40: {  	_ =	swait.ge [sflag:s13], $0x4000  }
0x41: {  	[sflag:s13] =	ssyncset.done $0x0  }
0x42: {  	s10 =	rddreg [dreg:$0xa];
	[sflag:s13] =	ssyncadd.s32 $0xFFFFC000  }
0x43: {  	[tilespmem:s12], [sflag:$0x1] =	stream.indirect.gather [hbm4b:s0+s15], $0x80, s10, s15, $0xb8;
	[tilespmem:$0x1D000] =	vst v63  }
0x44: {  	_ =	swait.ge [sflag:s18], $0x4000  }
0x45: {  	[sflag:s18] =	ssyncset.done $0x0  }
0x46: {  	s11 =	rddreg [dreg:$0xb];
	[sflag:s18] =	ssyncadd.s32 $0xFFFFC000  }
0x47: {  	[spmem:s3] =	stream.indirect.scatter.add.f32 [tilespmem:s16], [sflag:$0x3], $0x80, s11, s15, $0xb8;
	[tilespmem:$0x1D000] =	vst v63  }
0x48: {  	_ =	swait.ge [sflag:s13], $0x4000  }
0x49: {  	[sflag:s13] =	ssyncset.done $0x0  }
0x4a: {  	s9 =	rddreg [dreg:$0xc];
	[sflag:s13] =	ssyncadd.s32 $0xFFFFC000  }
0x4b: {  	[tilespmem:s16], [sflag:$0x2] =	stream.indirect.gather [hbm4b:s0+s15], $0x80, s9, s15, $0xb8;
	[tilespmem:$0x1D000] =	vst v63  }
0x4c: {  	_ =	swait.ge [sflag:s17], $0x4000  }
0x4d: {  	[sflag:s17] =	ssyncset.done $0x0  }
0x4e: {  	s10 =	rddreg [dreg:$0xd];
	[sflag:s17] =	ssyncadd.s32 $0xFFFFC000  }
0x4f: {  	[spmem:s3] =	stream.indirect.scatter.add.f32 [tilespmem:s12], [sflag:$0x3], $0x80, s10, s15, $0xb8;
	[tilespmem:$0x1D000] =	vst v63  }
0x50: {  	_ =	swait.ge [sflag:s13], $0x4000  }
0x51: {  	[sflag:s13] =	ssyncset.done $0x0  }
0x52: {  	s11 =	rddreg [dreg:$0xe];
	[sflag:s13] =	ssyncadd.s32 $0xFFFFC000  }
0x53: {  	[tilespmem:s12], [sflag:$0x1] =	stream.indirect.gather [hbm4b:s0+s15], $0x80, s11, s15, $0xb8;
	[tilespmem:$0x1D000] =	vst v63  }
0x54: {  	_ =	swait.ge [sflag:s18], $0x4000  }
0x55: {  	[sflag:s18] =	ssyncset.done $0x0  }
0x56: {  	s9 =	rddreg [dreg:$0xf];
	[sflag:s18] =	ssyncadd.s32 $0xFFFFC000  }
0x57: {  	[spmem:s3] =	stream.indirect.scatter.add.f32 [tilespmem:s16], [sflag:$0x3], $0x80, s9, s15, $0xb8;
	[tilespmem:$0x1D000] =	vst v63  }
0x58: {  	_ =	swait.ge [sflag:s13], $0x4000  }
0x59: {  	[sflag:s13] =	ssyncset.done $0x0  }
0x5a: {  	s10 =	rddreg [dreg:$0x10];
	[sflag:s13] =	ssyncadd.s32 $0xFFFFC000  }
0x5b: {  	[tilespmem:s16], [sflag:$0x2] =	stream.indirect.gather [hbm4b:s0+s15], $0x80, s10, s15, $0xb8;
	[tilespmem:$0x1D000] =	vst v63  }
0x5c: {  	_ =	swait.ge [sflag:s17], $0x4000  }
0x5d: {  	[sflag:s17] =	ssyncset.done $0x0  }
0x5e: {  	s11 =	rddreg [dreg:$0x11];
	[sflag:s17] =	ssyncadd.s32 $0xFFFFC000  }
0x5f: {  	[spmem:s3] =	stream.indirect.scatter.add.f32 [tilespmem:s12], [sflag:$0x3], $0x80, s11, s15, $0xb8;
	[tilespmem:$0x1D000] =	vst v63  }
0x60: {  	_ =	swait.ge [sflag:s13], $0x4000  }
0x61: {  	[sflag:s13] =	ssyncset.done $0x0  }
0x62: {  	[sflag:s13] =	ssyncadd.s32 $0xFFFFC000  }
0x63: {  	[tilespmem:s12], [sflag:$0x1] =	stream.indirect.gather [hbm4b:s0+s15], $0x80, s19, s15, $0xb8;
	[tilespmem:$0x1D000] =	vst v63  }
0x64: {  	_ =	swait.ge [sflag:s18], $0x4000  }
0x65: {  	[sflag:s18] =	ssyncset.done $0x0  }
0x66: {  	[sflag:s18] =	ssyncadd.s32 $0xFFFFC000  }
0x67: {  	[spmem:s3] =	stream.indirect.scatter.add.f32 [tilespmem:s16], [sflag:$0x3], $0x80, s20, s15, $0xb8;
	[tilespmem:$0x1D000] =	vst v63  }
0x68: {  	_ =	swait.ge [sflag:s13], $0x4000  }
0x69: {  	[sflag:s13] =	ssyncset.done $0x0  }
0x6a: {  	[sflag:s13] =	ssyncadd.s32 $0xFFFFC000  }
0x6b: {  	[tilespmem:s16], [sflag:$0x2] =	stream.indirect.gather [hbm4b:s0+s15], $0x80, s21, s15, $0xb8;
	[tilespmem:$0x1D000] =	vst v63  }
0x6c: {  	_ =	swait.ge [sflag:s17], $0x4000  }
0x6d: {  	[sflag:s17] =	ssyncset.done $0x0  }
0x6e: {  	[sflag:s17] =	ssyncadd.s32 $0xFFFFC000  }
0x6f: {  	[spmem:s3] =	stream.indirect.scatter.add.f32 [tilespmem:s12], [sflag:$0x3], $0x80, s22, s15, $0xb8;
	[tilespmem:$0x1D000] =	vst v63  }
0x70: {  	_ =	swait.ge [sflag:s13], $0x4000  }
0x71: {  	[sflag:s13] =	ssyncset.done $0x0  }
0x72: {  	[sflag:s13] =	ssyncadd.s32 $0xFFFFC000  }
0x73: {  	[tilespmem:s12], [sflag:$0x1] =	stream.indirect.gather [hbm4b:s0+s15], $0x80, s23, s15, $0xb8;
	[tilespmem:$0x1D000] =	vst v63  }
0x74: {  	_ =	swait.ge [sflag:s18], $0x4000  }
0x75: {  	[sflag:s18] =	ssyncset.done $0x0  }
0x76: {  	[sflag:s18] =	ssyncadd.s32 $0xFFFFC000  }
0x77: {  	[spmem:s3] =	stream.indirect.scatter.add.f32 [tilespmem:s16], [sflag:$0x3], $0x80, s24, s15, $0xb8;
	[tilespmem:$0x1D000] =	vst v63  }
0x78: {  	_ =	swait.ge [sflag:s13], $0x4000  }
0x79: {  	[sflag:s13] =	ssyncset.done $0x0  }
0x7a: {  	[sflag:s13] =	ssyncadd.s32 $0xFFFFC000  }
0x7b: {  	[tilespmem:s16], [sflag:$0x2] =	stream.indirect.gather [hbm4b:s0+s15], $0x80, s25, s15, $0xb8;
	[tilespmem:$0x1D000] =	vst v63  }
0x7c: {  	_ =	swait.ge [sflag:s17], $0x4000  }
0x7d: {  	[sflag:s17] =	ssyncset.done $0x0  }
0x7e: {  	[sflag:s17] =	ssyncadd.s32 $0xFFFFC000  }
0x7f: {  	[spmem:s3] =	stream.indirect.scatter.add.f32 [tilespmem:s12], [sflag:$0x3], $0x80, s26, s15, $0xb8;
	[tilespmem:$0x1D000] =	vst v63  }
0x80: {  	_ =	swait.ge [sflag:s13], $0x4000  }
0x81: {  	[sflag:s13] =	ssyncset.done $0x0  }
0x82: {  	[sflag:s13] =	ssyncadd.s32 $0xFFFFC000  }
0x83: {  	[tilespmem:s12], [sflag:$0x1] =	stream.indirect.gather [hbm4b:s0+s15], $0x80, s28, s15, $0xb8;
	[tilespmem:$0x1D000] =	vst v63  }
0x84: {  	_ =	swait.ge [sflag:s18], $0x4000  }
0x85: {  	[sflag:s18] =	ssyncset.done $0x0  }
0x86: {  	[sflag:s18] =	ssyncadd.s32 $0xFFFFC000  }
0x87: {  	[spmem:s3] =	stream.indirect.scatter.add.f32 [tilespmem:s16], [sflag:$0x3], $0x80, s29, s15, $0xb8;
	[tilespmem:$0x1D000] =	vst v63  }
0x88: {  	_ =	swait.ge [sflag:s13], $0x4000  }
0x89: {  	[sflag:s13] =	ssyncset.done $0x0  }
0x8a: {  	[sflag:s13] =	ssyncadd.s32 $0xFFFFC000  }
0x8b: {  	[tilespmem:s16], [sflag:$0x2] =	stream.indirect.gather [hbm4b:s0+s15], $0x80, s30, s15, $0xb8;
	[tilespmem:$0x1D000] =	vst v63  }
0x8c: {  	_ =	swait.ge [sflag:s17], $0x4000  }
0x8d: {  	[sflag:s17] =	ssyncset.done $0x0  }
0x8e: {  	[sflag:s17] =	ssyncadd.s32 $0xFFFFC000  }
0x8f: {  	[spmem:s3] =	stream.indirect.scatter.add.f32 [tilespmem:s12], [sflag:$0x3], $0x80, s31, s15, $0xb8;
	[tilespmem:$0x1D000] =	vst v63  }
0x90: {  	_ =	swait.ge [sflag:s13], $0x4000  }
0x91: {  	[sflag:s13] =	ssyncset.done $0x0  }
0x92: {  	[sflag:s13] =	ssyncadd.s32 $0xFFFFC000  }
0x93: {  	[tilespmem:s12], [sflag:$0x1] =	stream.indirect.gather [hbm4b:s0+s15], $0x80, s1, s15, $0xb8;
	[tilespmem:$0x1D000] =	vst v63  }
0x94: {  	_ =	swait.ge [sflag:s18], $0x4000  }
0x95: {  	[sflag:s18] =	ssyncset.done $0x0  }
0x96: {  	[sflag:s18] =	ssyncadd.s32 $0xFFFFC000  }
0x97: {  	[spmem:s3] =	stream.indirect.scatter.add.f32 [tilespmem:s16], [sflag:$0x3], $0x80, s2, s15, $0xb8;
	[tilespmem:$0x1D000] =	vst v63  }
0x98: {  	_ =	swait.ge [sflag:s13], $0x4000  }
0x99: {  	[sflag:s13] =	ssyncset.done $0x0  }
0x9a: {  	[sflag:s13] =	ssyncadd.s32 $0xFFFFC000  }
0x9b: {  	[tilespmem:s16], [sflag:$0x2] =	stream.indirect.gather [hbm4b:s0+s15], $0x80, s6, s15, $0xb8;
	[tilespmem:$0x1D000] =	vst v63  }
0x9c: {  	_ =	swait.ge [sflag:s17], $0x4000  }
0x9d: {  	[sflag:s17] =	ssyncset.done $0x0  }
0x9e: {  	[sflag:s17] =	ssyncadd.s32 $0xFFFFC000  }
0x9f: {  	[spmem:s3] =	stream.indirect.scatter.add.f32 [tilespmem:s12], [sflag:$0x3], $0x80, s7, s15, $0xb8;
	[tilespmem:$0x1D000] =	vst v63  }
0xa0: {  	_ =	swait.ge [sflag:s13], $0x4000  }
0xa1: {  	[sflag:s13] =	ssyncset.done $0x0  }
0xa2: {  	[sflag:s13] =	ssyncadd.s32 $0xFFFFC000  }
0xa3: {  	_ =	swait.ge [sflag:s18], $0x4000  }
0xa4: {  	[sflag:s18] =	ssyncset.done $0x0  }
0xa5: {  	[sflag:s18] =	ssyncadd.s32 $0xFFFFC000  }
0xa6: {  	[spmem:s3] =	stream.indirect.scatter.add.f32 [tilespmem:s16], [sflag:$0x3], $0x80, s8, s15, $0xb8;
	[tilespmem:$0x1D000] =	vst v63  }
0xa7: {  	_ =	swait.ge [sflag:s13], $0x4000  }
0xa8: {  	[sflag:s13] =	ssyncset.done $0x0  }
0xa9: {  	s11 =	rddreg [dreg:$0x19];
	[sflag:s13] =	ssyncadd.s32 $0xFFFFC000  }
.LBB2_7:
0xaa: {  	s5 =	stileid.u32;
	[bflag:$0x0] =	sbarrier.arrive $0xFFFF  }
0xab: {  	s5 =	sshll.u32 s5, $0x6;
	s9 =	rddreg [dreg:$0x12]  }
0xac: {  	s10 =	rddreg [dreg:$0x13];
	s5 =	sor.u32 $0x1C03, s5;
	s9 =	sshrl.u32 s9, $0x3  }
0xad: {  	[hbm:s10], [sflag:s5] =	dma.local [spmem:s9], $0x2800  }
0xae: {  	_ =	swait.ge [sflag:s13], $0x2800  }
0xaf: {  	s9 =	sadd.s32 $0x1, s11;
	s11 =	rddreg [dreg:$0x14]  }
0xb0: {  	p1 =	sne.s32 s9, s11  }
.Ltmp1:
0xb1: {  	_ = 	snop;
	(pc) =	sbr.rel @!p1 .LBB2_8-.Ltmp1, $3  }
0xb2: {  	_ =	sdelay $0x1  }
0xb3: {  	[sflag:s13] =	ssyncset.done $0x0  }
0xb4: {  	[sflag:s13] =	ssyncadd.s32 $0xFFFFD800  }
.LBB2_1:
0xb5: {  	s10 =	simm.s32 $0x0;
	s11 =	simm.s32 $0x200  }
.LBB2_2:
0xb6: {  	p1 =	sne.s32 s11, $0xFE00;
	[tilespmem:s10+$0x1070] =	vst v0  }
0xb7: {  	[tilespmem:s10+$0x1000] =	vst v0  }
0xb8: {  	[tilespmem:s10+$0x1010] =	vst v0  }
.Ltmp2:
0xb9: {  	[tilespmem:s10+$0x1020] =	vst v0;
	(pc) =	sbr.rel @p1 .LBB2_2-.Ltmp2, $4  }
0xba: {  	[tilespmem:s10+$0x1030] =	vst v0  }
0xbb: {  	[tilespmem:s10+$0x1040] =	vst v0  }
0xbc: {  	[tilespmem:s10+$0x1050] =	vst v0  }
0xbd: {  	[tilespmem:s10+$0x1060] =	vst v0;
	s10 =	sshra.s32 s11, $0x2;
	s11 =	sadd.s32 $0x200, s11  }
0xbe: {  	[tilespmem:s10+$0x1070] =	vst v0  }
0xbf: {  	[tilespmem:s10+$0x1000] =	vst v0  }
0xc0: {  	[tilespmem:s10+$0x1010] =	vst v0  }
0xc1: {  	[tilespmem:s10+$0x1020] =	vst v0  }
0xc2: {  	[tilespmem:s10+$0x1030] =	vst v0  }
0xc3: {  	[tilespmem:s10+$0x1040] =	vst v0  }
0xc4: {  	[tilespmem:s10+$0x1050] =	vst v0  }
0xc5: {  	[tilespmem:s10+$0x1060] =	vst v0;
	s5 =	rddreg [dreg:$0x12]  }
0xc6: {  	[spmem:s5] =	stream.linear.scatter [tilespmem:s12], [sflag:$0x3], $0x4000, $0x38;
	[tilespmem:$0x1D000] =	vst v63  }
0xc7: {  	_ =	swait.ge [sflag:s13], $0x4000  }
0xc8: {  	[sflag:s13] =	ssyncset.done $0x0  }
0xc9: {  	s10 =	rddreg [dreg:$0x15];
	[sflag:s13] =	ssyncadd.s32 $0xFFFFC000  }
0xca: {  	[spmem:s10] =	stream.linear.scatter [tilespmem:s12], [sflag:$0x3], $0x4000, $0x38;
	[tilespmem:$0x1D000] =	vst v63  }
0xcb: {  	_ =	swait.ge [sflag:s13], $0x4000  }
0xcc: {  	[sflag:s13] =	ssyncset.done $0x0  }
0xcd: {  	s11 =	rddreg [dreg:$0x16];
	[sflag:s13] =	ssyncadd.s32 $0xFFFFC000  }
0xce: {  	[spmem:s11] =	stream.linear.scatter [tilespmem:s12], [sflag:$0x3], $0x4000, $0x38;
	[tilespmem:$0x1D000] =	vst v63  }
0xcf: {  	_ =	swait.ge [sflag:s13], $0x4000  }
0xd0: {  	[sflag:s13] =	ssyncset.done $0x0  }
0xd1: {  	s10 =	rddreg [dreg:$0x17];
	[sflag:s13] =	ssyncadd.s32 $0xFFFFC000  }
0xd2: {  	[spmem:s10] =	stream.linear.scatter [tilespmem:s12], [sflag:$0x3], $0x4000, $0x38;
	[tilespmem:$0x1D000] =	vst v63  }
0xd3: {  	_ =	swait.ge [sflag:s13], $0x4000  }
0xd4: {  	[sflag:s13] =	ssyncset.done $0x0  }
0xd5: {  	s11 =	rddreg [dreg:$0x18];
	[sflag:s13] =	ssyncadd.s32 $0xFFFFC000  }
0xd6: {  	[spmem:s11] =	stream.linear.scatter [tilespmem:s12], [sflag:$0x3], $0x4000, $0x38;
	[tilespmem:$0x1D000] =	vst v63  }
.Ltmp3:
0xd7: {  	_ =	swait.ge [sflag:s13], $0x4000;
	(pc) =	sbr.rel @p0 .LBB2_7-.Ltmp3, $4  }
0xd8: {  	[sflag:s13] =	ssyncset.done $0x0  }
0xd9: {  	[sflag:s13] =	ssyncadd.s32 $0xFFFFC000  }
0xda: {  	[bflag:$0x0] =	sbarrier.arrive $0xFFFF  }
0xdb: {  	s11 =	smov.u32 s9  }
0xdc: {  	s5 =	rddreg [dreg:$0x5]  }
0xdd: {  	[dreg:$0x19] =	wrdreg s11;
	s5 =	sadd.s32 $0x0, s5  }
0xde: {  	[tilespmem:s4], [sflag:$0x3] =	stream.linear.gather [hbm4b:s5+s4], $0x800, $0x38;
	[tilespmem:$0x1D000] =	vst v63  }
0xdf: {  	_ =	swait.ge [sflag:s13], $0x800  }
0xe0: {  	s11 =	rddreg [dreg:$0x4];
	[sflag:s13] =	ssyncset.done $0x0  }
0xe1: {  	[sflag:s13] =	ssyncadd.s32 $0xFFFFF800;
	s5 =	sadd.s32 $0x0, s11  }
0xe2: {  	[tilespmem:s14], [sflag:$0x3] =	stream.linear.gather [hbm4b:s5+s4], $0x800, $0x38;
	[tilespmem:$0x1D000] =	vst v63  }
0xe3: {  	_ =	swait.ge [sflag:s13], $0x800  }
0xe4: {  	[sflag:s13] =	ssyncset.done $0x0  }
0xe5: {  	[sflag:s13] =	ssyncadd.s32 $0xFFFFF800  }
0xe6: {  	[tilespmem:s12], [sflag:$0x1] =	stream.indirect.gather [hbm4b:s0+s15], $0x80, s4, s15, $0xb8;
	[tilespmem:$0x1D000] =	vst v63  }
0xe7: {  	_ = 	snop  }
0xe8: {  	[tilespmem:s16], [sflag:$0x2] =	stream.indirect.gather [hbm4b:s0+s15], $0x80, s15, s15, $0xb8;
	[tilespmem:$0x1D000] =	vst v63  }
0xe9: {  	_ =	swait.ge [sflag:s17], $0x4000  }
0xea: {  	[sflag:s17] =	ssyncset.done $0x0  }
0xeb: {  	[sflag:s17] =	ssyncadd.s32 $0xFFFFC000  }
0xec: {  	[spmem:s3] =	stream.indirect.scatter.add.f32 [tilespmem:s12], [sflag:$0x3], $0x80, s14, s15, $0xb8;
	[tilespmem:$0x1D000] =	vst v63  }
0xed: {  	_ =	swait.ge [sflag:s13], $0x4000  }
0xee: {  	[sflag:s13] =	ssyncset.done $0x0  }
0xef: {  	s9 =	rddreg [dreg:$0x6];
	[sflag:s13] =	ssyncadd.s32 $0xFFFFC000  }
0xf0: {  	[tilespmem:s12], [sflag:$0x1] =	stream.indirect.gather [hbm4b:s0+s15], $0x80, s9, s15, $0xb8;
	[tilespmem:$0x1D000] =	vst v63  }
0xf1: {  	_ =	swait.ge [sflag:s18], $0x4000  }
0xf2: {  	[sflag:s18] =	ssyncset.done $0x0  }
0xf3: {  	s10 =	rddreg [dreg:$0x7];
	[sflag:s18] =	ssyncadd.s32 $0xFFFFC000  }
0xf4: {  	[spmem:s3] =	stream.indirect.scatter.add.f32 [tilespmem:s16], [sflag:$0x3], $0x80, s10, s15, $0xb8;
	[tilespmem:$0x1D000] =	vst v63  }
0xf5: {  	_ =	swait.ge [sflag:s13], $0x4000  }
0xf6: {  	[sflag:s13] =	ssyncset.done $0x0  }
0xf7: {  	s11 =	rddreg [dreg:$0x8];
	[sflag:s13] =	ssyncadd.s32 $0xFFFFC000  }
0xf8: {  	[tilespmem:s16], [sflag:$0x2] =	stream.indirect.gather [hbm4b:s0+s15], $0x80, s11, s15, $0xb8;
	[tilespmem:$0x1D000] =	vst v63  }
0xf9: {  	_ =	swait.ge [sflag:s17], $0x4000  }
0xfa: {  	[sflag:s17] =	ssyncset.done $0x0  }
0xfb: {  	s9 =	rddreg [dreg:$0x9];
	[sflag:s17] =	ssyncadd.s32 $0xFFFFC000  }
0xfc: {  	[spmem:s3] =	stream.indirect.scatter.add.f32 [tilespmem:s12], [sflag:$0x3], $0x80, s9, s15, $0xb8;
	[tilespmem:$0x1D000] =	vst v63  }
0xfd: {  	_ =	swait.ge [sflag:s13], $0x4000  }
0xfe: {  	[sflag:s13] =	ssyncset.done $0x0  }
0xff: {  	s10 =	rddreg [dreg:$0xa];
	[sflag:s13] =	ssyncadd.s32 $0xFFFFC000  }
0x100: {  	[tilespmem:s12], [sflag:$0x1] =	stream.indirect.gather [hbm4b:s0+s15], $0x80, s10, s15, $0xb8;
	[tilespmem:$0x1D000] =	vst v63  }
0x101: {  	_ =	swait.ge [sflag:s18], $0x4000  }
0x102: {  	[sflag:s18] =	ssyncset.done $0x0  }
0x103: {  	s11 =	rddreg [dreg:$0xb];
	[sflag:s18] =	ssyncadd.s32 $0xFFFFC000  }
0x104: {  	[spmem:s3] =	stream.indirect.scatter.add.f32 [tilespmem:s16], [sflag:$0x3], $0x80, s11, s15, $0xb8;
	[tilespmem:$0x1D000] =	vst v63  }
0x105: {  	_ =	swait.ge [sflag:s13], $0x4000  }
0x106: {  	[sflag:s13] =	ssyncset.done $0x0  }
0x107: {  	s9 =	rddreg [dreg:$0xc];
	[sflag:s13] =	ssyncadd.s32 $0xFFFFC000  }
0x108: {  	[tilespmem:s16], [sflag:$0x2] =	stream.indirect.gather [hbm4b:s0+s15], $0x80, s9, s15, $0xb8;
	[tilespmem:$0x1D000] =	vst v63  }
0x109: {  	_ =	swait.ge [sflag:s17], $0x4000  }
0x10a: {  	[sflag:s17] =	ssyncset.done $0x0  }
0x10b: {  	s10 =	rddreg [dreg:$0xd];
	[sflag:s17] =	ssyncadd.s32 $0xFFFFC000  }
0x10c: {  	[spmem:s3] =	stream.indirect.scatter.add.f32 [tilespmem:s12], [sflag:$0x3], $0x80, s10, s15, $0xb8;
	[tilespmem:$0x1D000] =	vst v63  }
0x10d: {  	_ =	swait.ge [sflag:s13], $0x4000  }
0x10e: {  	[sflag:s13] =	ssyncset.done $0x0  }
0x10f: {  	s11 =	rddreg [dreg:$0xe];
	[sflag:s13] =	ssyncadd.s32 $0xFFFFC000  }
0x110: {  	[tilespmem:s12], [sflag:$0x1] =	stream.indirect.gather [hbm4b:s0+s15], $0x80, s11, s15, $0xb8;
	[tilespmem:$0x1D000] =	vst v63  }
0x111: {  	_ =	swait.ge [sflag:s18], $0x4000  }
0x112: {  	[sflag:s18] =	ssyncset.done $0x0  }
0x113: {  	s9 =	rddreg [dreg:$0xf];
	[sflag:s18] =	ssyncadd.s32 $0xFFFFC000  }
0x114: {  	[spmem:s3] =	stream.indirect.scatter.add.f32 [tilespmem:s16], [sflag:$0x3], $0x80, s9, s15, $0xb8;
	[tilespmem:$0x1D000] =	vst v63  }
0x115: {  	_ =	swait.ge [sflag:s13], $0x4000  }
0x116: {  	[sflag:s13] =	ssyncset.done $0x0  }
0x117: {  	s10 =	rddreg [dreg:$0x10];
	[sflag:s13] =	ssyncadd.s32 $0xFFFFC000  }
0x118: {  	[tilespmem:s16], [sflag:$0x2] =	stream.indirect.gather [hbm4b:s0+s15], $0x80, s10, s15, $0xb8;
	[tilespmem:$0x1D000] =	vst v63  }
0x119: {  	_ =	swait.ge [sflag:s17], $0x4000  }
0x11a: {  	[sflag:s17] =	ssyncset.done $0x0  }
0x11b: {  	s11 =	rddreg [dreg:$0x11];
	[sflag:s17] =	ssyncadd.s32 $0xFFFFC000  }
0x11c: {  	[spmem:s3] =	stream.indirect.scatter.add.f32 [tilespmem:s12], [sflag:$0x3], $0x80, s11, s15, $0xb8;
	[tilespmem:$0x1D000] =	vst v63  }
0x11d: {  	_ =	swait.ge [sflag:s13], $0x4000  }
0x11e: {  	[sflag:s13] =	ssyncset.done $0x0  }
0x11f: {  	[sflag:s13] =	ssyncadd.s32 $0xFFFFC000  }
0x120: {  	[tilespmem:s12], [sflag:$0x1] =	stream.indirect.gather [hbm4b:s0+s15], $0x80, s19, s15, $0xb8;
	[tilespmem:$0x1D000] =	vst v63  }
0x121: {  	_ =	swait.ge [sflag:s18], $0x4000  }
0x122: {  	[sflag:s18] =	ssyncset.done $0x0  }
0x123: {  	[sflag:s18] =	ssyncadd.s32 $0xFFFFC000  }
0x124: {  	[spmem:s3] =	stream.indirect.scatter.add.f32 [tilespmem:s16], [sflag:$0x3], $0x80, s20, s15, $0xb8;
	[tilespmem:$0x1D000] =	vst v63  }
0x125: {  	_ =	swait.ge [sflag:s13], $0x4000  }
0x126: {  	[sflag:s13] =	ssyncset.done $0x0  }
0x127: {  	[sflag:s13] =	ssyncadd.s32 $0xFFFFC000  }
0x128: {  	[tilespmem:s16], [sflag:$0x2] =	stream.indirect.gather [hbm4b:s0+s15], $0x80, s21, s15, $0xb8;
	[tilespmem:$0x1D000] =	vst v63  }
0x129: {  	_ =	swait.ge [sflag:s17], $0x4000  }
0x12a: {  	[sflag:s17] =	ssyncset.done $0x0  }
0x12b: {  	[sflag:s17] =	ssyncadd.s32 $0xFFFFC000  }
0x12c: {  	[spmem:s3] =	stream.indirect.scatter.add.f32 [tilespmem:s12], [sflag:$0x3], $0x80, s22, s15, $0xb8;
	[tilespmem:$0x1D000] =	vst v63  }
0x12d: {  	_ =	swait.ge [sflag:s13], $0x4000  }
0x12e: {  	[sflag:s13] =	ssyncset.done $0x0  }
0x12f: {  	[sflag:s13] =	ssyncadd.s32 $0xFFFFC000  }
0x130: {  	[tilespmem:s12], [sflag:$0x1] =	stream.indirect.gather [hbm4b:s0+s15], $0x80, s23, s15, $0xb8;
	[tilespmem:$0x1D000] =	vst v63  }
0x131: {  	_ =	swait.ge [sflag:s18], $0x4000  }
0x132: {  	[sflag:s18] =	ssyncset.done $0x0  }
0x133: {  	[sflag:s18] =	ssyncadd.s32 $0xFFFFC000  }
0x134: {  	[spmem:s3] =	stream.indirect.scatter.add.f32 [tilespmem:s16], [sflag:$0x3], $0x80, s24, s15, $0xb8;
	[tilespmem:$0x1D000] =	vst v63  }
0x135: {  	_ =	swait.ge [sflag:s13], $0x4000  }
0x136: {  	[sflag:s13] =	ssyncset.done $0x0  }
0x137: {  	[sflag:s13] =	ssyncadd.s32 $0xFFFFC000  }
0x138: {  	[tilespmem:s16], [sflag:$0x2] =	stream.indirect.gather [hbm4b:s0+s15], $0x80, s25, s15, $0xb8;
	[tilespmem:$0x1D000] =	vst v63  }
0x139: {  	_ =	swait.ge [sflag:s17], $0x4000  }
0x13a: {  	[sflag:s17] =	ssyncset.done $0x0  }
0x13b: {  	[sflag:s17] =	ssyncadd.s32 $0xFFFFC000  }
0x13c: {  	[spmem:s3] =	stream.indirect.scatter.add.f32 [tilespmem:s12], [sflag:$0x3], $0x80, s26, s15, $0xb8;
	[tilespmem:$0x1D000] =	vst v63  }
0x13d: {  	_ =	swait.ge [sflag:s13], $0x4000  }
0x13e: {  	[sflag:s13] =	ssyncset.done $0x0  }
0x13f: {  	[sflag:s13] =	ssyncadd.s32 $0xFFFFC000  }
0x140: {  	[tilespmem:s12], [sflag:$0x1] =	stream.indirect.gather [hbm4b:s0+s15], $0x80, s28, s15, $0xb8;
	[tilespmem:$0x1D000] =	vst v63  }
0x141: {  	_ =	swait.ge [sflag:s18], $0x4000  }
0x142: {  	[sflag:s18] =	ssyncset.done $0x0  }
0x143: {  	[sflag:s18] =	ssyncadd.s32 $0xFFFFC000  }
0x144: {  	[spmem:s3] =	stream.indirect.scatter.add.f32 [tilespmem:s16], [sflag:$0x3], $0x80, s29, s15, $0xb8;
	[tilespmem:$0x1D000] =	vst v63  }
0x145: {  	_ =	swait.ge [sflag:s13], $0x4000  }
0x146: {  	[sflag:s13] =	ssyncset.done $0x0  }
0x147: {  	[sflag:s13] =	ssyncadd.s32 $0xFFFFC000  }
0x148: {  	[tilespmem:s16], [sflag:$0x2] =	stream.indirect.gather [hbm4b:s0+s15], $0x80, s30, s15, $0xb8;
	[tilespmem:$0x1D000] =	vst v63  }
0x149: {  	_ =	swait.ge [sflag:s17], $0x4000  }
0x14a: {  	[sflag:s17] =	ssyncset.done $0x0  }
0x14b: {  	[sflag:s17] =	ssyncadd.s32 $0xFFFFC000  }
0x14c: {  	[spmem:s3] =	stream.indirect.scatter.add.f32 [tilespmem:s12], [sflag:$0x3], $0x80, s31, s15, $0xb8;
	[tilespmem:$0x1D000] =	vst v63  }
0x14d: {  	_ =	swait.ge [sflag:s13], $0x4000  }
0x14e: {  	[sflag:s13] =	ssyncset.done $0x0  }
0x14f: {  	[sflag:s13] =	ssyncadd.s32 $0xFFFFC000  }
0x150: {  	[tilespmem:s12], [sflag:$0x1] =	stream.indirect.gather [hbm4b:s0+s15], $0x80, s1, s15, $0xb8;
	[tilespmem:$0x1D000] =	vst v63  }
0x151: {  	_ =	swait.ge [sflag:s18], $0x4000  }
0x152: {  	[sflag:s18] =	ssyncset.done $0x0  }
0x153: {  	[sflag:s18] =	ssyncadd.s32 $0xFFFFC000  }
0x154: {  	[spmem:s3] =	stream.indirect.scatter.add.f32 [tilespmem:s16], [sflag:$0x3], $0x80, s2, s15, $0xb8;
	[tilespmem:$0x1D000] =	vst v63  }
0x155: {  	_ =	swait.ge [sflag:s13], $0x4000  }
0x156: {  	[sflag:s13] =	ssyncset.done $0x0  }
0x157: {  	[sflag:s13] =	ssyncadd.s32 $0xFFFFC000  }
0x158: {  	[tilespmem:s16], [sflag:$0x2] =	stream.indirect.gather [hbm4b:s0+s15], $0x80, s6, s15, $0xb8;
	[tilespmem:$0x1D000] =	vst v63  }
0x159: {  	_ =	swait.ge [sflag:s17], $0x4000  }
0x15a: {  	[sflag:s17] =	ssyncset.done $0x0  }
0x15b: {  	[sflag:s17] =	ssyncadd.s32 $0xFFFFC000  }
0x15c: {  	[spmem:s3] =	stream.indirect.scatter.add.f32 [tilespmem:s12], [sflag:$0x3], $0x80, s7, s15, $0xb8;
	[tilespmem:$0x1D000] =	vst v63  }
0x15d: {  	_ =	swait.ge [sflag:s13], $0x4000  }
0x15e: {  	[sflag:s13] =	ssyncset.done $0x0  }
0x15f: {  	[sflag:s13] =	ssyncadd.s32 $0xFFFFC000  }
0x160: {  	_ =	swait.ge [sflag:s18], $0x4000  }
0x161: {  	[sflag:s18] =	ssyncset.done $0x0  }
0x162: {  	[sflag:s18] =	ssyncadd.s32 $0xFFFFC000  }
0x163: {  	[spmem:s3] =	stream.indirect.scatter.add.f32 [tilespmem:s16], [sflag:$0x3], $0x80, s8, s15, $0xb8;
	[tilespmem:$0x1D000] =	vst v63  }
0x164: {  	s10 =	simm.s32 $0x100;
	_ =	swait.ge [sflag:s13], $0x4000  }
0x165: {  	s11 =	simm.s32 $0x200;
	s5 =	rddreg [dreg:$0x5];
	[sflag:s13] =	ssyncset.done $0x0  }
.LBB2_5:
0x166: {  	[sflag:s13] =	ssyncadd.s32 $0xFFFFC000;
	s5 =	sadd.s32 s10, s5  }
0x167: {  	[tilespmem:s4], [sflag:$0x3] =	stream.linear.gather [hbm4b:s5+s4], $0x800, $0x38;
	[tilespmem:$0x1D000] =	vst v63  }
0x168: {  	_ =	swait.ge [sflag:s13], $0x800  }
0x169: {  	s5 =	rddreg [dreg:$0x4];
	[sflag:s13] =	ssyncset.done $0x0  }
0x16a: {  	[sflag:s13] =	ssyncadd.s32 $0xFFFFF800;
	s5 =	sadd.s32 s10, s5  }
0x16b: {  	[tilespmem:s14], [sflag:$0x3] =	stream.linear.gather [hbm4b:s5+s4], $0x800, $0x38;
	[tilespmem:$0x1D000] =	vst v63  }
0x16c: {  	_ =	swait.ge [sflag:s13], $0x800  }
0x16d: {  	[sflag:s13] =	ssyncset.done $0x0  }
0x16e: {  	[sflag:s13] =	ssyncadd.s32 $0xFFFFF800  }
0x16f: {  	[tilespmem:s12], [sflag:$0x1] =	stream.indirect.gather [hbm4b:s0+s15], $0x80, s4, s15, $0xb8;
	[tilespmem:$0x1D000] =	vst v63  }
0x170: {  	_ = 	snop  }
0x171: {  	[tilespmem:s16], [sflag:$0x2] =	stream.indirect.gather [hbm4b:s0+s15], $0x80, s15, s15, $0xb8;
	[tilespmem:$0x1D000] =	vst v63  }
0x172: {  	_ =	swait.ge [sflag:s17], $0x4000  }
0x173: {  	[sflag:s17] =	ssyncset.done $0x0  }
0x174: {  	[sflag:s17] =	ssyncadd.s32 $0xFFFFC000  }
0x175: {  	[spmem:s3] =	stream.indirect.scatter.add.f32 [tilespmem:s12], [sflag:$0x3], $0x80, s14, s15, $0xb8;
	[tilespmem:$0x1D000] =	vst v63  }
0x176: {  	_ =	swait.ge [sflag:s13], $0x4000  }
0x177: {  	s9 =	smov.u32 s11;
	[sflag:s13] =	ssyncset.done $0x0  }
0x178: {  	s10 =	smov.u32 s9;
	s9 =	rddreg [dreg:$0x6];
	[sflag:s13] =	ssyncadd.s32 $0xFFFFC000  }
0x179: {  	[tilespmem:s12], [sflag:$0x1] =	stream.indirect.gather [hbm4b:s0+s15], $0x80, s9, s15, $0xb8;
	[tilespmem:$0x1D000] =	vst v63  }
0x17a: {  	_ =	swait.ge [sflag:s18], $0x4000  }
0x17b: {  	[sflag:s18] =	ssyncset.done $0x0  }
0x17c: {  	s9 =	rddreg [dreg:$0x7];
	[sflag:s18] =	ssyncadd.s32 $0xFFFFC000  }
0x17d: {  	[spmem:s3] =	stream.indirect.scatter.add.f32 [tilespmem:s16], [sflag:$0x3], $0x80, s9, s15, $0xb8;
	[tilespmem:$0x1D000] =	vst v63  }
0x17e: {  	_ =	swait.ge [sflag:s13], $0x4000  }
0x17f: {  	[sflag:s13] =	ssyncset.done $0x0  }
0x180: {  	s9 =	rddreg [dreg:$0x8];
	[sflag:s13] =	ssyncadd.s32 $0xFFFFC000  }
0x181: {  	[tilespmem:s16], [sflag:$0x2] =	stream.indirect.gather [hbm4b:s0+s15], $0x80, s9, s15, $0xb8;
	[tilespmem:$0x1D000] =	vst v63  }
0x182: {  	_ =	swait.ge [sflag:s17], $0x4000  }
0x183: {  	[sflag:s17] =	ssyncset.done $0x0  }
0x184: {  	s9 =	rddreg [dreg:$0x9];
	[sflag:s17] =	ssyncadd.s32 $0xFFFFC000  }
0x185: {  	[spmem:s3] =	stream.indirect.scatter.add.f32 [tilespmem:s12], [sflag:$0x3], $0x80, s9, s15, $0xb8;
	[tilespmem:$0x1D000] =	vst v63  }
0x186: {  	_ =	swait.ge [sflag:s13], $0x4000  }
0x187: {  	[sflag:s13] =	ssyncset.done $0x0  }
0x188: {  	s9 =	rddreg [dreg:$0xa];
	[sflag:s13] =	ssyncadd.s32 $0xFFFFC000  }
0x189: {  	[tilespmem:s12], [sflag:$0x1] =	stream.indirect.gather [hbm4b:s0+s15], $0x80, s9, s15, $0xb8;
	[tilespmem:$0x1D000] =	vst v63  }
0x18a: {  	_ =	swait.ge [sflag:s18], $0x4000  }
0x18b: {  	[sflag:s18] =	ssyncset.done $0x0  }
0x18c: {  	s9 =	rddreg [dreg:$0xb];
	[sflag:s18] =	ssyncadd.s32 $0xFFFFC000  }
0x18d: {  	[spmem:s3] =	stream.indirect.scatter.add.f32 [tilespmem:s16], [sflag:$0x3], $0x80, s9, s15, $0xb8;
	[tilespmem:$0x1D000] =	vst v63  }
0x18e: {  	_ =	swait.ge [sflag:s13], $0x4000  }
0x18f: {  	[sflag:s13] =	ssyncset.done $0x0  }
0x190: {  	s9 =	rddreg [dreg:$0xc];
	[sflag:s13] =	ssyncadd.s32 $0xFFFFC000  }
0x191: {  	[tilespmem:s16], [sflag:$0x2] =	stream.indirect.gather [hbm4b:s0+s15], $0x80, s9, s15, $0xb8;
	[tilespmem:$0x1D000] =	vst v63  }
0x192: {  	_ =	swait.ge [sflag:s17], $0x4000  }
0x193: {  	[sflag:s17] =	ssyncset.done $0x0  }
0x194: {  	s9 =	rddreg [dreg:$0xd];
	[sflag:s17] =	ssyncadd.s32 $0xFFFFC000  }
0x195: {  	[spmem:s3] =	stream.indirect.scatter.add.f32 [tilespmem:s12], [sflag:$0x3], $0x80, s9, s15, $0xb8;
	[tilespmem:$0x1D000] =	vst v63  }
0x196: {  	_ =	swait.ge [sflag:s13], $0x4000  }
0x197: {  	[sflag:s13] =	ssyncset.done $0x0  }
0x198: {  	s9 =	rddreg [dreg:$0xe];
	[sflag:s13] =	ssyncadd.s32 $0xFFFFC000  }
0x199: {  	[tilespmem:s12], [sflag:$0x1] =	stream.indirect.gather [hbm4b:s0+s15], $0x80, s9, s15, $0xb8;
	[tilespmem:$0x1D000] =	vst v63  }
0x19a: {  	_ =	swait.ge [sflag:s18], $0x4000  }
0x19b: {  	[sflag:s18] =	ssyncset.done $0x0  }
0x19c: {  	s9 =	rddreg [dreg:$0xf];
	[sflag:s18] =	ssyncadd.s32 $0xFFFFC000  }
0x19d: {  	[spmem:s3] =	stream.indirect.scatter.add.f32 [tilespmem:s16], [sflag:$0x3], $0x80, s9, s15, $0xb8;
	[tilespmem:$0x1D000] =	vst v63  }
0x19e: {  	_ =	swait.ge [sflag:s13], $0x4000  }
0x19f: {  	[sflag:s13] =	ssyncset.done $0x0  }
0x1a0: {  	s9 =	rddreg [dreg:$0x10];
	[sflag:s13] =	ssyncadd.s32 $0xFFFFC000  }
0x1a1: {  	[tilespmem:s16], [sflag:$0x2] =	stream.indirect.gather [hbm4b:s0+s15], $0x80, s9, s15, $0xb8;
	[tilespmem:$0x1D000] =	vst v63  }
0x1a2: {  	_ =	swait.ge [sflag:s17], $0x4000  }
0x1a3: {  	[sflag:s17] =	ssyncset.done $0x0  }
0x1a4: {  	s9 =	rddreg [dreg:$0x11];
	[sflag:s17] =	ssyncadd.s32 $0xFFFFC000  }
0x1a5: {  	[spmem:s3] =	stream.indirect.scatter.add.f32 [tilespmem:s12], [sflag:$0x3], $0x80, s9, s15, $0xb8;
	[tilespmem:$0x1D000] =	vst v63  }
0x1a6: {  	_ =	swait.ge [sflag:s13], $0x4000  }
0x1a7: {  	[sflag:s13] =	ssyncset.done $0x0  }
0x1a8: {  	[sflag:s13] =	ssyncadd.s32 $0xFFFFC000  }
0x1a9: {  	[tilespmem:s12], [sflag:$0x1] =	stream.indirect.gather [hbm4b:s0+s15], $0x80, s19, s15, $0xb8;
	[tilespmem:$0x1D000] =	vst v63  }
0x1aa: {  	_ =	swait.ge [sflag:s18], $0x4000  }
0x1ab: {  	[sflag:s18] =	ssyncset.done $0x0  }
0x1ac: {  	[sflag:s18] =	ssyncadd.s32 $0xFFFFC000  }
0x1ad: {  	[spmem:s3] =	stream.indirect.scatter.add.f32 [tilespmem:s16], [sflag:$0x3], $0x80, s20, s15, $0xb8;
	[tilespmem:$0x1D000] =	vst v63  }
0x1ae: {  	_ =	swait.ge [sflag:s13], $0x4000  }
0x1af: {  	[sflag:s13] =	ssyncset.done $0x0  }
0x1b0: {  	[sflag:s13] =	ssyncadd.s32 $0xFFFFC000  }
0x1b1: {  	[tilespmem:s16], [sflag:$0x2] =	stream.indirect.gather [hbm4b:s0+s15], $0x80, s21, s15, $0xb8;
	[tilespmem:$0x1D000] =	vst v63  }
0x1b2: {  	_ =	swait.ge [sflag:s17], $0x4000  }
0x1b3: {  	[sflag:s17] =	ssyncset.done $0x0  }
0x1b4: {  	[sflag:s17] =	ssyncadd.s32 $0xFFFFC000  }
0x1b5: {  	[spmem:s3] =	stream.indirect.scatter.add.f32 [tilespmem:s12], [sflag:$0x3], $0x80, s22, s15, $0xb8;
	[tilespmem:$0x1D000] =	vst v63  }
0x1b6: {  	_ =	swait.ge [sflag:s13], $0x4000  }
0x1b7: {  	[sflag:s13] =	ssyncset.done $0x0  }
0x1b8: {  	[sflag:s13] =	ssyncadd.s32 $0xFFFFC000  }
0x1b9: {  	[tilespmem:s12], [sflag:$0x1] =	stream.indirect.gather [hbm4b:s0+s15], $0x80, s23, s15, $0xb8;
	[tilespmem:$0x1D000] =	vst v63  }
0x1ba: {  	_ =	swait.ge [sflag:s18], $0x4000  }
0x1bb: {  	[sflag:s18] =	ssyncset.done $0x0  }
0x1bc: {  	[sflag:s18] =	ssyncadd.s32 $0xFFFFC000  }
0x1bd: {  	[spmem:s3] =	stream.indirect.scatter.add.f32 [tilespmem:s16], [sflag:$0x3], $0x80, s24, s15, $0xb8;
	[tilespmem:$0x1D000] =	vst v63  }
0x1be: {  	_ =	swait.ge [sflag:s13], $0x4000  }
0x1bf: {  	[sflag:s13] =	ssyncset.done $0x0  }
0x1c0: {  	[sflag:s13] =	ssyncadd.s32 $0xFFFFC000  }
0x1c1: {  	[tilespmem:s16], [sflag:$0x2] =	stream.indirect.gather [hbm4b:s0+s15], $0x80, s25, s15, $0xb8;
	[tilespmem:$0x1D000] =	vst v63  }
0x1c2: {  	_ =	swait.ge [sflag:s17], $0x4000  }
0x1c3: {  	[sflag:s17] =	ssyncset.done $0x0  }
0x1c4: {  	[sflag:s17] =	ssyncadd.s32 $0xFFFFC000  }
0x1c5: {  	[spmem:s3] =	stream.indirect.scatter.add.f32 [tilespmem:s12], [sflag:$0x3], $0x80, s26, s15, $0xb8;
	[tilespmem:$0x1D000] =	vst v63  }
0x1c6: {  	_ =	swait.ge [sflag:s13], $0x4000  }
0x1c7: {  	[sflag:s13] =	ssyncset.done $0x0  }
0x1c8: {  	[sflag:s13] =	ssyncadd.s32 $0xFFFFC000  }
0x1c9: {  	[tilespmem:s12], [sflag:$0x1] =	stream.indirect.gather [hbm4b:s0+s15], $0x80, s28, s15, $0xb8;
	[tilespmem:$0x1D000] =	vst v63  }
0x1ca: {  	_ =	swait.ge [sflag:s18], $0x4000  }
0x1cb: {  	[sflag:s18] =	ssyncset.done $0x0  }
0x1cc: {  	[sflag:s18] =	ssyncadd.s32 $0xFFFFC000  }
0x1cd: {  	[spmem:s3] =	stream.indirect.scatter.add.f32 [tilespmem:s16], [sflag:$0x3], $0x80, s29, s15, $0xb8;
	[tilespmem:$0x1D000] =	vst v63  }
0x1ce: {  	_ =	swait.ge [sflag:s13], $0x4000  }
0x1cf: {  	[sflag:s13] =	ssyncset.done $0x0  }
0x1d0: {  	[sflag:s13] =	ssyncadd.s32 $0xFFFFC000  }
0x1d1: {  	[tilespmem:s16], [sflag:$0x2] =	stream.indirect.gather [hbm4b:s0+s15], $0x80, s30, s15, $0xb8;
	[tilespmem:$0x1D000] =	vst v63  }
0x1d2: {  	_ =	swait.ge [sflag:s17], $0x4000  }
0x1d3: {  	[sflag:s17] =	ssyncset.done $0x0  }
0x1d4: {  	[sflag:s17] =	ssyncadd.s32 $0xFFFFC000  }
0x1d5: {  	[spmem:s3] =	stream.indirect.scatter.add.f32 [tilespmem:s12], [sflag:$0x3], $0x80, s31, s15, $0xb8;
	[tilespmem:$0x1D000] =	vst v63  }
0x1d6: {  	_ =	swait.ge [sflag:s13], $0x4000  }
0x1d7: {  	[sflag:s13] =	ssyncset.done $0x0  }
0x1d8: {  	[sflag:s13] =	ssyncadd.s32 $0xFFFFC000  }
0x1d9: {  	[tilespmem:s12], [sflag:$0x1] =	stream.indirect.gather [hbm4b:s0+s15], $0x80, s1, s15, $0xb8;
	[tilespmem:$0x1D000] =	vst v63  }
0x1da: {  	_ =	swait.ge [sflag:s18], $0x4000  }
0x1db: {  	[sflag:s18] =	ssyncset.done $0x0  }
0x1dc: {  	[sflag:s18] =	ssyncadd.s32 $0xFFFFC000  }
0x1dd: {  	[spmem:s3] =	stream.indirect.scatter.add.f32 [tilespmem:s16], [sflag:$0x3], $0x80, s2, s15, $0xb8;
	[tilespmem:$0x1D000] =	vst v63  }
0x1de: {  	_ =	swait.ge [sflag:s13], $0x4000  }
0x1df: {  	[sflag:s13] =	ssyncset.done $0x0  }
0x1e0: {  	[sflag:s13] =	ssyncadd.s32 $0xFFFFC000  }
0x1e1: {  	[tilespmem:s16], [sflag:$0x2] =	stream.indirect.gather [hbm4b:s0+s15], $0x80, s6, s15, $0xb8;
	[tilespmem:$0x1D000] =	vst v63  }
0x1e2: {  	_ =	swait.ge [sflag:s17], $0x4000  }
0x1e3: {  	[sflag:s17] =	ssyncset.done $0x0  }
0x1e4: {  	[sflag:s17] =	ssyncadd.s32 $0xFFFFC000  }
0x1e5: {  	[spmem:s3] =	stream.indirect.scatter.add.f32 [tilespmem:s12], [sflag:$0x3], $0x80, s7, s15, $0xb8;
	[tilespmem:$0x1D000] =	vst v63  }
0x1e6: {  	_ =	swait.ge [sflag:s13], $0x4000  }
0x1e7: {  	[sflag:s13] =	ssyncset.done $0x0  }
0x1e8: {  	[sflag:s13] =	ssyncadd.s32 $0xFFFFC000  }
0x1e9: {  	p1 =	sne.s32 s11, $0x900;
	_ =	swait.ge [sflag:s18], $0x4000  }
.Ltmp4:
0x1ea: {  	[sflag:s18] =	ssyncset.done $0x0;
	(pc) =	sbr.rel @p1 .LBB2_5-.Ltmp4, $4  }
0x1eb: {  	[sflag:s18] =	ssyncadd.s32 $0xFFFFC000  }
0x1ec: {  	[spmem:s3] =	stream.indirect.scatter.add.f32 [tilespmem:s16], [sflag:$0x3], $0x80, s8, s15, $0xb8;
	[tilespmem:$0x1D000] =	vst v63  }
0x1ed: {  	_ =	swait.ge [sflag:s13], $0x4000  }
0x1ee: {  	s11 =	sadd.s32 $0x100, s11;
	s5 =	rddreg [dreg:$0x5];
	[sflag:s13] =	ssyncset.done $0x0  }
.Ltmp5:
0x1ef: {  	_ = 	snop;
	(pc) =	sbr.rel .LBB2_6-.Ltmp5, $1  }
0x1f0: {  	_ =	sdelay $0x3  }
.LBB2_8:
0x1f1: {  	_ =	sfence.sel $0x180000  }
0x1f2: {  	[bflag:$0x0] =	sbarrier.arrive $0xFFFF  }
0x1f3: {  	_ =	strace $0x9000004D  }
0x1f4: {  	s0 =	stileid.u32;
	[bflag:$0x2] =	sbarrier.arrive $0xFFFF  }
0x1f5: {  	p0 =	sne.s32 s0, $0x0;
	s0 =	rddreg [dreg:$0x3]  }
0x1f6: {  	s0 =	sadd.s32 @!p0 $0x100000, s0  }
0x1f7: {  	[sflag:s0] =	ssyncadd.tile.s32 @!p0 $0x1;
	_ =	shalt  }
.Lfunc_end2:
_tile_overlayer_lowered:
.L_overlay_start_2:
0x1f8: {  	(tag) =	ssettag $0x2  }
0x1f9: {  	s0 =	rddreg [dreg:$0x0];
	s2 =	stileid.u32  }
0x1fa: {  	s1 =	rddreg [dreg:$0x1];
	p0 =	sne.s32 s2, $0x0  }
0x1fb: {  	s3 =	rddreg [dreg:$0x2];
	[bflag:$0x3] =	sbarrier.arrive $0xFFFF;
	s2 =	simm.s32 @!p0 $0x1C03  }
0x1fc: {  	[timem:s3], [sflag:s2] =	dma.local @!p0 [hbm:s0], s1  }
0x1fd: {  	s0 =	simm.s32 @!p0 $0x3  }
0x1fe: {  	_ =	swait.ge @!p0 [sflag:s0], s1  }
0x1ff: {  	s1 =	ssub.s32 @!p0 $0x0, s1;
	[sflag:s0] =	ssyncset.done @!p0 $0x0  }
0x200: {  	[sflag:s0] =	ssyncadd.s32 @!p0 s1  }
0x201: {  	[bflag:$0x3] =	sbarrier.arrive $0xFFFF  }
0x202: {  	_ =	shalt  }

// kernel: kernel.19.cloned.1.call-start
scs
__scs_entry_jumppad:
0x0: {  	(pc) =	sbr.rel $0x88, $3  }
0x1: {  	(tag) =	ssettag $0x0;
	lr =	simm.s32 $0x1  }
0x2: {  	[smem:$0x3F99] =	sst lr;
	_ =	strace $0xD0000000  }
0x3: {  	_ = 	snop  }
0x4: {  	_ = 	snop  }
0x5: {  	_ = 	snop  }
0x6: {  	_ = 	snop  }
0x7: {  	_ = 	snop  }
__scs_overlays_trampoline_lowered:
0x8: {  	[smem:$0x3FA8] =	sst s0  }
0x9: {  	[smem:$0x3FA9] =	sst s1  }
0xa: {  	[smem:$0x3FAA] =	sst s2  }
0xb: {  	[smem:$0x3FAB] =	sst s3  }
0xc: {  	[smem:$0x3FAC] =	sst s4  }
0xd: {  	[smem:$0x3FAD] =	sst s5  }
0xe: {  	[smem:$0x3FAE] =	sst s6  }
0xf: {  	[smem:$0x3FAF] =	sst s7  }
0x10: {  	[smem:$0x3FB0] =	sst s8  }
0x11: {  	[smem:$0x3FB1] =	sst s9;
	s0 =	simm.s32 @!p0 $0x0  }
0x12: {  	s1 =	sld [smem:$0x3F97];
	s0 =	simm.s32 @p0 $0x1  }
0x13: {  	[smem:$0x3FB2] =	sst s0;
	s0 =	simm.s32 @!p1 $0x0  }
0x14: {  	s2 =	sld [smem:$0x3F96];
	s0 =	simm.s32 @p1 $0x1  }
0x15: {  	[smem:$0x3FB3] =	sst s0;
	s0 =	simm.s32 @!p2 $0x0  }
0x16: {  	s3 =	sld [smem:$0x3FDB];
	s0 =	simm.s32 @p2 $0x1  }
0x17: {  	s4 =	simm.s32 $0x1BF5;
	[smem:$0x3FB5] =	sst s0  }
0x18: {  	s0 =	sld [smem:$0x3F98];
	_ =	swait.ge [sflag:s4], $0x0  }
0x19: {  	s7 =	sld [smem:$0x3F99]  }
0x1a: {  	s8 =	sadd.s32 $0xFFFFE003, lr  }
0x1b: {  	s9 =	sadd.s32 $0xFFFFFEF7, lr;
	s5 =	simm.s32 $0xFFFFFFFF;
	p2 =	slt.u32 s8, $0xFFFFF086  }
0x1c: {  	p1 =	slt.u32 s9, $0xF7A;
	s5 =	simm.s32 @!p2 $0x0  }
0x1d: {  	s5 =	simm.s32 @p1 $0x1;
	p0 =	seq.s32 s7, s2  }
0x1e: {  	s7 =	smul.u32 @!p0 $0xF7A, s2;
	p2 =	seq.s32 @!p0 s5, $0x0  }
0x1f: {  	s9 =	smul.u32 $0xF7A, s1;
	s8 =	simm.s32 @!p0 $0x1BF5;
	p2 =	por !p2, p0  }
0x20: {  	[sflag:s8] =	ssyncset.s32 @!p0 $0xFFFFF086;
	s6 =	sadd.s32 @!p0 s3, s7;
	s7 =	simm.s32 @!p0 $0x108  }
0x21: {  	s3 =	sadd.s32 s3, s9;
	s6 =	sadd.s32 @!p0 $0x88, s6;
	s7 =	simm.s32 @p2 $0x1082  }
0x22: {  	[simem:s7], [sflag:s8] =	dma.local @!p0 [hbm:s6], $0xF7A  }
0x23: {  	s9 =	sor.u32 $0xD0000000, s2;
	s6 =	simm.s32 $0x108;
	_ =	swait.ge @!p0 [sflag:s8], $0x0  }
0x24: {  	s3 =	sadd.s32 $0x88, s3;
	s6 =	simm.s32 @!p1 $0x1082;
	[sflag:s4] =	ssyncset.s32 $0xFFFFF086  }
0x25: {  	[simem:s6], [sflag:s4] =	dma.local [hbm:s3], $0xF7A  }
0x26: {  	[smem:$0x3F99] =	sst s1;
	(tag) =	ssettag s2;
	_ =	strace s9  }
0x27: {  	s1 =	sld [smem:$0x3FA9]  }
0x28: {  	s2 =	sld [smem:$0x3FAA]  }
0x29: {  	s4 =	sld [smem:$0x3FAC]  }
0x2a: {  	p0 =	seq.s32 s5, $0x0;
	s5 =	sld [smem:$0x3FAD]  }
0x2b: {  	s6 =	sld [smem:$0x3FAE]  }
0x2c: {  	s7 =	sld [smem:$0x3FAF]  }
0x2d: {  	s3 =	simm.s32 $0x108;
	s8 =	sld [smem:$0x3FB0]  }
0x2e: {  	s3 =	simm.s32 @!p0 $0x1082;
	s9 =	sld [smem:$0x3FB1]  }
0x2f: {  	lr =	sadd.s32 s0, s3;
	s0 =	sld [smem:$0x3FA8]  }
0x30: {  	s3 =	sld [smem:$0x3FAB]  }
0x31: {  	[smem:$0x3FB4] =	sst s10  }
0x32: {  	s10 =	sld [smem:$0x3FB2];
	_ =	sdelay $0x3  }
0x33: {  	p0 =	seq.s32 s10, $0x1;
	s10 =	sld [smem:$0x3FB4];
	_ =	sdelay $0x3  }
0x34: {  	[smem:$0x3FB4] =	sst s10  }
0x35: {  	s10 =	sld [smem:$0x3FB3];
	_ =	sdelay $0x3  }
0x36: {  	p1 =	seq.s32 s10, $0x1;
	s10 =	sld [smem:$0x3FB4];
	_ =	sdelay $0x3  }
0x37: {  	[smem:$0x3FB4] =	sst s10  }
0x38: {  	s10 =	sld [smem:$0x3FB5]  }
0x39: {  	_ = 	snop;
	(pc) =	sbr.ind lr, $3  }
0x3a: {  	_ = 	snop  }
0x3b: {  	_ = 	snop  }
0x3c: {  	p2 =	seq.s32 s10, $0x1;
	s10 =	sld [smem:$0x3FB4]  }
0x3d: {  	_ =	shalt  }
0x3e: {  	_ =	shalt  }
0x3f: {  	_ =	shalt  }
0x40: {  	_ =	shalt  }
0x41: {  	_ =	shalt  }
0x42: {  	_ =	shalt  }
0x43: {  	_ =	shalt  }
0x44: {  	_ =	shalt  }
0x45: {  	_ =	shalt  }
0x46: {  	_ =	shalt  }
0x47: {  	_ =	shalt  }
0x48: {  	_ =	shalt  }
0x49: {  	_ =	shalt  }
0x4a: {  	_ =	shalt  }
0x4b: {  	_ =	shalt  }
0x4c: {  	_ =	shalt  }
0x4d: {  	_ =	shalt  }
0x4e: {  	_ =	shalt  }
0x4f: {  	_ =	shalt  }
0x50: {  	_ =	shalt  }
0x51: {  	_ =	shalt  }
0x52: {  	_ =	shalt  }
0x53: {  	_ =	shalt  }
0x54: {  	_ =	shalt  }
0x55: {  	_ =	shalt  }
0x56: {  	_ =	shalt  }
0x57: {  	_ =	shalt  }
0x58: {  	_ =	shalt  }
0x59: {  	_ =	shalt  }
0x5a: {  	_ =	shalt  }
0x5b: {  	_ =	shalt  }
0x5c: {  	_ =	shalt  }
0x5d: {  	_ =	shalt  }
0x5e: {  	_ =	shalt  }
0x5f: {  	_ =	shalt  }
0x60: {  	_ =	shalt  }
0x61: {  	_ =	shalt  }
0x62: {  	_ =	shalt  }
0x63: {  	_ =	shalt  }
0x64: {  	_ =	shalt  }
0x65: {  	_ =	shalt  }
0x66: {  	_ =	shalt  }
0x67: {  	_ =	shalt  }
0x68: {  	_ =	shalt  }
0x69: {  	_ =	shalt  }
0x6a: {  	_ =	shalt  }
0x6b: {  	_ =	shalt  }
0x6c: {  	_ =	shalt  }
0x6d: {  	_ =	shalt  }
0x6e: {  	_ =	shalt  }
0x6f: {  	_ =	shalt  }
0x70: {  	_ =	shalt  }
0x71: {  	_ =	shalt  }
0x72: {  	_ =	shalt  }
0x73: {  	_ =	shalt  }
0x74: {  	_ =	shalt  }
0x75: {  	_ =	shalt  }
0x76: {  	_ =	shalt  }
0x77: {  	_ =	shalt  }
0x78: {  	_ =	shalt  }
0x79: {  	_ =	shalt  }
0x7a: {  	_ =	shalt  }
0x7b: {  	_ =	shalt  }
0x7c: {  	_ =	shalt  }
0x7d: {  	_ =	shalt  }
0x7e: {  	_ =	shalt  }
0x7f: {  	_ =	shalt  }
0x80: {  	_ =	shalt  }
0x81: {  	_ =	shalt  }
0x82: {  	_ =	shalt  }
0x83: {  	_ =	shalt  }
0x84: {  	_ =	shalt  }
0x85: {  	_ =	shalt  }
0x86: {  	_ =	shalt  }
0x87: {  	_ =	shalt  }
.Lfunc_end0:
.L_simem_size_0:
called_computation.3_lowered:
.L_overlay_start_0:
0x88: {  	s2 =	sld [smem:$0x3FD9]  }
0x89: {  	s3 =	sld [smem:$0x3FFE];
	_ =	sdelay $0x1  }
0x8a: {  	s1 =	srdreg.scid  }
0x8b: {  	s0 =	sand.u32 $0x1, s1  }
0x8c: {  	s17 =	sshll.u32 s0, $0xA;
	s2 =	sadd.s32 s3, s2  }
0x8d: {  	s2 =	sadd.s32 s2, s17  }
0x8e: {  	[smem:$0x3FC0] =	sst s2  }
0x8f: {  	_ = 	snop  }
0x90: {  	s2 =	sld [smem:$0x3FD0];
	(tm) =	ssettm $0x1  }
0x91: {  	s18 =	sld [smem:$0x3FFB];
	_ =	sdelay $0x3  }
0x92: {  	_ =	strace s18  }
0x93: {  	s3 =	sld [smem:$0x3FFC];
	_ =	sdelay $0x3  }
0x94: {  	_ =	strace s3  }
0x95: {  	s3 =	sld [smem:$0x3FFD];
	_ =	sdelay $0x3  }
0x96: {  	_ =	strace s3  }
0x97: {  	_ =	strace $0x8FFFFFFF  }
0x98: {  	s19 =	sld [smem:$0x3FDB];
	_ =	sdelay $0x1  }
0x99: {  	s4 =	simm.s32 $_scs_section_size  }
0x9a: {  	s5 =	simm.s32 $_size__tile_overlayer_lowered;
	s6 =	simm.s32 $_tile_overlayer_lowered  }
0x9b: {  	s22 =	simm.s32 $0x1BFF;
	s21 =	sshll.u32 s6, $0x1;
	s3 =	sadd.s32 s4, s19  }
0x9c: {  	s7 =	simm.s32 $0x0;
	s20 =	sshll.u32 s5, $0x1;
	s5 =	sadd.s32 s21, s3  }
0x9d: {  	[timem:s7], [sflag:s22] =	dma.local [hbm:s5], s20  }
0x9e: {  	_ =	swait.ge [sflag:s22], s20  }
0x9f: {  	s4 =	ssub.s32 $0x0, s20;
	[sflag:s22] =	ssyncset.done $0x0  }
0xa0: {  	[sflag:s22] =	ssyncadd.s32 s4;
	_ =	sdelay $0x1  }
0xa1: {  	s23 =	simm.s32 $0x1B8B  }
0xa2: {  	_ =	swait.ge [sflag:s23], $0x1  }
0xa3: {  	[sflag:s23] =	ssyncset.done $0x0  }
0xa4: {  	s25 =	simm.s32 $0x1B8E;
	s24 =	sld [smem:$0x3FFE];
	[sflag:s23] =	ssyncadd.s32 $0xFFFFFFFF  }
0xa5: {  	s26 =	simm.s32 $execute0_lowered;
	[smem:$0x3FD2] =	sst s25  }
0xa6: {  	s5 =	sshll.u32 s26, $0x1;
	_ =	strace $0x8000004F;
	[dreg:$0x1] =	wrdreg $0xFFFFFFFF  }
0xa7: {  	s28 =	simm.s32 $_size_execute0_lowered;
	s3 =	sadd.s32 s3, s5;
	[dreg:$0x0] =	wrdreg $0x0  }
0xa8: {  	s5 =	sshll.u32 s28, $0x1;
	[dreg:$0x2] =	wrdreg s3  }
0xa9: {  	[dreg:$0x3] =	wrdreg s5  }
0xaa: {  	[dreg:$0x4] =	wrdreg $0xC0  }
0xab: {  	_ =	task [dreg:s7], $0x5FFFF  }
0xac: {  	[dreg:$0x1] =	wrdreg $0xFFFFFFFF  }
0xad: {  	[dreg:$0x0] =	wrdreg $0x60  }
0xae: {  	[dreg:$0x2] =	wrdreg s2  }
0xaf: {  	[dreg:$0x3] =	wrdreg s24  }
0xb0: {  	[dreg:$0x4] =	wrdreg $0x90000  }
0xb1: {  	[dreg:$0x5] =	wrdreg $0x9  }
0xb2: {  	_ =	task.clear_ibuf [dreg:s7], $0x6FFFF;
	_ =	strace $0x9000004F  }
0xb3: {  	s29 =	simm.s32 $0x9;
	_ =	strace $0x80000051  }
0xb4: {  	_ =	swait.ge [sflag:s29], $0x1  }
0xb5: {  	[sflag:s29] =	ssyncadd.s32 $0xFFFFFFFF  }
0xb6: {  	_ =	strace $0x90000051  }
0xb7: {  	_ =	sfence  }
0xb8: {  	s30 =	sld [smem:$0x0];
	_ =	sdelay $0x2  }
0xb9: {  	s31 =	sshll.u32 s1, $0xD;
	s1 =	sshrl.u32 s1, $0x2  }
0xba: {  	s3 =	sand.u32 $0x4000, s31;
	s1 =	sadd.s32 s1, s30  }
0xbb: {  	s0 =	sor.u32 s3, s0;
	s1 =	sshll.u32 s1, $0x11  }
0xbc: {  	s0 =	sor.u32 s1, s0  }
0xbd: {  	s0 =	sadd.s32 $0x8F2B, s0  }
0xbe: {  	[sflag:s0] =	ssyncadd.remote.s32 $0x1  }
0xbf: {  	_ =	sfence.sel $0xFFFF  }
0xc0: {  	[dreg:$0x0] =	wrdreg $0xFFFFFFFF;
	(pc) =	sbr.abs _section_cstart, $3  }
0xc1: {  	[dreg:$0x1] =	wrdreg $0xFFFFFFFF  }
0xc2: {  	_ =	task.clear_ibuf [dreg:s7], $0x2FFFF;
	_ =	strace $0x9FFFFFFF  }
0xc3: {  	(tm) =	ssettm $0x7FFFFFFF  }
tec
execute0_lowered:
.L_overlay_start_1:
0x0: {  	(tag) =	ssettag $0x1  }
0x1: {  	s0 =	rddreg [dreg:$0x0]  }
0x2: {  	s1 =	rddreg [dreg:$0x1];
	s2 =	srdreg.scid  }
0x3: {  	s3 =	rddreg [dreg:$0x2];
	s8 =	stileid.u32;
	s4 =	simm.s32 $0x0  }
0x4: {  	s11 =	simm.s32 $0x100;
	s12 =	simm.s32 $0x880;
	s14 =	simm.s32 $0x180  }
0x5: {  	s16 =	simm.s32 $0x900;
	s18 =	simm.s32 $0x200;
	[smem:$0x7FF] =	sst s4  }
0x6: {  	s20 =	simm.s32 $0x980;
	_ =	strace $0x80000050;
	[dreg:$0x6] =	wrdreg s11  }
0x7: {  	s21 =	simm.s32 $0x280;
	s22 =	simm.s32 $0xA00;
	[dreg:$0x7] =	wrdreg s12  }
0x8: {  	s28 =	simm.s32 $0x600;
	s29 =	simm.s32 $0xD80;
	[dreg:$0x8] =	wrdreg s14  }
0x9: {  	s30 =	simm.s32 $0x680;
	s6 =	smul.u32 $0x14000, s8;
	[dreg:$0x9] =	wrdreg s16  }
0xa: {  	s31 =	simm.s32 $0xE00;
	s7 =	smul.u32 $0xA00, s8;
	[dreg:$0xa] =	wrdreg s18  }
0xb: {  	s2 =	sand.u32 $0x1, s2;
	s8 =	smul.u32 $0x50000, s8;
	[dreg:$0xb] =	wrdreg s20  }
0xc: {  	s5 =	smul.u32 $0x140000, s2;
	s23 =	ssub.s32 $0x2, s2;
	[dreg:$0xc] =	wrdreg s21  }
0xd: {  	p0 =	sne.s32 s2, $0x0;
	s12 =	simm.s32 $0x1000;
	[dreg:$0xd] =	wrdreg s22  }
0xe: {  	s14 =	simm.s32 $0x800;
	s16 =	simm.s32 $0x5000;
	s18 =	simm.s32 $0x2  }
0xf: {  	s20 =	simm.s32 $0xB80;
	s21 =	simm.s32 $0x480;
	s22 =	simm.s32 $0xC00  }
0x10: {  	s2 =	simm.s32 $0xE80;
	s7 =	sadd.s32 s7, s1;
	s24 =	sshrl.u32 s23, $0x1  }
0x11: {  	s25 =	sshrl.u32 s8, $0x2;
	s8 =	simm.s32 $0xF80;
	s26 =	sadd.s32 $0xD800, s7  }
0x12: {  	s5 =	sadd.s32 s6, s5;
	s10 =	sadd.s32 $0x3800, s7;
	[dreg:$0x4] =	wrdreg s26  }
0x13: {  	s9 =	sadd.s32 s25, s3;
	s25 =	simm.s32 $0x380;
	[dreg:$0x5] =	wrdreg s10  }
0x14: {  	s6 =	simm.s32 $0x780;
	s7 =	simm.s32 $0xF00;
	[dreg:$0x12] =	wrdreg s9  }
0x15: {  	s5 =	sshrl.u32 s5, $0x3;
	s13 =	sadd.s32 $0x4000, s9;
	[dreg:$0x10] =	wrdreg s25  }
0x16: {  	s15 =	sadd.s32 $0x8000, s9;
	s17 =	sadd.s32 $0xC000, s9;
	[dreg:$0x15] =	wrdreg s13  }
0x17: {  	s19 =	sadd.s32 $0x10000, s9;
	s26 =	simm.s32 $0xB00;
	[dreg:$0x16] =	wrdreg s15  }
0x18: {  	s25 =	simm.s32 $0x580;
	s9 =	simm.s32 $0x0;
	[dreg:$0x17] =	wrdreg s17  }
0x19: {  	s1 =	sadd.s32 s5, s1;
	s5 =	ssub.s32 s23, s24;
	[dreg:$0x18] =	wrdreg s19  }
0x1a: {  	s13 =	simm.s32 $0x3;
	s23 =	simm.s32 $0x300;
	s24 =	simm.s32 $0xA80  }
.Ltmp0:
0x1b: {  	s15 =	simm.s32 $0x80;
	[dreg:$0x11] =	wrdreg s26;
	(pc) =	sbr.rel .LBB2_1-.Ltmp0, $4  }
0x1c: {  	s17 =	simm.s32 $0x1;
	s19 =	simm.s32 $0x400;
	[dreg:$0xe] =	wrdreg s23  }
0x1d: {  	s26 =	simm.s32 $0xD00;
	s1 =	sadd.s32 $0x67800, s1;
	[dreg:$0xf] =	wrdreg s24  }
0x1e: {  	s5 =	smax.u32 s5, $0x1;
	s23 =	simm.s32 $0x500;
	[dreg:$0x13] =	wrdreg s1  }
0x1f: {  	v0 =	vimm.f32 $0.0e+00;
	s24 =	simm.s32 $0xC80;
	[dreg:$0x14] =	wrdreg s5;
	s1 =	simm.s32 $0x700  }
.LBB2_6:
0x20: {  	[sflag:s13] =	ssyncadd.s32 $0xFFFFC000;
	s5 =	sadd.s32 s10, s5  }
0x21: {  	[tilespmem:s4], [sflag:$0x3] =	stream.linear.gather [hbm4b:s5+s4], $0x800, $0x38;
	[tilespmem:$0x1D000] =	vst v63  }
0x22: {  	_ =	swait.ge [sflag:s13], $0x800  }
0x23: {  	s11 =	rddreg [dreg:$0x4];
	[sflag:s13] =	ssyncset.done $0x0  }
0x24: {  	s5 =	sadd.s32 s10, s11;
	[sflag:s13] =	ssyncadd.s32 $0xFFFFF800  }
0x25: {  	[tilespmem:s14], [sflag:$0x3] =	stream.linear.gather [hbm4b:s5+s4], $0x800, $0x38;
	[tilespmem:$0x1D000] =	vst v63  }
0x26: {  	_ =	swait.ge [sflag:s13], $0x800  }
0x27: {  	[sflag:s13] =	ssyncset.done $0x0  }
0x28: {  	[sflag:s13] =	ssyncadd.s32 $0xFFFFF800  }
0x29: {  	[tilespmem:s12], [sflag:$0x1] =	stream.indirect.gather [hbm4b:s0+s15], $0x80, s4, s15, $0xb8;
	[tilespmem:$0x1D000] =	vst v63  }
0x2a: {  	_ = 	snop  }
0x2b: {  	[tilespmem:s16], [sflag:$0x2] =	stream.indirect.gather [hbm4b:s0+s15], $0x80, s15, s15, $0xb8;
	[tilespmem:$0x1D000] =	vst v63  }
0x2c: {  	_ =	swait.ge [sflag:s17], $0x4000  }
0x2d: {  	[sflag:s17] =	ssyncset.done $0x0  }
0x2e: {  	[sflag:s17] =	ssyncadd.s32 $0xFFFFC000  }
0x2f: {  	[spmem:s3] =	stream.indirect.scatter.add.f32 [tilespmem:s12], [sflag:$0x3], $0x80, s14, s15, $0xb8;
	[tilespmem:$0x1D000] =	vst v63  }
0x30: {  	_ =	swait.ge [sflag:s13], $0x4000  }
0x31: {  	[sflag:s13] =	ssyncset.done $0x0  }
0x32: {  	s9 =	rddreg [dreg:$0x6];
	[sflag:s13] =	ssyncadd.s32 $0xFFFFC000  }
0x33: {  	[tilespmem:s12], [sflag:$0x1] =	stream.indirect.gather [hbm4b:s0+s15], $0x80, s9, s15, $0xb8;
	[tilespmem:$0x1D000] =	vst v63  }
0x34: {  	_ =	swait.ge [sflag:s18], $0x4000  }
0x35: {  	[sflag:s18] =	ssyncset.done $0x0  }
0x36: {  	s10 =	rddreg [dreg:$0x7];
	[sflag:s18] =	ssyncadd.s32 $0xFFFFC000  }
0x37: {  	[spmem:s3] =	stream.indirect.scatter.add.f32 [tilespmem:s16], [sflag:$0x3], $0x80, s10, s15, $0xb8;
	[tilespmem:$0x1D000] =	vst v63  }
0x38: {  	_ =	swait.ge [sflag:s13], $0x4000  }
0x39: {  	[sflag:s13] =	ssyncset.done $0x0  }
0x3a: {  	s11 =	rddreg [dreg:$0x8];
	[sflag:s13] =	ssyncadd.s32 $0xFFFFC000  }
0x3b: {  	[tilespmem:s16], [sflag:$0x2] =	stream.indirect.gather [hbm4b:s0+s15], $0x80, s11, s15, $0xb8;
	[tilespmem:$0x1D000] =	vst v63  }
0x3c: {  	_ =	swait.ge [sflag:s17], $0x4000  }
0x3d: {  	[sflag:s17] =	ssyncset.done $0x0  }
0x3e: {  	s9 =	rddreg [dreg:$0x9];
	[sflag:s17] =	ssyncadd.s32 $0xFFFFC000  }
0x3f: {  	[spmem:s3] =	stream.indirect.scatter.add.f32 [tilespmem:s12], [sflag:$0x3], $0x80, s9, s15, $0xb8;
	[tilespmem:$0x1D000] =	vst v63  }
0x40: {  	_ =	swait.ge [sflag:s13], $0x4000  }
0x41: {  	[sflag:s13] =	ssyncset.done $0x0  }
0x42: {  	s10 =	rddreg [dreg:$0xa];
	[sflag:s13] =	ssyncadd.s32 $0xFFFFC000  }
0x43: {  	[tilespmem:s12], [sflag:$0x1] =	stream.indirect.gather [hbm4b:s0+s15], $0x80, s10, s15, $0xb8;
	[tilespmem:$0x1D000] =	vst v63  }
0x44: {  	_ =	swait.ge [sflag:s18], $0x4000  }
0x45: {  	[sflag:s18] =	ssyncset.done $0x0  }
0x46: {  	s11 =	rddreg [dreg:$0xb];
	[sflag:s18] =	ssyncadd.s32 $0xFFFFC000  }
0x47: {  	[spmem:s3] =	stream.indirect.scatter.add.f32 [tilespmem:s16], [sflag:$0x3], $0x80, s11, s15, $0xb8;
	[tilespmem:$0x1D000] =	vst v63  }
0x48: {  	_ =	swait.ge [sflag:s13], $0x4000  }
0x49: {  	[sflag:s13] =	ssyncset.done $0x0  }
0x4a: {  	s9 =	rddreg [dreg:$0xc];
	[sflag:s13] =	ssyncadd.s32 $0xFFFFC000  }
0x4b: {  	[tilespmem:s16], [sflag:$0x2] =	stream.indirect.gather [hbm4b:s0+s15], $0x80, s9, s15, $0xb8;
	[tilespmem:$0x1D000] =	vst v63  }
0x4c: {  	_ =	swait.ge [sflag:s17], $0x4000  }
0x4d: {  	[sflag:s17] =	ssyncset.done $0x0  }
0x4e: {  	s10 =	rddreg [dreg:$0xd];
	[sflag:s17] =	ssyncadd.s32 $0xFFFFC000  }
0x4f: {  	[spmem:s3] =	stream.indirect.scatter.add.f32 [tilespmem:s12], [sflag:$0x3], $0x80, s10, s15, $0xb8;
	[tilespmem:$0x1D000] =	vst v63  }
0x50: {  	_ =	swait.ge [sflag:s13], $0x4000  }
0x51: {  	[sflag:s13] =	ssyncset.done $0x0  }
0x52: {  	s11 =	rddreg [dreg:$0xe];
	[sflag:s13] =	ssyncadd.s32 $0xFFFFC000  }
0x53: {  	[tilespmem:s12], [sflag:$0x1] =	stream.indirect.gather [hbm4b:s0+s15], $0x80, s11, s15, $0xb8;
	[tilespmem:$0x1D000] =	vst v63  }
0x54: {  	_ =	swait.ge [sflag:s18], $0x4000  }
0x55: {  	[sflag:s18] =	ssyncset.done $0x0  }
0x56: {  	s9 =	rddreg [dreg:$0xf];
	[sflag:s18] =	ssyncadd.s32 $0xFFFFC000  }
0x57: {  	[spmem:s3] =	stream.indirect.scatter.add.f32 [tilespmem:s16], [sflag:$0x3], $0x80, s9, s15, $0xb8;
	[tilespmem:$0x1D000] =	vst v63  }
0x58: {  	_ =	swait.ge [sflag:s13], $0x4000  }
0x59: {  	[sflag:s13] =	ssyncset.done $0x0  }
0x5a: {  	s10 =	rddreg [dreg:$0x10];
	[sflag:s13] =	ssyncadd.s32 $0xFFFFC000  }
0x5b: {  	[tilespmem:s16], [sflag:$0x2] =	stream.indirect.gather [hbm4b:s0+s15], $0x80, s10, s15, $0xb8;
	[tilespmem:$0x1D000] =	vst v63  }
0x5c: {  	_ =	swait.ge [sflag:s17], $0x4000  }
0x5d: {  	[sflag:s17] =	ssyncset.done $0x0  }
0x5e: {  	s11 =	rddreg [dreg:$0x11];
	[sflag:s17] =	ssyncadd.s32 $0xFFFFC000  }
0x5f: {  	[spmem:s3] =	stream.indirect.scatter.add.f32 [tilespmem:s12], [sflag:$0x3], $0x80, s11, s15, $0xb8;
	[tilespmem:$0x1D000] =	vst v63  }
0x60: {  	_ =	swait.ge [sflag:s13], $0x4000  }
0x61: {  	[sflag:s13] =	ssyncset.done $0x0  }
0x62: {  	[sflag:s13] =	ssyncadd.s32 $0xFFFFC000  }
0x63: {  	[tilespmem:s12], [sflag:$0x1] =	stream.indirect.gather [hbm4b:s0+s15], $0x80, s19, s15, $0xb8;
	[tilespmem:$0x1D000] =	vst v63  }
0x64: {  	_ =	swait.ge [sflag:s18], $0x4000  }
0x65: {  	[sflag:s18] =	ssyncset.done $0x0  }
0x66: {  	[sflag:s18] =	ssyncadd.s32 $0xFFFFC000  }
0x67: {  	[spmem:s3] =	stream.indirect.scatter.add.f32 [tilespmem:s16], [sflag:$0x3], $0x80, s20, s15, $0xb8;
	[tilespmem:$0x1D000] =	vst v63  }
0x68: {  	_ =	swait.ge [sflag:s13], $0x4000  }
0x69: {  	[sflag:s13] =	ssyncset.done $0x0  }
0x6a: {  	[sflag:s13] =	ssyncadd.s32 $0xFFFFC000  }
0x6b: {  	[tilespmem:s16], [sflag:$0x2] =	stream.indirect.gather [hbm4b:s0+s15], $0x80, s21, s15, $0xb8;
	[tilespmem:$0x1D000] =	vst v63  }
0x6c: {  	_ =	swait.ge [sflag:s17], $0x4000  }
0x6d: {  	[sflag:s17] =	ssyncset.done $0x0  }
0x6e: {  	[sflag:s17] =	ssyncadd.s32 $0xFFFFC000  }
0x6f: {  	[spmem:s3] =	stream.indirect.scatter.add.f32 [tilespmem:s12], [sflag:$0x3], $0x80, s22, s15, $0xb8;
	[tilespmem:$0x1D000] =	vst v63  }
0x70: {  	_ =	swait.ge [sflag:s13], $0x4000  }
0x71: {  	[sflag:s13] =	ssyncset.done $0x0  }
0x72: {  	[sflag:s13] =	ssyncadd.s32 $0xFFFFC000  }
0x73: {  	[tilespmem:s12], [sflag:$0x1] =	stream.indirect.gather [hbm4b:s0+s15], $0x80, s23, s15, $0xb8;
	[tilespmem:$0x1D000] =	vst v63  }
0x74: {  	_ =	swait.ge [sflag:s18], $0x4000  }
0x75: {  	[sflag:s18] =	ssyncset.done $0x0  }
0x76: {  	[sflag:s18] =	ssyncadd.s32 $0xFFFFC000  }
0x77: {  	[spmem:s3] =	stream.indirect.scatter.add.f32 [tilespmem:s16], [sflag:$0x3], $0x80, s24, s15, $0xb8;
	[tilespmem:$0x1D000] =	vst v63  }
0x78: {  	_ =	swait.ge [sflag:s13], $0x4000  }
0x79: {  	[sflag:s13] =	ssyncset.done $0x0  }
0x7a: {  	[sflag:s13] =	ssyncadd.s32 $0xFFFFC000  }
0x7b: {  	[tilespmem:s16], [sflag:$0x2] =	stream.indirect.gather [hbm4b:s0+s15], $0x80, s25, s15, $0xb8;
	[tilespmem:$0x1D000] =	vst v63  }
0x7c: {  	_ =	swait.ge [sflag:s17], $0x4000  }
0x7d: {  	[sflag:s17] =	ssyncset.done $0x0  }
0x7e: {  	[sflag:s17] =	ssyncadd.s32 $0xFFFFC000  }
0x7f: {  	[spmem:s3] =	stream.indirect.scatter.add.f32 [tilespmem:s12], [sflag:$0x3], $0x80, s26, s15, $0xb8;
	[tilespmem:$0x1D000] =	vst v63  }
0x80: {  	_ =	swait.ge [sflag:s13], $0x4000  }
0x81: {  	[sflag:s13] =	ssyncset.done $0x0  }
0x82: {  	[sflag:s13] =	ssyncadd.s32 $0xFFFFC000  }
0x83: {  	[tilespmem:s12], [sflag:$0x1] =	stream.indirect.gather [hbm4b:s0+s15], $0x80, s28, s15, $0xb8;
	[tilespmem:$0x1D000] =	vst v63  }
0x84: {  	_ =	swait.ge [sflag:s18], $0x4000  }
0x85: {  	[sflag:s18] =	ssyncset.done $0x0  }
0x86: {  	[sflag:s18] =	ssyncadd.s32 $0xFFFFC000  }
0x87: {  	[spmem:s3] =	stream.indirect.scatter.add.f32 [tilespmem:s16], [sflag:$0x3], $0x80, s29, s15, $0xb8;
	[tilespmem:$0x1D000] =	vst v63  }
0x88: {  	_ =	swait.ge [sflag:s13], $0x4000  }
0x89: {  	[sflag:s13] =	ssyncset.done $0x0  }
0x8a: {  	[sflag:s13] =	ssyncadd.s32 $0xFFFFC000  }
0x8b: {  	[tilespmem:s16], [sflag:$0x2] =	stream.indirect.gather [hbm4b:s0+s15], $0x80, s30, s15, $0xb8;
	[tilespmem:$0x1D000] =	vst v63  }
0x8c: {  	_ =	swait.ge [sflag:s17], $0x4000  }
0x8d: {  	[sflag:s17] =	ssyncset.done $0x0  }
0x8e: {  	[sflag:s17] =	ssyncadd.s32 $0xFFFFC000  }
0x8f: {  	[spmem:s3] =	stream.indirect.scatter.add.f32 [tilespmem:s12], [sflag:$0x3], $0x80, s31, s15, $0xb8;
	[tilespmem:$0x1D000] =	vst v63  }
0x90: {  	_ =	swait.ge [sflag:s13], $0x4000  }
0x91: {  	[sflag:s13] =	ssyncset.done $0x0  }
0x92: {  	[sflag:s13] =	ssyncadd.s32 $0xFFFFC000  }
0x93: {  	[tilespmem:s12], [sflag:$0x1] =	stream.indirect.gather [hbm4b:s0+s15], $0x80, s1, s15, $0xb8;
	[tilespmem:$0x1D000] =	vst v63  }
0x94: {  	_ =	swait.ge [sflag:s18], $0x4000  }
0x95: {  	[sflag:s18] =	ssyncset.done $0x0  }
0x96: {  	[sflag:s18] =	ssyncadd.s32 $0xFFFFC000  }
0x97: {  	[spmem:s3] =	stream.indirect.scatter.add.f32 [tilespmem:s16], [sflag:$0x3], $0x80, s2, s15, $0xb8;
	[tilespmem:$0x1D000] =	vst v63  }
0x98: {  	_ =	swait.ge [sflag:s13], $0x4000  }
0x99: {  	[sflag:s13] =	ssyncset.done $0x0  }
0x9a: {  	[sflag:s13] =	ssyncadd.s32 $0xFFFFC000  }
0x9b: {  	[tilespmem:s16], [sflag:$0x2] =	stream.indirect.gather [hbm4b:s0+s15], $0x80, s6, s15, $0xb8;
	[tilespmem:$0x1D000] =	vst v63  }
0x9c: {  	_ =	swait.ge [sflag:s17], $0x4000  }
0x9d: {  	[sflag:s17] =	ssyncset.done $0x0  }
0x9e: {  	[sflag:s17] =	ssyncadd.s32 $0xFFFFC000  }
0x9f: {  	[spmem:s3] =	stream.indirect.scatter.add.f32 [tilespmem:s12], [sflag:$0x3], $0x80, s7, s15, $0xb8;
	[tilespmem:$0x1D000] =	vst v63  }
0xa0: {  	_ =	swait.ge [sflag:s13], $0x4000  }
0xa1: {  	[sflag:s13] =	ssyncset.done $0x0  }
0xa2: {  	[sflag:s13] =	ssyncadd.s32 $0xFFFFC000  }
0xa3: {  	_ =	swait.ge [sflag:s18], $0x4000  }
0xa4: {  	[sflag:s18] =	ssyncset.done $0x0  }
0xa5: {  	[sflag:s18] =	ssyncadd.s32 $0xFFFFC000  }
0xa6: {  	[spmem:s3] =	stream.indirect.scatter.add.f32 [tilespmem:s16], [sflag:$0x3], $0x80, s8, s15, $0xb8;
	[tilespmem:$0x1D000] =	vst v63  }
0xa7: {  	_ =	swait.ge [sflag:s13], $0x4000  }
0xa8: {  	[sflag:s13] =	ssyncset.done $0x0  }
0xa9: {  	s11 =	rddreg [dreg:$0x19];
	[sflag:s13] =	ssyncadd.s32 $0xFFFFC000  }
.LBB2_7:
0xaa: {  	s5 =	stileid.u32;
	[bflag:$0x0] =	sbarrier.arrive $0xFFFF  }
0xab: {  	s5 =	sshll.u32 s5, $0x6;
	s9 =	rddreg [dreg:$0x12]  }
0xac: {  	s10 =	rddreg [dreg:$0x13];
	s5 =	sor.u32 $0x1C03, s5;
	s9 =	sshrl.u32 s9, $0x3  }
0xad: {  	[hbm:s10], [sflag:s5] =	dma.local [spmem:s9], $0x2800  }
0xae: {  	_ =	swait.ge [sflag:s13], $0x2800  }
0xaf: {  	s9 =	sadd.s32 $0x1, s11;
	s11 =	rddreg [dreg:$0x14]  }
0xb0: {  	p1 =	sne.s32 s9, s11  }
.Ltmp1:
0xb1: {  	_ = 	snop;
	(pc) =	sbr.rel @!p1 .LBB2_8-.Ltmp1, $3  }
0xb2: {  	_ =	sdelay $0x1  }
0xb3: {  	[sflag:s13] =	ssyncset.done $0x0  }
0xb4: {  	[sflag:s13] =	ssyncadd.s32 $0xFFFFD800  }
.LBB2_1:
0xb5: {  	s10 =	simm.s32 $0x0;
	s11 =	simm.s32 $0x200  }
.LBB2_2:
0xb6: {  	p1 =	sne.s32 s11, $0xFE00;
	[tilespmem:s10+$0x1070] =	vst v0  }
0xb7: {  	[tilespmem:s10+$0x1000] =	vst v0  }
0xb8: {  	[tilespmem:s10+$0x1010] =	vst v0  }
.Ltmp2:
0xb9: {  	[tilespmem:s10+$0x1020] =	vst v0;
	(pc) =	sbr.rel @p1 .LBB2_2-.Ltmp2, $4  }
0xba: {  	[tilespmem:s10+$0x1030] =	vst v0  }
0xbb: {  	[tilespmem:s10+$0x1040] =	vst v0  }
0xbc: {  	[tilespmem:s10+$0x1050] =	vst v0  }
0xbd: {  	[tilespmem:s10+$0x1060] =	vst v0;
	s10 =	sshra.s32 s11, $0x2;
	s11 =	sadd.s32 $0x200, s11  }
0xbe: {  	[tilespmem:s10+$0x1070] =	vst v0  }
0xbf: {  	[tilespmem:s10+$0x1000] =	vst v0  }
0xc0: {  	[tilespmem:s10+$0x1010] =	vst v0  }
0xc1: {  	[tilespmem:s10+$0x1020] =	vst v0  }
0xc2: {  	[tilespmem:s10+$0x1030] =	vst v0  }
0xc3: {  	[tilespmem:s10+$0x1040] =	vst v0  }
0xc4: {  	[tilespmem:s10+$0x1050] =	vst v0  }
0xc5: {  	[tilespmem:s10+$0x1060] =	vst v0;
	s5 =	rddreg [dreg:$0x12]  }
0xc6: {  	[spmem:s5] =	stream.linear.scatter [tilespmem:s12], [sflag:$0x3], $0x4000, $0x38;
	[tilespmem:$0x1D000] =	vst v63  }
0xc7: {  	_ =	swait.ge [sflag:s13], $0x4000  }
0xc8: {  	[sflag:s13] =	ssyncset.done $0x0  }
0xc9: {  	s10 =	rddreg [dreg:$0x15];
	[sflag:s13] =	ssyncadd.s32 $0xFFFFC000  }
0xca: {  	[spmem:s10] =	stream.linear.scatter [tilespmem:s12], [sflag:$0x3], $0x4000, $0x38;
	[tilespmem:$0x1D000] =	vst v63  }
0xcb: {  	_ =	swait.ge [sflag:s13], $0x4000  }
0xcc: {  	[sflag:s13] =	ssyncset.done $0x0  }
0xcd: {  	s11 =	rddreg [dreg:$0x16];
	[sflag:s13] =	ssyncadd.s32 $0xFFFFC000  }
0xce: {  	[spmem:s11] =	stream.linear.scatter [tilespmem:s12], [sflag:$0x3], $0x4000, $0x38;
	[tilespmem:$0x1D000] =	vst v63  }
0xcf: {  	_ =	swait.ge [sflag:s13], $0x4000  }
0xd0: {  	[sflag:s13] =	ssyncset.done $0x0  }
0xd1: {  	s10 =	rddreg [dreg:$0x17];
	[sflag:s13] =	ssyncadd.s32 $0xFFFFC000  }
0xd2: {  	[spmem:s10] =	stream.linear.scatter [tilespmem:s12], [sflag:$0x3], $0x4000, $0x38;
	[tilespmem:$0x1D000] =	vst v63  }
0xd3: {  	_ =	swait.ge [sflag:s13], $0x4000  }
0xd4: {  	[sflag:s13] =	ssyncset.done $0x0  }
0xd5: {  	s11 =	rddreg [dreg:$0x18];
	[sflag:s13] =	ssyncadd.s32 $0xFFFFC000  }
0xd6: {  	[spmem:s11] =	stream.linear.scatter [tilespmem:s12], [sflag:$0x3], $0x4000, $0x38;
	[tilespmem:$0x1D000] =	vst v63  }
.Ltmp3:
0xd7: {  	_ =	swait.ge [sflag:s13], $0x4000;
	(pc) =	sbr.rel @p0 .LBB2_7-.Ltmp3, $4  }
0xd8: {  	[sflag:s13] =	ssyncset.done $0x0  }
0xd9: {  	[sflag:s13] =	ssyncadd.s32 $0xFFFFC000  }
0xda: {  	[bflag:$0x0] =	sbarrier.arrive $0xFFFF  }
0xdb: {  	s11 =	smov.u32 s9  }
0xdc: {  	s5 =	rddreg [dreg:$0x5]  }
0xdd: {  	[dreg:$0x19] =	wrdreg s11;
	s5 =	sadd.s32 $0x0, s5  }
0xde: {  	[tilespmem:s4], [sflag:$0x3] =	stream.linear.gather [hbm4b:s5+s4], $0x800, $0x38;
	[tilespmem:$0x1D000] =	vst v63  }
0xdf: {  	_ =	swait.ge [sflag:s13], $0x800  }
0xe0: {  	s11 =	rddreg [dreg:$0x4];
	[sflag:s13] =	ssyncset.done $0x0  }
0xe1: {  	[sflag:s13] =	ssyncadd.s32 $0xFFFFF800;
	s5 =	sadd.s32 $0x0, s11  }
0xe2: {  	[tilespmem:s14], [sflag:$0x3] =	stream.linear.gather [hbm4b:s5+s4], $0x800, $0x38;
	[tilespmem:$0x1D000] =	vst v63  }
0xe3: {  	_ =	swait.ge [sflag:s13], $0x800  }
0xe4: {  	[sflag:s13] =	ssyncset.done $0x0  }
0xe5: {  	[sflag:s13] =	ssyncadd.s32 $0xFFFFF800  }
0xe6: {  	[tilespmem:s12], [sflag:$0x1] =	stream.indirect.gather [hbm4b:s0+s15], $0x80, s4, s15, $0xb8;
	[tilespmem:$0x1D000] =	vst v63  }
0xe7: {  	_ = 	snop  }
0xe8: {  	[tilespmem:s16], [sflag:$0x2] =	stream.indirect.gather [hbm4b:s0+s15], $0x80, s15, s15, $0xb8;
	[tilespmem:$0x1D000] =	vst v63  }
0xe9: {  	_ =	swait.ge [sflag:s17], $0x4000  }
0xea: {  	[sflag:s17] =	ssyncset.done $0x0  }
0xeb: {  	[sflag:s17] =	ssyncadd.s32 $0xFFFFC000  }
0xec: {  	[spmem:s3] =	stream.indirect.scatter.add.f32 [tilespmem:s12], [sflag:$0x3], $0x80, s14, s15, $0xb8;
	[tilespmem:$0x1D000] =	vst v63  }
0xed: {  	_ =	swait.ge [sflag:s13], $0x4000  }
0xee: {  	[sflag:s13] =	ssyncset.done $0x0  }
0xef: {  	s9 =	rddreg [dreg:$0x6];
	[sflag:s13] =	ssyncadd.s32 $0xFFFFC000  }
0xf0: {  	[tilespmem:s12], [sflag:$0x1] =	stream.indirect.gather [hbm4b:s0+s15], $0x80, s9, s15, $0xb8;
	[tilespmem:$0x1D000] =	vst v63  }
0xf1: {  	_ =	swait.ge [sflag:s18], $0x4000  }
0xf2: {  	[sflag:s18] =	ssyncset.done $0x0  }
0xf3: {  	s10 =	rddreg [dreg:$0x7];
	[sflag:s18] =	ssyncadd.s32 $0xFFFFC000  }
0xf4: {  	[spmem:s3] =	stream.indirect.scatter.add.f32 [tilespmem:s16], [sflag:$0x3], $0x80, s10, s15, $0xb8;
	[tilespmem:$0x1D000] =	vst v63  }
0xf5: {  	_ =	swait.ge [sflag:s13], $0x4000  }
0xf6: {  	[sflag:s13] =	ssyncset.done $0x0  }
0xf7: {  	s11 =	rddreg [dreg:$0x8];
	[sflag:s13] =	ssyncadd.s32 $0xFFFFC000  }
0xf8: {  	[tilespmem:s16], [sflag:$0x2] =	stream.indirect.gather [hbm4b:s0+s15], $0x80, s11, s15, $0xb8;
	[tilespmem:$0x1D000] =	vst v63  }
0xf9: {  	_ =	swait.ge [sflag:s17], $0x4000  }
0xfa: {  	[sflag:s17] =	ssyncset.done $0x0  }
0xfb: {  	s9 =	rddreg [dreg:$0x9];
	[sflag:s17] =	ssyncadd.s32 $0xFFFFC000  }
0xfc: {  	[spmem:s3] =	stream.indirect.scatter.add.f32 [tilespmem:s12], [sflag:$0x3], $0x80, s9, s15, $0xb8;
	[tilespmem:$0x1D000] =	vst v63  }
0xfd: {  	_ =	swait.ge [sflag:s13], $0x4000  }
0xfe: {  	[sflag:s13] =	ssyncset.done $0x0  }
0xff: {  	s10 =	rddreg [dreg:$0xa];
	[sflag:s13] =	ssyncadd.s32 $0xFFFFC000  }
0x100: {  	[tilespmem:s12], [sflag:$0x1] =	stream.indirect.gather [hbm4b:s0+s15], $0x80, s10, s15, $0xb8;
	[tilespmem:$0x1D000] =	vst v63  }
0x101: {  	_ =	swait.ge [sflag:s18], $0x4000  }
0x102: {  	[sflag:s18] =	ssyncset.done $0x0  }
0x103: {  	s11 =	rddreg [dreg:$0xb];
	[sflag:s18] =	ssyncadd.s32 $0xFFFFC000  }
0x104: {  	[spmem:s3] =	stream.indirect.scatter.add.f32 [tilespmem:s16], [sflag:$0x3], $0x80, s11, s15, $0xb8;
	[tilespmem:$0x1D000] =	vst v63  }
0x105: {  	_ =	swait.ge [sflag:s13], $0x4000  }
0x106: {  	[sflag:s13] =	ssyncset.done $0x0  }
0x107: {  	s9 =	rddreg [dreg:$0xc];
	[sflag:s13] =	ssyncadd.s32 $0xFFFFC000  }
0x108: {  	[tilespmem:s16], [sflag:$0x2] =	stream.indirect.gather [hbm4b:s0+s15], $0x80, s9, s15, $0xb8;
	[tilespmem:$0x1D000] =	vst v63  }
0x109: {  	_ =	swait.ge [sflag:s17], $0x4000  }
0x10a: {  	[sflag:s17] =	ssyncset.done $0x0  }
0x10b: {  	s10 =	rddreg [dreg:$0xd];
	[sflag:s17] =	ssyncadd.s32 $0xFFFFC000  }
0x10c: {  	[spmem:s3] =	stream.indirect.scatter.add.f32 [tilespmem:s12], [sflag:$0x3], $0x80, s10, s15, $0xb8;
	[tilespmem:$0x1D000] =	vst v63  }
0x10d: {  	_ =	swait.ge [sflag:s13], $0x4000  }
0x10e: {  	[sflag:s13] =	ssyncset.done $0x0  }
0x10f: {  	s11 =	rddreg [dreg:$0xe];
	[sflag:s13] =	ssyncadd.s32 $0xFFFFC000  }
0x110: {  	[tilespmem:s12], [sflag:$0x1] =	stream.indirect.gather [hbm4b:s0+s15], $0x80, s11, s15, $0xb8;
	[tilespmem:$0x1D000] =	vst v63  }
0x111: {  	_ =	swait.ge [sflag:s18], $0x4000  }
0x112: {  	[sflag:s18] =	ssyncset.done $0x0  }
0x113: {  	s9 =	rddreg [dreg:$0xf];
	[sflag:s18] =	ssyncadd.s32 $0xFFFFC000  }
0x114: {  	[spmem:s3] =	stream.indirect.scatter.add.f32 [tilespmem:s16], [sflag:$0x3], $0x80, s9, s15, $0xb8;
	[tilespmem:$0x1D000] =	vst v63  }
0x115: {  	_ =	swait.ge [sflag:s13], $0x4000  }
0x116: {  	[sflag:s13] =	ssyncset.done $0x0  }
0x117: {  	s10 =	rddreg [dreg:$0x10];
	[sflag:s13] =	ssyncadd.s32 $0xFFFFC000  }
0x118: {  	[tilespmem:s16], [sflag:$0x2] =	stream.indirect.gather [hbm4b:s0+s15], $0x80, s10, s15, $0xb8;
	[tilespmem:$0x1D000] =	vst v63  }
0x119: {  	_ =	swait.ge [sflag:s17], $0x4000  }
0x11a: {  	[sflag:s17] =	ssyncset.done $0x0  }
0x11b: {  	s11 =	rddreg [dreg:$0x11];
	[sflag:s17] =	ssyncadd.s32 $0xFFFFC000  }
0x11c: {  	[spmem:s3] =	stream.indirect.scatter.add.f32 [tilespmem:s12], [sflag:$0x3], $0x80, s11, s15, $0xb8;
	[tilespmem:$0x1D000] =	vst v63  }
0x11d: {  	_ =	swait.ge [sflag:s13], $0x4000  }
0x11e: {  	[sflag:s13] =	ssyncset.done $0x0  }
0x11f: {  	[sflag:s13] =	ssyncadd.s32 $0xFFFFC000  }
0x120: {  	[tilespmem:s12], [sflag:$0x1] =	stream.indirect.gather [hbm4b:s0+s15], $0x80, s19, s15, $0xb8;
	[tilespmem:$0x1D000] =	vst v63  }
0x121: {  	_ =	swait.ge [sflag:s18], $0x4000  }
0x122: {  	[sflag:s18] =	ssyncset.done $0x0  }
0x123: {  	[sflag:s18] =	ssyncadd.s32 $0xFFFFC000  }
0x124: {  	[spmem:s3] =	stream.indirect.scatter.add.f32 [tilespmem:s16], [sflag:$0x3], $0x80, s20, s15, $0xb8;
	[tilespmem:$0x1D000] =	vst v63  }
0x125: {  	_ =	swait.ge [sflag:s13], $0x4000  }
0x126: {  	[sflag:s13] =	ssyncset.done $0x0  }
0x127: {  	[sflag:s13] =	ssyncadd.s32 $0xFFFFC000  }
0x128: {  	[tilespmem:s16], [sflag:$0x2] =	stream.indirect.gather [hbm4b:s0+s15], $0x80, s21, s15, $0xb8;
	[tilespmem:$0x1D000] =	vst v63  }
0x129: {  	_ =	swait.ge [sflag:s17], $0x4000  }
0x12a: {  	[sflag:s17] =	ssyncset.done $0x0  }
0x12b: {  	[sflag:s17] =	ssyncadd.s32 $0xFFFFC000  }
0x12c: {  	[spmem:s3] =	stream.indirect.scatter.add.f32 [tilespmem:s12], [sflag:$0x3], $0x80, s22, s15, $0xb8;
	[tilespmem:$0x1D000] =	vst v63  }
0x12d: {  	_ =	swait.ge [sflag:s13], $0x4000  }
0x12e: {  	[sflag:s13] =	ssyncset.done $0x0  }
0x12f: {  	[sflag:s13] =	ssyncadd.s32 $0xFFFFC000  }
0x130: {  	[tilespmem:s12], [sflag:$0x1] =	stream.indirect.gather [hbm4b:s0+s15], $0x80, s23, s15, $0xb8;
	[tilespmem:$0x1D000] =	vst v63  }
0x131: {  	_ =	swait.ge [sflag:s18], $0x4000  }
0x132: {  	[sflag:s18] =	ssyncset.done $0x0  }
0x133: {  	[sflag:s18] =	ssyncadd.s32 $0xFFFFC000  }
0x134: {  	[spmem:s3] =	stream.indirect.scatter.add.f32 [tilespmem:s16], [sflag:$0x3], $0x80, s24, s15, $0xb8;
	[tilespmem:$0x1D000] =	vst v63  }
0x135: {  	_ =	swait.ge [sflag:s13], $0x4000  }
0x136: {  	[sflag:s13] =	ssyncset.done $0x0  }
0x137: {  	[sflag:s13] =	ssyncadd.s32 $0xFFFFC000  }
0x138: {  	[tilespmem:s16], [sflag:$0x2] =	stream.indirect.gather [hbm4b:s0+s15], $0x80, s25, s15, $0xb8;
	[tilespmem:$0x1D000] =	vst v63  }
0x139: {  	_ =	swait.ge [sflag:s17], $0x4000  }
0x13a: {  	[sflag:s17] =	ssyncset.done $0x0  }
0x13b: {  	[sflag:s17] =	ssyncadd.s32 $0xFFFFC000  }
0x13c: {  	[spmem:s3] =	stream.indirect.scatter.add.f32 [tilespmem:s12], [sflag:$0x3], $0x80, s26, s15, $0xb8;
	[tilespmem:$0x1D000] =	vst v63  }
0x13d: {  	_ =	swait.ge [sflag:s13], $0x4000  }
0x13e: {  	[sflag:s13] =	ssyncset.done $0x0  }
0x13f: {  	[sflag:s13] =	ssyncadd.s32 $0xFFFFC000  }
0x140: {  	[tilespmem:s12], [sflag:$0x1] =	stream.indirect.gather [hbm4b:s0+s15], $0x80, s28, s15, $0xb8;
	[tilespmem:$0x1D000] =	vst v63  }
0x141: {  	_ =	swait.ge [sflag:s18], $0x4000  }
0x142: {  	[sflag:s18] =	ssyncset.done $0x0  }
0x143: {  	[sflag:s18] =	ssyncadd.s32 $0xFFFFC000  }
0x144: {  	[spmem:s3] =	stream.indirect.scatter.add.f32 [tilespmem:s16], [sflag:$0x3], $0x80, s29, s15, $0xb8;
	[tilespmem:$0x1D000] =	vst v63  }
0x145: {  	_ =	swait.ge [sflag:s13], $0x4000  }
0x146: {  	[sflag:s13] =	ssyncset.done $0x0  }
0x147: {  	[sflag:s13] =	ssyncadd.s32 $0xFFFFC000  }
0x148: {  	[tilespmem:s16], [sflag:$0x2] =	stream.indirect.gather [hbm4b:s0+s15], $0x80, s30, s15, $0xb8;
	[tilespmem:$0x1D000] =	vst v63  }
0x149: {  	_ =	swait.ge [sflag:s17], $0x4000  }
0x14a: {  	[sflag:s17] =	ssyncset.done $0x0  }
0x14b: {  	[sflag:s17] =	ssyncadd.s32 $0xFFFFC000  }
0x14c: {  	[spmem:s3] =	stream.indirect.scatter.add.f32 [tilespmem:s12], [sflag:$0x3], $0x80, s31, s15, $0xb8;
	[tilespmem:$0x1D000] =	vst v63  }
0x14d: {  	_ =	swait.ge [sflag:s13], $0x4000  }
0x14e: {  	[sflag:s13] =	ssyncset.done $0x0  }
0x14f: {  	[sflag:s13] =	ssyncadd.s32 $0xFFFFC000  }
0x150: {  	[tilespmem:s12], [sflag:$0x1] =	stream.indirect.gather [hbm4b:s0+s15], $0x80, s1, s15, $0xb8;
	[tilespmem:$0x1D000] =	vst v63  }
0x151: {  	_ =	swait.ge [sflag:s18], $0x4000  }
0x152: {  	[sflag:s18] =	ssyncset.done $0x0  }
0x153: {  	[sflag:s18] =	ssyncadd.s32 $0xFFFFC000  }
0x154: {  	[spmem:s3] =	stream.indirect.scatter.add.f32 [tilespmem:s16], [sflag:$0x3], $0x80, s2, s15, $0xb8;
	[tilespmem:$0x1D000] =	vst v63  }
0x155: {  	_ =	swait.ge [sflag:s13], $0x4000  }
0x156: {  	[sflag:s13] =	ssyncset.done $0x0  }
0x157: {  	[sflag:s13] =	ssyncadd.s32 $0xFFFFC000  }
0x158: {  	[tilespmem:s16], [sflag:$0x2] =	stream.indirect.gather [hbm4b:s0+s15], $0x80, s6, s15, $0xb8;
	[tilespmem:$0x1D000] =	vst v63  }
0x159: {  	_ =	swait.ge [sflag:s17], $0x4000  }
0x15a: {  	[sflag:s17] =	ssyncset.done $0x0  }
0x15b: {  	[sflag:s17] =	ssyncadd.s32 $0xFFFFC000  }
0x15c: {  	[spmem:s3] =	stream.indirect.scatter.add.f32 [tilespmem:s12], [sflag:$0x3], $0x80, s7, s15, $0xb8;
	[tilespmem:$0x1D000] =	vst v63  }
0x15d: {  	_ =	swait.ge [sflag:s13], $0x4000  }
0x15e: {  	[sflag:s13] =	ssyncset.done $0x0  }
0x15f: {  	[sflag:s13] =	ssyncadd.s32 $0xFFFFC000  }
0x160: {  	_ =	swait.ge [sflag:s18], $0x4000  }
0x161: {  	[sflag:s18] =	ssyncset.done $0x0  }
0x162: {  	[sflag:s18] =	ssyncadd.s32 $0xFFFFC000  }
0x163: {  	[spmem:s3] =	stream.indirect.scatter.add.f32 [tilespmem:s16], [sflag:$0x3], $0x80, s8, s15, $0xb8;
	[tilespmem:$0x1D000] =	vst v63  }
0x164: {  	s10 =	simm.s32 $0x100;
	_ =	swait.ge [sflag:s13], $0x4000  }
0x165: {  	s11 =	simm.s32 $0x200;
	s5 =	rddreg [dreg:$0x5];
	[sflag:s13] =	ssyncset.done $0x0  }
.LBB2_5:
0x166: {  	[sflag:s13] =	ssyncadd.s32 $0xFFFFC000;
	s5 =	sadd.s32 s10, s5  }
0x167: {  	[tilespmem:s4], [sflag:$0x3] =	stream.linear.gather [hbm4b:s5+s4], $0x800, $0x38;
	[tilespmem:$0x1D000] =	vst v63  }
0x168: {  	_ =	swait.ge [sflag:s13], $0x800  }
0x169: {  	s5 =	rddreg [dreg:$0x4];
	[sflag:s13] =	ssyncset.done $0x0  }
0x16a: {  	[sflag:s13] =	ssyncadd.s32 $0xFFFFF800;
	s5 =	sadd.s32 s10, s5  }
0x16b: {  	[tilespmem:s14], [sflag:$0x3] =	stream.linear.gather [hbm4b:s5+s4], $0x800, $0x38;
	[tilespmem:$0x1D000] =	vst v63  }
0x16c: {  	_ =	swait.ge [sflag:s13], $0x800  }
0x16d: {  	[sflag:s13] =	ssyncset.done $0x0  }
0x16e: {  	[sflag:s13] =	ssyncadd.s32 $0xFFFFF800  }
0x16f: {  	[tilespmem:s12], [sflag:$0x1] =	stream.indirect.gather [hbm4b:s0+s15], $0x80, s4, s15, $0xb8;
	[tilespmem:$0x1D000] =	vst v63  }
0x170: {  	_ = 	snop  }
0x171: {  	[tilespmem:s16], [sflag:$0x2] =	stream.indirect.gather [hbm4b:s0+s15], $0x80, s15, s15, $0xb8;
	[tilespmem:$0x1D000] =	vst v63  }
0x172: {  	_ =	swait.ge [sflag:s17], $0x4000  }
0x173: {  	[sflag:s17] =	ssyncset.done $0x0  }
0x174: {  	[sflag:s17] =	ssyncadd.s32 $0xFFFFC000  }
0x175: {  	[spmem:s3] =	stream.indirect.scatter.add.f32 [tilespmem:s12], [sflag:$0x3], $0x80, s14, s15, $0xb8;
	[tilespmem:$0x1D000] =	vst v63  }
0x176: {  	_ =	swait.ge [sflag:s13], $0x4000  }
0x177: {  	s9 =	smov.u32 s11;
	[sflag:s13] =	ssyncset.done $0x0  }
0x178: {  	s10 =	smov.u32 s9;
	s9 =	rddreg [dreg:$0x6];
	[sflag:s13] =	ssyncadd.s32 $0xFFFFC000  }
0x179: {  	[tilespmem:s12], [sflag:$0x1] =	stream.indirect.gather [hbm4b:s0+s15], $0x80, s9, s15, $0xb8;
	[tilespmem:$0x1D000] =	vst v63  }
0x17a: {  	_ =	swait.ge [sflag:s18], $0x4000  }
0x17b: {  	[sflag:s18] =	ssyncset.done $0x0  }
0x17c: {  	s9 =	rddreg [dreg:$0x7];
	[sflag:s18] =	ssyncadd.s32 $0xFFFFC000  }
0x17d: {  	[spmem:s3] =	stream.indirect.scatter.add.f32 [tilespmem:s16], [sflag:$0x3], $0x80, s9, s15, $0xb8;
	[tilespmem:$0x1D000] =	vst v63  }
0x17e: {  	_ =	swait.ge [sflag:s13], $0x4000  }
0x17f: {  	[sflag:s13] =	ssyncset.done $0x0  }
0x180: {  	s9 =	rddreg [dreg:$0x8];
	[sflag:s13] =	ssyncadd.s32 $0xFFFFC000  }
0x181: {  	[tilespmem:s16], [sflag:$0x2] =	stream.indirect.gather [hbm4b:s0+s15], $0x80, s9, s15, $0xb8;
	[tilespmem:$0x1D000] =	vst v63  }
0x182: {  	_ =	swait.ge [sflag:s17], $0x4000  }
0x183: {  	[sflag:s17] =	ssyncset.done $0x0  }
0x184: {  	s9 =	rddreg [dreg:$0x9];
	[sflag:s17] =	ssyncadd.s32 $0xFFFFC000  }
0x185: {  	[spmem:s3] =	stream.indirect.scatter.add.f32 [tilespmem:s12], [sflag:$0x3], $0x80, s9, s15, $0xb8;
	[tilespmem:$0x1D000] =	vst v63  }
0x186: {  	_ =	swait.ge [sflag:s13], $0x4000  }
0x187: {  	[sflag:s13] =	ssyncset.done $0x0  }
0x188: {  	s9 =	rddreg [dreg:$0xa];
	[sflag:s13] =	ssyncadd.s32 $0xFFFFC000  }
0x189: {  	[tilespmem:s12], [sflag:$0x1] =	stream.indirect.gather [hbm4b:s0+s15], $0x80, s9, s15, $0xb8;
	[tilespmem:$0x1D000] =	vst v63  }
0x18a: {  	_ =	swait.ge [sflag:s18], $0x4000  }
0x18b: {  	[sflag:s18] =	ssyncset.done $0x0  }
0x18c: {  	s9 =	rddreg [dreg:$0xb];
	[sflag:s18] =	ssyncadd.s32 $0xFFFFC000  }
0x18d: {  	[spmem:s3] =	stream.indirect.scatter.add.f32 [tilespmem:s16], [sflag:$0x3], $0x80, s9, s15, $0xb8;
	[tilespmem:$0x1D000] =	vst v63  }
0x18e: {  	_ =	swait.ge [sflag:s13], $0x4000  }
0x18f: {  	[sflag:s13] =	ssyncset.done $0x0  }
0x190: {  	s9 =	rddreg [dreg:$0xc];
	[sflag:s13] =	ssyncadd.s32 $0xFFFFC000  }
0x191: {  	[tilespmem:s16], [sflag:$0x2] =	stream.indirect.gather [hbm4b:s0+s15], $0x80, s9, s15, $0xb8;
	[tilespmem:$0x1D000] =	vst v63  }
0x192: {  	_ =	swait.ge [sflag:s17], $0x4000  }
0x193: {  	[sflag:s17] =	ssyncset.done $0x0  }
0x194: {  	s9 =	rddreg [dreg:$0xd];
	[sflag:s17] =	ssyncadd.s32 $0xFFFFC000  }
0x195: {  	[spmem:s3] =	stream.indirect.scatter.add.f32 [tilespmem:s12], [sflag:$0x3], $0x80, s9, s15, $0xb8;
	[tilespmem:$0x1D000] =	vst v63  }
0x196: {  	_ =	swait.ge [sflag:s13], $0x4000  }
0x197: {  	[sflag:s13] =	ssyncset.done $0x0  }
0x198: {  	s9 =	rddreg [dreg:$0xe];
	[sflag:s13] =	ssyncadd.s32 $0xFFFFC000  }
0x199: {  	[tilespmem:s12], [sflag:$0x1] =	stream.indirect.gather [hbm4b:s0+s15], $0x80, s9, s15, $0xb8;
	[tilespmem:$0x1D000] =	vst v63  }
0x19a: {  	_ =	swait.ge [sflag:s18], $0x4000  }
0x19b: {  	[sflag:s18] =	ssyncset.done $0x0  }
0x19c: {  	s9 =	rddreg [dreg:$0xf];
	[sflag:s18] =	ssyncadd.s32 $0xFFFFC000  }
0x19d: {  	[spmem:s3] =	stream.indirect.scatter.add.f32 [tilespmem:s16], [sflag:$0x3], $0x80, s9, s15, $0xb8;
	[tilespmem:$0x1D000] =	vst v63  }
0x19e: {  	_ =	swait.ge [sflag:s13], $0x4000  }
0x19f: {  	[sflag:s13] =	ssyncset.done $0x0  }
0x1a0: {  	s9 =	rddreg [dreg:$0x10];
	[sflag:s13] =	ssyncadd.s32 $0xFFFFC000  }
0x1a1: {  	[tilespmem:s16], [sflag:$0x2] =	stream.indirect.gather [hbm4b:s0+s15], $0x80, s9, s15, $0xb8;
	[tilespmem:$0x1D000] =	vst v63  }
0x1a2: {  	_ =	swait.ge [sflag:s17], $0x4000  }
0x1a3: {  	[sflag:s17] =	ssyncset.done $0x0  }
0x1a4: {  	s9 =	rddreg [dreg:$0x11];
	[sflag:s17] =	ssyncadd.s32 $0xFFFFC000  }
0x1a5: {  	[spmem:s3] =	stream.indirect.scatter.add.f32 [tilespmem:s12], [sflag:$0x3], $0x80, s9, s15, $0xb8;
	[tilespmem:$0x1D000] =	vst v63  }
0x1a6: {  	_ =	swait.ge [sflag:s13], $0x4000  }
0x1a7: {  	[sflag:s13] =	ssyncset.done $0x0  }
0x1a8: {  	[sflag:s13] =	ssyncadd.s32 $0xFFFFC000  }
0x1a9: {  	[tilespmem:s12], [sflag:$0x1] =	stream.indirect.gather [hbm4b:s0+s15], $0x80, s19, s15, $0xb8;
	[tilespmem:$0x1D000] =	vst v63  }
0x1aa: {  	_ =	swait.ge [sflag:s18], $0x4000  }
0x1ab: {  	[sflag:s18] =	ssyncset.done $0x0  }
0x1ac: {  	[sflag:s18] =	ssyncadd.s32 $0xFFFFC000  }
0x1ad: {  	[spmem:s3] =	stream.indirect.scatter.add.f32 [tilespmem:s16], [sflag:$0x3], $0x80, s20, s15, $0xb8;
	[tilespmem:$0x1D000] =	vst v63  }
0x1ae: {  	_ =	swait.ge [sflag:s13], $0x4000  }
0x1af: {  	[sflag:s13] =	ssyncset.done $0x0  }
0x1b0: {  	[sflag:s13] =	ssyncadd.s32 $0xFFFFC000  }
0x1b1: {  	[tilespmem:s16], [sflag:$0x2] =	stream.indirect.gather [hbm4b:s0+s15], $0x80, s21, s15, $0xb8;
	[tilespmem:$0x1D000] =	vst v63  }
0x1b2: {  	_ =	swait.ge [sflag:s17], $0x4000  }
0x1b3: {  	[sflag:s17] =	ssyncset.done $0x0  }
0x1b4: {  	[sflag:s17] =	ssyncadd.s32 $0xFFFFC000  }
0x1b5: {  	[spmem:s3] =	stream.indirect.scatter.add.f32 [tilespmem:s12], [sflag:$0x3], $0x80, s22, s15, $0xb8;
	[tilespmem:$0x1D000] =	vst v63  }
0x1b6: {  	_ =	swait.ge [sflag:s13], $0x4000  }
0x1b7: {  	[sflag:s13] =	ssyncset.done $0x0  }
0x1b8: {  	[sflag:s13] =	ssyncadd.s32 $0xFFFFC000  }
0x1b9: {  	[tilespmem:s12], [sflag:$0x1] =	stream.indirect.gather [hbm4b:s0+s15], $0x80, s23, s15, $0xb8;
	[tilespmem:$0x1D000] =	vst v63  }
0x1ba: {  	_ =	swait.ge [sflag:s18], $0x4000  }
0x1bb: {  	[sflag:s18] =	ssyncset.done $0x0  }
0x1bc: {  	[sflag:s18] =	ssyncadd.s32 $0xFFFFC000  }
0x1bd: {  	[spmem:s3] =	stream.indirect.scatter.add.f32 [tilespmem:s16], [sflag:$0x3], $0x80, s24, s15, $0xb8;
	[tilespmem:$0x1D000] =	vst v63  }
0x1be: {  	_ =	swait.ge [sflag:s13], $0x4000  }
0x1bf: {  	[sflag:s13] =	ssyncset.done $0x0  }
0x1c0: {  	[sflag:s13] =	ssyncadd.s32 $0xFFFFC000  }
0x1c1: {  	[tilespmem:s16], [sflag:$0x2] =	stream.indirect.gather [hbm4b:s0+s15], $0x80, s25, s15, $0xb8;
	[tilespmem:$0x1D000] =	vst v63  }
0x1c2: {  	_ =	swait.ge [sflag:s17], $0x4000  }
0x1c3: {  	[sflag:s17] =	ssyncset.done $0x0  }
0x1c4: {  	[sflag:s17] =	ssyncadd.s32 $0xFFFFC000  }
0x1c5: {  	[spmem:s3] =	stream.indirect.scatter.add.f32 [tilespmem:s12], [sflag:$0x3], $0x80, s26, s15, $0xb8;
	[tilespmem:$0x1D000] =	vst v63  }
0x1c6: {  	_ =	swait.ge [sflag:s13], $0x4000  }
0x1c7: {  	[sflag:s13] =	ssyncset.done $0x0  }
0x1c8: {  	[sflag:s13] =	ssyncadd.s32 $0xFFFFC000  }
0x1c9: {  	[tilespmem:s12], [sflag:$0x1] =	stream.indirect.gather [hbm4b:s0+s15], $0x80, s28, s15, $0xb8;
	[tilespmem:$0x1D000] =	vst v63  }
0x1ca: {  	_ =	swait.ge [sflag:s18], $0x4000  }
0x1cb: {  	[sflag:s18] =	ssyncset.done $0x0  }
0x1cc: {  	[sflag:s18] =	ssyncadd.s32 $0xFFFFC000  }
0x1cd: {  	[spmem:s3] =	stream.indirect.scatter.add.f32 [tilespmem:s16], [sflag:$0x3], $0x80, s29, s15, $0xb8;
	[tilespmem:$0x1D000] =	vst v63  }
0x1ce: {  	_ =	swait.ge [sflag:s13], $0x4000  }
0x1cf: {  	[sflag:s13] =	ssyncset.done $0x0  }
0x1d0: {  	[sflag:s13] =	ssyncadd.s32 $0xFFFFC000  }
0x1d1: {  	[tilespmem:s16], [sflag:$0x2] =	stream.indirect.gather [hbm4b:s0+s15], $0x80, s30, s15, $0xb8;
	[tilespmem:$0x1D000] =	vst v63  }
0x1d2: {  	_ =	swait.ge [sflag:s17], $0x4000  }
0x1d3: {  	[sflag:s17] =	ssyncset.done $0x0  }
0x1d4: {  	[sflag:s17] =	ssyncadd.s32 $0xFFFFC000  }
0x1d5: {  	[spmem:s3] =	stream.indirect.scatter.add.f32 [tilespmem:s12], [sflag:$0x3], $0x80, s31, s15, $0xb8;
	[tilespmem:$0x1D000] =	vst v63  }
0x1d6: {  	_ =	swait.ge [sflag:s13], $0x4000  }
0x1d7: {  	[sflag:s13] =	ssyncset.done $0x0  }
0x1d8: {  	[sflag:s13] =	ssyncadd.s32 $0xFFFFC000  }
0x1d9: {  	[tilespmem:s12], [sflag:$0x1] =	stream.indirect.gather [hbm4b:s0+s15], $0x80, s1, s15, $0xb8;
	[tilespmem:$0x1D000] =	vst v63  }
0x1da: {  	_ =	swait.ge [sflag:s18], $0x4000  }
0x1db: {  	[sflag:s18] =	ssyncset.done $0x0  }
0x1dc: {  	[sflag:s18] =	ssyncadd.s32 $0xFFFFC000  }
0x1dd: {  	[spmem:s3] =	stream.indirect.scatter.add.f32 [tilespmem:s16], [sflag:$0x3], $0x80, s2, s15, $0xb8;
	[tilespmem:$0x1D000] =	vst v63  }
0x1de: {  	_ =	swait.ge [sflag:s13], $0x4000  }
0x1df: {  	[sflag:s13] =	ssyncset.done $0x0  }
0x1e0: {  	[sflag:s13] =	ssyncadd.s32 $0xFFFFC000  }
0x1e1: {  	[tilespmem:s16], [sflag:$0x2] =	stream.indirect.gather [hbm4b:s0+s15], $0x80, s6, s15, $0xb8;
	[tilespmem:$0x1D000] =	vst v63  }
0x1e2: {  	_ =	swait.ge [sflag:s17], $0x4000  }
0x1e3: {  	[sflag:s17] =	ssyncset.done $0x0  }
0x1e4: {  	[sflag:s17] =	ssyncadd.s32 $0xFFFFC000  }
0x1e5: {  	[spmem:s3] =	stream.indirect.scatter.add.f32 [tilespmem:s12], [sflag:$0x3], $0x80, s7, s15, $0xb8;
	[tilespmem:$0x1D000] =	vst v63  }
0x1e6: {  	_ =	swait.ge [sflag:s13], $0x4000  }
0x1e7: {  	[sflag:s13] =	ssyncset.done $0x0  }
0x1e8: {  	[sflag:s13] =	ssyncadd.s32 $0xFFFFC000  }
0x1e9: {  	p1 =	sne.s32 s11, $0x900;
	_ =	swait.ge [sflag:s18], $0x4000  }
.Ltmp4:
0x1ea: {  	[sflag:s18] =	ssyncset.done $0x0;
	(pc) =	sbr.rel @p1 .LBB2_5-.Ltmp4, $4  }
0x1eb: {  	[sflag:s18] =	ssyncadd.s32 $0xFFFFC000  }
0x1ec: {  	[spmem:s3] =	stream.indirect.scatter.add.f32 [tilespmem:s16], [sflag:$0x3], $0x80, s8, s15, $0xb8;
	[tilespmem:$0x1D000] =	vst v63  }
0x1ed: {  	_ =	swait.ge [sflag:s13], $0x4000  }
0x1ee: {  	s11 =	sadd.s32 $0x100, s11;
	s5 =	rddreg [dreg:$0x5];
	[sflag:s13] =	ssyncset.done $0x0  }
.Ltmp5:
0x1ef: {  	_ = 	snop;
	(pc) =	sbr.rel .LBB2_6-.Ltmp5, $1  }
0x1f0: {  	_ =	sdelay $0x3  }
.LBB2_8:
0x1f1: {  	_ =	sfence.sel $0x180000  }
0x1f2: {  	[bflag:$0x0] =	sbarrier.arrive $0xFFFF  }
0x1f3: {  	_ =	strace $0x90000050  }
0x1f4: {  	s0 =	stileid.u32;
	[bflag:$0x2] =	sbarrier.arrive $0xFFFF  }
0x1f5: {  	p0 =	sne.s32 s0, $0x0;
	s0 =	rddreg [dreg:$0x3]  }
0x1f6: {  	s0 =	sadd.s32 @!p0 $0x100000, s0  }
0x1f7: {  	[sflag:s0] =	ssyncadd.tile.s32 @!p0 $0x1;
	_ =	shalt  }
.Lfunc_end2:
_tile_overlayer_lowered:
.L_overlay_start_2:
0x1f8: {  	(tag) =	ssettag $0x2  }
0x1f9: {  	s0 =	rddreg [dreg:$0x0];
	s2 =	stileid.u32  }
0x1fa: {  	s1 =	rddreg [dreg:$0x1];
	p0 =	sne.s32 s2, $0x0  }
0x1fb: {  	s3 =	rddreg [dreg:$0x2];
	[bflag:$0x3] =	sbarrier.arrive $0xFFFF;
	s2 =	simm.s32 @!p0 $0x1C03  }
0x1fc: {  	[timem:s3], [sflag:s2] =	dma.local @!p0 [hbm:s0], s1  }
0x1fd: {  	s0 =	simm.s32 @!p0 $0x3  }
0x1fe: {  	_ =	swait.ge @!p0 [sflag:s0], s1  }
0x1ff: {  	s1 =	ssub.s32 @!p0 $0x0, s1;
	[sflag:s0] =	ssyncset.done @!p0 $0x0  }
0x200: {  	[sflag:s0] =	ssyncadd.s32 @!p0 s1  }
0x201: {  	[bflag:$0x3] =	sbarrier.arrive $0xFFFF  }
0x202: {  	_ =	shalt  }

</sc_bundles>
